<compile_context>
chip_gen: v7x
topology: tpu7x:2x2x1
jax: 0.10.2.dev20260603
libtpu: 0.0.44.dev20260713+nightly
codegen_flags: <defaults>
</compile_context>

<pallas_src>
import functools

import jax
import jax.numpy as jnp
from jax import lax
from jax.experimental import pallas as pl
from jax.experimental.pallas import tpu as pltpu
from jax.experimental.pallas import tpu_sc as plsc

_N = 10000
_D = 128
_E = 320000
_NS = 16
_CH = 128
_MCH = 64
_EPAD = 327680
_NPAD = 10240
_RPT = _NPAD // _NS
_DEG_CPT = _EPAD // (2 * _NS * _CH)

_mesh = plsc.VectorSubcoreMesh(core_axis_name="c", subcore_axis_name="s")


def _mm_body(x_ref, w_ref, o_ref):
    o_ref[...] = jnp.dot(x_ref[...], w_ref[...],
                         preferred_element_type=jnp.float32)


def _matmul(x, w0):
    return pl.pallas_call(
        _mm_body,
        out_shape=jax.ShapeDtypeStruct((_N, _D), jnp.float32),
    )(x, w0)


@functools.partial(
    pl.kernel,
    out_type=[
        jax.ShapeDtypeStruct((2 * _NPAD, _D), jnp.float32),
        jax.ShapeDtypeStruct((_NPAD, _D), jnp.float32),
    ],
    mesh=_mesh,
    scratch_types=[
        pltpu.VMEM((_DEG_CPT, _CH), jnp.int32),
        pltpu.VMEM((_CH,), jnp.int32),
        pltpu.VMEM((4, 80), jnp.int32),
        pltpu.VMEM((_CH, _D), jnp.float32),
        pltpu.VMEM((80, _D), jnp.float32),
        pltpu.VMEM_SHARED((_NPAD, _D), jnp.float32),
        pltpu.SemaphoreType.DMA,
    ],
)
def _sc_deg_perm(h_hbm, dstdeg_hbm, permidx_hbm, ones_hbm, zeros_hbm,
                 degp_hbm, hperm_hbm,
                 idx_v, ibuf, pidx_v, ones_v, rowbuf, deg_acc, sem):
    c = lax.axis_index("c")
    s = lax.axis_index("s")
    w = c * _NS + s
    pltpu.sync_copy(dstdeg_hbm.at[w], idx_v)
    pltpu.sync_copy(permidx_hbm.at[w], pidx_v)
    pltpu.sync_copy(ones_hbm, ones_v)
    pltpu.sync_copy(zeros_hbm, deg_acc.at[pl.ds(s * _RPT, _RPT)])
    plsc.subcore_barrier()

    def deg_body(j, carry):
        for k in range(_CH // 16):
            ibuf[pl.ds(k * 16, 16)] = idx_v[j, pl.ds(k * 16, 16)]
        pltpu.sync_copy(ones_v, deg_acc.at[ibuf], add=True)
        return carry

    lax.fori_loop(0, _DEG_CPT, deg_body, 0)

    def hp_body(j, carry):
        pltpu.async_copy(h_hbm.at[pidx_v.at[j]], rowbuf, sem).wait()
        pltpu.sync_copy(rowbuf, hperm_hbm.at[pl.ds(w * 320 + j * 80, 80)])
        return carry

    lax.fori_loop(0, 4, hp_body, 0)
    plsc.subcore_barrier()
    pltpu.sync_copy(deg_acc.at[pl.ds(s * _RPT, _RPT)],
                    degp_hbm.at[pl.ds(c * _NPAD + s * _RPT, _RPT)])


def _tables_body(degp_ref, h_ref, hperm_ref, tabs_ref):
    deg = (degp_ref[0:_NPAD, 0:1] + degp_ref[_NPAD:2 * _NPAD, 0:1]) + 1.0
    dinv = lax.rsqrt(jnp.maximum(deg, 1e-12))
    rows = lax.broadcasted_iota(jnp.int32, (_NPAD, 1), 0)
    dinvm = jnp.where(rows < _N, dinv, 0.0)
    tabs_ref[0:_N, :] = h_ref[...] * dinv[0:_N]
    tabs_ref[_N:_NPAD, :] = jnp.zeros((_NPAD - _N, _D), jnp.float32)
    tabs_ref[_NPAD:2 * _NPAD, :] = hperm_ref[...] * dinvm


def _tables(degp, h, hperm):
    return pl.pallas_call(
        _tables_body,
        out_shape=jax.ShapeDtypeStruct((2 * _NPAD, _D), jnp.float32),
    )(degp, h, hperm)


_SB = 10
_NSB = 32
_NBUF = 2


@functools.partial(
    pl.kernel,
    out_type=jax.ShapeDtypeStruct((2 * _NPAD, _D), jnp.float32),
    mesh=_mesh,
    scratch_types=[
        pltpu.VMEM((2, _SB, _MCH), jnp.int32),
        pltpu.VMEM((2, _SB, _MCH), jnp.int32),
        [pltpu.VMEM((_MCH,), jnp.int32) for _ in range(_NBUF)],
        [pltpu.VMEM((_MCH, 256), jnp.float32) for _ in range(_NBUF)],
        pltpu.VMEM_SHARED((_NPAD, _D), jnp.float32),
        pltpu.SemaphoreType.DMA,
        [pltpu.SemaphoreType.DMA for _ in range(_NBUF)],
    ],
)
def _sc_scatter(tabs_hbm, srcidx_hbm, dstidx_hbm, zeros_hbm, s_hbm,
                sidx_v, didx_v, ibufs, bufs, acc, semi, gsems):
    c = lax.axis_index("c")
    s = lax.axis_index("s")
    w = c * _NS + s

    pltpu.sync_copy(zeros_hbm, acc.at[pl.ds(s * _RPT, _RPT)])
    pltpu.sync_copy(srcidx_hbm.at[w, 0], sidx_v.at[0])
    pltpu.sync_copy(dstidx_hbm.at[s, 0], didx_v.at[0])
    pltpu.async_copy(srcidx_hbm.at[w, 1], sidx_v.at[1], semi)
    pltpu.async_copy(dstidx_hbm.at[s, 1], didx_v.at[1], semi)
    plsc.subcore_barrier()

    def gather(slot, j, b):
        return pltpu.async_copy(tabs_hbm.at[sidx_v.at[slot, j]], bufs[b],
                                gsems[b])

    def body(kk, carry):
        for par in range(2):
            k = 2 * kk + par
            slot = par
            if par == 0:
                @pl.when(kk > 0)
                def _():
                    pltpu.make_async_copy(
                        srcidx_hbm.at[w, k], sidx_v.at[slot], semi).wait()
                    pltpu.make_async_copy(
                        dstidx_hbm.at[s, k], didx_v.at[slot], semi).wait()
            else:
                pltpu.make_async_copy(
                    srcidx_hbm.at[w, k], sidx_v.at[slot], semi).wait()
                pltpu.make_async_copy(
                    dstidx_hbm.at[s, k], didx_v.at[slot], semi).wait()

            for j in range(_NBUF):
                gather(slot, j, j)
            for j in range(_SB):
                b = j % _NBUF
                pltpu.make_async_copy(tabs_hbm.at[sidx_v.at[slot, j]],
                                      bufs[b], gsems[b]).wait()
                for k16 in range(_MCH // 16):
                    ibufs[b][pl.ds(k16 * 16, 16)] = (
                        didx_v[slot, j, pl.ds(k16 * 16, 16)])
                pass
                if j + _NBUF < _SB:
                    gather(slot, j + _NBUF, b)

            @pl.when(k + 2 < _NSB)
            def _():
                pltpu.async_copy(srcidx_hbm.at[w, k + 2], sidx_v.at[slot],
                                 semi)
                pltpu.async_copy(dstidx_hbm.at[s, k + 2], didx_v.at[slot],
                                 semi)
        return carry

    lax.fori_loop(0, _NSB // 2, body, 0)
    plsc.subcore_barrier()
    pltpu.sync_copy(acc.at[pl.ds(s * _RPT, _RPT)],
                    s_hbm.at[pl.ds(c * _NPAD + s * _RPT, _RPT)])


def _final_body(s_ref, tabs_ref, degp_ref, b_ref,
                pos_ref, neg_ref, sum_ref):
    deg = (degp_ref[0:_NPAD, 0:1] + degp_ref[_NPAD:2 * _NPAD, 0:1]) + 1.0
    dinv = lax.rsqrt(jnp.maximum(deg[0:_N], 1e-12))
    b0 = b_ref[...]
    pos = jnp.maximum(
        dinv * (s_ref[0:_N, :] + tabs_ref[0:_N, :]) + b0, 0.0)
    neg = jnp.maximum(
        dinv * (s_ref[_NPAD:_NPAD + _N, :] + tabs_ref[_NPAD:_NPAD + _N, :])
        + b0, 0.0)
    pos_ref[...] = pos
    neg_ref[...] = neg
    m = jnp.mean(pos, axis=0, keepdims=True)
    sum_ref[...] = 1.0 / (1.0 + jnp.exp(-m))


def _final(s_acc, tabs, degp, b0):
    return pl.pallas_call(
        _final_body,
        out_shape=[
            jax.ShapeDtypeStruct((_N, _D), jnp.float32),
            jax.ShapeDtypeStruct((_N, _D), jnp.float32),
            jax.ShapeDtypeStruct((1, _D), jnp.float32),
        ],
    )(s_acc, tabs, degp, b0)


def kernel(x, edge_index, dropout_probability, W, b):
    ei = edge_index[0]
    src = ei[0].astype(jnp.int32)
    dst = ei[1].astype(jnp.int32)
    perm = jax.random.permutation(jax.random.key(1), _N).astype(jnp.int32)

    pad = jnp.full((_EPAD - _E,), _N, jnp.int32)
    srcp = jnp.concatenate([src, pad])
    dstp = jnp.concatenate([dst, pad])
    src_idx = jnp.stack([srcp, srcp]).reshape(2 * _NS, _NSB, _SB, _MCH)
    dst_idx = dstp.reshape(_NS, _NSB, _SB, _MCH)
    dst_deg = dstp.reshape(2 * _NS, _DEG_CPT, _CH)
    permp = jnp.concatenate([perm, jnp.zeros((_NPAD - _N,), jnp.int32)])
    perm_idx = permp.reshape(2 * _NS, 4, 80)
    ones128 = jnp.ones((_CH, _D), jnp.float32)
    zeros128 = jnp.zeros((_RPT, _D), jnp.float32)

    h = _matmul(x, W[0])
    degp, hperm = _sc_deg_perm(h, dst_deg, perm_idx, ones128, zeros128)
    tabs = _tables(degp, h, hperm)
    s_acc = _sc_scatter(tabs.reshape(_NPAD, 256), src_idx, dst_idx, zeros128)
    pos_h, neg_h, summary = _final(s_acc, tabs, degp,
                                   b[0].reshape(1, _D))
    return (pos_h, neg_h, summary, x, x)

# --- scband reference (transcript-rebuilt; emitter-appended) ---
"""Pipeline reference for scband-hdmi-90572270338206 (READ-ONLY COPY).

The authoritative reference and input builder live on the scoring server;
editing this copy changes nothing except your own understanding.
"""

import jax, jax.numpy as jnp
import numpy as np

N = 10000
IN = 128
OUT = 128
R = 3
E = 320000


def setup_inputs(seed: int = 0) -> dict:
    key = jax.random.key(seed)
    k1, k2, k3 = jax.random.split(key, 3)
    x = jax.random.normal(k1, (N, IN), dtype=jnp.float32)
    edge_index = jax.random.randint(k2, (R, 2, E), 0, N).astype(jnp.int64)
    # GCNConv learned parameters per relation (glorot-ish init), bias zeros
    W = jax.random.normal(k3, (R, IN, OUT), dtype=jnp.float32) * (1.0 / np.sqrt(IN))
    b = jnp.zeros((R, OUT), dtype=jnp.float32)
    return {"x": x, "edge_index": edge_index, "dropout_probability": 0, "W": W, "b": b}


def _gcn_conv(x, ei, W_r, b_r):
    # GCNConv: D^{-1/2} (A + I) D^{-1/2} X W + b
    src = ei[0]
    dst = ei[1]
    loops = jnp.arange(N, dtype=src.dtype)
    src = jnp.concatenate([src, loops])
    dst = jnp.concatenate([dst, loops])
    deg = jnp.zeros((N,), dtype=x.dtype).at[dst].add(1.0)
    dinv = jax.lax.rsqrt(jnp.maximum(deg, 1e-12))
    norm = dinv[src] * dinv[dst]
    h = x @ W_r
    msg = h[src] * norm[:, None]
    out = jnp.zeros((N, OUT), dtype=x.dtype).at[dst].add(msg) + b_r
    return out


def reference(x, edge_index, dropout_probability, W, b):
    # dropout_probability == 0 -> dropout is identity
    # forward loop breaks after the first relation (as in the torch module)
    perm = jax.random.permutation(jax.random.key(1), N)
    ei = edge_index[0]
    pos_seqs = x
    pos_h = jax.nn.relu(_gcn_conv(x, ei, W[0], b[0]))
    summary = jax.nn.sigmoid(jnp.mean(pos_h, axis=0, keepdims=True))
    neg_seqs = x
    neg_h = jax.nn.relu(_gcn_conv(x[perm], ei, W[0], b[0]))
    # (pos_hs[0], neg_hs[0], summaries[0], pos_seqs, neg_seqs)
    return (pos_h, neg_h, summary, pos_seqs, neg_seqs)

if __name__ == "__main__":
    import jax
    _d = setup_inputs()
    print(jax.jit(kernel)(*tuple(_d.values())))

</pallas_src>

<mosaic_0001>
#map = affine_map<(d0, d1) -> (0, 0)>
#map1 = affine_map<(d0, d1) -> (0, 0, 0, 0)>
module attributes {stable_mosaic.version = 14 : i64} {
  func.func @_sc_scatter(%arg0: i32, %arg1: i32, %arg2: memref<10240x256xf32, #tpu.memory_space<hbm>>, %arg3: memref<32x32x10x64xi32, #tpu.memory_space<hbm>>, %arg4: memref<16x32x10x64xi32, #tpu.memory_space<hbm>>, %arg5: memref<640x128xf32, #tpu.memory_space<hbm>>, %arg6: memref<20480x128xf32, #tpu.memory_space<hbm>>, %arg7: memref<2x10x64xi32, #tpu.memory_space<vmem>>, %arg8: memref<2x10x64xi32, #tpu.memory_space<vmem>>, %arg9: memref<64xi32, #tpu.memory_space<vmem>>, %arg10: memref<64xi32, #tpu.memory_space<vmem>>, %arg11: memref<64x256xf32, #tpu.memory_space<vmem>>, %arg12: memref<64x256xf32, #tpu.memory_space<vmem>>, %arg13: memref<10240x128xf32, #tpu.memory_space<vmem_shared>>, %arg14: memref<!tpu.dma_semaphore, #tpu.memory_space<semaphore_mem>>, %arg15: memref<!tpu.dma_semaphore, #tpu.memory_space<semaphore_mem>>, %arg16: memref<!tpu.dma_semaphore, #tpu.memory_space<semaphore_mem>>) attributes {dimension_semantics = [#tpu.dimension_semantics<core_parallel>, #tpu.dimension_semantics<subcore_parallel>], iteration_bounds = array<i64: 2, 16>, scalar_prefetch = 0 : i64, scratch_operands = 10 : i64, tpu.core_type = #tpu.core_type<sc_vector_subcore>, window_params = [{transform_indices = #map}, {transform_indices = #map1}, {transform_indices = #map1}, {transform_indices = #map}, {transform_indices = #map}]} {
    %mul3A = arith.constant 16 : i32
    %mul3A_0 = arith.muli %arg0, %mul3A : i32
    %add3A = arith.addi %mul3A_0, %arg1 : i32
    %mul3A_1 = arith.constant 640 : i32
    %mul3A_2 = arith.muli %arg1, %mul3A_1 : i32
    "tpu.region"() ({
      %run_scoped3A_54 = tpu.sem_alloc : memref<!tpu.dma_semaphore, #tpu.memory_space<semaphore_mem>>
      %dma_start3A_55 = arith.constant 0 : i32
      %dma_start3A_56 = tpu.memref_slice %arg13[%mul3A_2, %dma_start3A_55] : memref<10240x128xf32, #tpu.memory_space<vmem_shared>> -> memref<640x128xf32, #tpu.memory_space<vmem_shared>>
      tpu.enqueue_dma source(%arg5 : memref<640x128xf32, #tpu.memory_space<hbm>>) target(%dma_start3A_56 : memref<640x128xf32, #tpu.memory_space<vmem_shared>>) target_semaphore(%run_scoped3A_54 : memref<!tpu.dma_semaphore, #tpu.memory_space<semaphore_mem>>)
      %dma_wait3A = arith.constant 0 : i32
      %dma_wait3A_57 = tpu.memref_slice %arg13[%mul3A_2, %dma_wait3A] : memref<10240x128xf32, #tpu.memory_space<vmem_shared>> -> memref<640x128xf32, #tpu.memory_space<vmem_shared>>
      tpu.wait_dma2 semaphore(%run_scoped3A_54 : memref<!tpu.dma_semaphore, #tpu.memory_space<semaphore_mem>>) src(%arg5 : memref<640x128xf32, #tpu.memory_space<hbm>>) dst(%dma_wait3A_57 : memref<640x128xf32, #tpu.memory_space<vmem_shared>>)
      tpu.yield
    }) : () -> ()
    %run_scoped3A = arith.constant 0 : i32
    %run_scoped3A_3 = arith.constant 0 : i32
    "tpu.region"() ({
      %run_scoped3A_54 = tpu.sem_alloc : memref<!tpu.dma_semaphore, #tpu.memory_space<semaphore_mem>>
      %dma_start3A_55 = arith.constant 0 : i32
      %dma_start3A_56 = arith.constant 0 : i32
      %dma_start3A_57 = tpu.memref_slice %arg7[%run_scoped3A_3, %dma_start3A_55, %dma_start3A_56] : memref<2x10x64xi32, #tpu.memory_space<vmem>> -> memref<1x10x64xi32, #tpu.memory_space<vmem>>
      %dma_start3A_58 = tpu.memref_squeeze %dma_start3A_57 : memref<1x10x64xi32, #tpu.memory_space<vmem>> -> memref<10x64xi32, #tpu.memory_space<vmem>>
      %dma_start3A_59 = arith.constant 0 : i32
      %dma_start3A_60 = arith.constant 0 : i32
      %dma_start3A_61 = tpu.memref_slice %arg3[%add3A, %run_scoped3A, %dma_start3A_59, %dma_start3A_60] : memref<32x32x10x64xi32, #tpu.memory_space<hbm>> -> memref<1x1x10x64xi32, #tpu.memory_space<hbm>>
      %dma_start3A_62 = tpu.memref_squeeze %dma_start3A_61 : memref<1x1x10x64xi32, #tpu.memory_space<hbm>> -> memref<10x64xi32, #tpu.memory_space<hbm>>
      %dma_start3A_63 = arith.constant 0 : i32
      %dma_start3A_64 = arith.constant 0 : i32
      %dma_start3A_65 = tpu.memref_slice %arg7[%run_scoped3A_3, %dma_start3A_63, %dma_start3A_64] : memref<2x10x64xi32, #tpu.memory_space<vmem>> -> memref<1x10x64xi32, #tpu.memory_space<vmem>>
      %dma_start3A_66 = tpu.memref_squeeze %dma_start3A_65 : memref<1x10x64xi32, #tpu.memory_space<vmem>> -> memref<10x64xi32, #tpu.memory_space<vmem>>
      %dma_start3A_67 = arith.constant 0 : i32
      %dma_start3A_68 = arith.constant 0 : i32
      %dma_start3A_69 = tpu.memref_slice %arg3[%add3A, %run_scoped3A, %dma_start3A_67, %dma_start3A_68] : memref<32x32x10x64xi32, #tpu.memory_space<hbm>> -> memref<1x1x10x64xi32, #tpu.memory_space<hbm>>
      %dma_start3A_70 = tpu.memref_squeeze %dma_start3A_69 : memref<1x1x10x64xi32, #tpu.memory_space<hbm>> -> memref<10x64xi32, #tpu.memory_space<hbm>>
      tpu.enqueue_dma source(%dma_start3A_70 : memref<10x64xi32, #tpu.memory_space<hbm>>) target(%dma_start3A_66 : memref<10x64xi32, #tpu.memory_space<vmem>>) target_semaphore(%run_scoped3A_54 : memref<!tpu.dma_semaphore, #tpu.memory_space<semaphore_mem>>)
      %dma_wait3A = arith.constant 0 : i32
      %dma_wait3A_71 = arith.constant 0 : i32
      %dma_wait3A_72 = tpu.memref_slice %arg7[%run_scoped3A_3, %dma_wait3A, %dma_wait3A_71] : memref<2x10x64xi32, #tpu.memory_space<vmem>> -> memref<1x10x64xi32, #tpu.memory_space<vmem>>
      %dma_wait3A_73 = tpu.memref_squeeze %dma_wait3A_72 : memref<1x10x64xi32, #tpu.memory_space<vmem>> -> memref<10x64xi32, #tpu.memory_space<vmem>>
      %dma_wait3A_74 = arith.constant 0 : i32
      %dma_wait3A_75 = arith.constant 0 : i32
      %dma_wait3A_76 = tpu.memref_slice %arg3[%add3A, %run_scoped3A, %dma_wait3A_74, %dma_wait3A_75] : memref<32x32x10x64xi32, #tpu.memory_space<hbm>> -> memref<1x1x10x64xi32, #tpu.memory_space<hbm>>
      %dma_wait3A_77 = tpu.memref_squeeze %dma_wait3A_76 : memref<1x1x10x64xi32, #tpu.memory_space<hbm>> -> memref<10x64xi32, #tpu.memory_space<hbm>>
      %dma_wait3A_78 = arith.constant 0 : i32
      %dma_wait3A_79 = arith.constant 0 : i32
      %dma_wait3A_80 = tpu.memref_slice %arg7[%run_scoped3A_3, %dma_wait3A_78, %dma_wait3A_79] : memref<2x10x64xi32, #tpu.memory_space<vmem>> -> memref<1x10x64xi32, #tpu.memory_space<vmem>>
      %dma_wait3A_81 = tpu.memref_squeeze %dma_wait3A_80 : memref<1x10x64xi32, #tpu.memory_space<vmem>> -> memref<10x64xi32, #tpu.memory_space<vmem>>
      %dma_wait3A_82 = arith.constant 0 : i32
      %dma_wait3A_83 = arith.constant 0 : i32
      %dma_wait3A_84 = tpu.memref_slice %arg3[%add3A, %run_scoped3A, %dma_wait3A_82, %dma_wait3A_83] : memref<32x32x10x64xi32, #tpu.memory_space<hbm>> -> memref<1x1x10x64xi32, #tpu.memory_space<hbm>>
      %dma_wait3A_85 = tpu.memref_squeeze %dma_wait3A_84 : memref<1x1x10x64xi32, #tpu.memory_space<hbm>> -> memref<10x64xi32, #tpu.memory_space<hbm>>
      tpu.wait_dma2 semaphore(%run_scoped3A_54 : memref<!tpu.dma_semaphore, #tpu.memory_space<semaphore_mem>>) src(%dma_wait3A_85 : memref<10x64xi32, #tpu.memory_space<hbm>>) dst(%dma_wait3A_81 : memref<10x64xi32, #tpu.memory_space<vmem>>)
      tpu.yield
    }) : () -> ()
    %run_scoped3A_4 = arith.constant 0 : i32
    %run_scoped3A_5 = arith.constant 0 : i32
    "tpu.region"() ({
      %run_scoped3A_54 = tpu.sem_alloc : memref<!tpu.dma_semaphore, #tpu.memory_space<semaphore_mem>>
      %dma_start3A_55 = arith.constant 0 : i32
      %dma_start3A_56 = arith.constant 0 : i32
      %dma_start3A_57 = tpu.memref_slice %arg8[%run_scoped3A_5, %dma_start3A_55, %dma_start3A_56] : memref<2x10x64xi32, #tpu.memory_space<vmem>> -> memref<1x10x64xi32, #tpu.memory_space<vmem>>
      %dma_start3A_58 = tpu.memref_squeeze %dma_start3A_57 : memref<1x10x64xi32, #tpu.memory_space<vmem>> -> memref<10x64xi32, #tpu.memory_space<vmem>>
      %dma_start3A_59 = arith.constant 0 : i32
      %dma_start3A_60 = arith.constant 0 : i32
      %dma_start3A_61 = tpu.memref_slice %arg4[%arg1, %run_scoped3A_4, %dma_start3A_59, %dma_start3A_60] : memref<16x32x10x64xi32, #tpu.memory_space<hbm>> -> memref<1x1x10x64xi32, #tpu.memory_space<hbm>>
      %dma_start3A_62 = tpu.memref_squeeze %dma_start3A_61 : memref<1x1x10x64xi32, #tpu.memory_space<hbm>> -> memref<10x64xi32, #tpu.memory_space<hbm>>
      %dma_start3A_63 = arith.constant 0 : i32
      %dma_start3A_64 = arith.constant 0 : i32
      %dma_start3A_65 = tpu.memref_slice %arg8[%run_scoped3A_5, %dma_start3A_63, %dma_start3A_64] : memref<2x10x64xi32, #tpu.memory_space<vmem>> -> memref<1x10x64xi32, #tpu.memory_space<vmem>>
      %dma_start3A_66 = tpu.memref_squeeze %dma_start3A_65 : memref<1x10x64xi32, #tpu.memory_space<vmem>> -> memref<10x64xi32, #tpu.memory_space<vmem>>
      %dma_start3A_67 = arith.constant 0 : i32
      %dma_start3A_68 = arith.constant 0 : i32
      %dma_start3A_69 = tpu.memref_slice %arg4[%arg1, %run_scoped3A_4, %dma_start3A_67, %dma_start3A_68] : memref<16x32x10x64xi32, #tpu.memory_space<hbm>> -> memref<1x1x10x64xi32, #tpu.memory_space<hbm>>
      %dma_start3A_70 = tpu.memref_squeeze %dma_start3A_69 : memref<1x1x10x64xi32, #tpu.memory_space<hbm>> -> memref<10x64xi32, #tpu.memory_space<hbm>>
      tpu.enqueue_dma source(%dma_start3A_70 : memref<10x64xi32, #tpu.memory_space<hbm>>) target(%dma_start3A_66 : memref<10x64xi32, #tpu.memory_space<vmem>>) target_semaphore(%run_scoped3A_54 : memref<!tpu.dma_semaphore, #tpu.memory_space<semaphore_mem>>)
      %dma_wait3A = arith.constant 0 : i32
      %dma_wait3A_71 = arith.constant 0 : i32
      %dma_wait3A_72 = tpu.memref_slice %arg8[%run_scoped3A_5, %dma_wait3A, %dma_wait3A_71] : memref<2x10x64xi32, #tpu.memory_space<vmem>> -> memref<1x10x64xi32, #tpu.memory_space<vmem>>
      %dma_wait3A_73 = tpu.memref_squeeze %dma_wait3A_72 : memref<1x10x64xi32, #tpu.memory_space<vmem>> -> memref<10x64xi32, #tpu.memory_space<vmem>>
      %dma_wait3A_74 = arith.constant 0 : i32
      %dma_wait3A_75 = arith.constant 0 : i32
      %dma_wait3A_76 = tpu.memref_slice %arg4[%arg1, %run_scoped3A_4, %dma_wait3A_74, %dma_wait3A_75] : memref<16x32x10x64xi32, #tpu.memory_space<hbm>> -> memref<1x1x10x64xi32, #tpu.memory_space<hbm>>
      %dma_wait3A_77 = tpu.memref_squeeze %dma_wait3A_76 : memref<1x1x10x64xi32, #tpu.memory_space<hbm>> -> memref<10x64xi32, #tpu.memory_space<hbm>>
      %dma_wait3A_78 = arith.constant 0 : i32
      %dma_wait3A_79 = arith.constant 0 : i32
      %dma_wait3A_80 = tpu.memref_slice %arg8[%run_scoped3A_5, %dma_wait3A_78, %dma_wait3A_79] : memref<2x10x64xi32, #tpu.memory_space<vmem>> -> memref<1x10x64xi32, #tpu.memory_space<vmem>>
      %dma_wait3A_81 = tpu.memref_squeeze %dma_wait3A_80 : memref<1x10x64xi32, #tpu.memory_space<vmem>> -> memref<10x64xi32, #tpu.memory_space<vmem>>
      %dma_wait3A_82 = arith.constant 0 : i32
      %dma_wait3A_83 = arith.constant 0 : i32
      %dma_wait3A_84 = tpu.memref_slice %arg4[%arg1, %run_scoped3A_4, %dma_wait3A_82, %dma_wait3A_83] : memref<16x32x10x64xi32, #tpu.memory_space<hbm>> -> memref<1x1x10x64xi32, #tpu.memory_space<hbm>>
      %dma_wait3A_85 = tpu.memref_squeeze %dma_wait3A_84 : memref<1x1x10x64xi32, #tpu.memory_space<hbm>> -> memref<10x64xi32, #tpu.memory_space<hbm>>
      tpu.wait_dma2 semaphore(%run_scoped3A_54 : memref<!tpu.dma_semaphore, #tpu.memory_space<semaphore_mem>>) src(%dma_wait3A_85 : memref<10x64xi32, #tpu.memory_space<hbm>>) dst(%dma_wait3A_81 : memref<10x64xi32, #tpu.memory_space<vmem>>)
      tpu.yield
    }) : () -> ()
    %dma_start3A = arith.constant 1 : i32
    %dma_start3A_6 = arith.constant 1 : i32
    %dma_start3A_7 = arith.constant 0 : i32
    %dma_start3A_8 = arith.constant 0 : i32
    %dma_start3A_9 = tpu.memref_slice %arg7[%dma_start3A_6, %dma_start3A_7, %dma_start3A_8] : memref<2x10x64xi32, #tpu.memory_space<vmem>> -> memref<1x10x64xi32, #tpu.memory_space<vmem>>
    %dma_start3A_10 = tpu.memref_squeeze %dma_start3A_9 : memref<1x10x64xi32, #tpu.memory_space<vmem>> -> memref<10x64xi32, #tpu.memory_space<vmem>>
    %dma_start3A_11 = arith.constant 0 : i32
    %dma_start3A_12 = arith.constant 0 : i32
    %dma_start3A_13 = tpu.memref_slice %arg3[%add3A, %dma_start3A, %dma_start3A_11, %dma_start3A_12] : memref<32x32x10x64xi32, #tpu.memory_space<hbm>> -> memref<1x1x10x64xi32, #tpu.memory_space<hbm>>
    %dma_start3A_14 = tpu.memref_squeeze %dma_start3A_13 : memref<1x1x10x64xi32, #tpu.memory_space<hbm>> -> memref<10x64xi32, #tpu.memory_space<hbm>>
    %dma_start3A_15 = arith.constant 0 : i32
    %dma_start3A_16 = arith.constant 0 : i32
    %dma_start3A_17 = tpu.memref_slice %arg7[%dma_start3A_6, %dma_start3A_15, %dma_start3A_16] : memref<2x10x64xi32, #tpu.memory_space<vmem>> -> memref<1x10x64xi32, #tpu.memory_space<vmem>>
    %dma_start3A_18 = tpu.memref_squeeze %dma_start3A_17 : memref<1x10x64xi32, #tpu.memory_space<vmem>> -> memref<10x64xi32, #tpu.memory_space<vmem>>
    %dma_start3A_19 = arith.constant 0 : i32
    %dma_start3A_20 = arith.constant 0 : i32
    %dma_start3A_21 = tpu.memref_slice %arg3[%add3A, %dma_start3A, %dma_start3A_19, %dma_start3A_20] : memref<32x32x10x64xi32, #tpu.memory_space<hbm>> -> memref<1x1x10x64xi32, #tpu.memory_space<hbm>>
    %dma_start3A_22 = tpu.memref_squeeze %dma_start3A_21 : memref<1x1x10x64xi32, #tpu.memory_space<hbm>> -> memref<10x64xi32, #tpu.memory_space<hbm>>
    tpu.enqueue_dma source(%dma_start3A_22 : memref<10x64xi32, #tpu.memory_space<hbm>>) target(%dma_start3A_18 : memref<10x64xi32, #tpu.memory_space<vmem>>) target_semaphore(%arg14 : memref<!tpu.dma_semaphore, #tpu.memory_space<semaphore_mem>>)
    %dma_start3A_23 = arith.constant 1 : i32
    %dma_start3A_24 = arith.constant 1 : i32
    %dma_start3A_25 = arith.constant 0 : i32
    %dma_start3A_26 = arith.constant 0 : i32
    %dma_start3A_27 = tpu.memref_slice %arg8[%dma_start3A_24, %dma_start3A_25, %dma_start3A_26] : memref<2x10x64xi32, #tpu.memory_space<vmem>> -> memref<1x10x64xi32, #tpu.memory_space<vmem>>
    %dma_start3A_28 = tpu.memref_squeeze %dma_start3A_27 : memref<1x10x64xi32, #tpu.memory_space<vmem>> -> memref<10x64xi32, #tpu.memory_space<vmem>>
    %dma_start3A_29 = arith.constant 0 : i32
    %dma_start3A_30 = arith.constant 0 : i32
    %dma_start3A_31 = tpu.memref_slice %arg4[%arg1, %dma_start3A_23, %dma_start3A_29, %dma_start3A_30] : memref<16x32x10x64xi32, #tpu.memory_space<hbm>> -> memref<1x1x10x64xi32, #tpu.memory_space<hbm>>
    %dma_start3A_32 = tpu.memref_squeeze %dma_start3A_31 : memref<1x1x10x64xi32, #tpu.memory_space<hbm>> -> memref<10x64xi32, #tpu.memory_space<hbm>>
    %dma_start3A_33 = arith.constant 0 : i32
    %dma_start3A_34 = arith.constant 0 : i32
    %dma_start3A_35 = tpu.memref_slice %arg8[%dma_start3A_24, %dma_start3A_33, %dma_start3A_34] : memref<2x10x64xi32, #tpu.memory_space<vmem>> -> memref<1x10x64xi32, #tpu.memory_space<vmem>>
    %dma_start3A_36 = tpu.memref_squeeze %dma_start3A_35 : memref<1x10x64xi32, #tpu.memory_space<vmem>> -> memref<10x64xi32, #tpu.memory_space<vmem>>
    %dma_start3A_37 = arith.constant 0 : i32
    %dma_start3A_38 = arith.constant 0 : i32
    %dma_start3A_39 = tpu.memref_slice %arg4[%arg1, %dma_start3A_23, %dma_start3A_37, %dma_start3A_38] : memref<16x32x10x64xi32, #tpu.memory_space<hbm>> -> memref<1x1x10x64xi32, #tpu.memory_space<hbm>>
    %dma_start3A_40 = tpu.memref_squeeze %dma_start3A_39 : memref<1x1x10x64xi32, #tpu.memory_space<hbm>> -> memref<10x64xi32, #tpu.memory_space<hbm>>
    tpu.enqueue_dma source(%dma_start3A_40 : memref<10x64xi32, #tpu.memory_space<hbm>>) target(%dma_start3A_36 : memref<10x64xi32, #tpu.memory_space<vmem>>) target_semaphore(%arg14 : memref<!tpu.dma_semaphore, #tpu.memory_space<semaphore_mem>>)
    %barrier3A = arith.constant 0 : index
    tpu.barrier barrier_id(%barrier3A)
    %scan3A = arith.constant 0 : i32
    %scan3A_41 = arith.constant 0 : i32
    %scan3A_42 = arith.constant 16 : i32
    %scan3A_43 = arith.addi %scan3A_41, %scan3A_42 : i32
    %scan3A_44 = arith.constant 1 : i32
    scf.for %scan3A_54 = %scan3A_41 to %scan3A_43 step %scan3A_44  : i32 {
      %mul3A_55 = arith.constant 2 : i32
      %mul3A_56 = arith.muli %mul3A_55, %scan3A_54 : i32
      %add3A_57 = arith.constant 0 : i32
      %add3A_58 = arith.addi %mul3A_56, %add3A_57 : i32
      %gt3A = arith.constant 0 : i32
      %gt3A_59 = arith.cmpi sgt, %scan3A_54, %gt3A : i32
      %convert_element_type3A = arith.extui %gt3A_59 : i1 to i32
      %cond3A = arith.constant 0 : i32
      %cond3A_60 = arith.cmpi ne, %convert_element_type3A, %cond3A : i32
      scf.if %cond3A_60 {
        %dma_wait3A_1309 = arith.constant 0 : i32
        %dma_wait3A_1310 = arith.constant 0 : i32
        %dma_wait3A_1311 = arith.constant 0 : i32
        %dma_wait3A_1312 = tpu.memref_slice %arg7[%dma_wait3A_1309, %dma_wait3A_1310, %dma_wait3A_1311] : memref<2x10x64xi32, #tpu.memory_space<vmem>> -> memref<1x10x64xi32, #tpu.memory_space<vmem>>
        %dma_wait3A_1313 = tpu.memref_squeeze %dma_wait3A_1312 : memref<1x10x64xi32, #tpu.memory_space<vmem>> -> memref<10x64xi32, #tpu.memory_space<vmem>>
        %dma_wait3A_1314 = arith.constant 0 : i32
        %dma_wait3A_1315 = arith.constant 0 : i32
        %dma_wait3A_1316 = tpu.memref_slice %arg3[%add3A, %add3A_58, %dma_wait3A_1314, %dma_wait3A_1315] : memref<32x32x10x64xi32, #tpu.memory_space<hbm>> -> memref<1x1x10x64xi32, #tpu.memory_space<hbm>>
        %dma_wait3A_1317 = tpu.memref_squeeze %dma_wait3A_1316 : memref<1x1x10x64xi32, #tpu.memory_space<hbm>> -> memref<10x64xi32, #tpu.memory_space<hbm>>
        %dma_wait3A_1318 = arith.constant 0 : i32
        %dma_wait3A_1319 = arith.constant 0 : i32
        %dma_wait3A_1320 = tpu.memref_slice %arg7[%dma_wait3A_1309, %dma_wait3A_1318, %dma_wait3A_1319] : memref<2x10x64xi32, #tpu.memory_space<vmem>> -> memref<1x10x64xi32, #tpu.memory_space<vmem>>
        %dma_wait3A_1321 = tpu.memref_squeeze %dma_wait3A_1320 : memref<1x10x64xi32, #tpu.memory_space<vmem>> -> memref<10x64xi32, #tpu.memory_space<vmem>>
        %dma_wait3A_1322 = arith.constant 0 : i32
        %dma_wait3A_1323 = arith.constant 0 : i32
        %dma_wait3A_1324 = tpu.memref_slice %arg3[%add3A, %add3A_58, %dma_wait3A_1322, %dma_wait3A_1323] : memref<32x32x10x64xi32, #tpu.memory_space<hbm>> -> memref<1x1x10x64xi32, #tpu.memory_space<hbm>>
        %dma_wait3A_1325 = tpu.memref_squeeze %dma_wait3A_1324 : memref<1x1x10x64xi32, #tpu.memory_space<hbm>> -> memref<10x64xi32, #tpu.memory_space<hbm>>
        tpu.wait_dma2 semaphore(%arg14 : memref<!tpu.dma_semaphore, #tpu.memory_space<semaphore_mem>>) src(%dma_wait3A_1325 : memref<10x64xi32, #tpu.memory_space<hbm>>) dst(%dma_wait3A_1321 : memref<10x64xi32, #tpu.memory_space<vmem>>)
        %dma_wait3A_1326 = arith.constant 0 : i32
        %dma_wait3A_1327 = arith.constant 0 : i32
        %dma_wait3A_1328 = arith.constant 0 : i32
        %dma_wait3A_1329 = tpu.memref_slice %arg8[%dma_wait3A_1326, %dma_wait3A_1327, %dma_wait3A_1328] : memref<2x10x64xi32, #tpu.memory_space<vmem>> -> memref<1x10x64xi32, #tpu.memory_space<vmem>>
        %dma_wait3A_1330 = tpu.memref_squeeze %dma_wait3A_1329 : memref<1x10x64xi32, #tpu.memory_space<vmem>> -> memref<10x64xi32, #tpu.memory_space<vmem>>
        %dma_wait3A_1331 = arith.constant 0 : i32
        %dma_wait3A_1332 = arith.constant 0 : i32
        %dma_wait3A_1333 = tpu.memref_slice %arg4[%arg1, %add3A_58, %dma_wait3A_1331, %dma_wait3A_1332] : memref<16x32x10x64xi32, #tpu.memory_space<hbm>> -> memref<1x1x10x64xi32, #tpu.memory_space<hbm>>
        %dma_wait3A_1334 = tpu.memref_squeeze %dma_wait3A_1333 : memref<1x1x10x64xi32, #tpu.memory_space<hbm>> -> memref<10x64xi32, #tpu.memory_space<hbm>>
        %dma_wait3A_1335 = arith.constant 0 : i32
        %dma_wait3A_1336 = arith.constant 0 : i32
        %dma_wait3A_1337 = tpu.memref_slice %arg8[%dma_wait3A_1326, %dma_wait3A_1335, %dma_wait3A_1336] : memref<2x10x64xi32, #tpu.memory_space<vmem>> -> memref<1x10x64xi32, #tpu.memory_space<vmem>>
        %dma_wait3A_1338 = tpu.memref_squeeze %dma_wait3A_1337 : memref<1x10x64xi32, #tpu.memory_space<vmem>> -> memref<10x64xi32, #tpu.memory_space<vmem>>
        %dma_wait3A_1339 = arith.constant 0 : i32
        %dma_wait3A_1340 = arith.constant 0 : i32
        %dma_wait3A_1341 = tpu.memref_slice %arg4[%arg1, %add3A_58, %dma_wait3A_1339, %dma_wait3A_1340] : memref<16x32x10x64xi32, #tpu.memory_space<hbm>> -> memref<1x1x10x64xi32, #tpu.memory_space<hbm>>
        %dma_wait3A_1342 = tpu.memref_squeeze %dma_wait3A_1341 : memref<1x1x10x64xi32, #tpu.memory_space<hbm>> -> memref<10x64xi32, #tpu.memory_space<hbm>>
        tpu.wait_dma2 semaphore(%arg14 : memref<!tpu.dma_semaphore, #tpu.memory_space<semaphore_mem>>) src(%dma_wait3A_1342 : memref<10x64xi32, #tpu.memory_space<hbm>>) dst(%dma_wait3A_1338 : memref<10x64xi32, #tpu.memory_space<vmem>>)
      } else {
      }
      %dma_start3A_61 = arith.constant 0 : i32
      %dma_start3A_62 = arith.constant 0 : i32
      %dma_start3A_63 = arith.constant 0 : i32
      %dma_start3A_64 = tpu.memref_slice %arg7[%dma_start3A_61, %dma_start3A_62, %dma_start3A_63] : memref<2x10x64xi32, #tpu.memory_space<vmem>> -> memref<1x1x64xi32, #tpu.memory_space<vmem>>
      %dma_start3A_65 = tpu.memref_squeeze %dma_start3A_64 : memref<1x1x64xi32, #tpu.memory_space<vmem>> -> memref<64xi32, #tpu.memory_space<vmem>>
      %dma_start3A_66 = arith.constant 0 : i32
      %dma_start3A_67 = arith.constant 0 : i32
      %dma_start3A_68 = tpu.memref_slice %arg2[%dma_start3A_66, %dma_start3A_67] : memref<10240x256xf32, #tpu.memory_space<hbm>> -> memref<10240x256xf32, #tpu.memory_space<hbm>>
      tpu.enqueue_indirect_dma source(%dma_start3A_68 : memref<10240x256xf32, #tpu.memory_space<hbm>>) target(%arg11 : memref<64x256xf32, #tpu.memory_space<vmem>>) offsets(%dma_start3A_65 : memref<64xi32, #tpu.memory_space<vmem>>) semaphore(%arg15 : memref<!tpu.dma_semaphore, #tpu.memory_space<semaphore_mem>>)
      %dma_start3A_69 = arith.constant 0 : i32
      %dma_start3A_70 = arith.constant 1 : i32
      %dma_start3A_71 = arith.constant 0 : i32
      %dma_start3A_72 = tpu.memref_slice %arg7[%dma_start3A_69, %dma_start3A_70, %dma_start3A_71] : memref<2x10x64xi32, #tpu.memory_space<vmem>> -> memref<1x1x64xi32, #tpu.memory_space<vmem>>
      %dma_start3A_73 = tpu.memref_squeeze %dma_start3A_72 : memref<1x1x64xi32, #tpu.memory_space<vmem>> -> memref<64xi32, #tpu.memory_space<vmem>>
      %dma_start3A_74 = arith.constant 0 : i32
      %dma_start3A_75 = arith.constant 0 : i32
      %dma_start3A_76 = tpu.memref_slice %arg2[%dma_start3A_74, %dma_start3A_75] : memref<10240x256xf32, #tpu.memory_space<hbm>> -> memref<10240x256xf32, #tpu.memory_space<hbm>>
      tpu.enqueue_indirect_dma source(%dma_start3A_76 : memref<10240x256xf32, #tpu.memory_space<hbm>>) target(%arg12 : memref<64x256xf32, #tpu.memory_space<vmem>>) offsets(%dma_start3A_73 : memref<64xi32, #tpu.memory_space<vmem>>) semaphore(%arg16 : memref<!tpu.dma_semaphore, #tpu.memory_space<semaphore_mem>>)
      %dma_wait3A = arith.constant 0 : i32
      %dma_wait3A_77 = arith.constant 0 : i32
      %dma_wait3A_78 = arith.constant 0 : i32
      %dma_wait3A_79 = tpu.memref_slice %arg7[%dma_wait3A, %dma_wait3A_77, %dma_wait3A_78] : memref<2x10x64xi32, #tpu.memory_space<vmem>> -> memref<1x1x64xi32, #tpu.memory_space<vmem>>
      %dma_wait3A_80 = tpu.memref_squeeze %dma_wait3A_79 : memref<1x1x64xi32, #tpu.memory_space<vmem>> -> memref<64xi32, #tpu.memory_space<vmem>>
      %dma_wait3A_81 = arith.constant 0 : i32
      %dma_wait3A_82 = arith.constant 0 : i32
      %dma_wait3A_83 = tpu.memref_slice %arg2[%dma_wait3A_81, %dma_wait3A_82] : memref<10240x256xf32, #tpu.memory_space<hbm>> -> memref<10240x256xf32, #tpu.memory_space<hbm>>
      tpu.wait_indirect_dma semaphore(%arg15 : memref<!tpu.dma_semaphore, #tpu.memory_space<semaphore_mem>>) src(%dma_wait3A_83 : memref<10240x256xf32, #tpu.memory_space<hbm>>) dst(%arg11 : memref<64x256xf32, #tpu.memory_space<vmem>>)
      %get3A = arith.constant 0 : i32
      %get3A_84 = arith.constant 0 : i32
      %get3A_85 = arith.index_cast %get3A : i32 to index
      %get3A_86 = arith.index_cast %get3A_84 : i32 to index
      %get3A_87 = arith.constant 0 : index
      %get3A_88 = tpu.vector_load %arg8[%get3A_85, %get3A_86, %get3A_87] {strides = array<i32>} : memref<2x10x64xi32, #tpu.memory_space<vmem>>, vector<1x1x16xi32>,
      %get3A_89 = vector.shape_cast %get3A_88 : vector<1x1x16xi32> to vector<16xi32>
      %swap3A = arith.constant 0 : index
      %swap3A_90 = tpu.vector_load %arg9[%swap3A] {strides = array<i32>} : memref<64xi32, #tpu.memory_space<vmem>>, vector<16xi32>,
      %swap3A_91 = vector.shape_cast %swap3A_90 : vector<16xi32> to vector<16xi32>
      %swap3A_92 = vector.shape_cast %get3A_89 : vector<16xi32> to vector<16xi32>
      tpu.vector_store %arg9[%swap3A], %swap3A_92 {strides = array<i32>} : memref<64xi32, #tpu.memory_space<vmem>>, vector<16xi32>,
      %get3A_93 = arith.constant 0 : i32
      %get3A_94 = arith.constant 0 : i32
      %get3A_95 = arith.index_cast %get3A_93 : i32 to index
      %get3A_96 = arith.index_cast %get3A_94 : i32 to index
      %get3A_97 = arith.constant 16 : index
      %get3A_98 = tpu.vector_load %arg8[%get3A_95, %get3A_96, %get3A_97] {strides = array<i32>} : memref<2x10x64xi32, #tpu.memory_space<vmem>>, vector<1x1x16xi32>,
      %get3A_99 = vector.shape_cast %get3A_98 : vector<1x1x16xi32> to vector<16xi32>
      %swap3A_100 = arith.constant 16 : index
      %swap3A_101 = tpu.vector_load %arg9[%swap3A_100] {strides = array<i32>} : memref<64xi32, #tpu.memory_space<vmem>>, vector<16xi32>,
      %swap3A_102 = vector.shape_cast %swap3A_101 : vector<16xi32> to vector<16xi32>
      %swap3A_103 = vector.shape_cast %get3A_99 : vector<16xi32> to vector<16xi32>
      tpu.vector_store %arg9[%swap3A_100], %swap3A_103 {strides = array<i32>} : memref<64xi32, #tpu.memory_space<vmem>>, vector<16xi32>,
      %get3A_104 = arith.constant 0 : i32
      %get3A_105 = arith.constant 0 : i32
      %get3A_106 = arith.index_cast %get3A_104 : i32 to index
      %get3A_107 = arith.index_cast %get3A_105 : i32 to index
      %get3A_108 = arith.constant 32 : index
      %get3A_109 = tpu.vector_load %arg8[%get3A_106, %get3A_107, %get3A_108] {strides = array<i32>} : memref<2x10x64xi32, #tpu.memory_space<vmem>>, vector<1x1x16xi32>,
      %get3A_110 = vector.shape_cast %get3A_109 : vector<1x1x16xi32> to vector<16xi32>
      %swap3A_111 = arith.constant 32 : index
      %swap3A_112 = tpu.vector_load %arg9[%swap3A_111] {strides = array<i32>} : memref<64xi32, #tpu.memory_space<vmem>>, vector<16xi32>,
      %swap3A_113 = vector.shape_cast %swap3A_112 : vector<16xi32> to vector<16xi32>
      %swap3A_114 = vector.shape_cast %get3A_110 : vector<16xi32> to vector<16xi32>
      tpu.vector_store %arg9[%swap3A_111], %swap3A_114 {strides = array<i32>} : memref<64xi32, #tpu.memory_space<vmem>>, vector<16xi32>,
      %get3A_115 = arith.constant 0 : i32
      %get3A_116 = arith.constant 0 : i32
      %get3A_117 = arith.index_cast %get3A_115 : i32 to index
      %get3A_118 = arith.index_cast %get3A_116 : i32 to index
      %get3A_119 = arith.constant 48 : index
      %get3A_120 = tpu.vector_load %arg8[%get3A_117, %get3A_118, %get3A_119] {strides = array<i32>} : memref<2x10x64xi32, #tpu.memory_space<vmem>>, vector<1x1x16xi32>,
      %get3A_121 = vector.shape_cast %get3A_120 : vector<1x1x16xi32> to vector<16xi32>
      %swap3A_122 = arith.constant 48 : index
      %swap3A_123 = tpu.vector_load %arg9[%swap3A_122] {strides = array<i32>} : memref<64xi32, #tpu.memory_space<vmem>>, vector<16xi32>,
      %swap3A_124 = vector.shape_cast %swap3A_123 : vector<16xi32> to vector<16xi32>
      %swap3A_125 = vector.shape_cast %get3A_121 : vector<16xi32> to vector<16xi32>
      tpu.vector_store %arg9[%swap3A_122], %swap3A_125 {strides = array<i32>} : memref<64xi32, #tpu.memory_space<vmem>>, vector<16xi32>,
      %dma_start3A_126 = arith.constant 0 : i32
      %dma_start3A_127 = arith.constant 2 : i32
      %dma_start3A_128 = arith.constant 0 : i32
      %dma_start3A_129 = tpu.memref_slice %arg7[%dma_start3A_126, %dma_start3A_127, %dma_start3A_128] : memref<2x10x64xi32, #tpu.memory_space<vmem>> -> memref<1x1x64xi32, #tpu.memory_space<vmem>>
      %dma_start3A_130 = tpu.memref_squeeze %dma_start3A_129 : memref<1x1x64xi32, #tpu.memory_space<vmem>> -> memref<64xi32, #tpu.memory_space<vmem>>
      %dma_start3A_131 = arith.constant 0 : i32
      %dma_start3A_132 = arith.constant 0 : i32
      %dma_start3A_133 = tpu.memref_slice %arg2[%dma_start3A_131, %dma_start3A_132] : memref<10240x256xf32, #tpu.memory_space<hbm>> -> memref<10240x256xf32, #tpu.memory_space<hbm>>
      tpu.enqueue_indirect_dma source(%dma_start3A_133 : memref<10240x256xf32, #tpu.memory_space<hbm>>) target(%arg11 : memref<64x256xf32, #tpu.memory_space<vmem>>) offsets(%dma_start3A_130 : memref<64xi32, #tpu.memory_space<vmem>>) semaphore(%arg15 : memref<!tpu.dma_semaphore, #tpu.memory_space<semaphore_mem>>)
      %dma_wait3A_134 = arith.constant 0 : i32
      %dma_wait3A_135 = arith.constant 1 : i32
      %dma_wait3A_136 = arith.constant 0 : i32
      %dma_wait3A_137 = tpu.memref_slice %arg7[%dma_wait3A_134, %dma_wait3A_135, %dma_wait3A_136] : memref<2x10x64xi32, #tpu.memory_space<vmem>> -> memref<1x1x64xi32, #tpu.memory_space<vmem>>
      %dma_wait3A_138 = tpu.memref_squeeze %dma_wait3A_137 : memref<1x1x64xi32, #tpu.memory_space<vmem>> -> memref<64xi32, #tpu.memory_space<vmem>>
      %dma_wait3A_139 = arith.constant 0 : i32
      %dma_wait3A_140 = arith.constant 0 : i32
      %dma_wait3A_141 = tpu.memref_slice %arg2[%dma_wait3A_139, %dma_wait3A_140] : memref<10240x256xf32, #tpu.memory_space<hbm>> -> memref<10240x256xf32, #tpu.memory_space<hbm>>
      tpu.wait_indirect_dma semaphore(%arg16 : memref<!tpu.dma_semaphore, #tpu.memory_space<semaphore_mem>>) src(%dma_wait3A_141 : memref<10240x256xf32, #tpu.memory_space<hbm>>) dst(%arg12 : memref<64x256xf32, #tpu.memory_space<vmem>>)
      %get3A_142 = arith.constant 0 : i32
      %get3A_143 = arith.constant 1 : i32
      %get3A_144 = arith.index_cast %get3A_142 : i32 to index
      %get3A_145 = arith.index_cast %get3A_143 : i32 to index
      %get3A_146 = arith.constant 0 : index
      %get3A_147 = tpu.vector_load %arg8[%get3A_144, %get3A_145, %get3A_146] {strides = array<i32>} : memref<2x10x64xi32, #tpu.memory_space<vmem>>, vector<1x1x16xi32>,
      %get3A_148 = vector.shape_cast %get3A_147 : vector<1x1x16xi32> to vector<16xi32>
      %swap3A_149 = arith.constant 0 : index
      %swap3A_150 = tpu.vector_load %arg10[%swap3A_149] {strides = array<i32>} : memref<64xi32, #tpu.memory_space<vmem>>, vector<16xi32>,
      %swap3A_151 = vector.shape_cast %swap3A_150 : vector<16xi32> to vector<16xi32>
      %swap3A_152 = vector.shape_cast %get3A_148 : vector<16xi32> to vector<16xi32>
      tpu.vector_store %arg10[%swap3A_149], %swap3A_152 {strides = array<i32>} : memref<64xi32, #tpu.memory_space<vmem>>, vector<16xi32>,
      %get3A_153 = arith.constant 0 : i32
      %get3A_154 = arith.constant 1 : i32
      %get3A_155 = arith.index_cast %get3A_153 : i32 to index
      %get3A_156 = arith.index_cast %get3A_154 : i32 to index
      %get3A_157 = arith.constant 16 : index
      %get3A_158 = tpu.vector_load %arg8[%get3A_155, %get3A_156, %get3A_157] {strides = array<i32>} : memref<2x10x64xi32, #tpu.memory_space<vmem>>, vector<1x1x16xi32>,
      %get3A_159 = vector.shape_cast %get3A_158 : vector<1x1x16xi32> to vector<16xi32>
      %swap3A_160 = arith.constant 16 : index
      %swap3A_161 = tpu.vector_load %arg10[%swap3A_160] {strides = array<i32>} : memref<64xi32, #tpu.memory_space<vmem>>, vector<16xi32>,
      %swap3A_162 = vector.shape_cast %swap3A_161 : vector<16xi32> to vector<16xi32>
      %swap3A_163 = vector.shape_cast %get3A_159 : vector<16xi32> to vector<16xi32>
      tpu.vector_store %arg10[%swap3A_160], %swap3A_163 {strides = array<i32>} : memref<64xi32, #tpu.memory_space<vmem>>, vector<16xi32>,
      %get3A_164 = arith.constant 0 : i32
      %get3A_165 = arith.constant 1 : i32
      %get3A_166 = arith.index_cast %get3A_164 : i32 to index
      %get3A_167 = arith.index_cast %get3A_165 : i32 to index
      %get3A_168 = arith.constant 32 : index
      %get3A_169 = tpu.vector_load %arg8[%get3A_166, %get3A_167, %get3A_168] {strides = array<i32>} : memref<2x10x64xi32, #tpu.memory_space<vmem>>, vector<1x1x16xi32>,
      %get3A_170 = vector.shape_cast %get3A_169 : vector<1x1x16xi32> to vector<16xi32>
      %swap3A_171 = arith.constant 32 : index
      %swap3A_172 = tpu.vector_load %arg10[%swap3A_171] {strides = array<i32>} : memref<64xi32, #tpu.memory_space<vmem>>, vector<16xi32>,
      %swap3A_173 = vector.shape_cast %swap3A_172 : vector<16xi32> to vector<16xi32>
      %swap3A_174 = vector.shape_cast %get3A_170 : vector<16xi32> to vector<16xi32>
      tpu.vector_store %arg10[%swap3A_171], %swap3A_174 {strides = array<i32>} : memref<64xi32, #tpu.memory_space<vmem>>, vector<16xi32>,
      %get3A_175 = arith.constant 0 : i32
      %get3A_176 = arith.constant 1 : i32
      %get3A_177 = arith.index_cast %get3A_175 : i32 to index
      %get3A_178 = arith.index_cast %get3A_176 : i32 to index
      %get3A_179 = arith.constant 48 : index
      %get3A_180 = tpu.vector_load %arg8[%get3A_177, %get3A_178, %get3A_179] {strides = array<i32>} : memref<2x10x64xi32, #tpu.memory_space<vmem>>, vector<1x1x16xi32>,
      %get3A_181 = vector.shape_cast %get3A_180 : vector<1x1x16xi32> to vector<16xi32>
      %swap3A_182 = arith.constant 48 : index
      %swap3A_183 = tpu.vector_load %arg10[%swap3A_182] {strides = array<i32>} : memref<64xi32, #tpu.memory_space<vmem>>, vector<16xi32>,
      %swap3A_184 = vector.shape_cast %swap3A_183 : vector<16xi32> to vector<16xi32>
      %swap3A_185 = vector.shape_cast %get3A_181 : vector<16xi32> to vector<16xi32>
      tpu.vector_store %arg10[%swap3A_182], %swap3A_185 {strides = array<i32>} : memref<64xi32, #tpu.memory_space<vmem>>, vector<16xi32>,
      %dma_start3A_186 = arith.constant 0 : i32
      %dma_start3A_187 = arith.constant 3 : i32
      %dma_start3A_188 = arith.constant 0 : i32
      %dma_start3A_189 = tpu.memref_slice %arg7[%dma_start3A_186, %dma_start3A_187, %dma_start3A_188] : memref<2x10x64xi32, #tpu.memory_space<vmem>> -> memref<1x1x64xi32, #tpu.memory_space<vmem>>
      %dma_start3A_190 = tpu.memref_squeeze %dma_start3A_189 : memref<1x1x64xi32, #tpu.memory_space<vmem>> -> memref<64xi32, #tpu.memory_space<vmem>>
      %dma_start3A_191 = arith.constant 0 : i32
      %dma_start3A_192 = arith.constant 0 : i32
      %dma_start3A_193 = tpu.memref_slice %arg2[%dma_start3A_191, %dma_start3A_192] : memref<10240x256xf32, #tpu.memory_space<hbm>> -> memref<10240x256xf32, #tpu.memory_space<hbm>>
      tpu.enqueue_indirect_dma source(%dma_start3A_193 : memref<10240x256xf32, #tpu.memory_space<hbm>>) target(%arg12 : memref<64x256xf32, #tpu.memory_space<vmem>>) offsets(%dma_start3A_190 : memref<64xi32, #tpu.memory_space<vmem>>) semaphore(%arg16 : memref<!tpu.dma_semaphore, #tpu.memory_space<semaphore_mem>>)
      %dma_wait3A_194 = arith.constant 0 : i32
      %dma_wait3A_195 = arith.constant 2 : i32
      %dma_wait3A_196 = arith.constant 0 : i32
      %dma_wait3A_197 = tpu.memref_slice %arg7[%dma_wait3A_194, %dma_wait3A_195, %dma_wait3A_196] : memref<2x10x64xi32, #tpu.memory_space<vmem>> -> memref<1x1x64xi32, #tpu.memory_space<vmem>>
      %dma_wait3A_198 = tpu.memref_squeeze %dma_wait3A_197 : memref<1x1x64xi32, #tpu.memory_space<vmem>> -> memref<64xi32, #tpu.memory_space<vmem>>
      %dma_wait3A_199 = arith.constant 0 : i32
      %dma_wait3A_200 = arith.constant 0 : i32
      %dma_wait3A_201 = tpu.memref_slice %arg2[%dma_wait3A_199, %dma_wait3A_200] : memref<10240x256xf32, #tpu.memory_space<hbm>> -> memref<10240x256xf32, #tpu.memory_space<hbm>>
      tpu.wait_indirect_dma semaphore(%arg15 : memref<!tpu.dma_semaphore, #tpu.memory_space<semaphore_mem>>) src(%dma_wait3A_201 : memref<10240x256xf32, #tpu.memory_space<hbm>>) dst(%arg11 : memref<64x256xf32, #tpu.memory_space<vmem>>)
      %get3A_202 = arith.constant 0 : i32
      %get3A_203 = arith.constant 2 : i32
      %get3A_204 = arith.index_cast %get3A_202 : i32 to index
      %get3A_205 = arith.index_cast %get3A_203 : i32 to index
      %get3A_206 = arith.constant 0 : index
      %get3A_207 = tpu.vector_load %arg8[%get3A_204, %get3A_205, %get3A_206] {strides = array<i32>} : memref<2x10x64xi32, #tpu.memory_space<vmem>>, vector<1x1x16xi32>,
      %get3A_208 = vector.shape_cast %get3A_207 : vector<1x1x16xi32> to vector<16xi32>
      %swap3A_209 = arith.constant 0 : index
      %swap3A_210 = tpu.vector_load %arg9[%swap3A_209] {strides = array<i32>} : memref<64xi32, #tpu.memory_space<vmem>>, vector<16xi32>,
      %swap3A_211 = vector.shape_cast %swap3A_210 : vector<16xi32> to vector<16xi32>
      %swap3A_212 = vector.shape_cast %get3A_208 : vector<16xi32> to vector<16xi32>
      tpu.vector_store %arg9[%swap3A_209], %swap3A_212 {strides = array<i32>} : memref<64xi32, #tpu.memory_space<vmem>>, vector<16xi32>,
      %get3A_213 = arith.constant 0 : i32
      %get3A_214 = arith.constant 2 : i32
      %get3A_215 = arith.index_cast %get3A_213 : i32 to index
      %get3A_216 = arith.index_cast %get3A_214 : i32 to index
      %get3A_217 = arith.constant 16 : index
      %get3A_218 = tpu.vector_load %arg8[%get3A_215, %get3A_216, %get3A_217] {strides = array<i32>} : memref<2x10x64xi32, #tpu.memory_space<vmem>>, vector<1x1x16xi32>,
      %get3A_219 = vector.shape_cast %get3A_218 : vector<1x1x16xi32> to vector<16xi32>
      %swap3A_220 = arith.constant 16 : index
      %swap3A_221 = tpu.vector_load %arg9[%swap3A_220] {strides = array<i32>} : memref<64xi32, #tpu.memory_space<vmem>>, vector<16xi32>,
      %swap3A_222 = vector.shape_cast %swap3A_221 : vector<16xi32> to vector<16xi32>
      %swap3A_223 = vector.shape_cast %get3A_219 : vector<16xi32> to vector<16xi32>
      tpu.vector_store %arg9[%swap3A_220], %swap3A_223 {strides = array<i32>} : memref<64xi32, #tpu.memory_space<vmem>>, vector<16xi32>,
      %get3A_224 = arith.constant 0 : i32
      %get3A_225 = arith.constant 2 : i32
      %get3A_226 = arith.index_cast %get3A_224 : i32 to index
      %get3A_227 = arith.index_cast %get3A_225 : i32 to index
      %get3A_228 = arith.constant 32 : index
      %get3A_229 = tpu.vector_load %arg8[%get3A_226, %get3A_227, %get3A_228] {strides = array<i32>} : memref<2x10x64xi32, #tpu.memory_space<vmem>>, vector<1x1x16xi32>,
      %get3A_230 = vector.shape_cast %get3A_229 : vector<1x1x16xi32> to vector<16xi32>
      %swap3A_231 = arith.constant 32 : index
      %swap3A_232 = tpu.vector_load %arg9[%swap3A_231] {strides = array<i32>} : memref<64xi32, #tpu.memory_space<vmem>>, vector<16xi32>,
      %swap3A_233 = vector.shape_cast %swap3A_232 : vector<16xi32> to vector<16xi32>
      %swap3A_234 = vector.shape_cast %get3A_230 : vector<16xi32> to vector<16xi32>
      tpu.vector_store %arg9[%swap3A_231], %swap3A_234 {strides = array<i32>} : memref<64xi32, #tpu.memory_space<vmem>>, vector<16xi32>,
      %get3A_235 = arith.constant 0 : i32
      %get3A_236 = arith.constant 2 : i32
      %get3A_237 = arith.index_cast %get3A_235 : i32 to index
      %get3A_238 = arith.index_cast %get3A_236 : i32 to index
      %get3A_239 = arith.constant 48 : index
      %get3A_240 = tpu.vector_load %arg8[%get3A_237, %get3A_238, %get3A_239] {strides = array<i32>} : memref<2x10x64xi32, #tpu.memory_space<vmem>>, vector<1x1x16xi32>,
      %get3A_241 = vector.shape_cast %get3A_240 : vector<1x1x16xi32> to vector<16xi32>
      %swap3A_242 = arith.constant 48 : index
      %swap3A_243 = tpu.vector_load %arg9[%swap3A_242] {strides = array<i32>} : memref<64xi32, #tpu.memory_space<vmem>>, vector<16xi32>,
      %swap3A_244 = vector.shape_cast %swap3A_243 : vector<16xi32> to vector<16xi32>
      %swap3A_245 = vector.shape_cast %get3A_241 : vector<16xi32> to vector<16xi32>
      tpu.vector_store %arg9[%swap3A_242], %swap3A_245 {strides = array<i32>} : memref<64xi32, #tpu.memory_space<vmem>>, vector<16xi32>,
      %dma_start3A_246 = arith.constant 0 : i32
      %dma_start3A_247 = arith.constant 4 : i32
      %dma_start3A_248 = arith.constant 0 : i32
      %dma_start3A_249 = tpu.memref_slice %arg7[%dma_start3A_246, %dma_start3A_247, %dma_start3A_248] : memref<2x10x64xi32, #tpu.memory_space<vmem>> -> memref<1x1x64xi32, #tpu.memory_space<vmem>>
      %dma_start3A_250 = tpu.memref_squeeze %dma_start3A_249 : memref<1x1x64xi32, #tpu.memory_space<vmem>> -> memref<64xi32, #tpu.memory_space<vmem>>
      %dma_start3A_251 = arith.constant 0 : i32
      %dma_start3A_252 = arith.constant 0 : i32
      %dma_start3A_253 = tpu.memref_slice %arg2[%dma_start3A_251, %dma_start3A_252] : memref<10240x256xf32, #tpu.memory_space<hbm>> -> memref<10240x256xf32, #tpu.memory_space<hbm>>
      tpu.enqueue_indirect_dma source(%dma_start3A_253 : memref<10240x256xf32, #tpu.memory_space<hbm>>) target(%arg11 : memref<64x256xf32, #tpu.memory_space<vmem>>) offsets(%dma_start3A_250 : memref<64xi32, #tpu.memory_space<vmem>>) semaphore(%arg15 : memref<!tpu.dma_semaphore, #tpu.memory_space<semaphore_mem>>)
      %dma_wait3A_254 = arith.constant 0 : i32
      %dma_wait3A_255 = arith.constant 3 : i32
      %dma_wait3A_256 = arith.constant 0 : i32
      %dma_wait3A_257 = tpu.memref_slice %arg7[%dma_wait3A_254, %dma_wait3A_255, %dma_wait3A_256] : memref<2x10x64xi32, #tpu.memory_space<vmem>> -> memref<1x1x64xi32, #tpu.memory_space<vmem>>
      %dma_wait3A_258 = tpu.memref_squeeze %dma_wait3A_257 : memref<1x1x64xi32, #tpu.memory_space<vmem>> -> memref<64xi32, #tpu.memory_space<vmem>>
      %dma_wait3A_259 = arith.constant 0 : i32
      %dma_wait3A_260 = arith.constant 0 : i32
      %dma_wait3A_261 = tpu.memref_slice %arg2[%dma_wait3A_259, %dma_wait3A_260] : memref<10240x256xf32, #tpu.memory_space<hbm>> -> memref<10240x256xf32, #tpu.memory_space<hbm>>
      tpu.wait_indirect_dma semaphore(%arg16 : memref<!tpu.dma_semaphore, #tpu.memory_space<semaphore_mem>>) src(%dma_wait3A_261 : memref<10240x256xf32, #tpu.memory_space<hbm>>) dst(%arg12 : memref<64x256xf32, #tpu.memory_space<vmem>>)
      %get3A_262 = arith.constant 0 : i32
      %get3A_263 = arith.constant 3 : i32
      %get3A_264 = arith.index_cast %get3A_262 : i32 to index
      %get3A_265 = arith.index_cast %get3A_263 : i32 to index
      %get3A_266 = arith.constant 0 : index
      %get3A_267 = tpu.vector_load %arg8[%get3A_264, %get3A_265, %get3A_266] {strides = array<i32>} : memref<2x10x64xi32, #tpu.memory_space<vmem>>, vector<1x1x16xi32>,
      %get3A_268 = vector.shape_cast %get3A_267 : vector<1x1x16xi32> to vector<16xi32>
      %swap3A_269 = arith.constant 0 : index
      %swap3A_270 = tpu.vector_load %arg10[%swap3A_269] {strides = array<i32>} : memref<64xi32, #tpu.memory_space<vmem>>, vector<16xi32>,
      %swap3A_271 = vector.shape_cast %swap3A_270 : vector<16xi32> to vector<16xi32>
      %swap3A_272 = vector.shape_cast %get3A_268 : vector<16xi32> to vector<16xi32>
      tpu.vector_store %arg10[%swap3A_269], %swap3A_272 {strides = array<i32>} : memref<64xi32, #tpu.memory_space<vmem>>, vector<16xi32>,
      %get3A_273 = arith.constant 0 : i32
      %get3A_274 = arith.constant 3 : i32
      %get3A_275 = arith.index_cast %get3A_273 : i32 to index
      %get3A_276 = arith.index_cast %get3A_274 : i32 to index
      %get3A_277 = arith.constant 16 : index
      %get3A_278 = tpu.vector_load %arg8[%get3A_275, %get3A_276, %get3A_277] {strides = array<i32>} : memref<2x10x64xi32, #tpu.memory_space<vmem>>, vector<1x1x16xi32>,
      %get3A_279 = vector.shape_cast %get3A_278 : vector<1x1x16xi32> to vector<16xi32>
      %swap3A_280 = arith.constant 16 : index
      %swap3A_281 = tpu.vector_load %arg10[%swap3A_280] {strides = array<i32>} : memref<64xi32, #tpu.memory_space<vmem>>, vector<16xi32>,
      %swap3A_282 = vector.shape_cast %swap3A_281 : vector<16xi32> to vector<16xi32>
      %swap3A_283 = vector.shape_cast %get3A_279 : vector<16xi32> to vector<16xi32>
      tpu.vector_store %arg10[%swap3A_280], %swap3A_283 {strides = array<i32>} : memref<64xi32, #tpu.memory_space<vmem>>, vector<16xi32>,
      %get3A_284 = arith.constant 0 : i32
      %get3A_285 = arith.constant 3 : i32
      %get3A_286 = arith.index_cast %get3A_284 : i32 to index
      %get3A_287 = arith.index_cast %get3A_285 : i32 to index
      %get3A_288 = arith.constant 32 : index
      %get3A_289 = tpu.vector_load %arg8[%get3A_286, %get3A_287, %get3A_288] {strides = array<i32>} : memref<2x10x64xi32, #tpu.memory_space<vmem>>, vector<1x1x16xi32>,
      %get3A_290 = vector.shape_cast %get3A_289 : vector<1x1x16xi32> to vector<16xi32>
      %swap3A_291 = arith.constant 32 : index
      %swap3A_292 = tpu.vector_load %arg10[%swap3A_291] {strides = array<i32>} : memref<64xi32, #tpu.memory_space<vmem>>, vector<16xi32>,
      %swap3A_293 = vector.shape_cast %swap3A_292 : vector<16xi32> to vector<16xi32>
      %swap3A_294 = vector.shape_cast %get3A_290 : vector<16xi32> to vector<16xi32>
      tpu.vector_store %arg10[%swap3A_291], %swap3A_294 {strides = array<i32>} : memref<64xi32, #tpu.memory_space<vmem>>, vector<16xi32>,
      %get3A_295 = arith.constant 0 : i32
      %get3A_296 = arith.constant 3 : i32
      %get3A_297 = arith.index_cast %get3A_295 : i32 to index
      %get3A_298 = arith.index_cast %get3A_296 : i32 to index
      %get3A_299 = arith.constant 48 : index
      %get3A_300 = tpu.vector_load %arg8[%get3A_297, %get3A_298, %get3A_299] {strides = array<i32>} : memref<2x10x64xi32, #tpu.memory_space<vmem>>, vector<1x1x16xi32>,
      %get3A_301 = vector.shape_cast %get3A_300 : vector<1x1x16xi32> to vector<16xi32>
      %swap3A_302 = arith.constant 48 : index
      %swap3A_303 = tpu.vector_load %arg10[%swap3A_302] {strides = array<i32>} : memref<64xi32, #tpu.memory_space<vmem>>, vector<16xi32>,
      %swap3A_304 = vector.shape_cast %swap3A_303 : vector<16xi32> to vector<16xi32>
      %swap3A_305 = vector.shape_cast %get3A_301 : vector<16xi32> to vector<16xi32>
      tpu.vector_store %arg10[%swap3A_302], %swap3A_305 {strides = array<i32>} : memref<64xi32, #tpu.memory_space<vmem>>, vector<16xi32>,
      %dma_start3A_306 = arith.constant 0 : i32
      %dma_start3A_307 = arith.constant 5 : i32
      %dma_start3A_308 = arith.constant 0 : i32
      %dma_start3A_309 = tpu.memref_slice %arg7[%dma_start3A_306, %dma_start3A_307, %dma_start3A_308] : memref<2x10x64xi32, #tpu.memory_space<vmem>> -> memref<1x1x64xi32, #tpu.memory_space<vmem>>
      %dma_start3A_310 = tpu.memref_squeeze %dma_start3A_309 : memref<1x1x64xi32, #tpu.memory_space<vmem>> -> memref<64xi32, #tpu.memory_space<vmem>>
      %dma_start3A_311 = arith.constant 0 : i32
      %dma_start3A_312 = arith.constant 0 : i32
      %dma_start3A_313 = tpu.memref_slice %arg2[%dma_start3A_311, %dma_start3A_312] : memref<10240x256xf32, #tpu.memory_space<hbm>> -> memref<10240x256xf32, #tpu.memory_space<hbm>>
      tpu.enqueue_indirect_dma source(%dma_start3A_313 : memref<10240x256xf32, #tpu.memory_space<hbm>>) target(%arg12 : memref<64x256xf32, #tpu.memory_space<vmem>>) offsets(%dma_start3A_310 : memref<64xi32, #tpu.memory_space<vmem>>) semaphore(%arg16 : memref<!tpu.dma_semaphore, #tpu.memory_space<semaphore_mem>>)
      %dma_wait3A_314 = arith.constant 0 : i32
      %dma_wait3A_315 = arith.constant 4 : i32
      %dma_wait3A_316 = arith.constant 0 : i32
      %dma_wait3A_317 = tpu.memref_slice %arg7[%dma_wait3A_314, %dma_wait3A_315, %dma_wait3A_316] : memref<2x10x64xi32, #tpu.memory_space<vmem>> -> memref<1x1x64xi32, #tpu.memory_space<vmem>>
      %dma_wait3A_318 = tpu.memref_squeeze %dma_wait3A_317 : memref<1x1x64xi32, #tpu.memory_space<vmem>> -> memref<64xi32, #tpu.memory_space<vmem>>
      %dma_wait3A_319 = arith.constant 0 : i32
      %dma_wait3A_320 = arith.constant 0 : i32
      %dma_wait3A_321 = tpu.memref_slice %arg2[%dma_wait3A_319, %dma_wait3A_320] : memref<10240x256xf32, #tpu.memory_space<hbm>> -> memref<10240x256xf32, #tpu.memory_space<hbm>>
      tpu.wait_indirect_dma semaphore(%arg15 : memref<!tpu.dma_semaphore, #tpu.memory_space<semaphore_mem>>) src(%dma_wait3A_321 : memref<10240x256xf32, #tpu.memory_space<hbm>>) dst(%arg11 : memref<64x256xf32, #tpu.memory_space<vmem>>)
      %get3A_322 = arith.constant 0 : i32
      %get3A_323 = arith.constant 4 : i32
      %get3A_324 = arith.index_cast %get3A_322 : i32 to index
      %get3A_325 = arith.index_cast %get3A_323 : i32 to index
      %get3A_326 = arith.constant 0 : index
      %get3A_327 = tpu.vector_load %arg8[%get3A_324, %get3A_325, %get3A_326] {strides = array<i32>} : memref<2x10x64xi32, #tpu.memory_space<vmem>>, vector<1x1x16xi32>,
      %get3A_328 = vector.shape_cast %get3A_327 : vector<1x1x16xi32> to vector<16xi32>
      %swap3A_329 = arith.constant 0 : index
      %swap3A_330 = tpu.vector_load %arg9[%swap3A_329] {strides = array<i32>} : memref<64xi32, #tpu.memory_space<vmem>>, vector<16xi32>,
      %swap3A_331 = vector.shape_cast %swap3A_330 : vector<16xi32> to vector<16xi32>
      %swap3A_332 = vector.shape_cast %get3A_328 : vector<16xi32> to vector<16xi32>
      tpu.vector_store %arg9[%swap3A_329], %swap3A_332 {strides = array<i32>} : memref<64xi32, #tpu.memory_space<vmem>>, vector<16xi32>,
      %get3A_333 = arith.constant 0 : i32
      %get3A_334 = arith.constant 4 : i32
      %get3A_335 = arith.index_cast %get3A_333 : i32 to index
      %get3A_336 = arith.index_cast %get3A_334 : i32 to index
      %get3A_337 = arith.constant 16 : index
      %get3A_338 = tpu.vector_load %arg8[%get3A_335, %get3A_336, %get3A_337] {strides = array<i32>} : memref<2x10x64xi32, #tpu.memory_space<vmem>>, vector<1x1x16xi32>,
      %get3A_339 = vector.shape_cast %get3A_338 : vector<1x1x16xi32> to vector<16xi32>
      %swap3A_340 = arith.constant 16 : index
      %swap3A_341 = tpu.vector_load %arg9[%swap3A_340] {strides = array<i32>} : memref<64xi32, #tpu.memory_space<vmem>>, vector<16xi32>,
      %swap3A_342 = vector.shape_cast %swap3A_341 : vector<16xi32> to vector<16xi32>
      %swap3A_343 = vector.shape_cast %get3A_339 : vector<16xi32> to vector<16xi32>
      tpu.vector_store %arg9[%swap3A_340], %swap3A_343 {strides = array<i32>} : memref<64xi32, #tpu.memory_space<vmem>>, vector<16xi32>,
      %get3A_344 = arith.constant 0 : i32
      %get3A_345 = arith.constant 4 : i32
      %get3A_346 = arith.index_cast %get3A_344 : i32 to index
      %get3A_347 = arith.index_cast %get3A_345 : i32 to index
      %get3A_348 = arith.constant 32 : index
      %get3A_349 = tpu.vector_load %arg8[%get3A_346, %get3A_347, %get3A_348] {strides = array<i32>} : memref<2x10x64xi32, #tpu.memory_space<vmem>>, vector<1x1x16xi32>,
      %get3A_350 = vector.shape_cast %get3A_349 : vector<1x1x16xi32> to vector<16xi32>
      %swap3A_351 = arith.constant 32 : index
      %swap3A_352 = tpu.vector_load %arg9[%swap3A_351] {strides = array<i32>} : memref<64xi32, #tpu.memory_space<vmem>>, vector<16xi32>,
      %swap3A_353 = vector.shape_cast %swap3A_352 : vector<16xi32> to vector<16xi32>
      %swap3A_354 = vector.shape_cast %get3A_350 : vector<16xi32> to vector<16xi32>
      tpu.vector_store %arg9[%swap3A_351], %swap3A_354 {strides = array<i32>} : memref<64xi32, #tpu.memory_space<vmem>>, vector<16xi32>,
      %get3A_355 = arith.constant 0 : i32
      %get3A_356 = arith.constant 4 : i32
      %get3A_357 = arith.index_cast %get3A_355 : i32 to index
      %get3A_358 = arith.index_cast %get3A_356 : i32 to index
      %get3A_359 = arith.constant 48 : index
      %get3A_360 = tpu.vector_load %arg8[%get3A_357, %get3A_358, %get3A_359] {strides = array<i32>} : memref<2x10x64xi32, #tpu.memory_space<vmem>>, vector<1x1x16xi32>,
      %get3A_361 = vector.shape_cast %get3A_360 : vector<1x1x16xi32> to vector<16xi32>
      %swap3A_362 = arith.constant 48 : index
      %swap3A_363 = tpu.vector_load %arg9[%swap3A_362] {strides = array<i32>} : memref<64xi32, #tpu.memory_space<vmem>>, vector<16xi32>,
      %swap3A_364 = vector.shape_cast %swap3A_363 : vector<16xi32> to vector<16xi32>
      %swap3A_365 = vector.shape_cast %get3A_361 : vector<16xi32> to vector<16xi32>
      tpu.vector_store %arg9[%swap3A_362], %swap3A_365 {strides = array<i32>} : memref<64xi32, #tpu.memory_space<vmem>>, vector<16xi32>,
      %dma_start3A_366 = arith.constant 0 : i32
      %dma_start3A_367 = arith.constant 6 : i32
      %dma_start3A_368 = arith.constant 0 : i32
      %dma_start3A_369 = tpu.memref_slice %arg7[%dma_start3A_366, %dma_start3A_367, %dma_start3A_368] : memref<2x10x64xi32, #tpu.memory_space<vmem>> -> memref<1x1x64xi32, #tpu.memory_space<vmem>>
      %dma_start3A_370 = tpu.memref_squeeze %dma_start3A_369 : memref<1x1x64xi32, #tpu.memory_space<vmem>> -> memref<64xi32, #tpu.memory_space<vmem>>
      %dma_start3A_371 = arith.constant 0 : i32
      %dma_start3A_372 = arith.constant 0 : i32
      %dma_start3A_373 = tpu.memref_slice %arg2[%dma_start3A_371, %dma_start3A_372] : memref<10240x256xf32, #tpu.memory_space<hbm>> -> memref<10240x256xf32, #tpu.memory_space<hbm>>
      tpu.enqueue_indirect_dma source(%dma_start3A_373 : memref<10240x256xf32, #tpu.memory_space<hbm>>) target(%arg11 : memref<64x256xf32, #tpu.memory_space<vmem>>) offsets(%dma_start3A_370 : memref<64xi32, #tpu.memory_space<vmem>>) semaphore(%arg15 : memref<!tpu.dma_semaphore, #tpu.memory_space<semaphore_mem>>)
      %dma_wait3A_374 = arith.constant 0 : i32
      %dma_wait3A_375 = arith.constant 5 : i32
      %dma_wait3A_376 = arith.constant 0 : i32
      %dma_wait3A_377 = tpu.memref_slice %arg7[%dma_wait3A_374, %dma_wait3A_375, %dma_wait3A_376] : memref<2x10x64xi32, #tpu.memory_space<vmem>> -> memref<1x1x64xi32, #tpu.memory_space<vmem>>
      %dma_wait3A_378 = tpu.memref_squeeze %dma_wait3A_377 : memref<1x1x64xi32, #tpu.memory_space<vmem>> -> memref<64xi32, #tpu.memory_space<vmem>>
      %dma_wait3A_379 = arith.constant 0 : i32
      %dma_wait3A_380 = arith.constant 0 : i32
      %dma_wait3A_381 = tpu.memref_slice %arg2[%dma_wait3A_379, %dma_wait3A_380] : memref<10240x256xf32, #tpu.memory_space<hbm>> -> memref<10240x256xf32, #tpu.memory_space<hbm>>
      tpu.wait_indirect_dma semaphore(%arg16 : memref<!tpu.dma_semaphore, #tpu.memory_space<semaphore_mem>>) src(%dma_wait3A_381 : memref<10240x256xf32, #tpu.memory_space<hbm>>) dst(%arg12 : memref<64x256xf32, #tpu.memory_space<vmem>>)
      %get3A_382 = arith.constant 0 : i32
      %get3A_383 = arith.constant 5 : i32
      %get3A_384 = arith.index_cast %get3A_382 : i32 to index
      %get3A_385 = arith.index_cast %get3A_383 : i32 to index
      %get3A_386 = arith.constant 0 : index
      %get3A_387 = tpu.vector_load %arg8[%get3A_384, %get3A_385, %get3A_386] {strides = array<i32>} : memref<2x10x64xi32, #tpu.memory_space<vmem>>, vector<1x1x16xi32>,
      %get3A_388 = vector.shape_cast %get3A_387 : vector<1x1x16xi32> to vector<16xi32>
      %swap3A_389 = arith.constant 0 : index
      %swap3A_390 = tpu.vector_load %arg10[%swap3A_389] {strides = array<i32>} : memref<64xi32, #tpu.memory_space<vmem>>, vector<16xi32>,
      %swap3A_391 = vector.shape_cast %swap3A_390 : vector<16xi32> to vector<16xi32>
      %swap3A_392 = vector.shape_cast %get3A_388 : vector<16xi32> to vector<16xi32>
      tpu.vector_store %arg10[%swap3A_389], %swap3A_392 {strides = array<i32>} : memref<64xi32, #tpu.memory_space<vmem>>, vector<16xi32>,
      %get3A_393 = arith.constant 0 : i32
      %get3A_394 = arith.constant 5 : i32
      %get3A_395 = arith.index_cast %get3A_393 : i32 to index
      %get3A_396 = arith.index_cast %get3A_394 : i32 to index
      %get3A_397 = arith.constant 16 : index
      %get3A_398 = tpu.vector_load %arg8[%get3A_395, %get3A_396, %get3A_397] {strides = array<i32>} : memref<2x10x64xi32, #tpu.memory_space<vmem>>, vector<1x1x16xi32>,
      %get3A_399 = vector.shape_cast %get3A_398 : vector<1x1x16xi32> to vector<16xi32>
      %swap3A_400 = arith.constant 16 : index
      %swap3A_401 = tpu.vector_load %arg10[%swap3A_400] {strides = array<i32>} : memref<64xi32, #tpu.memory_space<vmem>>, vector<16xi32>,
      %swap3A_402 = vector.shape_cast %swap3A_401 : vector<16xi32> to vector<16xi32>
      %swap3A_403 = vector.shape_cast %get3A_399 : vector<16xi32> to vector<16xi32>
      tpu.vector_store %arg10[%swap3A_400], %swap3A_403 {strides = array<i32>} : memref<64xi32, #tpu.memory_space<vmem>>, vector<16xi32>,
      %get3A_404 = arith.constant 0 : i32
      %get3A_405 = arith.constant 5 : i32
      %get3A_406 = arith.index_cast %get3A_404 : i32 to index
      %get3A_407 = arith.index_cast %get3A_405 : i32 to index
      %get3A_408 = arith.constant 32 : index
      %get3A_409 = tpu.vector_load %arg8[%get3A_406, %get3A_407, %get3A_408] {strides = array<i32>} : memref<2x10x64xi32, #tpu.memory_space<vmem>>, vector<1x1x16xi32>,
      %get3A_410 = vector.shape_cast %get3A_409 : vector<1x1x16xi32> to vector<16xi32>
      %swap3A_411 = arith.constant 32 : index
      %swap3A_412 = tpu.vector_load %arg10[%swap3A_411] {strides = array<i32>} : memref<64xi32, #tpu.memory_space<vmem>>, vector<16xi32>,
      %swap3A_413 = vector.shape_cast %swap3A_412 : vector<16xi32> to vector<16xi32>
      %swap3A_414 = vector.shape_cast %get3A_410 : vector<16xi32> to vector<16xi32>
      tpu.vector_store %arg10[%swap3A_411], %swap3A_414 {strides = array<i32>} : memref<64xi32, #tpu.memory_space<vmem>>, vector<16xi32>,
      %get3A_415 = arith.constant 0 : i32
      %get3A_416 = arith.constant 5 : i32
      %get3A_417 = arith.index_cast %get3A_415 : i32 to index
      %get3A_418 = arith.index_cast %get3A_416 : i32 to index
      %get3A_419 = arith.constant 48 : index
      %get3A_420 = tpu.vector_load %arg8[%get3A_417, %get3A_418, %get3A_419] {strides = array<i32>} : memref<2x10x64xi32, #tpu.memory_space<vmem>>, vector<1x1x16xi32>,
      %get3A_421 = vector.shape_cast %get3A_420 : vector<1x1x16xi32> to vector<16xi32>
      %swap3A_422 = arith.constant 48 : index
      %swap3A_423 = tpu.vector_load %arg10[%swap3A_422] {strides = array<i32>} : memref<64xi32, #tpu.memory_space<vmem>>, vector<16xi32>,
      %swap3A_424 = vector.shape_cast %swap3A_423 : vector<16xi32> to vector<16xi32>
      %swap3A_425 = vector.shape_cast %get3A_421 : vector<16xi32> to vector<16xi32>
      tpu.vector_store %arg10[%swap3A_422], %swap3A_425 {strides = array<i32>} : memref<64xi32, #tpu.memory_space<vmem>>, vector<16xi32>,
      %dma_start3A_426 = arith.constant 0 : i32
      %dma_start3A_427 = arith.constant 7 : i32
      %dma_start3A_428 = arith.constant 0 : i32
      %dma_start3A_429 = tpu.memref_slice %arg7[%dma_start3A_426, %dma_start3A_427, %dma_start3A_428] : memref<2x10x64xi32, #tpu.memory_space<vmem>> -> memref<1x1x64xi32, #tpu.memory_space<vmem>>
      %dma_start3A_430 = tpu.memref_squeeze %dma_start3A_429 : memref<1x1x64xi32, #tpu.memory_space<vmem>> -> memref<64xi32, #tpu.memory_space<vmem>>
      %dma_start3A_431 = arith.constant 0 : i32
      %dma_start3A_432 = arith.constant 0 : i32
      %dma_start3A_433 = tpu.memref_slice %arg2[%dma_start3A_431, %dma_start3A_432] : memref<10240x256xf32, #tpu.memory_space<hbm>> -> memref<10240x256xf32, #tpu.memory_space<hbm>>
      tpu.enqueue_indirect_dma source(%dma_start3A_433 : memref<10240x256xf32, #tpu.memory_space<hbm>>) target(%arg12 : memref<64x256xf32, #tpu.memory_space<vmem>>) offsets(%dma_start3A_430 : memref<64xi32, #tpu.memory_space<vmem>>) semaphore(%arg16 : memref<!tpu.dma_semaphore, #tpu.memory_space<semaphore_mem>>)
      %dma_wait3A_434 = arith.constant 0 : i32
      %dma_wait3A_435 = arith.constant 6 : i32
      %dma_wait3A_436 = arith.constant 0 : i32
      %dma_wait3A_437 = tpu.memref_slice %arg7[%dma_wait3A_434, %dma_wait3A_435, %dma_wait3A_436] : memref<2x10x64xi32, #tpu.memory_space<vmem>> -> memref<1x1x64xi32, #tpu.memory_space<vmem>>
      %dma_wait3A_438 = tpu.memref_squeeze %dma_wait3A_437 : memref<1x1x64xi32, #tpu.memory_space<vmem>> -> memref<64xi32, #tpu.memory_space<vmem>>
      %dma_wait3A_439 = arith.constant 0 : i32
      %dma_wait3A_440 = arith.constant 0 : i32
      %dma_wait3A_441 = tpu.memref_slice %arg2[%dma_wait3A_439, %dma_wait3A_440] : memref<10240x256xf32, #tpu.memory_space<hbm>> -> memref<10240x256xf32, #tpu.memory_space<hbm>>
      tpu.wait_indirect_dma semaphore(%arg15 : memref<!tpu.dma_semaphore, #tpu.memory_space<semaphore_mem>>) src(%dma_wait3A_441 : memref<10240x256xf32, #tpu.memory_space<hbm>>) dst(%arg11 : memref<64x256xf32, #tpu.memory_space<vmem>>)
      %get3A_442 = arith.constant 0 : i32
      %get3A_443 = arith.constant 6 : i32
      %get3A_444 = arith.index_cast %get3A_442 : i32 to index
      %get3A_445 = arith.index_cast %get3A_443 : i32 to index
      %get3A_446 = arith.constant 0 : index
      %get3A_447 = tpu.vector_load %arg8[%get3A_444, %get3A_445, %get3A_446] {strides = array<i32>} : memref<2x10x64xi32, #tpu.memory_space<vmem>>, vector<1x1x16xi32>,
      %get3A_448 = vector.shape_cast %get3A_447 : vector<1x1x16xi32> to vector<16xi32>
      %swap3A_449 = arith.constant 0 : index
      %swap3A_450 = tpu.vector_load %arg9[%swap3A_449] {strides = array<i32>} : memref<64xi32, #tpu.memory_space<vmem>>, vector<16xi32>,
      %swap3A_451 = vector.shape_cast %swap3A_450 : vector<16xi32> to vector<16xi32>
      %swap3A_452 = vector.shape_cast %get3A_448 : vector<16xi32> to vector<16xi32>
      tpu.vector_store %arg9[%swap3A_449], %swap3A_452 {strides = array<i32>} : memref<64xi32, #tpu.memory_space<vmem>>, vector<16xi32>,
      %get3A_453 = arith.constant 0 : i32
      %get3A_454 = arith.constant 6 : i32
      %get3A_455 = arith.index_cast %get3A_453 : i32 to index
      %get3A_456 = arith.index_cast %get3A_454 : i32 to index
      %get3A_457 = arith.constant 16 : index
      %get3A_458 = tpu.vector_load %arg8[%get3A_455, %get3A_456, %get3A_457] {strides = array<i32>} : memref<2x10x64xi32, #tpu.memory_space<vmem>>, vector<1x1x16xi32>,
      %get3A_459 = vector.shape_cast %get3A_458 : vector<1x1x16xi32> to vector<16xi32>
      %swap3A_460 = arith.constant 16 : index
      %swap3A_461 = tpu.vector_load %arg9[%swap3A_460] {strides = array<i32>} : memref<64xi32, #tpu.memory_space<vmem>>, vector<16xi32>,
      %swap3A_462 = vector.shape_cast %swap3A_461 : vector<16xi32> to vector<16xi32>
      %swap3A_463 = vector.shape_cast %get3A_459 : vector<16xi32> to vector<16xi32>
      tpu.vector_store %arg9[%swap3A_460], %swap3A_463 {strides = array<i32>} : memref<64xi32, #tpu.memory_space<vmem>>, vector<16xi32>,
      %get3A_464 = arith.constant 0 : i32
      %get3A_465 = arith.constant 6 : i32
      %get3A_466 = arith.index_cast %get3A_464 : i32 to index
      %get3A_467 = arith.index_cast %get3A_465 : i32 to index
      %get3A_468 = arith.constant 32 : index
      %get3A_469 = tpu.vector_load %arg8[%get3A_466, %get3A_467, %get3A_468] {strides = array<i32>} : memref<2x10x64xi32, #tpu.memory_space<vmem>>, vector<1x1x16xi32>,
      %get3A_470 = vector.shape_cast %get3A_469 : vector<1x1x16xi32> to vector<16xi32>
      %swap3A_471 = arith.constant 32 : index
      %swap3A_472 = tpu.vector_load %arg9[%swap3A_471] {strides = array<i32>} : memref<64xi32, #tpu.memory_space<vmem>>, vector<16xi32>,
      %swap3A_473 = vector.shape_cast %swap3A_472 : vector<16xi32> to vector<16xi32>
      %swap3A_474 = vector.shape_cast %get3A_470 : vector<16xi32> to vector<16xi32>
      tpu.vector_store %arg9[%swap3A_471], %swap3A_474 {strides = array<i32>} : memref<64xi32, #tpu.memory_space<vmem>>, vector<16xi32>,
      %get3A_475 = arith.constant 0 : i32
      %get3A_476 = arith.constant 6 : i32
      %get3A_477 = arith.index_cast %get3A_475 : i32 to index
      %get3A_478 = arith.index_cast %get3A_476 : i32 to index
      %get3A_479 = arith.constant 48 : index
      %get3A_480 = tpu.vector_load %arg8[%get3A_477, %get3A_478, %get3A_479] {strides = array<i32>} : memref<2x10x64xi32, #tpu.memory_space<vmem>>, vector<1x1x16xi32>,
      %get3A_481 = vector.shape_cast %get3A_480 : vector<1x1x16xi32> to vector<16xi32>
      %swap3A_482 = arith.constant 48 : index
      %swap3A_483 = tpu.vector_load %arg9[%swap3A_482] {strides = array<i32>} : memref<64xi32, #tpu.memory_space<vmem>>, vector<16xi32>,
      %swap3A_484 = vector.shape_cast %swap3A_483 : vector<16xi32> to vector<16xi32>
      %swap3A_485 = vector.shape_cast %get3A_481 : vector<16xi32> to vector<16xi32>
      tpu.vector_store %arg9[%swap3A_482], %swap3A_485 {strides = array<i32>} : memref<64xi32, #tpu.memory_space<vmem>>, vector<16xi32>,
      %dma_start3A_486 = arith.constant 0 : i32
      %dma_start3A_487 = arith.constant 8 : i32
      %dma_start3A_488 = arith.constant 0 : i32
      %dma_start3A_489 = tpu.memref_slice %arg7[%dma_start3A_486, %dma_start3A_487, %dma_start3A_488] : memref<2x10x64xi32, #tpu.memory_space<vmem>> -> memref<1x1x64xi32, #tpu.memory_space<vmem>>
      %dma_start3A_490 = tpu.memref_squeeze %dma_start3A_489 : memref<1x1x64xi32, #tpu.memory_space<vmem>> -> memref<64xi32, #tpu.memory_space<vmem>>
      %dma_start3A_491 = arith.constant 0 : i32
      %dma_start3A_492 = arith.constant 0 : i32
      %dma_start3A_493 = tpu.memref_slice %arg2[%dma_start3A_491, %dma_start3A_492] : memref<10240x256xf32, #tpu.memory_space<hbm>> -> memref<10240x256xf32, #tpu.memory_space<hbm>>
      tpu.enqueue_indirect_dma source(%dma_start3A_493 : memref<10240x256xf32, #tpu.memory_space<hbm>>) target(%arg11 : memref<64x256xf32, #tpu.memory_space<vmem>>) offsets(%dma_start3A_490 : memref<64xi32, #tpu.memory_space<vmem>>) semaphore(%arg15 : memref<!tpu.dma_semaphore, #tpu.memory_space<semaphore_mem>>)
      %dma_wait3A_494 = arith.constant 0 : i32
      %dma_wait3A_495 = arith.constant 7 : i32
      %dma_wait3A_496 = arith.constant 0 : i32
      %dma_wait3A_497 = tpu.memref_slice %arg7[%dma_wait3A_494, %dma_wait3A_495, %dma_wait3A_496] : memref<2x10x64xi32, #tpu.memory_space<vmem>> -> memref<1x1x64xi32, #tpu.memory_space<vmem>>
      %dma_wait3A_498 = tpu.memref_squeeze %dma_wait3A_497 : memref<1x1x64xi32, #tpu.memory_space<vmem>> -> memref<64xi32, #tpu.memory_space<vmem>>
      %dma_wait3A_499 = arith.constant 0 : i32
      %dma_wait3A_500 = arith.constant 0 : i32
      %dma_wait3A_501 = tpu.memref_slice %arg2[%dma_wait3A_499, %dma_wait3A_500] : memref<10240x256xf32, #tpu.memory_space<hbm>> -> memref<10240x256xf32, #tpu.memory_space<hbm>>
      tpu.wait_indirect_dma semaphore(%arg16 : memref<!tpu.dma_semaphore, #tpu.memory_space<semaphore_mem>>) src(%dma_wait3A_501 : memref<10240x256xf32, #tpu.memory_space<hbm>>) dst(%arg12 : memref<64x256xf32, #tpu.memory_space<vmem>>)
      %get3A_502 = arith.constant 0 : i32
      %get3A_503 = arith.constant 7 : i32
      %get3A_504 = arith.index_cast %get3A_502 : i32 to index
      %get3A_505 = arith.index_cast %get3A_503 : i32 to index
      %get3A_506 = arith.constant 0 : index
      %get3A_507 = tpu.vector_load %arg8[%get3A_504, %get3A_505, %get3A_506] {strides = array<i32>} : memref<2x10x64xi32, #tpu.memory_space<vmem>>, vector<1x1x16xi32>,
      %get3A_508 = vector.shape_cast %get3A_507 : vector<1x1x16xi32> to vector<16xi32>
      %swap3A_509 = arith.constant 0 : index
      %swap3A_510 = tpu.vector_load %arg10[%swap3A_509] {strides = array<i32>} : memref<64xi32, #tpu.memory_space<vmem>>, vector<16xi32>,
      %swap3A_511 = vector.shape_cast %swap3A_510 : vector<16xi32> to vector<16xi32>
      %swap3A_512 = vector.shape_cast %get3A_508 : vector<16xi32> to vector<16xi32>
      tpu.vector_store %arg10[%swap3A_509], %swap3A_512 {strides = array<i32>} : memref<64xi32, #tpu.memory_space<vmem>>, vector<16xi32>,
      %get3A_513 = arith.constant 0 : i32
      %get3A_514 = arith.constant 7 : i32
      %get3A_515 = arith.index_cast %get3A_513 : i32 to index
      %get3A_516 = arith.index_cast %get3A_514 : i32 to index
      %get3A_517 = arith.constant 16 : index
      %get3A_518 = tpu.vector_load %arg8[%get3A_515, %get3A_516, %get3A_517] {strides = array<i32>} : memref<2x10x64xi32, #tpu.memory_space<vmem>>, vector<1x1x16xi32>,
      %get3A_519 = vector.shape_cast %get3A_518 : vector<1x1x16xi32> to vector<16xi32>
      %swap3A_520 = arith.constant 16 : index
      %swap3A_521 = tpu.vector_load %arg10[%swap3A_520] {strides = array<i32>} : memref<64xi32, #tpu.memory_space<vmem>>, vector<16xi32>,
      %swap3A_522 = vector.shape_cast %swap3A_521 : vector<16xi32> to vector<16xi32>
      %swap3A_523 = vector.shape_cast %get3A_519 : vector<16xi32> to vector<16xi32>
      tpu.vector_store %arg10[%swap3A_520], %swap3A_523 {strides = array<i32>} : memref<64xi32, #tpu.memory_space<vmem>>, vector<16xi32>,
      %get3A_524 = arith.constant 0 : i32
      %get3A_525 = arith.constant 7 : i32
      %get3A_526 = arith.index_cast %get3A_524 : i32 to index
      %get3A_527 = arith.index_cast %get3A_525 : i32 to index
      %get3A_528 = arith.constant 32 : index
      %get3A_529 = tpu.vector_load %arg8[%get3A_526, %get3A_527, %get3A_528] {strides = array<i32>} : memref<2x10x64xi32, #tpu.memory_space<vmem>>, vector<1x1x16xi32>,
      %get3A_530 = vector.shape_cast %get3A_529 : vector<1x1x16xi32> to vector<16xi32>
      %swap3A_531 = arith.constant 32 : index
      %swap3A_532 = tpu.vector_load %arg10[%swap3A_531] {strides = array<i32>} : memref<64xi32, #tpu.memory_space<vmem>>, vector<16xi32>,
      %swap3A_533 = vector.shape_cast %swap3A_532 : vector<16xi32> to vector<16xi32>
      %swap3A_534 = vector.shape_cast %get3A_530 : vector<16xi32> to vector<16xi32>
      tpu.vector_store %arg10[%swap3A_531], %swap3A_534 {strides = array<i32>} : memref<64xi32, #tpu.memory_space<vmem>>, vector<16xi32>,
      %get3A_535 = arith.constant 0 : i32
      %get3A_536 = arith.constant 7 : i32
      %get3A_537 = arith.index_cast %get3A_535 : i32 to index
      %get3A_538 = arith.index_cast %get3A_536 : i32 to index
      %get3A_539 = arith.constant 48 : index
      %get3A_540 = tpu.vector_load %arg8[%get3A_537, %get3A_538, %get3A_539] {strides = array<i32>} : memref<2x10x64xi32, #tpu.memory_space<vmem>>, vector<1x1x16xi32>,
      %get3A_541 = vector.shape_cast %get3A_540 : vector<1x1x16xi32> to vector<16xi32>
      %swap3A_542 = arith.constant 48 : index
      %swap3A_543 = tpu.vector_load %arg10[%swap3A_542] {strides = array<i32>} : memref<64xi32, #tpu.memory_space<vmem>>, vector<16xi32>,
      %swap3A_544 = vector.shape_cast %swap3A_543 : vector<16xi32> to vector<16xi32>
      %swap3A_545 = vector.shape_cast %get3A_541 : vector<16xi32> to vector<16xi32>
      tpu.vector_store %arg10[%swap3A_542], %swap3A_545 {strides = array<i32>} : memref<64xi32, #tpu.memory_space<vmem>>, vector<16xi32>,
      %dma_start3A_546 = arith.constant 0 : i32
      %dma_start3A_547 = arith.constant 9 : i32
      %dma_start3A_548 = arith.constant 0 : i32
      %dma_start3A_549 = tpu.memref_slice %arg7[%dma_start3A_546, %dma_start3A_547, %dma_start3A_548] : memref<2x10x64xi32, #tpu.memory_space<vmem>> -> memref<1x1x64xi32, #tpu.memory_space<vmem>>
      %dma_start3A_550 = tpu.memref_squeeze %dma_start3A_549 : memref<1x1x64xi32, #tpu.memory_space<vmem>> -> memref<64xi32, #tpu.memory_space<vmem>>
      %dma_start3A_551 = arith.constant 0 : i32
      %dma_start3A_552 = arith.constant 0 : i32
      %dma_start3A_553 = tpu.memref_slice %arg2[%dma_start3A_551, %dma_start3A_552] : memref<10240x256xf32, #tpu.memory_space<hbm>> -> memref<10240x256xf32, #tpu.memory_space<hbm>>
      tpu.enqueue_indirect_dma source(%dma_start3A_553 : memref<10240x256xf32, #tpu.memory_space<hbm>>) target(%arg12 : memref<64x256xf32, #tpu.memory_space<vmem>>) offsets(%dma_start3A_550 : memref<64xi32, #tpu.memory_space<vmem>>) semaphore(%arg16 : memref<!tpu.dma_semaphore, #tpu.memory_space<semaphore_mem>>)
      %dma_wait3A_554 = arith.constant 0 : i32
      %dma_wait3A_555 = arith.constant 8 : i32
      %dma_wait3A_556 = arith.constant 0 : i32
      %dma_wait3A_557 = tpu.memref_slice %arg7[%dma_wait3A_554, %dma_wait3A_555, %dma_wait3A_556] : memref<2x10x64xi32, #tpu.memory_space<vmem>> -> memref<1x1x64xi32, #tpu.memory_space<vmem>>
      %dma_wait3A_558 = tpu.memref_squeeze %dma_wait3A_557 : memref<1x1x64xi32, #tpu.memory_space<vmem>> -> memref<64xi32, #tpu.memory_space<vmem>>
      %dma_wait3A_559 = arith.constant 0 : i32
      %dma_wait3A_560 = arith.constant 0 : i32
      %dma_wait3A_561 = tpu.memref_slice %arg2[%dma_wait3A_559, %dma_wait3A_560] : memref<10240x256xf32, #tpu.memory_space<hbm>> -> memref<10240x256xf32, #tpu.memory_space<hbm>>
      tpu.wait_indirect_dma semaphore(%arg15 : memref<!tpu.dma_semaphore, #tpu.memory_space<semaphore_mem>>) src(%dma_wait3A_561 : memref<10240x256xf32, #tpu.memory_space<hbm>>) dst(%arg11 : memref<64x256xf32, #tpu.memory_space<vmem>>)
      %get3A_562 = arith.constant 0 : i32
      %get3A_563 = arith.constant 8 : i32
      %get3A_564 = arith.index_cast %get3A_562 : i32 to index
      %get3A_565 = arith.index_cast %get3A_563 : i32 to index
      %get3A_566 = arith.constant 0 : index
      %get3A_567 = tpu.vector_load %arg8[%get3A_564, %get3A_565, %get3A_566] {strides = array<i32>} : memref<2x10x64xi32, #tpu.memory_space<vmem>>, vector<1x1x16xi32>,
      %get3A_568 = vector.shape_cast %get3A_567 : vector<1x1x16xi32> to vector<16xi32>
      %swap3A_569 = arith.constant 0 : index
      %swap3A_570 = tpu.vector_load %arg9[%swap3A_569] {strides = array<i32>} : memref<64xi32, #tpu.memory_space<vmem>>, vector<16xi32>,
      %swap3A_571 = vector.shape_cast %swap3A_570 : vector<16xi32> to vector<16xi32>
      %swap3A_572 = vector.shape_cast %get3A_568 : vector<16xi32> to vector<16xi32>
      tpu.vector_store %arg9[%swap3A_569], %swap3A_572 {strides = array<i32>} : memref<64xi32, #tpu.memory_space<vmem>>, vector<16xi32>,
      %get3A_573 = arith.constant 0 : i32
      %get3A_574 = arith.constant 8 : i32
      %get3A_575 = arith.index_cast %get3A_573 : i32 to index
      %get3A_576 = arith.index_cast %get3A_574 : i32 to index
      %get3A_577 = arith.constant 16 : index
      %get3A_578 = tpu.vector_load %arg8[%get3A_575, %get3A_576, %get3A_577] {strides = array<i32>} : memref<2x10x64xi32, #tpu.memory_space<vmem>>, vector<1x1x16xi32>,
      %get3A_579 = vector.shape_cast %get3A_578 : vector<1x1x16xi32> to vector<16xi32>
      %swap3A_580 = arith.constant 16 : index
      %swap3A_581 = tpu.vector_load %arg9[%swap3A_580] {strides = array<i32>} : memref<64xi32, #tpu.memory_space<vmem>>, vector<16xi32>,
      %swap3A_582 = vector.shape_cast %swap3A_581 : vector<16xi32> to vector<16xi32>
      %swap3A_583 = vector.shape_cast %get3A_579 : vector<16xi32> to vector<16xi32>
      tpu.vector_store %arg9[%swap3A_580], %swap3A_583 {strides = array<i32>} : memref<64xi32, #tpu.memory_space<vmem>>, vector<16xi32>,
      %get3A_584 = arith.constant 0 : i32
      %get3A_585 = arith.constant 8 : i32
      %get3A_586 = arith.index_cast %get3A_584 : i32 to index
      %get3A_587 = arith.index_cast %get3A_585 : i32 to index
      %get3A_588 = arith.constant 32 : index
      %get3A_589 = tpu.vector_load %arg8[%get3A_586, %get3A_587, %get3A_588] {strides = array<i32>} : memref<2x10x64xi32, #tpu.memory_space<vmem>>, vector<1x1x16xi32>,
      %get3A_590 = vector.shape_cast %get3A_589 : vector<1x1x16xi32> to vector<16xi32>
      %swap3A_591 = arith.constant 32 : index
      %swap3A_592 = tpu.vector_load %arg9[%swap3A_591] {strides = array<i32>} : memref<64xi32, #tpu.memory_space<vmem>>, vector<16xi32>,
      %swap3A_593 = vector.shape_cast %swap3A_592 : vector<16xi32> to vector<16xi32>
      %swap3A_594 = vector.shape_cast %get3A_590 : vector<16xi32> to vector<16xi32>
      tpu.vector_store %arg9[%swap3A_591], %swap3A_594 {strides = array<i32>} : memref<64xi32, #tpu.memory_space<vmem>>, vector<16xi32>,
      %get3A_595 = arith.constant 0 : i32
      %get3A_596 = arith.constant 8 : i32
      %get3A_597 = arith.index_cast %get3A_595 : i32 to index
      %get3A_598 = arith.index_cast %get3A_596 : i32 to index
      %get3A_599 = arith.constant 48 : index
      %get3A_600 = tpu.vector_load %arg8[%get3A_597, %get3A_598, %get3A_599] {strides = array<i32>} : memref<2x10x64xi32, #tpu.memory_space<vmem>>, vector<1x1x16xi32>,
      %get3A_601 = vector.shape_cast %get3A_600 : vector<1x1x16xi32> to vector<16xi32>
      %swap3A_602 = arith.constant 48 : index
      %swap3A_603 = tpu.vector_load %arg9[%swap3A_602] {strides = array<i32>} : memref<64xi32, #tpu.memory_space<vmem>>, vector<16xi32>,
      %swap3A_604 = vector.shape_cast %swap3A_603 : vector<16xi32> to vector<16xi32>
      %swap3A_605 = vector.shape_cast %get3A_601 : vector<16xi32> to vector<16xi32>
      tpu.vector_store %arg9[%swap3A_602], %swap3A_605 {strides = array<i32>} : memref<64xi32, #tpu.memory_space<vmem>>, vector<16xi32>,
      %dma_wait3A_606 = arith.constant 0 : i32
      %dma_wait3A_607 = arith.constant 9 : i32
      %dma_wait3A_608 = arith.constant 0 : i32
      %dma_wait3A_609 = tpu.memref_slice %arg7[%dma_wait3A_606, %dma_wait3A_607, %dma_wait3A_608] : memref<2x10x64xi32, #tpu.memory_space<vmem>> -> memref<1x1x64xi32, #tpu.memory_space<vmem>>
      %dma_wait3A_610 = tpu.memref_squeeze %dma_wait3A_609 : memref<1x1x64xi32, #tpu.memory_space<vmem>> -> memref<64xi32, #tpu.memory_space<vmem>>
      %dma_wait3A_611 = arith.constant 0 : i32
      %dma_wait3A_612 = arith.constant 0 : i32
      %dma_wait3A_613 = tpu.memref_slice %arg2[%dma_wait3A_611, %dma_wait3A_612] : memref<10240x256xf32, #tpu.memory_space<hbm>> -> memref<10240x256xf32, #tpu.memory_space<hbm>>
      tpu.wait_indirect_dma semaphore(%arg16 : memref<!tpu.dma_semaphore, #tpu.memory_space<semaphore_mem>>) src(%dma_wait3A_613 : memref<10240x256xf32, #tpu.memory_space<hbm>>) dst(%arg12 : memref<64x256xf32, #tpu.memory_space<vmem>>)
      %get3A_614 = arith.constant 0 : i32
      %get3A_615 = arith.constant 9 : i32
      %get3A_616 = arith.index_cast %get3A_614 : i32 to index
      %get3A_617 = arith.index_cast %get3A_615 : i32 to index
      %get3A_618 = arith.constant 0 : index
      %get3A_619 = tpu.vector_load %arg8[%get3A_616, %get3A_617, %get3A_618] {strides = array<i32>} : memref<2x10x64xi32, #tpu.memory_space<vmem>>, vector<1x1x16xi32>,
      %get3A_620 = vector.shape_cast %get3A_619 : vector<1x1x16xi32> to vector<16xi32>
      %swap3A_621 = arith.constant 0 : index
      %swap3A_622 = tpu.vector_load %arg10[%swap3A_621] {strides = array<i32>} : memref<64xi32, #tpu.memory_space<vmem>>, vector<16xi32>,
      %swap3A_623 = vector.shape_cast %swap3A_622 : vector<16xi32> to vector<16xi32>
      %swap3A_624 = vector.shape_cast %get3A_620 : vector<16xi32> to vector<16xi32>
      tpu.vector_store %arg10[%swap3A_621], %swap3A_624 {strides = array<i32>} : memref<64xi32, #tpu.memory_space<vmem>>, vector<16xi32>,
      %get3A_625 = arith.constant 0 : i32
      %get3A_626 = arith.constant 9 : i32
      %get3A_627 = arith.index_cast %get3A_625 : i32 to index
      %get3A_628 = arith.index_cast %get3A_626 : i32 to index
      %get3A_629 = arith.constant 16 : index
      %get3A_630 = tpu.vector_load %arg8[%get3A_627, %get3A_628, %get3A_629] {strides = array<i32>} : memref<2x10x64xi32, #tpu.memory_space<vmem>>, vector<1x1x16xi32>,
      %get3A_631 = vector.shape_cast %get3A_630 : vector<1x1x16xi32> to vector<16xi32>
      %swap3A_632 = arith.constant 16 : index
      %swap3A_633 = tpu.vector_load %arg10[%swap3A_632] {strides = array<i32>} : memref<64xi32, #tpu.memory_space<vmem>>, vector<16xi32>,
      %swap3A_634 = vector.shape_cast %swap3A_633 : vector<16xi32> to vector<16xi32>
      %swap3A_635 = vector.shape_cast %get3A_631 : vector<16xi32> to vector<16xi32>
      tpu.vector_store %arg10[%swap3A_632], %swap3A_635 {strides = array<i32>} : memref<64xi32, #tpu.memory_space<vmem>>, vector<16xi32>,
      %get3A_636 = arith.constant 0 : i32
      %get3A_637 = arith.constant 9 : i32
      %get3A_638 = arith.index_cast %get3A_636 : i32 to index
      %get3A_639 = arith.index_cast %get3A_637 : i32 to index
      %get3A_640 = arith.constant 32 : index
      %get3A_641 = tpu.vector_load %arg8[%get3A_638, %get3A_639, %get3A_640] {strides = array<i32>} : memref<2x10x64xi32, #tpu.memory_space<vmem>>, vector<1x1x16xi32>,
      %get3A_642 = vector.shape_cast %get3A_641 : vector<1x1x16xi32> to vector<16xi32>
      %swap3A_643 = arith.constant 32 : index
      %swap3A_644 = tpu.vector_load %arg10[%swap3A_643] {strides = array<i32>} : memref<64xi32, #tpu.memory_space<vmem>>, vector<16xi32>,
      %swap3A_645 = vector.shape_cast %swap3A_644 : vector<16xi32> to vector<16xi32>
      %swap3A_646 = vector.shape_cast %get3A_642 : vector<16xi32> to vector<16xi32>
      tpu.vector_store %arg10[%swap3A_643], %swap3A_646 {strides = array<i32>} : memref<64xi32, #tpu.memory_space<vmem>>, vector<16xi32>,
      %get3A_647 = arith.constant 0 : i32
      %get3A_648 = arith.constant 9 : i32
      %get3A_649 = arith.index_cast %get3A_647 : i32 to index
      %get3A_650 = arith.index_cast %get3A_648 : i32 to index
      %get3A_651 = arith.constant 48 : index
      %get3A_652 = tpu.vector_load %arg8[%get3A_649, %get3A_650, %get3A_651] {strides = array<i32>} : memref<2x10x64xi32, #tpu.memory_space<vmem>>, vector<1x1x16xi32>,
      %get3A_653 = vector.shape_cast %get3A_652 : vector<1x1x16xi32> to vector<16xi32>
      %swap3A_654 = arith.constant 48 : index
      %swap3A_655 = tpu.vector_load %arg10[%swap3A_654] {strides = array<i32>} : memref<64xi32, #tpu.memory_space<vmem>>, vector<16xi32>,
      %swap3A_656 = vector.shape_cast %swap3A_655 : vector<16xi32> to vector<16xi32>
      %swap3A_657 = vector.shape_cast %get3A_653 : vector<16xi32> to vector<16xi32>
      tpu.vector_store %arg10[%swap3A_654], %swap3A_657 {strides = array<i32>} : memref<64xi32, #tpu.memory_space<vmem>>, vector<16xi32>,
      %add3A_658 = arith.constant 2 : i32
      %add3A_659 = arith.addi %add3A_58, %add3A_658 : i32
      %lt3A = arith.constant 32 : i32
      %lt3A_660 = arith.cmpi slt, %add3A_659, %lt3A : i32
      %convert_element_type3A_661 = arith.extui %lt3A_660 : i1 to i32
      %cond3A_662 = arith.constant 0 : i32
      %cond3A_663 = arith.cmpi ne, %convert_element_type3A_661, %cond3A_662 : i32
      scf.if %cond3A_663 {
        %add3A_1309 = arith.constant 2 : i32
        %add3A_1310 = arith.addi %add3A_58, %add3A_1309 : i32
        %dma_start3A_1311 = arith.constant 0 : i32
        %dma_start3A_1312 = arith.constant 0 : i32
        %dma_start3A_1313 = arith.constant 0 : i32
        %dma_start3A_1314 = tpu.memref_slice %arg7[%dma_start3A_1311, %dma_start3A_1312, %dma_start3A_1313] : memref<2x10x64xi32, #tpu.memory_space<vmem>> -> memref<1x10x64xi32, #tpu.memory_space<vmem>>
        %dma_start3A_1315 = tpu.memref_squeeze %dma_start3A_1314 : memref<1x10x64xi32, #tpu.memory_space<vmem>> -> memref<10x64xi32, #tpu.memory_space<vmem>>
        %dma_start3A_1316 = arith.constant 0 : i32
        %dma_start3A_1317 = arith.constant 0 : i32
        %dma_start3A_1318 = tpu.memref_slice %arg3[%add3A, %add3A_1310, %dma_start3A_1316, %dma_start3A_1317] : memref<32x32x10x64xi32, #tpu.memory_space<hbm>> -> memref<1x1x10x64xi32, #tpu.memory_space<hbm>>
        %dma_start3A_1319 = tpu.memref_squeeze %dma_start3A_1318 : memref<1x1x10x64xi32, #tpu.memory_space<hbm>> -> memref<10x64xi32, #tpu.memory_space<hbm>>
        %dma_start3A_1320 = arith.constant 0 : i32
        %dma_start3A_1321 = arith.constant 0 : i32
        %dma_start3A_1322 = tpu.memref_slice %arg7[%dma_start3A_1311, %dma_start3A_1320, %dma_start3A_1321] : memref<2x10x64xi32, #tpu.memory_space<vmem>> -> memref<1x10x64xi32, #tpu.memory_space<vmem>>
        %dma_start3A_1323 = tpu.memref_squeeze %dma_start3A_1322 : memref<1x10x64xi32, #tpu.memory_space<vmem>> -> memref<10x64xi32, #tpu.memory_space<vmem>>
        %dma_start3A_1324 = arith.constant 0 : i32
        %dma_start3A_1325 = arith.constant 0 : i32
        %dma_start3A_1326 = tpu.memref_slice %arg3[%add3A, %add3A_1310, %dma_start3A_1324, %dma_start3A_1325] : memref<32x32x10x64xi32, #tpu.memory_space<hbm>> -> memref<1x1x10x64xi32, #tpu.memory_space<hbm>>
        %dma_start3A_1327 = tpu.memref_squeeze %dma_start3A_1326 : memref<1x1x10x64xi32, #tpu.memory_space<hbm>> -> memref<10x64xi32, #tpu.memory_space<hbm>>
        tpu.enqueue_dma source(%dma_start3A_1327 : memref<10x64xi32, #tpu.memory_space<hbm>>) target(%dma_start3A_1323 : memref<10x64xi32, #tpu.memory_space<vmem>>) target_semaphore(%arg14 : memref<!tpu.dma_semaphore, #tpu.memory_space<semaphore_mem>>)
        %add3A_1328 = arith.constant 2 : i32
        %add3A_1329 = arith.addi %add3A_58, %add3A_1328 : i32
        %dma_start3A_1330 = arith.constant 0 : i32
        %dma_start3A_1331 = arith.constant 0 : i32
        %dma_start3A_1332 = arith.constant 0 : i32
        %dma_start3A_1333 = tpu.memref_slice %arg8[%dma_start3A_1330, %dma_start3A_1331, %dma_start3A_1332] : memref<2x10x64xi32, #tpu.memory_space<vmem>> -> memref<1x10x64xi32, #tpu.memory_space<vmem>>
        %dma_start3A_1334 = tpu.memref_squeeze %dma_start3A_1333 : memref<1x10x64xi32, #tpu.memory_space<vmem>> -> memref<10x64xi32, #tpu.memory_space<vmem>>
        %dma_start3A_1335 = arith.constant 0 : i32
        %dma_start3A_1336 = arith.constant 0 : i32
        %dma_start3A_1337 = tpu.memref_slice %arg4[%arg1, %add3A_1329, %dma_start3A_1335, %dma_start3A_1336] : memref<16x32x10x64xi32, #tpu.memory_space<hbm>> -> memref<1x1x10x64xi32, #tpu.memory_space<hbm>>
        %dma_start3A_1338 = tpu.memref_squeeze %dma_start3A_1337 : memref<1x1x10x64xi32, #tpu.memory_space<hbm>> -> memref<10x64xi32, #tpu.memory_space<hbm>>
        %dma_start3A_1339 = arith.constant 0 : i32
        %dma_start3A_1340 = arith.constant 0 : i32
        %dma_start3A_1341 = tpu.memref_slice %arg8[%dma_start3A_1330, %dma_start3A_1339, %dma_start3A_1340] : memref<2x10x64xi32, #tpu.memory_space<vmem>> -> memref<1x10x64xi32, #tpu.memory_space<vmem>>
        %dma_start3A_1342 = tpu.memref_squeeze %dma_start3A_1341 : memref<1x10x64xi32, #tpu.memory_space<vmem>> -> memref<10x64xi32, #tpu.memory_space<vmem>>
        %dma_start3A_1343 = arith.constant 0 : i32
        %dma_start3A_1344 = arith.constant 0 : i32
        %dma_start3A_1345 = tpu.memref_slice %arg4[%arg1, %add3A_1329, %dma_start3A_1343, %dma_start3A_1344] : memref<16x32x10x64xi32, #tpu.memory_space<hbm>> -> memref<1x1x10x64xi32, #tpu.memory_space<hbm>>
        %dma_start3A_1346 = tpu.memref_squeeze %dma_start3A_1345 : memref<1x1x10x64xi32, #tpu.memory_space<hbm>> -> memref<10x64xi32, #tpu.memory_space<hbm>>
        tpu.enqueue_dma source(%dma_start3A_1346 : memref<10x64xi32, #tpu.memory_space<hbm>>) target(%dma_start3A_1342 : memref<10x64xi32, #tpu.memory_space<vmem>>) target_semaphore(%arg14 : memref<!tpu.dma_semaphore, #tpu.memory_space<semaphore_mem>>)
      } else {
      }
      %mul3A_664 = arith.constant 2 : i32
      %mul3A_665 = arith.muli %mul3A_664, %scan3A_54 : i32
      %add3A_666 = arith.constant 1 : i32
      %add3A_667 = arith.addi %mul3A_665, %add3A_666 : i32
      %dma_wait3A_668 = arith.constant 1 : i32
      %dma_wait3A_669 = arith.constant 0 : i32
      %dma_wait3A_670 = arith.constant 0 : i32
      %dma_wait3A_671 = tpu.memref_slice %arg7[%dma_wait3A_668, %dma_wait3A_669, %dma_wait3A_670] : memref<2x10x64xi32, #tpu.memory_space<vmem>> -> memref<1x10x64xi32, #tpu.memory_space<vmem>>
      %dma_wait3A_672 = tpu.memref_squeeze %dma_wait3A_671 : memref<1x10x64xi32, #tpu.memory_space<vmem>> -> memref<10x64xi32, #tpu.memory_space<vmem>>
      %dma_wait3A_673 = arith.constant 0 : i32
      %dma_wait3A_674 = arith.constant 0 : i32
      %dma_wait3A_675 = tpu.memref_slice %arg3[%add3A, %add3A_667, %dma_wait3A_673, %dma_wait3A_674] : memref<32x32x10x64xi32, #tpu.memory_space<hbm>> -> memref<1x1x10x64xi32, #tpu.memory_space<hbm>>
      %dma_wait3A_676 = tpu.memref_squeeze %dma_wait3A_675 : memref<1x1x10x64xi32, #tpu.memory_space<hbm>> -> memref<10x64xi32, #tpu.memory_space<hbm>>
      %dma_wait3A_677 = arith.constant 0 : i32
      %dma_wait3A_678 = arith.constant 0 : i32
      %dma_wait3A_679 = tpu.memref_slice %arg7[%dma_wait3A_668, %dma_wait3A_677, %dma_wait3A_678] : memref<2x10x64xi32, #tpu.memory_space<vmem>> -> memref<1x10x64xi32, #tpu.memory_space<vmem>>
      %dma_wait3A_680 = tpu.memref_squeeze %dma_wait3A_679 : memref<1x10x64xi32, #tpu.memory_space<vmem>> -> memref<10x64xi32, #tpu.memory_space<vmem>>
      %dma_wait3A_681 = arith.constant 0 : i32
      %dma_wait3A_682 = arith.constant 0 : i32
      %dma_wait3A_683 = tpu.memref_slice %arg3[%add3A, %add3A_667, %dma_wait3A_681, %dma_wait3A_682] : memref<32x32x10x64xi32, #tpu.memory_space<hbm>> -> memref<1x1x10x64xi32, #tpu.memory_space<hbm>>
      %dma_wait3A_684 = tpu.memref_squeeze %dma_wait3A_683 : memref<1x1x10x64xi32, #tpu.memory_space<hbm>> -> memref<10x64xi32, #tpu.memory_space<hbm>>
      tpu.wait_dma2 semaphore(%arg14 : memref<!tpu.dma_semaphore, #tpu.memory_space<semaphore_mem>>) src(%dma_wait3A_684 : memref<10x64xi32, #tpu.memory_space<hbm>>) dst(%dma_wait3A_680 : memref<10x64xi32, #tpu.memory_space<vmem>>)
      %dma_wait3A_685 = arith.constant 1 : i32
      %dma_wait3A_686 = arith.constant 0 : i32
      %dma_wait3A_687 = arith.constant 0 : i32
      %dma_wait3A_688 = tpu.memref_slice %arg8[%dma_wait3A_685, %dma_wait3A_686, %dma_wait3A_687] : memref<2x10x64xi32, #tpu.memory_space<vmem>> -> memref<1x10x64xi32, #tpu.memory_space<vmem>>
      %dma_wait3A_689 = tpu.memref_squeeze %dma_wait3A_688 : memref<1x10x64xi32, #tpu.memory_space<vmem>> -> memref<10x64xi32, #tpu.memory_space<vmem>>
      %dma_wait3A_690 = arith.constant 0 : i32
      %dma_wait3A_691 = arith.constant 0 : i32
      %dma_wait3A_692 = tpu.memref_slice %arg4[%arg1, %add3A_667, %dma_wait3A_690, %dma_wait3A_691] : memref<16x32x10x64xi32, #tpu.memory_space<hbm>> -> memref<1x1x10x64xi32, #tpu.memory_space<hbm>>
      %dma_wait3A_693 = tpu.memref_squeeze %dma_wait3A_692 : memref<1x1x10x64xi32, #tpu.memory_space<hbm>> -> memref<10x64xi32, #tpu.memory_space<hbm>>
      %dma_wait3A_694 = arith.constant 0 : i32
      %dma_wait3A_695 = arith.constant 0 : i32
      %dma_wait3A_696 = tpu.memref_slice %arg8[%dma_wait3A_685, %dma_wait3A_694, %dma_wait3A_695] : memref<2x10x64xi32, #tpu.memory_space<vmem>> -> memref<1x10x64xi32, #tpu.memory_space<vmem>>
      %dma_wait3A_697 = tpu.memref_squeeze %dma_wait3A_696 : memref<1x10x64xi32, #tpu.memory_space<vmem>> -> memref<10x64xi32, #tpu.memory_space<vmem>>
      %dma_wait3A_698 = arith.constant 0 : i32
      %dma_wait3A_699 = arith.constant 0 : i32
      %dma_wait3A_700 = tpu.memref_slice %arg4[%arg1, %add3A_667, %dma_wait3A_698, %dma_wait3A_699] : memref<16x32x10x64xi32, #tpu.memory_space<hbm>> -> memref<1x1x10x64xi32, #tpu.memory_space<hbm>>
      %dma_wait3A_701 = tpu.memref_squeeze %dma_wait3A_700 : memref<1x1x10x64xi32, #tpu.memory_space<hbm>> -> memref<10x64xi32, #tpu.memory_space<hbm>>
      tpu.wait_dma2 semaphore(%arg14 : memref<!tpu.dma_semaphore, #tpu.memory_space<semaphore_mem>>) src(%dma_wait3A_701 : memref<10x64xi32, #tpu.memory_space<hbm>>) dst(%dma_wait3A_697 : memref<10x64xi32, #tpu.memory_space<vmem>>)
      %dma_start3A_702 = arith.constant 1 : i32
      %dma_start3A_703 = arith.constant 0 : i32
      %dma_start3A_704 = arith.constant 0 : i32
      %dma_start3A_705 = tpu.memref_slice %arg7[%dma_start3A_702, %dma_start3A_703, %dma_start3A_704] : memref<2x10x64xi32, #tpu.memory_space<vmem>> -> memref<1x1x64xi32, #tpu.memory_space<vmem>>
      %dma_start3A_706 = tpu.memref_squeeze %dma_start3A_705 : memref<1x1x64xi32, #tpu.memory_space<vmem>> -> memref<64xi32, #tpu.memory_space<vmem>>
      %dma_start3A_707 = arith.constant 0 : i32
      %dma_start3A_708 = arith.constant 0 : i32
      %dma_start3A_709 = tpu.memref_slice %arg2[%dma_start3A_707, %dma_start3A_708] : memref<10240x256xf32, #tpu.memory_space<hbm>> -> memref<10240x256xf32, #tpu.memory_space<hbm>>
      tpu.enqueue_indirect_dma source(%dma_start3A_709 : memref<10240x256xf32, #tpu.memory_space<hbm>>) target(%arg11 : memref<64x256xf32, #tpu.memory_space<vmem>>) offsets(%dma_start3A_706 : memref<64xi32, #tpu.memory_space<vmem>>) semaphore(%arg15 : memref<!tpu.dma_semaphore, #tpu.memory_space<semaphore_mem>>)
      %dma_start3A_710 = arith.constant 1 : i32
      %dma_start3A_711 = arith.constant 1 : i32
      %dma_start3A_712 = arith.constant 0 : i32
      %dma_start3A_713 = tpu.memref_slice %arg7[%dma_start3A_710, %dma_start3A_711, %dma_start3A_712] : memref<2x10x64xi32, #tpu.memory_space<vmem>> -> memref<1x1x64xi32, #tpu.memory_space<vmem>>
      %dma_start3A_714 = tpu.memref_squeeze %dma_start3A_713 : memref<1x1x64xi32, #tpu.memory_space<vmem>> -> memref<64xi32, #tpu.memory_space<vmem>>
      %dma_start3A_715 = arith.constant 0 : i32
      %dma_start3A_716 = arith.constant 0 : i32
      %dma_start3A_717 = tpu.memref_slice %arg2[%dma_start3A_715, %dma_start3A_716] : memref<10240x256xf32, #tpu.memory_space<hbm>> -> memref<10240x256xf32, #tpu.memory_space<hbm>>
      tpu.enqueue_indirect_dma source(%dma_start3A_717 : memref<10240x256xf32, #tpu.memory_space<hbm>>) target(%arg12 : memref<64x256xf32, #tpu.memory_space<vmem>>) offsets(%dma_start3A_714 : memref<64xi32, #tpu.memory_space<vmem>>) semaphore(%arg16 : memref<!tpu.dma_semaphore, #tpu.memory_space<semaphore_mem>>)
      %dma_wait3A_718 = arith.constant 1 : i32
      %dma_wait3A_719 = arith.constant 0 : i32
      %dma_wait3A_720 = arith.constant 0 : i32
      %dma_wait3A_721 = tpu.memref_slice %arg7[%dma_wait3A_718, %dma_wait3A_719, %dma_wait3A_720] : memref<2x10x64xi32, #tpu.memory_space<vmem>> -> memref<1x1x64xi32, #tpu.memory_space<vmem>>
      %dma_wait3A_722 = tpu.memref_squeeze %dma_wait3A_721 : memref<1x1x64xi32, #tpu.memory_space<vmem>> -> memref<64xi32, #tpu.memory_space<vmem>>
      %dma_wait3A_723 = arith.constant 0 : i32
      %dma_wait3A_724 = arith.constant 0 : i32
      %dma_wait3A_725 = tpu.memref_slice %arg2[%dma_wait3A_723, %dma_wait3A_724] : memref<10240x256xf32, #tpu.memory_space<hbm>> -> memref<10240x256xf32, #tpu.memory_space<hbm>>
      tpu.wait_indirect_dma semaphore(%arg15 : memref<!tpu.dma_semaphore, #tpu.memory_space<semaphore_mem>>) src(%dma_wait3A_725 : memref<10240x256xf32, #tpu.memory_space<hbm>>) dst(%arg11 : memref<64x256xf32, #tpu.memory_space<vmem>>)
      %get3A_726 = arith.constant 1 : i32
      %get3A_727 = arith.constant 0 : i32
      %get3A_728 = arith.index_cast %get3A_726 : i32 to index
      %get3A_729 = arith.index_cast %get3A_727 : i32 to index
      %get3A_730 = arith.constant 0 : index
      %get3A_731 = tpu.vector_load %arg8[%get3A_728, %get3A_729, %get3A_730] {strides = array<i32>} : memref<2x10x64xi32, #tpu.memory_space<vmem>>, vector<1x1x16xi32>,
      %get3A_732 = vector.shape_cast %get3A_731 : vector<1x1x16xi32> to vector<16xi32>
      %swap3A_733 = arith.constant 0 : index
      %swap3A_734 = tpu.vector_load %arg9[%swap3A_733] {strides = array<i32>} : memref<64xi32, #tpu.memory_space<vmem>>, vector<16xi32>,
      %swap3A_735 = vector.shape_cast %swap3A_734 : vector<16xi32> to vector<16xi32>
      %swap3A_736 = vector.shape_cast %get3A_732 : vector<16xi32> to vector<16xi32>
      tpu.vector_store %arg9[%swap3A_733], %swap3A_736 {strides = array<i32>} : memref<64xi32, #tpu.memory_space<vmem>>, vector<16xi32>,
      %get3A_737 = arith.constant 1 : i32
      %get3A_738 = arith.constant 0 : i32
      %get3A_739 = arith.index_cast %get3A_737 : i32 to index
      %get3A_740 = arith.index_cast %get3A_738 : i32 to index
      %get3A_741 = arith.constant 16 : index
      %get3A_742 = tpu.vector_load %arg8[%get3A_739, %get3A_740, %get3A_741] {strides = array<i32>} : memref<2x10x64xi32, #tpu.memory_space<vmem>>, vector<1x1x16xi32>,
      %get3A_743 = vector.shape_cast %get3A_742 : vector<1x1x16xi32> to vector<16xi32>
      %swap3A_744 = arith.constant 16 : index
      %swap3A_745 = tpu.vector_load %arg9[%swap3A_744] {strides = array<i32>} : memref<64xi32, #tpu.memory_space<vmem>>, vector<16xi32>,
      %swap3A_746 = vector.shape_cast %swap3A_745 : vector<16xi32> to vector<16xi32>
      %swap3A_747 = vector.shape_cast %get3A_743 : vector<16xi32> to vector<16xi32>
      tpu.vector_store %arg9[%swap3A_744], %swap3A_747 {strides = array<i32>} : memref<64xi32, #tpu.memory_space<vmem>>, vector<16xi32>,
      %get3A_748 = arith.constant 1 : i32
      %get3A_749 = arith.constant 0 : i32
      %get3A_750 = arith.index_cast %get3A_748 : i32 to index
      %get3A_751 = arith.index_cast %get3A_749 : i32 to index
      %get3A_752 = arith.constant 32 : index
      %get3A_753 = tpu.vector_load %arg8[%get3A_750, %get3A_751, %get3A_752] {strides = array<i32>} : memref<2x10x64xi32, #tpu.memory_space<vmem>>, vector<1x1x16xi32>,
      %get3A_754 = vector.shape_cast %get3A_753 : vector<1x1x16xi32> to vector<16xi32>
      %swap3A_755 = arith.constant 32 : index
      %swap3A_756 = tpu.vector_load %arg9[%swap3A_755] {strides = array<i32>} : memref<64xi32, #tpu.memory_space<vmem>>, vector<16xi32>,
      %swap3A_757 = vector.shape_cast %swap3A_756 : vector<16xi32> to vector<16xi32>
      %swap3A_758 = vector.shape_cast %get3A_754 : vector<16xi32> to vector<16xi32>
      tpu.vector_store %arg9[%swap3A_755], %swap3A_758 {strides = array<i32>} : memref<64xi32, #tpu.memory_space<vmem>>, vector<16xi32>,
      %get3A_759 = arith.constant 1 : i32
      %get3A_760 = arith.constant 0 : i32
      %get3A_761 = arith.index_cast %get3A_759 : i32 to index
      %get3A_762 = arith.index_cast %get3A_760 : i32 to index
      %get3A_763 = arith.constant 48 : index
      %get3A_764 = tpu.vector_load %arg8[%get3A_761, %get3A_762, %get3A_763] {strides = array<i32>} : memref<2x10x64xi32, #tpu.memory_space<vmem>>, vector<1x1x16xi32>,
      %get3A_765 = vector.shape_cast %get3A_764 : vector<1x1x16xi32> to vector<16xi32>
      %swap3A_766 = arith.constant 48 : index
      %swap3A_767 = tpu.vector_load %arg9[%swap3A_766] {strides = array<i32>} : memref<64xi32, #tpu.memory_space<vmem>>, vector<16xi32>,
      %swap3A_768 = vector.shape_cast %swap3A_767 : vector<16xi32> to vector<16xi32>
      %swap3A_769 = vector.shape_cast %get3A_765 : vector<16xi32> to vector<16xi32>
      tpu.vector_store %arg9[%swap3A_766], %swap3A_769 {strides = array<i32>} : memref<64xi32, #tpu.memory_space<vmem>>, vector<16xi32>,
      %dma_start3A_770 = arith.constant 1 : i32
      %dma_start3A_771 = arith.constant 2 : i32
      %dma_start3A_772 = arith.constant 0 : i32
      %dma_start3A_773 = tpu.memref_slice %arg7[%dma_start3A_770, %dma_start3A_771, %dma_start3A_772] : memref<2x10x64xi32, #tpu.memory_space<vmem>> -> memref<1x1x64xi32, #tpu.memory_space<vmem>>
      %dma_start3A_774 = tpu.memref_squeeze %dma_start3A_773 : memref<1x1x64xi32, #tpu.memory_space<vmem>> -> memref<64xi32, #tpu.memory_space<vmem>>
      %dma_start3A_775 = arith.constant 0 : i32
      %dma_start3A_776 = arith.constant 0 : i32
      %dma_start3A_777 = tpu.memref_slice %arg2[%dma_start3A_775, %dma_start3A_776] : memref<10240x256xf32, #tpu.memory_space<hbm>> -> memref<10240x256xf32, #tpu.memory_space<hbm>>
      tpu.enqueue_indirect_dma source(%dma_start3A_777 : memref<10240x256xf32, #tpu.memory_space<hbm>>) target(%arg11 : memref<64x256xf32, #tpu.memory_space<vmem>>) offsets(%dma_start3A_774 : memref<64xi32, #tpu.memory_space<vmem>>) semaphore(%arg15 : memref<!tpu.dma_semaphore, #tpu.memory_space<semaphore_mem>>)
      %dma_wait3A_778 = arith.constant 1 : i32
      %dma_wait3A_779 = arith.constant 1 : i32
      %dma_wait3A_780 = arith.constant 0 : i32
      %dma_wait3A_781 = tpu.memref_slice %arg7[%dma_wait3A_778, %dma_wait3A_779, %dma_wait3A_780] : memref<2x10x64xi32, #tpu.memory_space<vmem>> -> memref<1x1x64xi32, #tpu.memory_space<vmem>>
      %dma_wait3A_782 = tpu.memref_squeeze %dma_wait3A_781 : memref<1x1x64xi32, #tpu.memory_space<vmem>> -> memref<64xi32, #tpu.memory_space<vmem>>
      %dma_wait3A_783 = arith.constant 0 : i32
      %dma_wait3A_784 = arith.constant 0 : i32
      %dma_wait3A_785 = tpu.memref_slice %arg2[%dma_wait3A_783, %dma_wait3A_784] : memref<10240x256xf32, #tpu.memory_space<hbm>> -> memref<10240x256xf32, #tpu.memory_space<hbm>>
      tpu.wait_indirect_dma semaphore(%arg16 : memref<!tpu.dma_semaphore, #tpu.memory_space<semaphore_mem>>) src(%dma_wait3A_785 : memref<10240x256xf32, #tpu.memory_space<hbm>>) dst(%arg12 : memref<64x256xf32, #tpu.memory_space<vmem>>)
      %get3A_786 = arith.constant 1 : i32
      %get3A_787 = arith.constant 1 : i32
      %get3A_788 = arith.index_cast %get3A_786 : i32 to index
      %get3A_789 = arith.index_cast %get3A_787 : i32 to index
      %get3A_790 = arith.constant 0 : index
      %get3A_791 = tpu.vector_load %arg8[%get3A_788, %get3A_789, %get3A_790] {strides = array<i32>} : memref<2x10x64xi32, #tpu.memory_space<vmem>>, vector<1x1x16xi32>,
      %get3A_792 = vector.shape_cast %get3A_791 : vector<1x1x16xi32> to vector<16xi32>
      %swap3A_793 = arith.constant 0 : index
      %swap3A_794 = tpu.vector_load %arg10[%swap3A_793] {strides = array<i32>} : memref<64xi32, #tpu.memory_space<vmem>>, vector<16xi32>,
      %swap3A_795 = vector.shape_cast %swap3A_794 : vector<16xi32> to vector<16xi32>
      %swap3A_796 = vector.shape_cast %get3A_792 : vector<16xi32> to vector<16xi32>
      tpu.vector_store %arg10[%swap3A_793], %swap3A_796 {strides = array<i32>} : memref<64xi32, #tpu.memory_space<vmem>>, vector<16xi32>,
      %get3A_797 = arith.constant 1 : i32
      %get3A_798 = arith.constant 1 : i32
      %get3A_799 = arith.index_cast %get3A_797 : i32 to index
      %get3A_800 = arith.index_cast %get3A_798 : i32 to index
      %get3A_801 = arith.constant 16 : index
      %get3A_802 = tpu.vector_load %arg8[%get3A_799, %get3A_800, %get3A_801] {strides = array<i32>} : memref<2x10x64xi32, #tpu.memory_space<vmem>>, vector<1x1x16xi32>,
      %get3A_803 = vector.shape_cast %get3A_802 : vector<1x1x16xi32> to vector<16xi32>
      %swap3A_804 = arith.constant 16 : index
      %swap3A_805 = tpu.vector_load %arg10[%swap3A_804] {strides = array<i32>} : memref<64xi32, #tpu.memory_space<vmem>>, vector<16xi32>,
      %swap3A_806 = vector.shape_cast %swap3A_805 : vector<16xi32> to vector<16xi32>
      %swap3A_807 = vector.shape_cast %get3A_803 : vector<16xi32> to vector<16xi32>
      tpu.vector_store %arg10[%swap3A_804], %swap3A_807 {strides = array<i32>} : memref<64xi32, #tpu.memory_space<vmem>>, vector<16xi32>,
      %get3A_808 = arith.constant 1 : i32
      %get3A_809 = arith.constant 1 : i32
      %get3A_810 = arith.index_cast %get3A_808 : i32 to index
      %get3A_811 = arith.index_cast %get3A_809 : i32 to index
      %get3A_812 = arith.constant 32 : index
      %get3A_813 = tpu.vector_load %arg8[%get3A_810, %get3A_811, %get3A_812] {strides = array<i32>} : memref<2x10x64xi32, #tpu.memory_space<vmem>>, vector<1x1x16xi32>,
      %get3A_814 = vector.shape_cast %get3A_813 : vector<1x1x16xi32> to vector<16xi32>
      %swap3A_815 = arith.constant 32 : index
      %swap3A_816 = tpu.vector_load %arg10[%swap3A_815] {strides = array<i32>} : memref<64xi32, #tpu.memory_space<vmem>>, vector<16xi32>,
      %swap3A_817 = vector.shape_cast %swap3A_816 : vector<16xi32> to vector<16xi32>
      %swap3A_818 = vector.shape_cast %get3A_814 : vector<16xi32> to vector<16xi32>
      tpu.vector_store %arg10[%swap3A_815], %swap3A_818 {strides = array<i32>} : memref<64xi32, #tpu.memory_space<vmem>>, vector<16xi32>,
      %get3A_819 = arith.constant 1 : i32
      %get3A_820 = arith.constant 1 : i32
      %get3A_821 = arith.index_cast %get3A_819 : i32 to index
      %get3A_822 = arith.index_cast %get3A_820 : i32 to index
      %get3A_823 = arith.constant 48 : index
      %get3A_824 = tpu.vector_load %arg8[%get3A_821, %get3A_822, %get3A_823] {strides = array<i32>} : memref<2x10x64xi32, #tpu.memory_space<vmem>>, vector<1x1x16xi32>,
      %get3A_825 = vector.shape_cast %get3A_824 : vector<1x1x16xi32> to vector<16xi32>
      %swap3A_826 = arith.constant 48 : index
      %swap3A_827 = tpu.vector_load %arg10[%swap3A_826] {strides = array<i32>} : memref<64xi32, #tpu.memory_space<vmem>>, vector<16xi32>,
      %swap3A_828 = vector.shape_cast %swap3A_827 : vector<16xi32> to vector<16xi32>
      %swap3A_829 = vector.shape_cast %get3A_825 : vector<16xi32> to vector<16xi32>
      tpu.vector_store %arg10[%swap3A_826], %swap3A_829 {strides = array<i32>} : memref<64xi32, #tpu.memory_space<vmem>>, vector<16xi32>,
      %dma_start3A_830 = arith.constant 1 : i32
      %dma_start3A_831 = arith.constant 3 : i32
      %dma_start3A_832 = arith.constant 0 : i32
      %dma_start3A_833 = tpu.memref_slice %arg7[%dma_start3A_830, %dma_start3A_831, %dma_start3A_832] : memref<2x10x64xi32, #tpu.memory_space<vmem>> -> memref<1x1x64xi32, #tpu.memory_space<vmem>>
      %dma_start3A_834 = tpu.memref_squeeze %dma_start3A_833 : memref<1x1x64xi32, #tpu.memory_space<vmem>> -> memref<64xi32, #tpu.memory_space<vmem>>
      %dma_start3A_835 = arith.constant 0 : i32
      %dma_start3A_836 = arith.constant 0 : i32
      %dma_start3A_837 = tpu.memref_slice %arg2[%dma_start3A_835, %dma_start3A_836] : memref<10240x256xf32, #tpu.memory_space<hbm>> -> memref<10240x256xf32, #tpu.memory_space<hbm>>
      tpu.enqueue_indirect_dma source(%dma_start3A_837 : memref<10240x256xf32, #tpu.memory_space<hbm>>) target(%arg12 : memref<64x256xf32, #tpu.memory_space<vmem>>) offsets(%dma_start3A_834 : memref<64xi32, #tpu.memory_space<vmem>>) semaphore(%arg16 : memref<!tpu.dma_semaphore, #tpu.memory_space<semaphore_mem>>)
      %dma_wait3A_838 = arith.constant 1 : i32
      %dma_wait3A_839 = arith.constant 2 : i32
      %dma_wait3A_840 = arith.constant 0 : i32
      %dma_wait3A_841 = tpu.memref_slice %arg7[%dma_wait3A_838, %dma_wait3A_839, %dma_wait3A_840] : memref<2x10x64xi32, #tpu.memory_space<vmem>> -> memref<1x1x64xi32, #tpu.memory_space<vmem>>
      %dma_wait3A_842 = tpu.memref_squeeze %dma_wait3A_841 : memref<1x1x64xi32, #tpu.memory_space<vmem>> -> memref<64xi32, #tpu.memory_space<vmem>>
      %dma_wait3A_843 = arith.constant 0 : i32
      %dma_wait3A_844 = arith.constant 0 : i32
      %dma_wait3A_845 = tpu.memref_slice %arg2[%dma_wait3A_843, %dma_wait3A_844] : memref<10240x256xf32, #tpu.memory_space<hbm>> -> memref<10240x256xf32, #tpu.memory_space<hbm>>
      tpu.wait_indirect_dma semaphore(%arg15 : memref<!tpu.dma_semaphore, #tpu.memory_space<semaphore_mem>>) src(%dma_wait3A_845 : memref<10240x256xf32, #tpu.memory_space<hbm>>) dst(%arg11 : memref<64x256xf32, #tpu.memory_space<vmem>>)
      %get3A_846 = arith.constant 1 : i32
      %get3A_847 = arith.constant 2 : i32
      %get3A_848 = arith.index_cast %get3A_846 : i32 to index
      %get3A_849 = arith.index_cast %get3A_847 : i32 to index
      %get3A_850 = arith.constant 0 : index
      %get3A_851 = tpu.vector_load %arg8[%get3A_848, %get3A_849, %get3A_850] {strides = array<i32>} : memref<2x10x64xi32, #tpu.memory_space<vmem>>, vector<1x1x16xi32>,
      %get3A_852 = vector.shape_cast %get3A_851 : vector<1x1x16xi32> to vector<16xi32>
      %swap3A_853 = arith.constant 0 : index
      %swap3A_854 = tpu.vector_load %arg9[%swap3A_853] {strides = array<i32>} : memref<64xi32, #tpu.memory_space<vmem>>, vector<16xi32>,
      %swap3A_855 = vector.shape_cast %swap3A_854 : vector<16xi32> to vector<16xi32>
      %swap3A_856 = vector.shape_cast %get3A_852 : vector<16xi32> to vector<16xi32>
      tpu.vector_store %arg9[%swap3A_853], %swap3A_856 {strides = array<i32>} : memref<64xi32, #tpu.memory_space<vmem>>, vector<16xi32>,
      %get3A_857 = arith.constant 1 : i32
      %get3A_858 = arith.constant 2 : i32
      %get3A_859 = arith.index_cast %get3A_857 : i32 to index
      %get3A_860 = arith.index_cast %get3A_858 : i32 to index
      %get3A_861 = arith.constant 16 : index
      %get3A_862 = tpu.vector_load %arg8[%get3A_859, %get3A_860, %get3A_861] {strides = array<i32>} : memref<2x10x64xi32, #tpu.memory_space<vmem>>, vector<1x1x16xi32>,
      %get3A_863 = vector.shape_cast %get3A_862 : vector<1x1x16xi32> to vector<16xi32>
      %swap3A_864 = arith.constant 16 : index
      %swap3A_865 = tpu.vector_load %arg9[%swap3A_864] {strides = array<i32>} : memref<64xi32, #tpu.memory_space<vmem>>, vector<16xi32>,
      %swap3A_866 = vector.shape_cast %swap3A_865 : vector<16xi32> to vector<16xi32>
      %swap3A_867 = vector.shape_cast %get3A_863 : vector<16xi32> to vector<16xi32>
      tpu.vector_store %arg9[%swap3A_864], %swap3A_867 {strides = array<i32>} : memref<64xi32, #tpu.memory_space<vmem>>, vector<16xi32>,
      %get3A_868 = arith.constant 1 : i32
      %get3A_869 = arith.constant 2 : i32
      %get3A_870 = arith.index_cast %get3A_868 : i32 to index
      %get3A_871 = arith.index_cast %get3A_869 : i32 to index
      %get3A_872 = arith.constant 32 : index
      %get3A_873 = tpu.vector_load %arg8[%get3A_870, %get3A_871, %get3A_872] {strides = array<i32>} : memref<2x10x64xi32, #tpu.memory_space<vmem>>, vector<1x1x16xi32>,
      %get3A_874 = vector.shape_cast %get3A_873 : vector<1x1x16xi32> to vector<16xi32>
      %swap3A_875 = arith.constant 32 : index
      %swap3A_876 = tpu.vector_load %arg9[%swap3A_875] {strides = array<i32>} : memref<64xi32, #tpu.memory_space<vmem>>, vector<16xi32>,
      %swap3A_877 = vector.shape_cast %swap3A_876 : vector<16xi32> to vector<16xi32>
      %swap3A_878 = vector.shape_cast %get3A_874 : vector<16xi32> to vector<16xi32>
      tpu.vector_store %arg9[%swap3A_875], %swap3A_878 {strides = array<i32>} : memref<64xi32, #tpu.memory_space<vmem>>, vector<16xi32>,
      %get3A_879 = arith.constant 1 : i32
      %get3A_880 = arith.constant 2 : i32
      %get3A_881 = arith.index_cast %get3A_879 : i32 to index
      %get3A_882 = arith.index_cast %get3A_880 : i32 to index
      %get3A_883 = arith.constant 48 : index
      %get3A_884 = tpu.vector_load %arg8[%get3A_881, %get3A_882, %get3A_883] {strides = array<i32>} : memref<2x10x64xi32, #tpu.memory_space<vmem>>, vector<1x1x16xi32>,
      %get3A_885 = vector.shape_cast %get3A_884 : vector<1x1x16xi32> to vector<16xi32>
      %swap3A_886 = arith.constant 48 : index
      %swap3A_887 = tpu.vector_load %arg9[%swap3A_886] {strides = array<i32>} : memref<64xi32, #tpu.memory_space<vmem>>, vector<16xi32>,
      %swap3A_888 = vector.shape_cast %swap3A_887 : vector<16xi32> to vector<16xi32>
      %swap3A_889 = vector.shape_cast %get3A_885 : vector<16xi32> to vector<16xi32>
      tpu.vector_store %arg9[%swap3A_886], %swap3A_889 {strides = array<i32>} : memref<64xi32, #tpu.memory_space<vmem>>, vector<16xi32>,
      %dma_start3A_890 = arith.constant 1 : i32
      %dma_start3A_891 = arith.constant 4 : i32
      %dma_start3A_892 = arith.constant 0 : i32
      %dma_start3A_893 = tpu.memref_slice %arg7[%dma_start3A_890, %dma_start3A_891, %dma_start3A_892] : memref<2x10x64xi32, #tpu.memory_space<vmem>> -> memref<1x1x64xi32, #tpu.memory_space<vmem>>
      %dma_start3A_894 = tpu.memref_squeeze %dma_start3A_893 : memref<1x1x64xi32, #tpu.memory_space<vmem>> -> memref<64xi32, #tpu.memory_space<vmem>>
      %dma_start3A_895 = arith.constant 0 : i32
      %dma_start3A_896 = arith.constant 0 : i32
      %dma_start3A_897 = tpu.memref_slice %arg2[%dma_start3A_895, %dma_start3A_896] : memref<10240x256xf32, #tpu.memory_space<hbm>> -> memref<10240x256xf32, #tpu.memory_space<hbm>>
      tpu.enqueue_indirect_dma source(%dma_start3A_897 : memref<10240x256xf32, #tpu.memory_space<hbm>>) target(%arg11 : memref<64x256xf32, #tpu.memory_space<vmem>>) offsets(%dma_start3A_894 : memref<64xi32, #tpu.memory_space<vmem>>) semaphore(%arg15 : memref<!tpu.dma_semaphore, #tpu.memory_space<semaphore_mem>>)
      %dma_wait3A_898 = arith.constant 1 : i32
      %dma_wait3A_899 = arith.constant 3 : i32
      %dma_wait3A_900 = arith.constant 0 : i32
      %dma_wait3A_901 = tpu.memref_slice %arg7[%dma_wait3A_898, %dma_wait3A_899, %dma_wait3A_900] : memref<2x10x64xi32, #tpu.memory_space<vmem>> -> memref<1x1x64xi32, #tpu.memory_space<vmem>>
      %dma_wait3A_902 = tpu.memref_squeeze %dma_wait3A_901 : memref<1x1x64xi32, #tpu.memory_space<vmem>> -> memref<64xi32, #tpu.memory_space<vmem>>
      %dma_wait3A_903 = arith.constant 0 : i32
      %dma_wait3A_904 = arith.constant 0 : i32
      %dma_wait3A_905 = tpu.memref_slice %arg2[%dma_wait3A_903, %dma_wait3A_904] : memref<10240x256xf32, #tpu.memory_space<hbm>> -> memref<10240x256xf32, #tpu.memory_space<hbm>>
      tpu.wait_indirect_dma semaphore(%arg16 : memref<!tpu.dma_semaphore, #tpu.memory_space<semaphore_mem>>) src(%dma_wait3A_905 : memref<10240x256xf32, #tpu.memory_space<hbm>>) dst(%arg12 : memref<64x256xf32, #tpu.memory_space<vmem>>)
      %get3A_906 = arith.constant 1 : i32
      %get3A_907 = arith.constant 3 : i32
      %get3A_908 = arith.index_cast %get3A_906 : i32 to index
      %get3A_909 = arith.index_cast %get3A_907 : i32 to index
      %get3A_910 = arith.constant 0 : index
      %get3A_911 = tpu.vector_load %arg8[%get3A_908, %get3A_909, %get3A_910] {strides = array<i32>} : memref<2x10x64xi32, #tpu.memory_space<vmem>>, vector<1x1x16xi32>,
      %get3A_912 = vector.shape_cast %get3A_911 : vector<1x1x16xi32> to vector<16xi32>
      %swap3A_913 = arith.constant 0 : index
      %swap3A_914 = tpu.vector_load %arg10[%swap3A_913] {strides = array<i32>} : memref<64xi32, #tpu.memory_space<vmem>>, vector<16xi32>,
      %swap3A_915 = vector.shape_cast %swap3A_914 : vector<16xi32> to vector<16xi32>
      %swap3A_916 = vector.shape_cast %get3A_912 : vector<16xi32> to vector<16xi32>
      tpu.vector_store %arg10[%swap3A_913], %swap3A_916 {strides = array<i32>} : memref<64xi32, #tpu.memory_space<vmem>>, vector<16xi32>,
      %get3A_917 = arith.constant 1 : i32
      %get3A_918 = arith.constant 3 : i32
      %get3A_919 = arith.index_cast %get3A_917 : i32 to index
      %get3A_920 = arith.index_cast %get3A_918 : i32 to index
      %get3A_921 = arith.constant 16 : index
      %get3A_922 = tpu.vector_load %arg8[%get3A_919, %get3A_920, %get3A_921] {strides = array<i32>} : memref<2x10x64xi32, #tpu.memory_space<vmem>>, vector<1x1x16xi32>,
      %get3A_923 = vector.shape_cast %get3A_922 : vector<1x1x16xi32> to vector<16xi32>
      %swap3A_924 = arith.constant 16 : index
      %swap3A_925 = tpu.vector_load %arg10[%swap3A_924] {strides = array<i32>} : memref<64xi32, #tpu.memory_space<vmem>>, vector<16xi32>,
      %swap3A_926 = vector.shape_cast %swap3A_925 : vector<16xi32> to vector<16xi32>
      %swap3A_927 = vector.shape_cast %get3A_923 : vector<16xi32> to vector<16xi32>
      tpu.vector_store %arg10[%swap3A_924], %swap3A_927 {strides = array<i32>} : memref<64xi32, #tpu.memory_space<vmem>>, vector<16xi32>,
      %get3A_928 = arith.constant 1 : i32
      %get3A_929 = arith.constant 3 : i32
      %get3A_930 = arith.index_cast %get3A_928 : i32 to index
      %get3A_931 = arith.index_cast %get3A_929 : i32 to index
      %get3A_932 = arith.constant 32 : index
      %get3A_933 = tpu.vector_load %arg8[%get3A_930, %get3A_931, %get3A_932] {strides = array<i32>} : memref<2x10x64xi32, #tpu.memory_space<vmem>>, vector<1x1x16xi32>,
      %get3A_934 = vector.shape_cast %get3A_933 : vector<1x1x16xi32> to vector<16xi32>
      %swap3A_935 = arith.constant 32 : index
      %swap3A_936 = tpu.vector_load %arg10[%swap3A_935] {strides = array<i32>} : memref<64xi32, #tpu.memory_space<vmem>>, vector<16xi32>,
      %swap3A_937 = vector.shape_cast %swap3A_936 : vector<16xi32> to vector<16xi32>
      %swap3A_938 = vector.shape_cast %get3A_934 : vector<16xi32> to vector<16xi32>
      tpu.vector_store %arg10[%swap3A_935], %swap3A_938 {strides = array<i32>} : memref<64xi32, #tpu.memory_space<vmem>>, vector<16xi32>,
      %get3A_939 = arith.constant 1 : i32
      %get3A_940 = arith.constant 3 : i32
      %get3A_941 = arith.index_cast %get3A_939 : i32 to index
      %get3A_942 = arith.index_cast %get3A_940 : i32 to index
      %get3A_943 = arith.constant 48 : index
      %get3A_944 = tpu.vector_load %arg8[%get3A_941, %get3A_942, %get3A_943] {strides = array<i32>} : memref<2x10x64xi32, #tpu.memory_space<vmem>>, vector<1x1x16xi32>,
      %get3A_945 = vector.shape_cast %get3A_944 : vector<1x1x16xi32> to vector<16xi32>
      %swap3A_946 = arith.constant 48 : index
      %swap3A_947 = tpu.vector_load %arg10[%swap3A_946] {strides = array<i32>} : memref<64xi32, #tpu.memory_space<vmem>>, vector<16xi32>,
      %swap3A_948 = vector.shape_cast %swap3A_947 : vector<16xi32> to vector<16xi32>
      %swap3A_949 = vector.shape_cast %get3A_945 : vector<16xi32> to vector<16xi32>
      tpu.vector_store %arg10[%swap3A_946], %swap3A_949 {strides = array<i32>} : memref<64xi32, #tpu.memory_space<vmem>>, vector<16xi32>,
      %dma_start3A_950 = arith.constant 1 : i32
      %dma_start3A_951 = arith.constant 5 : i32
      %dma_start3A_952 = arith.constant 0 : i32
      %dma_start3A_953 = tpu.memref_slice %arg7[%dma_start3A_950, %dma_start3A_951, %dma_start3A_952] : memref<2x10x64xi32, #tpu.memory_space<vmem>> -> memref<1x1x64xi32, #tpu.memory_space<vmem>>
      %dma_start3A_954 = tpu.memref_squeeze %dma_start3A_953 : memref<1x1x64xi32, #tpu.memory_space<vmem>> -> memref<64xi32, #tpu.memory_space<vmem>>
      %dma_start3A_955 = arith.constant 0 : i32
      %dma_start3A_956 = arith.constant 0 : i32
      %dma_start3A_957 = tpu.memref_slice %arg2[%dma_start3A_955, %dma_start3A_956] : memref<10240x256xf32, #tpu.memory_space<hbm>> -> memref<10240x256xf32, #tpu.memory_space<hbm>>
      tpu.enqueue_indirect_dma source(%dma_start3A_957 : memref<10240x256xf32, #tpu.memory_space<hbm>>) target(%arg12 : memref<64x256xf32, #tpu.memory_space<vmem>>) offsets(%dma_start3A_954 : memref<64xi32, #tpu.memory_space<vmem>>) semaphore(%arg16 : memref<!tpu.dma_semaphore, #tpu.memory_space<semaphore_mem>>)
      %dma_wait3A_958 = arith.constant 1 : i32
      %dma_wait3A_959 = arith.constant 4 : i32
      %dma_wait3A_960 = arith.constant 0 : i32
      %dma_wait3A_961 = tpu.memref_slice %arg7[%dma_wait3A_958, %dma_wait3A_959, %dma_wait3A_960] : memref<2x10x64xi32, #tpu.memory_space<vmem>> -> memref<1x1x64xi32, #tpu.memory_space<vmem>>
      %dma_wait3A_962 = tpu.memref_squeeze %dma_wait3A_961 : memref<1x1x64xi32, #tpu.memory_space<vmem>> -> memref<64xi32, #tpu.memory_space<vmem>>
      %dma_wait3A_963 = arith.constant 0 : i32
      %dma_wait3A_964 = arith.constant 0 : i32
      %dma_wait3A_965 = tpu.memref_slice %arg2[%dma_wait3A_963, %dma_wait3A_964] : memref<10240x256xf32, #tpu.memory_space<hbm>> -> memref<10240x256xf32, #tpu.memory_space<hbm>>
      tpu.wait_indirect_dma semaphore(%arg15 : memref<!tpu.dma_semaphore, #tpu.memory_space<semaphore_mem>>) src(%dma_wait3A_965 : memref<10240x256xf32, #tpu.memory_space<hbm>>) dst(%arg11 : memref<64x256xf32, #tpu.memory_space<vmem>>)
      %get3A_966 = arith.constant 1 : i32
      %get3A_967 = arith.constant 4 : i32
      %get3A_968 = arith.index_cast %get3A_966 : i32 to index
      %get3A_969 = arith.index_cast %get3A_967 : i32 to index
      %get3A_970 = arith.constant 0 : index
      %get3A_971 = tpu.vector_load %arg8[%get3A_968, %get3A_969, %get3A_970] {strides = array<i32>} : memref<2x10x64xi32, #tpu.memory_space<vmem>>, vector<1x1x16xi32>,
      %get3A_972 = vector.shape_cast %get3A_971 : vector<1x1x16xi32> to vector<16xi32>
      %swap3A_973 = arith.constant 0 : index
      %swap3A_974 = tpu.vector_load %arg9[%swap3A_973] {strides = array<i32>} : memref<64xi32, #tpu.memory_space<vmem>>, vector<16xi32>,
      %swap3A_975 = vector.shape_cast %swap3A_974 : vector<16xi32> to vector<16xi32>
      %swap3A_976 = vector.shape_cast %get3A_972 : vector<16xi32> to vector<16xi32>
      tpu.vector_store %arg9[%swap3A_973], %swap3A_976 {strides = array<i32>} : memref<64xi32, #tpu.memory_space<vmem>>, vector<16xi32>,
      %get3A_977 = arith.constant 1 : i32
      %get3A_978 = arith.constant 4 : i32
      %get3A_979 = arith.index_cast %get3A_977 : i32 to index
      %get3A_980 = arith.index_cast %get3A_978 : i32 to index
      %get3A_981 = arith.constant 16 : index
      %get3A_982 = tpu.vector_load %arg8[%get3A_979, %get3A_980, %get3A_981] {strides = array<i32>} : memref<2x10x64xi32, #tpu.memory_space<vmem>>, vector<1x1x16xi32>,
      %get3A_983 = vector.shape_cast %get3A_982 : vector<1x1x16xi32> to vector<16xi32>
      %swap3A_984 = arith.constant 16 : index
      %swap3A_985 = tpu.vector_load %arg9[%swap3A_984] {strides = array<i32>} : memref<64xi32, #tpu.memory_space<vmem>>, vector<16xi32>,
      %swap3A_986 = vector.shape_cast %swap3A_985 : vector<16xi32> to vector<16xi32>
      %swap3A_987 = vector.shape_cast %get3A_983 : vector<16xi32> to vector<16xi32>
      tpu.vector_store %arg9[%swap3A_984], %swap3A_987 {strides = array<i32>} : memref<64xi32, #tpu.memory_space<vmem>>, vector<16xi32>,
      %get3A_988 = arith.constant 1 : i32
      %get3A_989 = arith.constant 4 : i32
      %get3A_990 = arith.index_cast %get3A_988 : i32 to index
      %get3A_991 = arith.index_cast %get3A_989 : i32 to index
      %get3A_992 = arith.constant 32 : index
      %get3A_993 = tpu.vector_load %arg8[%get3A_990, %get3A_991, %get3A_992] {strides = array<i32>} : memref<2x10x64xi32, #tpu.memory_space<vmem>>, vector<1x1x16xi32>,
      %get3A_994 = vector.shape_cast %get3A_993 : vector<1x1x16xi32> to vector<16xi32>
      %swap3A_995 = arith.constant 32 : index
      %swap3A_996 = tpu.vector_load %arg9[%swap3A_995] {strides = array<i32>} : memref<64xi32, #tpu.memory_space<vmem>>, vector<16xi32>,
      %swap3A_997 = vector.shape_cast %swap3A_996 : vector<16xi32> to vector<16xi32>
      %swap3A_998 = vector.shape_cast %get3A_994 : vector<16xi32> to vector<16xi32>
      tpu.vector_store %arg9[%swap3A_995], %swap3A_998 {strides = array<i32>} : memref<64xi32, #tpu.memory_space<vmem>>, vector<16xi32>,
      %get3A_999 = arith.constant 1 : i32
      %get3A_1000 = arith.constant 4 : i32
      %get3A_1001 = arith.index_cast %get3A_999 : i32 to index
      %get3A_1002 = arith.index_cast %get3A_1000 : i32 to index
      %get3A_1003 = arith.constant 48 : index
      %get3A_1004 = tpu.vector_load %arg8[%get3A_1001, %get3A_1002, %get3A_1003] {strides = array<i32>} : memref<2x10x64xi32, #tpu.memory_space<vmem>>, vector<1x1x16xi32>,
      %get3A_1005 = vector.shape_cast %get3A_1004 : vector<1x1x16xi32> to vector<16xi32>
      %swap3A_1006 = arith.constant 48 : index
      %swap3A_1007 = tpu.vector_load %arg9[%swap3A_1006] {strides = array<i32>} : memref<64xi32, #tpu.memory_space<vmem>>, vector<16xi32>,
      %swap3A_1008 = vector.shape_cast %swap3A_1007 : vector<16xi32> to vector<16xi32>
      %swap3A_1009 = vector.shape_cast %get3A_1005 : vector<16xi32> to vector<16xi32>
      tpu.vector_store %arg9[%swap3A_1006], %swap3A_1009 {strides = array<i32>} : memref<64xi32, #tpu.memory_space<vmem>>, vector<16xi32>,
      %dma_start3A_1010 = arith.constant 1 : i32
      %dma_start3A_1011 = arith.constant 6 : i32
      %dma_start3A_1012 = arith.constant 0 : i32
      %dma_start3A_1013 = tpu.memref_slice %arg7[%dma_start3A_1010, %dma_start3A_1011, %dma_start3A_1012] : memref<2x10x64xi32, #tpu.memory_space<vmem>> -> memref<1x1x64xi32, #tpu.memory_space<vmem>>
      %dma_start3A_1014 = tpu.memref_squeeze %dma_start3A_1013 : memref<1x1x64xi32, #tpu.memory_space<vmem>> -> memref<64xi32, #tpu.memory_space<vmem>>
      %dma_start3A_1015 = arith.constant 0 : i32
      %dma_start3A_1016 = arith.constant 0 : i32
      %dma_start3A_1017 = tpu.memref_slice %arg2[%dma_start3A_1015, %dma_start3A_1016] : memref<10240x256xf32, #tpu.memory_space<hbm>> -> memref<10240x256xf32, #tpu.memory_space<hbm>>
      tpu.enqueue_indirect_dma source(%dma_start3A_1017 : memref<10240x256xf32, #tpu.memory_space<hbm>>) target(%arg11 : memref<64x256xf32, #tpu.memory_space<vmem>>) offsets(%dma_start3A_1014 : memref<64xi32, #tpu.memory_space<vmem>>) semaphore(%arg15 : memref<!tpu.dma_semaphore, #tpu.memory_space<semaphore_mem>>)
      %dma_wait3A_1018 = arith.constant 1 : i32
      %dma_wait3A_1019 = arith.constant 5 : i32
      %dma_wait3A_1020 = arith.constant 0 : i32
      %dma_wait3A_1021 = tpu.memref_slice %arg7[%dma_wait3A_1018, %dma_wait3A_1019, %dma_wait3A_1020] : memref<2x10x64xi32, #tpu.memory_space<vmem>> -> memref<1x1x64xi32, #tpu.memory_space<vmem>>
      %dma_wait3A_1022 = tpu.memref_squeeze %dma_wait3A_1021 : memref<1x1x64xi32, #tpu.memory_space<vmem>> -> memref<64xi32, #tpu.memory_space<vmem>>
      %dma_wait3A_1023 = arith.constant 0 : i32
      %dma_wait3A_1024 = arith.constant 0 : i32
      %dma_wait3A_1025 = tpu.memref_slice %arg2[%dma_wait3A_1023, %dma_wait3A_1024] : memref<10240x256xf32, #tpu.memory_space<hbm>> -> memref<10240x256xf32, #tpu.memory_space<hbm>>
      tpu.wait_indirect_dma semaphore(%arg16 : memref<!tpu.dma_semaphore, #tpu.memory_space<semaphore_mem>>) src(%dma_wait3A_1025 : memref<10240x256xf32, #tpu.memory_space<hbm>>) dst(%arg12 : memref<64x256xf32, #tpu.memory_space<vmem>>)
      %get3A_1026 = arith.constant 1 : i32
      %get3A_1027 = arith.constant 5 : i32
      %get3A_1028 = arith.index_cast %get3A_1026 : i32 to index
      %get3A_1029 = arith.index_cast %get3A_1027 : i32 to index
      %get3A_1030 = arith.constant 0 : index
      %get3A_1031 = tpu.vector_load %arg8[%get3A_1028, %get3A_1029, %get3A_1030] {strides = array<i32>} : memref<2x10x64xi32, #tpu.memory_space<vmem>>, vector<1x1x16xi32>,
      %get3A_1032 = vector.shape_cast %get3A_1031 : vector<1x1x16xi32> to vector<16xi32>
      %swap3A_1033 = arith.constant 0 : index
      %swap3A_1034 = tpu.vector_load %arg10[%swap3A_1033] {strides = array<i32>} : memref<64xi32, #tpu.memory_space<vmem>>, vector<16xi32>,
      %swap3A_1035 = vector.shape_cast %swap3A_1034 : vector<16xi32> to vector<16xi32>
      %swap3A_1036 = vector.shape_cast %get3A_1032 : vector<16xi32> to vector<16xi32>
      tpu.vector_store %arg10[%swap3A_1033], %swap3A_1036 {strides = array<i32>} : memref<64xi32, #tpu.memory_space<vmem>>, vector<16xi32>,
      %get3A_1037 = arith.constant 1 : i32
      %get3A_1038 = arith.constant 5 : i32
      %get3A_1039 = arith.index_cast %get3A_1037 : i32 to index
      %get3A_1040 = arith.index_cast %get3A_1038 : i32 to index
      %get3A_1041 = arith.constant 16 : index
      %get3A_1042 = tpu.vector_load %arg8[%get3A_1039, %get3A_1040, %get3A_1041] {strides = array<i32>} : memref<2x10x64xi32, #tpu.memory_space<vmem>>, vector<1x1x16xi32>,
      %get3A_1043 = vector.shape_cast %get3A_1042 : vector<1x1x16xi32> to vector<16xi32>
      %swap3A_1044 = arith.constant 16 : index
      %swap3A_1045 = tpu.vector_load %arg10[%swap3A_1044] {strides = array<i32>} : memref<64xi32, #tpu.memory_space<vmem>>, vector<16xi32>,
      %swap3A_1046 = vector.shape_cast %swap3A_1045 : vector<16xi32> to vector<16xi32>
      %swap3A_1047 = vector.shape_cast %get3A_1043 : vector<16xi32> to vector<16xi32>
      tpu.vector_store %arg10[%swap3A_1044], %swap3A_1047 {strides = array<i32>} : memref<64xi32, #tpu.memory_space<vmem>>, vector<16xi32>,
      %get3A_1048 = arith.constant 1 : i32
      %get3A_1049 = arith.constant 5 : i32
      %get3A_1050 = arith.index_cast %get3A_1048 : i32 to index
      %get3A_1051 = arith.index_cast %get3A_1049 : i32 to index
      %get3A_1052 = arith.constant 32 : index
      %get3A_1053 = tpu.vector_load %arg8[%get3A_1050, %get3A_1051, %get3A_1052] {strides = array<i32>} : memref<2x10x64xi32, #tpu.memory_space<vmem>>, vector<1x1x16xi32>,
      %get3A_1054 = vector.shape_cast %get3A_1053 : vector<1x1x16xi32> to vector<16xi32>
      %swap3A_1055 = arith.constant 32 : index
      %swap3A_1056 = tpu.vector_load %arg10[%swap3A_1055] {strides = array<i32>} : memref<64xi32, #tpu.memory_space<vmem>>, vector<16xi32>,
      %swap3A_1057 = vector.shape_cast %swap3A_1056 : vector<16xi32> to vector<16xi32>
      %swap3A_1058 = vector.shape_cast %get3A_1054 : vector<16xi32> to vector<16xi32>
      tpu.vector_store %arg10[%swap3A_1055], %swap3A_1058 {strides = array<i32>} : memref<64xi32, #tpu.memory_space<vmem>>, vector<16xi32>,
      %get3A_1059 = arith.constant 1 : i32
      %get3A_1060 = arith.constant 5 : i32
      %get3A_1061 = arith.index_cast %get3A_1059 : i32 to index
      %get3A_1062 = arith.index_cast %get3A_1060 : i32 to index
      %get3A_1063 = arith.constant 48 : index
      %get3A_1064 = tpu.vector_load %arg8[%get3A_1061, %get3A_1062, %get3A_1063] {strides = array<i32>} : memref<2x10x64xi32, #tpu.memory_space<vmem>>, vector<1x1x16xi32>,
      %get3A_1065 = vector.shape_cast %get3A_1064 : vector<1x1x16xi32> to vector<16xi32>
      %swap3A_1066 = arith.constant 48 : index
      %swap3A_1067 = tpu.vector_load %arg10[%swap3A_1066] {strides = array<i32>} : memref<64xi32, #tpu.memory_space<vmem>>, vector<16xi32>,
      %swap3A_1068 = vector.shape_cast %swap3A_1067 : vector<16xi32> to vector<16xi32>
      %swap3A_1069 = vector.shape_cast %get3A_1065 : vector<16xi32> to vector<16xi32>
      tpu.vector_store %arg10[%swap3A_1066], %swap3A_1069 {strides = array<i32>} : memref<64xi32, #tpu.memory_space<vmem>>, vector<16xi32>,
      %dma_start3A_1070 = arith.constant 1 : i32
      %dma_start3A_1071 = arith.constant 7 : i32
      %dma_start3A_1072 = arith.constant 0 : i32
      %dma_start3A_1073 = tpu.memref_slice %arg7[%dma_start3A_1070, %dma_start3A_1071, %dma_start3A_1072] : memref<2x10x64xi32, #tpu.memory_space<vmem>> -> memref<1x1x64xi32, #tpu.memory_space<vmem>>
      %dma_start3A_1074 = tpu.memref_squeeze %dma_start3A_1073 : memref<1x1x64xi32, #tpu.memory_space<vmem>> -> memref<64xi32, #tpu.memory_space<vmem>>
      %dma_start3A_1075 = arith.constant 0 : i32
      %dma_start3A_1076 = arith.constant 0 : i32
      %dma_start3A_1077 = tpu.memref_slice %arg2[%dma_start3A_1075, %dma_start3A_1076] : memref<10240x256xf32, #tpu.memory_space<hbm>> -> memref<10240x256xf32, #tpu.memory_space<hbm>>
      tpu.enqueue_indirect_dma source(%dma_start3A_1077 : memref<10240x256xf32, #tpu.memory_space<hbm>>) target(%arg12 : memref<64x256xf32, #tpu.memory_space<vmem>>) offsets(%dma_start3A_1074 : memref<64xi32, #tpu.memory_space<vmem>>) semaphore(%arg16 : memref<!tpu.dma_semaphore, #tpu.memory_space<semaphore_mem>>)
      %dma_wait3A_1078 = arith.constant 1 : i32
      %dma_wait3A_1079 = arith.constant 6 : i32
      %dma_wait3A_1080 = arith.constant 0 : i32
      %dma_wait3A_1081 = tpu.memref_slice %arg7[%dma_wait3A_1078, %dma_wait3A_1079, %dma_wait3A_1080] : memref<2x10x64xi32, #tpu.memory_space<vmem>> -> memref<1x1x64xi32, #tpu.memory_space<vmem>>
      %dma_wait3A_1082 = tpu.memref_squeeze %dma_wait3A_1081 : memref<1x1x64xi32, #tpu.memory_space<vmem>> -> memref<64xi32, #tpu.memory_space<vmem>>
      %dma_wait3A_1083 = arith.constant 0 : i32
      %dma_wait3A_1084 = arith.constant 0 : i32
      %dma_wait3A_1085 = tpu.memref_slice %arg2[%dma_wait3A_1083, %dma_wait3A_1084] : memref<10240x256xf32, #tpu.memory_space<hbm>> -> memref<10240x256xf32, #tpu.memory_space<hbm>>
      tpu.wait_indirect_dma semaphore(%arg15 : memref<!tpu.dma_semaphore, #tpu.memory_space<semaphore_mem>>) src(%dma_wait3A_1085 : memref<10240x256xf32, #tpu.memory_space<hbm>>) dst(%arg11 : memref<64x256xf32, #tpu.memory_space<vmem>>)
      %get3A_1086 = arith.constant 1 : i32
      %get3A_1087 = arith.constant 6 : i32
      %get3A_1088 = arith.index_cast %get3A_1086 : i32 to index
      %get3A_1089 = arith.index_cast %get3A_1087 : i32 to index
      %get3A_1090 = arith.constant 0 : index
      %get3A_1091 = tpu.vector_load %arg8[%get3A_1088, %get3A_1089, %get3A_1090] {strides = array<i32>} : memref<2x10x64xi32, #tpu.memory_space<vmem>>, vector<1x1x16xi32>,
      %get3A_1092 = vector.shape_cast %get3A_1091 : vector<1x1x16xi32> to vector<16xi32>
      %swap3A_1093 = arith.constant 0 : index
      %swap3A_1094 = tpu.vector_load %arg9[%swap3A_1093] {strides = array<i32>} : memref<64xi32, #tpu.memory_space<vmem>>, vector<16xi32>,
      %swap3A_1095 = vector.shape_cast %swap3A_1094 : vector<16xi32> to vector<16xi32>
      %swap3A_1096 = vector.shape_cast %get3A_1092 : vector<16xi32> to vector<16xi32>
      tpu.vector_store %arg9[%swap3A_1093], %swap3A_1096 {strides = array<i32>} : memref<64xi32, #tpu.memory_space<vmem>>, vector<16xi32>,
      %get3A_1097 = arith.constant 1 : i32
      %get3A_1098 = arith.constant 6 : i32
      %get3A_1099 = arith.index_cast %get3A_1097 : i32 to index
      %get3A_1100 = arith.index_cast %get3A_1098 : i32 to index
      %get3A_1101 = arith.constant 16 : index
      %get3A_1102 = tpu.vector_load %arg8[%get3A_1099, %get3A_1100, %get3A_1101] {strides = array<i32>} : memref<2x10x64xi32, #tpu.memory_space<vmem>>, vector<1x1x16xi32>,
      %get3A_1103 = vector.shape_cast %get3A_1102 : vector<1x1x16xi32> to vector<16xi32>
      %swap3A_1104 = arith.constant 16 : index
      %swap3A_1105 = tpu.vector_load %arg9[%swap3A_1104] {strides = array<i32>} : memref<64xi32, #tpu.memory_space<vmem>>, vector<16xi32>,
      %swap3A_1106 = vector.shape_cast %swap3A_1105 : vector<16xi32> to vector<16xi32>
      %swap3A_1107 = vector.shape_cast %get3A_1103 : vector<16xi32> to vector<16xi32>
      tpu.vector_store %arg9[%swap3A_1104], %swap3A_1107 {strides = array<i32>} : memref<64xi32, #tpu.memory_space<vmem>>, vector<16xi32>,
      %get3A_1108 = arith.constant 1 : i32
      %get3A_1109 = arith.constant 6 : i32
      %get3A_1110 = arith.index_cast %get3A_1108 : i32 to index
      %get3A_1111 = arith.index_cast %get3A_1109 : i32 to index
      %get3A_1112 = arith.constant 32 : index
      %get3A_1113 = tpu.vector_load %arg8[%get3A_1110, %get3A_1111, %get3A_1112] {strides = array<i32>} : memref<2x10x64xi32, #tpu.memory_space<vmem>>, vector<1x1x16xi32>,
      %get3A_1114 = vector.shape_cast %get3A_1113 : vector<1x1x16xi32> to vector<16xi32>
      %swap3A_1115 = arith.constant 32 : index
      %swap3A_1116 = tpu.vector_load %arg9[%swap3A_1115] {strides = array<i32>} : memref<64xi32, #tpu.memory_space<vmem>>, vector<16xi32>,
      %swap3A_1117 = vector.shape_cast %swap3A_1116 : vector<16xi32> to vector<16xi32>
      %swap3A_1118 = vector.shape_cast %get3A_1114 : vector<16xi32> to vector<16xi32>
      tpu.vector_store %arg9[%swap3A_1115], %swap3A_1118 {strides = array<i32>} : memref<64xi32, #tpu.memory_space<vmem>>, vector<16xi32>,
      %get3A_1119 = arith.constant 1 : i32
      %get3A_1120 = arith.constant 6 : i32
      %get3A_1121 = arith.index_cast %get3A_1119 : i32 to index
      %get3A_1122 = arith.index_cast %get3A_1120 : i32 to index
      %get3A_1123 = arith.constant 48 : index
      %get3A_1124 = tpu.vector_load %arg8[%get3A_1121, %get3A_1122, %get3A_1123] {strides = array<i32>} : memref<2x10x64xi32, #tpu.memory_space<vmem>>, vector<1x1x16xi32>,
      %get3A_1125 = vector.shape_cast %get3A_1124 : vector<1x1x16xi32> to vector<16xi32>
      %swap3A_1126 = arith.constant 48 : index
      %swap3A_1127 = tpu.vector_load %arg9[%swap3A_1126] {strides = array<i32>} : memref<64xi32, #tpu.memory_space<vmem>>, vector<16xi32>,
      %swap3A_1128 = vector.shape_cast %swap3A_1127 : vector<16xi32> to vector<16xi32>
      %swap3A_1129 = vector.shape_cast %get3A_1125 : vector<16xi32> to vector<16xi32>
      tpu.vector_store %arg9[%swap3A_1126], %swap3A_1129 {strides = array<i32>} : memref<64xi32, #tpu.memory_space<vmem>>, vector<16xi32>,
      %dma_start3A_1130 = arith.constant 1 : i32
      %dma_start3A_1131 = arith.constant 8 : i32
      %dma_start3A_1132 = arith.constant 0 : i32
      %dma_start3A_1133 = tpu.memref_slice %arg7[%dma_start3A_1130, %dma_start3A_1131, %dma_start3A_1132] : memref<2x10x64xi32, #tpu.memory_space<vmem>> -> memref<1x1x64xi32, #tpu.memory_space<vmem>>
      %dma_start3A_1134 = tpu.memref_squeeze %dma_start3A_1133 : memref<1x1x64xi32, #tpu.memory_space<vmem>> -> memref<64xi32, #tpu.memory_space<vmem>>
      %dma_start3A_1135 = arith.constant 0 : i32
      %dma_start3A_1136 = arith.constant 0 : i32
      %dma_start3A_1137 = tpu.memref_slice %arg2[%dma_start3A_1135, %dma_start3A_1136] : memref<10240x256xf32, #tpu.memory_space<hbm>> -> memref<10240x256xf32, #tpu.memory_space<hbm>>
      tpu.enqueue_indirect_dma source(%dma_start3A_1137 : memref<10240x256xf32, #tpu.memory_space<hbm>>) target(%arg11 : memref<64x256xf32, #tpu.memory_space<vmem>>) offsets(%dma_start3A_1134 : memref<64xi32, #tpu.memory_space<vmem>>) semaphore(%arg15 : memref<!tpu.dma_semaphore, #tpu.memory_space<semaphore_mem>>)
      %dma_wait3A_1138 = arith.constant 1 : i32
      %dma_wait3A_1139 = arith.constant 7 : i32
      %dma_wait3A_1140 = arith.constant 0 : i32
      %dma_wait3A_1141 = tpu.memref_slice %arg7[%dma_wait3A_1138, %dma_wait3A_1139, %dma_wait3A_1140] : memref<2x10x64xi32, #tpu.memory_space<vmem>> -> memref<1x1x64xi32, #tpu.memory_space<vmem>>
      %dma_wait3A_1142 = tpu.memref_squeeze %dma_wait3A_1141 : memref<1x1x64xi32, #tpu.memory_space<vmem>> -> memref<64xi32, #tpu.memory_space<vmem>>
      %dma_wait3A_1143 = arith.constant 0 : i32
      %dma_wait3A_1144 = arith.constant 0 : i32
      %dma_wait3A_1145 = tpu.memref_slice %arg2[%dma_wait3A_1143, %dma_wait3A_1144] : memref<10240x256xf32, #tpu.memory_space<hbm>> -> memref<10240x256xf32, #tpu.memory_space<hbm>>
      tpu.wait_indirect_dma semaphore(%arg16 : memref<!tpu.dma_semaphore, #tpu.memory_space<semaphore_mem>>) src(%dma_wait3A_1145 : memref<10240x256xf32, #tpu.memory_space<hbm>>) dst(%arg12 : memref<64x256xf32, #tpu.memory_space<vmem>>)
      %get3A_1146 = arith.constant 1 : i32
      %get3A_1147 = arith.constant 7 : i32
      %get3A_1148 = arith.index_cast %get3A_1146 : i32 to index
      %get3A_1149 = arith.index_cast %get3A_1147 : i32 to index
      %get3A_1150 = arith.constant 0 : index
      %get3A_1151 = tpu.vector_load %arg8[%get3A_1148, %get3A_1149, %get3A_1150] {strides = array<i32>} : memref<2x10x64xi32, #tpu.memory_space<vmem>>, vector<1x1x16xi32>,
      %get3A_1152 = vector.shape_cast %get3A_1151 : vector<1x1x16xi32> to vector<16xi32>
      %swap3A_1153 = arith.constant 0 : index
      %swap3A_1154 = tpu.vector_load %arg10[%swap3A_1153] {strides = array<i32>} : memref<64xi32, #tpu.memory_space<vmem>>, vector<16xi32>,
      %swap3A_1155 = vector.shape_cast %swap3A_1154 : vector<16xi32> to vector<16xi32>
      %swap3A_1156 = vector.shape_cast %get3A_1152 : vector<16xi32> to vector<16xi32>
      tpu.vector_store %arg10[%swap3A_1153], %swap3A_1156 {strides = array<i32>} : memref<64xi32, #tpu.memory_space<vmem>>, vector<16xi32>,
      %get3A_1157 = arith.constant 1 : i32
      %get3A_1158 = arith.constant 7 : i32
      %get3A_1159 = arith.index_cast %get3A_1157 : i32 to index
      %get3A_1160 = arith.index_cast %get3A_1158 : i32 to index
      %get3A_1161 = arith.constant 16 : index
      %get3A_1162 = tpu.vector_load %arg8[%get3A_1159, %get3A_1160, %get3A_1161] {strides = array<i32>} : memref<2x10x64xi32, #tpu.memory_space<vmem>>, vector<1x1x16xi32>,
      %get3A_1163 = vector.shape_cast %get3A_1162 : vector<1x1x16xi32> to vector<16xi32>
      %swap3A_1164 = arith.constant 16 : index
      %swap3A_1165 = tpu.vector_load %arg10[%swap3A_1164] {strides = array<i32>} : memref<64xi32, #tpu.memory_space<vmem>>, vector<16xi32>,
      %swap3A_1166 = vector.shape_cast %swap3A_1165 : vector<16xi32> to vector<16xi32>
      %swap3A_1167 = vector.shape_cast %get3A_1163 : vector<16xi32> to vector<16xi32>
      tpu.vector_store %arg10[%swap3A_1164], %swap3A_1167 {strides = array<i32>} : memref<64xi32, #tpu.memory_space<vmem>>, vector<16xi32>,
      %get3A_1168 = arith.constant 1 : i32
      %get3A_1169 = arith.constant 7 : i32
      %get3A_1170 = arith.index_cast %get3A_1168 : i32 to index
      %get3A_1171 = arith.index_cast %get3A_1169 : i32 to index
      %get3A_1172 = arith.constant 32 : index
      %get3A_1173 = tpu.vector_load %arg8[%get3A_1170, %get3A_1171, %get3A_1172] {strides = array<i32>} : memref<2x10x64xi32, #tpu.memory_space<vmem>>, vector<1x1x16xi32>,
      %get3A_1174 = vector.shape_cast %get3A_1173 : vector<1x1x16xi32> to vector<16xi32>
      %swap3A_1175 = arith.constant 32 : index
      %swap3A_1176 = tpu.vector_load %arg10[%swap3A_1175] {strides = array<i32>} : memref<64xi32, #tpu.memory_space<vmem>>, vector<16xi32>,
      %swap3A_1177 = vector.shape_cast %swap3A_1176 : vector<16xi32> to vector<16xi32>
      %swap3A_1178 = vector.shape_cast %get3A_1174 : vector<16xi32> to vector<16xi32>
      tpu.vector_store %arg10[%swap3A_1175], %swap3A_1178 {strides = array<i32>} : memref<64xi32, #tpu.memory_space<vmem>>, vector<16xi32>,
      %get3A_1179 = arith.constant 1 : i32
      %get3A_1180 = arith.constant 7 : i32
      %get3A_1181 = arith.index_cast %get3A_1179 : i32 to index
      %get3A_1182 = arith.index_cast %get3A_1180 : i32 to index
      %get3A_1183 = arith.constant 48 : index
      %get3A_1184 = tpu.vector_load %arg8[%get3A_1181, %get3A_1182, %get3A_1183] {strides = array<i32>} : memref<2x10x64xi32, #tpu.memory_space<vmem>>, vector<1x1x16xi32>,
      %get3A_1185 = vector.shape_cast %get3A_1184 : vector<1x1x16xi32> to vector<16xi32>
      %swap3A_1186 = arith.constant 48 : index
      %swap3A_1187 = tpu.vector_load %arg10[%swap3A_1186] {strides = array<i32>} : memref<64xi32, #tpu.memory_space<vmem>>, vector<16xi32>,
      %swap3A_1188 = vector.shape_cast %swap3A_1187 : vector<16xi32> to vector<16xi32>
      %swap3A_1189 = vector.shape_cast %get3A_1185 : vector<16xi32> to vector<16xi32>
      tpu.vector_store %arg10[%swap3A_1186], %swap3A_1189 {strides = array<i32>} : memref<64xi32, #tpu.memory_space<vmem>>, vector<16xi32>,
      %dma_start3A_1190 = arith.constant 1 : i32
      %dma_start3A_1191 = arith.constant 9 : i32
      %dma_start3A_1192 = arith.constant 0 : i32
      %dma_start3A_1193 = tpu.memref_slice %arg7[%dma_start3A_1190, %dma_start3A_1191, %dma_start3A_1192] : memref<2x10x64xi32, #tpu.memory_space<vmem>> -> memref<1x1x64xi32, #tpu.memory_space<vmem>>
      %dma_start3A_1194 = tpu.memref_squeeze %dma_start3A_1193 : memref<1x1x64xi32, #tpu.memory_space<vmem>> -> memref<64xi32, #tpu.memory_space<vmem>>
      %dma_start3A_1195 = arith.constant 0 : i32
      %dma_start3A_1196 = arith.constant 0 : i32
      %dma_start3A_1197 = tpu.memref_slice %arg2[%dma_start3A_1195, %dma_start3A_1196] : memref<10240x256xf32, #tpu.memory_space<hbm>> -> memref<10240x256xf32, #tpu.memory_space<hbm>>
      tpu.enqueue_indirect_dma source(%dma_start3A_1197 : memref<10240x256xf32, #tpu.memory_space<hbm>>) target(%arg12 : memref<64x256xf32, #tpu.memory_space<vmem>>) offsets(%dma_start3A_1194 : memref<64xi32, #tpu.memory_space<vmem>>) semaphore(%arg16 : memref<!tpu.dma_semaphore, #tpu.memory_space<semaphore_mem>>)
      %dma_wait3A_1198 = arith.constant 1 : i32
      %dma_wait3A_1199 = arith.constant 8 : i32
      %dma_wait3A_1200 = arith.constant 0 : i32
      %dma_wait3A_1201 = tpu.memref_slice %arg7[%dma_wait3A_1198, %dma_wait3A_1199, %dma_wait3A_1200] : memref<2x10x64xi32, #tpu.memory_space<vmem>> -> memref<1x1x64xi32, #tpu.memory_space<vmem>>
      %dma_wait3A_1202 = tpu.memref_squeeze %dma_wait3A_1201 : memref<1x1x64xi32, #tpu.memory_space<vmem>> -> memref<64xi32, #tpu.memory_space<vmem>>
      %dma_wait3A_1203 = arith.constant 0 : i32
      %dma_wait3A_1204 = arith.constant 0 : i32
      %dma_wait3A_1205 = tpu.memref_slice %arg2[%dma_wait3A_1203, %dma_wait3A_1204] : memref<10240x256xf32, #tpu.memory_space<hbm>> -> memref<10240x256xf32, #tpu.memory_space<hbm>>
      tpu.wait_indirect_dma semaphore(%arg15 : memref<!tpu.dma_semaphore, #tpu.memory_space<semaphore_mem>>) src(%dma_wait3A_1205 : memref<10240x256xf32, #tpu.memory_space<hbm>>) dst(%arg11 : memref<64x256xf32, #tpu.memory_space<vmem>>)
      %get3A_1206 = arith.constant 1 : i32
      %get3A_1207 = arith.constant 8 : i32
      %get3A_1208 = arith.index_cast %get3A_1206 : i32 to index
      %get3A_1209 = arith.index_cast %get3A_1207 : i32 to index
      %get3A_1210 = arith.constant 0 : index
      %get3A_1211 = tpu.vector_load %arg8[%get3A_1208, %get3A_1209, %get3A_1210] {strides = array<i32>} : memref<2x10x64xi32, #tpu.memory_space<vmem>>, vector<1x1x16xi32>,
      %get3A_1212 = vector.shape_cast %get3A_1211 : vector<1x1x16xi32> to vector<16xi32>
      %swap3A_1213 = arith.constant 0 : index
      %swap3A_1214 = tpu.vector_load %arg9[%swap3A_1213] {strides = array<i32>} : memref<64xi32, #tpu.memory_space<vmem>>, vector<16xi32>,
      %swap3A_1215 = vector.shape_cast %swap3A_1214 : vector<16xi32> to vector<16xi32>
      %swap3A_1216 = vector.shape_cast %get3A_1212 : vector<16xi32> to vector<16xi32>
      tpu.vector_store %arg9[%swap3A_1213], %swap3A_1216 {strides = array<i32>} : memref<64xi32, #tpu.memory_space<vmem>>, vector<16xi32>,
      %get3A_1217 = arith.constant 1 : i32
      %get3A_1218 = arith.constant 8 : i32
      %get3A_1219 = arith.index_cast %get3A_1217 : i32 to index
      %get3A_1220 = arith.index_cast %get3A_1218 : i32 to index
      %get3A_1221 = arith.constant 16 : index
      %get3A_1222 = tpu.vector_load %arg8[%get3A_1219, %get3A_1220, %get3A_1221] {strides = array<i32>} : memref<2x10x64xi32, #tpu.memory_space<vmem>>, vector<1x1x16xi32>,
      %get3A_1223 = vector.shape_cast %get3A_1222 : vector<1x1x16xi32> to vector<16xi32>
      %swap3A_1224 = arith.constant 16 : index
      %swap3A_1225 = tpu.vector_load %arg9[%swap3A_1224] {strides = array<i32>} : memref<64xi32, #tpu.memory_space<vmem>>, vector<16xi32>,
      %swap3A_1226 = vector.shape_cast %swap3A_1225 : vector<16xi32> to vector<16xi32>
      %swap3A_1227 = vector.shape_cast %get3A_1223 : vector<16xi32> to vector<16xi32>
      tpu.vector_store %arg9[%swap3A_1224], %swap3A_1227 {strides = array<i32>} : memref<64xi32, #tpu.memory_space<vmem>>, vector<16xi32>,
      %get3A_1228 = arith.constant 1 : i32
      %get3A_1229 = arith.constant 8 : i32
      %get3A_1230 = arith.index_cast %get3A_1228 : i32 to index
      %get3A_1231 = arith.index_cast %get3A_1229 : i32 to index
      %get3A_1232 = arith.constant 32 : index
      %get3A_1233 = tpu.vector_load %arg8[%get3A_1230, %get3A_1231, %get3A_1232] {strides = array<i32>} : memref<2x10x64xi32, #tpu.memory_space<vmem>>, vector<1x1x16xi32>,
      %get3A_1234 = vector.shape_cast %get3A_1233 : vector<1x1x16xi32> to vector<16xi32>
      %swap3A_1235 = arith.constant 32 : index
      %swap3A_1236 = tpu.vector_load %arg9[%swap3A_1235] {strides = array<i32>} : memref<64xi32, #tpu.memory_space<vmem>>, vector<16xi32>,
      %swap3A_1237 = vector.shape_cast %swap3A_1236 : vector<16xi32> to vector<16xi32>
      %swap3A_1238 = vector.shape_cast %get3A_1234 : vector<16xi32> to vector<16xi32>
      tpu.vector_store %arg9[%swap3A_1235], %swap3A_1238 {strides = array<i32>} : memref<64xi32, #tpu.memory_space<vmem>>, vector<16xi32>,
      %get3A_1239 = arith.constant 1 : i32
      %get3A_1240 = arith.constant 8 : i32
      %get3A_1241 = arith.index_cast %get3A_1239 : i32 to index
      %get3A_1242 = arith.index_cast %get3A_1240 : i32 to index
      %get3A_1243 = arith.constant 48 : index
      %get3A_1244 = tpu.vector_load %arg8[%get3A_1241, %get3A_1242, %get3A_1243] {strides = array<i32>} : memref<2x10x64xi32, #tpu.memory_space<vmem>>, vector<1x1x16xi32>,
      %get3A_1245 = vector.shape_cast %get3A_1244 : vector<1x1x16xi32> to vector<16xi32>
      %swap3A_1246 = arith.constant 48 : index
      %swap3A_1247 = tpu.vector_load %arg9[%swap3A_1246] {strides = array<i32>} : memref<64xi32, #tpu.memory_space<vmem>>, vector<16xi32>,
      %swap3A_1248 = vector.shape_cast %swap3A_1247 : vector<16xi32> to vector<16xi32>
      %swap3A_1249 = vector.shape_cast %get3A_1245 : vector<16xi32> to vector<16xi32>
      tpu.vector_store %arg9[%swap3A_1246], %swap3A_1249 {strides = array<i32>} : memref<64xi32, #tpu.memory_space<vmem>>, vector<16xi32>,
      %dma_wait3A_1250 = arith.constant 1 : i32
      %dma_wait3A_1251 = arith.constant 9 : i32
      %dma_wait3A_1252 = arith.constant 0 : i32
      %dma_wait3A_1253 = tpu.memref_slice %arg7[%dma_wait3A_1250, %dma_wait3A_1251, %dma_wait3A_1252] : memref<2x10x64xi32, #tpu.memory_space<vmem>> -> memref<1x1x64xi32, #tpu.memory_space<vmem>>
      %dma_wait3A_1254 = tpu.memref_squeeze %dma_wait3A_1253 : memref<1x1x64xi32, #tpu.memory_space<vmem>> -> memref<64xi32, #tpu.memory_space<vmem>>
      %dma_wait3A_1255 = arith.constant 0 : i32
      %dma_wait3A_1256 = arith.constant 0 : i32
      %dma_wait3A_1257 = tpu.memref_slice %arg2[%dma_wait3A_1255, %dma_wait3A_1256] : memref<10240x256xf32, #tpu.memory_space<hbm>> -> memref<10240x256xf32, #tpu.memory_space<hbm>>
      tpu.wait_indirect_dma semaphore(%arg16 : memref<!tpu.dma_semaphore, #tpu.memory_space<semaphore_mem>>) src(%dma_wait3A_1257 : memref<10240x256xf32, #tpu.memory_space<hbm>>) dst(%arg12 : memref<64x256xf32, #tpu.memory_space<vmem>>)
      %get3A_1258 = arith.constant 1 : i32
      %get3A_1259 = arith.constant 9 : i32
      %get3A_1260 = arith.index_cast %get3A_1258 : i32 to index
      %get3A_1261 = arith.index_cast %get3A_1259 : i32 to index
      %get3A_1262 = arith.constant 0 : index
      %get3A_1263 = tpu.vector_load %arg8[%get3A_1260, %get3A_1261, %get3A_1262] {strides = array<i32>} : memref<2x10x64xi32, #tpu.memory_space<vmem>>, vector<1x1x16xi32>,
      %get3A_1264 = vector.shape_cast %get3A_1263 : vector<1x1x16xi32> to vector<16xi32>
      %swap3A_1265 = arith.constant 0 : index
      %swap3A_1266 = tpu.vector_load %arg10[%swap3A_1265] {strides = array<i32>} : memref<64xi32, #tpu.memory_space<vmem>>, vector<16xi32>,
      %swap3A_1267 = vector.shape_cast %swap3A_1266 : vector<16xi32> to vector<16xi32>
      %swap3A_1268 = vector.shape_cast %get3A_1264 : vector<16xi32> to vector<16xi32>
      tpu.vector_store %arg10[%swap3A_1265], %swap3A_1268 {strides = array<i32>} : memref<64xi32, #tpu.memory_space<vmem>>, vector<16xi32>,
      %get3A_1269 = arith.constant 1 : i32
      %get3A_1270 = arith.constant 9 : i32
      %get3A_1271 = arith.index_cast %get3A_1269 : i32 to index
      %get3A_1272 = arith.index_cast %get3A_1270 : i32 to index
      %get3A_1273 = arith.constant 16 : index
      %get3A_1274 = tpu.vector_load %arg8[%get3A_1271, %get3A_1272, %get3A_1273] {strides = array<i32>} : memref<2x10x64xi32, #tpu.memory_space<vmem>>, vector<1x1x16xi32>,
      %get3A_1275 = vector.shape_cast %get3A_1274 : vector<1x1x16xi32> to vector<16xi32>
      %swap3A_1276 = arith.constant 16 : index
      %swap3A_1277 = tpu.vector_load %arg10[%swap3A_1276] {strides = array<i32>} : memref<64xi32, #tpu.memory_space<vmem>>, vector<16xi32>,
      %swap3A_1278 = vector.shape_cast %swap3A_1277 : vector<16xi32> to vector<16xi32>
      %swap3A_1279 = vector.shape_cast %get3A_1275 : vector<16xi32> to vector<16xi32>
      tpu.vector_store %arg10[%swap3A_1276], %swap3A_1279 {strides = array<i32>} : memref<64xi32, #tpu.memory_space<vmem>>, vector<16xi32>,
      %get3A_1280 = arith.constant 1 : i32
      %get3A_1281 = arith.constant 9 : i32
      %get3A_1282 = arith.index_cast %get3A_1280 : i32 to index
      %get3A_1283 = arith.index_cast %get3A_1281 : i32 to index
      %get3A_1284 = arith.constant 32 : index
      %get3A_1285 = tpu.vector_load %arg8[%get3A_1282, %get3A_1283, %get3A_1284] {strides = array<i32>} : memref<2x10x64xi32, #tpu.memory_space<vmem>>, vector<1x1x16xi32>,
      %get3A_1286 = vector.shape_cast %get3A_1285 : vector<1x1x16xi32> to vector<16xi32>
      %swap3A_1287 = arith.constant 32 : index
      %swap3A_1288 = tpu.vector_load %arg10[%swap3A_1287] {strides = array<i32>} : memref<64xi32, #tpu.memory_space<vmem>>, vector<16xi32>,
      %swap3A_1289 = vector.shape_cast %swap3A_1288 : vector<16xi32> to vector<16xi32>
      %swap3A_1290 = vector.shape_cast %get3A_1286 : vector<16xi32> to vector<16xi32>
      tpu.vector_store %arg10[%swap3A_1287], %swap3A_1290 {strides = array<i32>} : memref<64xi32, #tpu.memory_space<vmem>>, vector<16xi32>,
      %get3A_1291 = arith.constant 1 : i32
      %get3A_1292 = arith.constant 9 : i32
      %get3A_1293 = arith.index_cast %get3A_1291 : i32 to index
      %get3A_1294 = arith.index_cast %get3A_1292 : i32 to index
      %get3A_1295 = arith.constant 48 : index
      %get3A_1296 = tpu.vector_load %arg8[%get3A_1293, %get3A_1294, %get3A_1295] {strides = array<i32>} : memref<2x10x64xi32, #tpu.memory_space<vmem>>, vector<1x1x16xi32>,
      %get3A_1297 = vector.shape_cast %get3A_1296 : vector<1x1x16xi32> to vector<16xi32>
      %swap3A_1298 = arith.constant 48 : index
      %swap3A_1299 = tpu.vector_load %arg10[%swap3A_1298] {strides = array<i32>} : memref<64xi32, #tpu.memory_space<vmem>>, vector<16xi32>,
      %swap3A_1300 = vector.shape_cast %swap3A_1299 : vector<16xi32> to vector<16xi32>
      %swap3A_1301 = vector.shape_cast %get3A_1297 : vector<16xi32> to vector<16xi32>
      tpu.vector_store %arg10[%swap3A_1298], %swap3A_1301 {strides = array<i32>} : memref<64xi32, #tpu.memory_space<vmem>>, vector<16xi32>,
      %add3A_1302 = arith.constant 2 : i32
      %add3A_1303 = arith.addi %add3A_667, %add3A_1302 : i32
      %lt3A_1304 = arith.constant 32 : i32
      %lt3A_1305 = arith.cmpi slt, %add3A_1303, %lt3A_1304 : i32
      %convert_element_type3A_1306 = arith.extui %lt3A_1305 : i1 to i32
      %cond3A_1307 = arith.constant 0 : i32
      %cond3A_1308 = arith.cmpi ne, %convert_element_type3A_1306, %cond3A_1307 : i32
      scf.if %cond3A_1308 {
        %add3A_1309 = arith.constant 2 : i32
        %add3A_1310 = arith.addi %add3A_667, %add3A_1309 : i32
        %dma_start3A_1311 = arith.constant 1 : i32
        %dma_start3A_1312 = arith.constant 0 : i32
        %dma_start3A_1313 = arith.constant 0 : i32
        %dma_start3A_1314 = tpu.memref_slice %arg7[%dma_start3A_1311, %dma_start3A_1312, %dma_start3A_1313] : memref<2x10x64xi32, #tpu.memory_space<vmem>> -> memref<1x10x64xi32, #tpu.memory_space<vmem>>
        %dma_start3A_1315 = tpu.memref_squeeze %dma_start3A_1314 : memref<1x10x64xi32, #tpu.memory_space<vmem>> -> memref<10x64xi32, #tpu.memory_space<vmem>>
        %dma_start3A_1316 = arith.constant 0 : i32
        %dma_start3A_1317 = arith.constant 0 : i32
        %dma_start3A_1318 = tpu.memref_slice %arg3[%add3A, %add3A_1310, %dma_start3A_1316, %dma_start3A_1317] : memref<32x32x10x64xi32, #tpu.memory_space<hbm>> -> memref<1x1x10x64xi32, #tpu.memory_space<hbm>>
        %dma_start3A_1319 = tpu.memref_squeeze %dma_start3A_1318 : memref<1x1x10x64xi32, #tpu.memory_space<hbm>> -> memref<10x64xi32, #tpu.memory_space<hbm>>
        %dma_start3A_1320 = arith.constant 0 : i32
        %dma_start3A_1321 = arith.constant 0 : i32
        %dma_start3A_1322 = tpu.memref_slice %arg7[%dma_start3A_1311, %dma_start3A_1320, %dma_start3A_1321] : memref<2x10x64xi32, #tpu.memory_space<vmem>> -> memref<1x10x64xi32, #tpu.memory_space<vmem>>
        %dma_start3A_1323 = tpu.memref_squeeze %dma_start3A_1322 : memref<1x10x64xi32, #tpu.memory_space<vmem>> -> memref<10x64xi32, #tpu.memory_space<vmem>>
        %dma_start3A_1324 = arith.constant 0 : i32
        %dma_start3A_1325 = arith.constant 0 : i32
        %dma_start3A_1326 = tpu.memref_slice %arg3[%add3A, %add3A_1310, %dma_start3A_1324, %dma_start3A_1325] : memref<32x32x10x64xi32, #tpu.memory_space<hbm>> -> memref<1x1x10x64xi32, #tpu.memory_space<hbm>>
        %dma_start3A_1327 = tpu.memref_squeeze %dma_start3A_1326 : memref<1x1x10x64xi32, #tpu.memory_space<hbm>> -> memref<10x64xi32, #tpu.memory_space<hbm>>
        tpu.enqueue_dma source(%dma_start3A_1327 : memref<10x64xi32, #tpu.memory_space<hbm>>) target(%dma_start3A_1323 : memref<10x64xi32, #tpu.memory_space<vmem>>) target_semaphore(%arg14 : memref<!tpu.dma_semaphore, #tpu.memory_space<semaphore_mem>>)
        %add3A_1328 = arith.constant 2 : i32
        %add3A_1329 = arith.addi %add3A_667, %add3A_1328 : i32
        %dma_start3A_1330 = arith.constant 1 : i32
        %dma_start3A_1331 = arith.constant 0 : i32
        %dma_start3A_1332 = arith.constant 0 : i32
        %dma_start3A_1333 = tpu.memref_slice %arg8[%dma_start3A_1330, %dma_start3A_1331, %dma_start3A_1332] : memref<2x10x64xi32, #tpu.memory_space<vmem>> -> memref<1x10x64xi32, #tpu.memory_space<vmem>>
        %dma_start3A_1334 = tpu.memref_squeeze %dma_start3A_1333 : memref<1x10x64xi32, #tpu.memory_space<vmem>> -> memref<10x64xi32, #tpu.memory_space<vmem>>
        %dma_start3A_1335 = arith.constant 0 : i32
        %dma_start3A_1336 = arith.constant 0 : i32
        %dma_start3A_1337 = tpu.memref_slice %arg4[%arg1, %add3A_1329, %dma_start3A_1335, %dma_start3A_1336] : memref<16x32x10x64xi32, #tpu.memory_space<hbm>> -> memref<1x1x10x64xi32, #tpu.memory_space<hbm>>
        %dma_start3A_1338 = tpu.memref_squeeze %dma_start3A_1337 : memref<1x1x10x64xi32, #tpu.memory_space<hbm>> -> memref<10x64xi32, #tpu.memory_space<hbm>>
        %dma_start3A_1339 = arith.constant 0 : i32
        %dma_start3A_1340 = arith.constant 0 : i32
        %dma_start3A_1341 = tpu.memref_slice %arg8[%dma_start3A_1330, %dma_start3A_1339, %dma_start3A_1340] : memref<2x10x64xi32, #tpu.memory_space<vmem>> -> memref<1x10x64xi32, #tpu.memory_space<vmem>>
        %dma_start3A_1342 = tpu.memref_squeeze %dma_start3A_1341 : memref<1x10x64xi32, #tpu.memory_space<vmem>> -> memref<10x64xi32, #tpu.memory_space<vmem>>
        %dma_start3A_1343 = arith.constant 0 : i32
        %dma_start3A_1344 = arith.constant 0 : i32
        %dma_start3A_1345 = tpu.memref_slice %arg4[%arg1, %add3A_1329, %dma_start3A_1343, %dma_start3A_1344] : memref<16x32x10x64xi32, #tpu.memory_space<hbm>> -> memref<1x1x10x64xi32, #tpu.memory_space<hbm>>
        %dma_start3A_1346 = tpu.memref_squeeze %dma_start3A_1345 : memref<1x1x10x64xi32, #tpu.memory_space<hbm>> -> memref<10x64xi32, #tpu.memory_space<hbm>>
        tpu.enqueue_dma source(%dma_start3A_1346 : memref<10x64xi32, #tpu.memory_space<hbm>>) target(%dma_start3A_1342 : memref<10x64xi32, #tpu.memory_space<vmem>>) target_semaphore(%arg14 : memref<!tpu.dma_semaphore, #tpu.memory_space<semaphore_mem>>)
      } else {
      }
    }
    %scan3A_45 = arith.constant 16 : i32
    %barrier3A_46 = arith.constant 0 : index
    tpu.barrier barrier_id(%barrier3A_46)
    %mul3A_47 = arith.constant 640 : i32
    %mul3A_48 = arith.muli %arg1, %mul3A_47 : i32
    %mul3A_49 = arith.constant 10240 : i32
    %mul3A_50 = arith.muli %arg0, %mul3A_49 : i32
    %mul3A_51 = arith.constant 640 : i32
    %mul3A_52 = arith.muli %arg1, %mul3A_51 : i32
    %add3A_53 = arith.addi %mul3A_50, %mul3A_52 : i32
    "tpu.region"() ({
      %run_scoped3A_54 = tpu.sem_alloc : memref<!tpu.dma_semaphore, #tpu.memory_space<semaphore_mem>>
      %dma_start3A_55 = arith.constant 0 : i32
      %dma_start3A_56 = tpu.memref_slice %arg6[%add3A_53, %dma_start3A_55] : memref<20480x128xf32, #tpu.memory_space<hbm>> -> memref<640x128xf32, #tpu.memory_space<hbm>>
      %dma_start3A_57 = arith.constant 0 : i32
      %dma_start3A_58 = tpu.memref_slice %arg13[%mul3A_48, %dma_start3A_57] : memref<10240x128xf32, #tpu.memory_space<vmem_shared>> -> memref<640x128xf32, #tpu.memory_space<vmem_shared>>
      tpu.enqueue_dma source(%dma_start3A_58 : memref<640x128xf32, #tpu.memory_space<vmem_shared>>) target(%dma_start3A_56 : memref<640x128xf32, #tpu.memory_space<hbm>>) target_semaphore(%run_scoped3A_54 : memref<!tpu.dma_semaphore, #tpu.memory_space<semaphore_mem>>)
      %dma_wait3A = arith.constant 0 : i32
      %dma_wait3A_59 = tpu.memref_slice %arg6[%add3A_53, %dma_wait3A] : memref<20480x128xf32, #tpu.memory_space<hbm>> -> memref<640x128xf32, #tpu.memory_space<hbm>>
      %dma_wait3A_60 = arith.constant 0 : i32
      %dma_wait3A_61 = tpu.memref_slice %arg13[%mul3A_48, %dma_wait3A_60] : memref<10240x128xf32, #tpu.memory_space<vmem_shared>> -> memref<640x128xf32, #tpu.memory_space<vmem_shared>>
      tpu.wait_dma2 semaphore(%run_scoped3A_54 : memref<!tpu.dma_semaphore, #tpu.memory_space<semaphore_mem>>) src(%dma_wait3A_61 : memref<640x128xf32, #tpu.memory_space<vmem_shared>>) dst(%dma_wait3A_59 : memref<640x128xf32, #tpu.memory_space<hbm>>)
      tpu.yield
    }) : () -> ()
    return
  }
}

#map = affine_map<(d0, d1) -> (0, 0)>
#map1 = affine_map<(d0, d1) -> (0, 0, 0)>
module attributes {stable_mosaic.version = 14 : i64} {
  func.func @_sc_deg_perm(%arg0: i32, %arg1: i32, %arg2: memref<10000x128xf32, #tpu.memory_space<hbm>>, %arg3: memref<32x80x128xi32, #tpu.memory_space<hbm>>, %arg4: memref<32x4x80xi32, #tpu.memory_space<hbm>>, %arg5: memref<128x128xf32, #tpu.memory_space<hbm>>, %arg6: memref<640x128xf32, #tpu.memory_space<hbm>>, %arg7: memref<20480x128xf32, #tpu.memory_space<hbm>>, %arg8: memref<10240x128xf32, #tpu.memory_space<hbm>>, %arg9: memref<80x128xi32, #tpu.memory_space<vmem>>, %arg10: memref<128xi32, #tpu.memory_space<vmem>>, %arg11: memref<4x80xi32, #tpu.memory_space<vmem>>, %arg12: memref<128x128xf32, #tpu.memory_space<vmem>>, %arg13: memref<80x128xf32, #tpu.memory_space<vmem>>, %arg14: memref<10240x128xf32, #tpu.memory_space<vmem_shared>>, %arg15: memref<!tpu.dma_semaphore, #tpu.memory_space<semaphore_mem>>) attributes {dimension_semantics = [#tpu.dimension_semantics<core_parallel>, #tpu.dimension_semantics<subcore_parallel>], iteration_bounds = array<i64: 2, 16>, scalar_prefetch = 0 : i64, scratch_operands = 7 : i64, tpu.core_type = #tpu.core_type<sc_vector_subcore>, window_params = [{transform_indices = #map}, {transform_indices = #map1}, {transform_indices = #map1}, {transform_indices = #map}, {transform_indices = #map}, {transform_indices = #map}, {transform_indices = #map}]} {
    %mul3A = arith.constant 16 : i32
    %mul3A_0 = arith.muli %arg0, %mul3A : i32
    %add3A = arith.addi %mul3A_0, %arg1 : i32
    "tpu.region"() ({
      %run_scoped3A = tpu.sem_alloc : memref<!tpu.dma_semaphore, #tpu.memory_space<semaphore_mem>>
      %dma_start3A = arith.constant 0 : i32
      %dma_start3A_22 = arith.constant 0 : i32
      %dma_start3A_23 = tpu.memref_slice %arg3[%add3A, %dma_start3A, %dma_start3A_22] : memref<32x80x128xi32, #tpu.memory_space<hbm>> -> memref<1x80x128xi32, #tpu.memory_space<hbm>>
      %dma_start3A_24 = tpu.memref_squeeze %dma_start3A_23 : memref<1x80x128xi32, #tpu.memory_space<hbm>> -> memref<80x128xi32, #tpu.memory_space<hbm>>
      %dma_start3A_25 = arith.constant 0 : i32
      %dma_start3A_26 = arith.constant 0 : i32
      %dma_start3A_27 = tpu.memref_slice %arg3[%add3A, %dma_start3A_25, %dma_start3A_26] : memref<32x80x128xi32, #tpu.memory_space<hbm>> -> memref<1x80x128xi32, #tpu.memory_space<hbm>>
      %dma_start3A_28 = tpu.memref_squeeze %dma_start3A_27 : memref<1x80x128xi32, #tpu.memory_space<hbm>> -> memref<80x128xi32, #tpu.memory_space<hbm>>
      tpu.enqueue_dma source(%dma_start3A_28 : memref<80x128xi32, #tpu.memory_space<hbm>>) target(%arg9 : memref<80x128xi32, #tpu.memory_space<vmem>>) target_semaphore(%run_scoped3A : memref<!tpu.dma_semaphore, #tpu.memory_space<semaphore_mem>>)
      %dma_wait3A = arith.constant 0 : i32
      %dma_wait3A_29 = arith.constant 0 : i32
      %dma_wait3A_30 = tpu.memref_slice %arg3[%add3A, %dma_wait3A, %dma_wait3A_29] : memref<32x80x128xi32, #tpu.memory_space<hbm>> -> memref<1x80x128xi32, #tpu.memory_space<hbm>>
      %dma_wait3A_31 = tpu.memref_squeeze %dma_wait3A_30 : memref<1x80x128xi32, #tpu.memory_space<hbm>> -> memref<80x128xi32, #tpu.memory_space<hbm>>
      %dma_wait3A_32 = arith.constant 0 : i32
      %dma_wait3A_33 = arith.constant 0 : i32
      %dma_wait3A_34 = tpu.memref_slice %arg3[%add3A, %dma_wait3A_32, %dma_wait3A_33] : memref<32x80x128xi32, #tpu.memory_space<hbm>> -> memref<1x80x128xi32, #tpu.memory_space<hbm>>
      %dma_wait3A_35 = tpu.memref_squeeze %dma_wait3A_34 : memref<1x80x128xi32, #tpu.memory_space<hbm>> -> memref<80x128xi32, #tpu.memory_space<hbm>>
      tpu.wait_dma2 semaphore(%run_scoped3A : memref<!tpu.dma_semaphore, #tpu.memory_space<semaphore_mem>>) src(%dma_wait3A_35 : memref<80x128xi32, #tpu.memory_space<hbm>>) dst(%arg9 : memref<80x128xi32, #tpu.memory_space<vmem>>)
      tpu.yield
    }) : () -> ()
    "tpu.region"() ({
      %run_scoped3A = tpu.sem_alloc : memref<!tpu.dma_semaphore, #tpu.memory_space<semaphore_mem>>
      %dma_start3A = arith.constant 0 : i32
      %dma_start3A_22 = arith.constant 0 : i32
      %dma_start3A_23 = tpu.memref_slice %arg4[%add3A, %dma_start3A, %dma_start3A_22] : memref<32x4x80xi32, #tpu.memory_space<hbm>> -> memref<1x4x80xi32, #tpu.memory_space<hbm>>
      %dma_start3A_24 = tpu.memref_squeeze %dma_start3A_23 : memref<1x4x80xi32, #tpu.memory_space<hbm>> -> memref<4x80xi32, #tpu.memory_space<hbm>>
      %dma_start3A_25 = arith.constant 0 : i32
      %dma_start3A_26 = arith.constant 0 : i32
      %dma_start3A_27 = tpu.memref_slice %arg4[%add3A, %dma_start3A_25, %dma_start3A_26] : memref<32x4x80xi32, #tpu.memory_space<hbm>> -> memref<1x4x80xi32, #tpu.memory_space<hbm>>
      %dma_start3A_28 = tpu.memref_squeeze %dma_start3A_27 : memref<1x4x80xi32, #tpu.memory_space<hbm>> -> memref<4x80xi32, #tpu.memory_space<hbm>>
      tpu.enqueue_dma source(%dma_start3A_28 : memref<4x80xi32, #tpu.memory_space<hbm>>) target(%arg11 : memref<4x80xi32, #tpu.memory_space<vmem>>) target_semaphore(%run_scoped3A : memref<!tpu.dma_semaphore, #tpu.memory_space<semaphore_mem>>)
      %dma_wait3A = arith.constant 0 : i32
      %dma_wait3A_29 = arith.constant 0 : i32
      %dma_wait3A_30 = tpu.memref_slice %arg4[%add3A, %dma_wait3A, %dma_wait3A_29] : memref<32x4x80xi32, #tpu.memory_space<hbm>> -> memref<1x4x80xi32, #tpu.memory_space<hbm>>
      %dma_wait3A_31 = tpu.memref_squeeze %dma_wait3A_30 : memref<1x4x80xi32, #tpu.memory_space<hbm>> -> memref<4x80xi32, #tpu.memory_space<hbm>>
      %dma_wait3A_32 = arith.constant 0 : i32
      %dma_wait3A_33 = arith.constant 0 : i32
      %dma_wait3A_34 = tpu.memref_slice %arg4[%add3A, %dma_wait3A_32, %dma_wait3A_33] : memref<32x4x80xi32, #tpu.memory_space<hbm>> -> memref<1x4x80xi32, #tpu.memory_space<hbm>>
      %dma_wait3A_35 = tpu.memref_squeeze %dma_wait3A_34 : memref<1x4x80xi32, #tpu.memory_space<hbm>> -> memref<4x80xi32, #tpu.memory_space<hbm>>
      tpu.wait_dma2 semaphore(%run_scoped3A : memref<!tpu.dma_semaphore, #tpu.memory_space<semaphore_mem>>) src(%dma_wait3A_35 : memref<4x80xi32, #tpu.memory_space<hbm>>) dst(%arg11 : memref<4x80xi32, #tpu.memory_space<vmem>>)
      tpu.yield
    }) : () -> ()
    "tpu.region"() ({
      %run_scoped3A = tpu.sem_alloc : memref<!tpu.dma_semaphore, #tpu.memory_space<semaphore_mem>>
      tpu.enqueue_dma source(%arg5 : memref<128x128xf32, #tpu.memory_space<hbm>>) target(%arg12 : memref<128x128xf32, #tpu.memory_space<vmem>>) target_semaphore(%run_scoped3A : memref<!tpu.dma_semaphore, #tpu.memory_space<semaphore_mem>>)
      tpu.wait_dma2 semaphore(%run_scoped3A : memref<!tpu.dma_semaphore, #tpu.memory_space<semaphore_mem>>) src(%arg5 : memref<128x128xf32, #tpu.memory_space<hbm>>) dst(%arg12 : memref<128x128xf32, #tpu.memory_space<vmem>>)
      tpu.yield
    }) : () -> ()
    %mul3A_1 = arith.constant 640 : i32
    %mul3A_2 = arith.muli %arg1, %mul3A_1 : i32
    "tpu.region"() ({
      %run_scoped3A = tpu.sem_alloc : memref<!tpu.dma_semaphore, #tpu.memory_space<semaphore_mem>>
      %dma_start3A = arith.constant 0 : i32
      %dma_start3A_22 = tpu.memref_slice %arg14[%mul3A_2, %dma_start3A] : memref<10240x128xf32, #tpu.memory_space<vmem_shared>> -> memref<640x128xf32, #tpu.memory_space<vmem_shared>>
      tpu.enqueue_dma source(%arg6 : memref<640x128xf32, #tpu.memory_space<hbm>>) target(%dma_start3A_22 : memref<640x128xf32, #tpu.memory_space<vmem_shared>>) target_semaphore(%run_scoped3A : memref<!tpu.dma_semaphore, #tpu.memory_space<semaphore_mem>>)
      %dma_wait3A = arith.constant 0 : i32
      %dma_wait3A_23 = tpu.memref_slice %arg14[%mul3A_2, %dma_wait3A] : memref<10240x128xf32, #tpu.memory_space<vmem_shared>> -> memref<640x128xf32, #tpu.memory_space<vmem_shared>>
      tpu.wait_dma2 semaphore(%run_scoped3A : memref<!tpu.dma_semaphore, #tpu.memory_space<semaphore_mem>>) src(%arg6 : memref<640x128xf32, #tpu.memory_space<hbm>>) dst(%dma_wait3A_23 : memref<640x128xf32, #tpu.memory_space<vmem_shared>>)
      tpu.yield
    }) : () -> ()
    %barrier3A = arith.constant 0 : index
    tpu.barrier barrier_id(%barrier3A)
    %scan3A = arith.constant 0 : i32
    %scan3A_3 = arith.constant 0 : i32
    %scan3A_4 = arith.constant 80 : i32
    %scan3A_5 = arith.addi %scan3A_3, %scan3A_4 : i32
    %scan3A_6 = arith.constant 1 : i32
    scf.for %scan3A_22 = %scan3A_3 to %scan3A_5 step %scan3A_6  : i32 {
      %get3A = arith.index_cast %scan3A_22 : i32 to index
      %get3A_23 = arith.constant 0 : index
      %get3A_24 = tpu.vector_load %arg9[%get3A, %get3A_23] {strides = array<i32>} : memref<80x128xi32, #tpu.memory_space<vmem>>, vector<1x16xi32>,
      %get3A_25 = vector.shape_cast %get3A_24 : vector<1x16xi32> to vector<16xi32>
      %swap3A = arith.constant 0 : index
      %swap3A_26 = tpu.vector_load %arg10[%swap3A] {strides = array<i32>} : memref<128xi32, #tpu.memory_space<vmem>>, vector<16xi32>,
      %swap3A_27 = vector.shape_cast %swap3A_26 : vector<16xi32> to vector<16xi32>
      %swap3A_28 = vector.shape_cast %get3A_25 : vector<16xi32> to vector<16xi32>
      tpu.vector_store %arg10[%swap3A], %swap3A_28 {strides = array<i32>} : memref<128xi32, #tpu.memory_space<vmem>>, vector<16xi32>,
      %get3A_29 = arith.index_cast %scan3A_22 : i32 to index
      %get3A_30 = arith.constant 16 : index
      %get3A_31 = tpu.vector_load %arg9[%get3A_29, %get3A_30] {strides = array<i32>} : memref<80x128xi32, #tpu.memory_space<vmem>>, vector<1x16xi32>,
      %get3A_32 = vector.shape_cast %get3A_31 : vector<1x16xi32> to vector<16xi32>
      %swap3A_33 = arith.constant 16 : index
      %swap3A_34 = tpu.vector_load %arg10[%swap3A_33] {strides = array<i32>} : memref<128xi32, #tpu.memory_space<vmem>>, vector<16xi32>,
      %swap3A_35 = vector.shape_cast %swap3A_34 : vector<16xi32> to vector<16xi32>
      %swap3A_36 = vector.shape_cast %get3A_32 : vector<16xi32> to vector<16xi32>
      tpu.vector_store %arg10[%swap3A_33], %swap3A_36 {strides = array<i32>} : memref<128xi32, #tpu.memory_space<vmem>>, vector<16xi32>,
      %get3A_37 = arith.index_cast %scan3A_22 : i32 to index
      %get3A_38 = arith.constant 32 : index
      %get3A_39 = tpu.vector_load %arg9[%get3A_37, %get3A_38] {strides = array<i32>} : memref<80x128xi32, #tpu.memory_space<vmem>>, vector<1x16xi32>,
      %get3A_40 = vector.shape_cast %get3A_39 : vector<1x16xi32> to vector<16xi32>
      %swap3A_41 = arith.constant 32 : index
      %swap3A_42 = tpu.vector_load %arg10[%swap3A_41] {strides = array<i32>} : memref<128xi32, #tpu.memory_space<vmem>>, vector<16xi32>,
      %swap3A_43 = vector.shape_cast %swap3A_42 : vector<16xi32> to vector<16xi32>
      %swap3A_44 = vector.shape_cast %get3A_40 : vector<16xi32> to vector<16xi32>
      tpu.vector_store %arg10[%swap3A_41], %swap3A_44 {strides = array<i32>} : memref<128xi32, #tpu.memory_space<vmem>>, vector<16xi32>,
      %get3A_45 = arith.index_cast %scan3A_22 : i32 to index
      %get3A_46 = arith.constant 48 : index
      %get3A_47 = tpu.vector_load %arg9[%get3A_45, %get3A_46] {strides = array<i32>} : memref<80x128xi32, #tpu.memory_space<vmem>>, vector<1x16xi32>,
      %get3A_48 = vector.shape_cast %get3A_47 : vector<1x16xi32> to vector<16xi32>
      %swap3A_49 = arith.constant 48 : index
      %swap3A_50 = tpu.vector_load %arg10[%swap3A_49] {strides = array<i32>} : memref<128xi32, #tpu.memory_space<vmem>>, vector<16xi32>,
      %swap3A_51 = vector.shape_cast %swap3A_50 : vector<16xi32> to vector<16xi32>
      %swap3A_52 = vector.shape_cast %get3A_48 : vector<16xi32> to vector<16xi32>
      tpu.vector_store %arg10[%swap3A_49], %swap3A_52 {strides = array<i32>} : memref<128xi32, #tpu.memory_space<vmem>>, vector<16xi32>,
      %get3A_53 = arith.index_cast %scan3A_22 : i32 to index
      %get3A_54 = arith.constant 64 : index
      %get3A_55 = tpu.vector_load %arg9[%get3A_53, %get3A_54] {strides = array<i32>} : memref<80x128xi32, #tpu.memory_space<vmem>>, vector<1x16xi32>,
      %get3A_56 = vector.shape_cast %get3A_55 : vector<1x16xi32> to vector<16xi32>
      %swap3A_57 = arith.constant 64 : index
      %swap3A_58 = tpu.vector_load %arg10[%swap3A_57] {strides = array<i32>} : memref<128xi32, #tpu.memory_space<vmem>>, vector<16xi32>,
      %swap3A_59 = vector.shape_cast %swap3A_58 : vector<16xi32> to vector<16xi32>
      %swap3A_60 = vector.shape_cast %get3A_56 : vector<16xi32> to vector<16xi32>
      tpu.vector_store %arg10[%swap3A_57], %swap3A_60 {strides = array<i32>} : memref<128xi32, #tpu.memory_space<vmem>>, vector<16xi32>,
      %get3A_61 = arith.index_cast %scan3A_22 : i32 to index
      %get3A_62 = arith.constant 80 : index
      %get3A_63 = tpu.vector_load %arg9[%get3A_61, %get3A_62] {strides = array<i32>} : memref<80x128xi32, #tpu.memory_space<vmem>>, vector<1x16xi32>,
      %get3A_64 = vector.shape_cast %get3A_63 : vector<1x16xi32> to vector<16xi32>
      %swap3A_65 = arith.constant 80 : index
      %swap3A_66 = tpu.vector_load %arg10[%swap3A_65] {strides = array<i32>} : memref<128xi32, #tpu.memory_space<vmem>>, vector<16xi32>,
      %swap3A_67 = vector.shape_cast %swap3A_66 : vector<16xi32> to vector<16xi32>
      %swap3A_68 = vector.shape_cast %get3A_64 : vector<16xi32> to vector<16xi32>
      tpu.vector_store %arg10[%swap3A_65], %swap3A_68 {strides = array<i32>} : memref<128xi32, #tpu.memory_space<vmem>>, vector<16xi32>,
      %get3A_69 = arith.index_cast %scan3A_22 : i32 to index
      %get3A_70 = arith.constant 96 : index
      %get3A_71 = tpu.vector_load %arg9[%get3A_69, %get3A_70] {strides = array<i32>} : memref<80x128xi32, #tpu.memory_space<vmem>>, vector<1x16xi32>,
      %get3A_72 = vector.shape_cast %get3A_71 : vector<1x16xi32> to vector<16xi32>
      %swap3A_73 = arith.constant 96 : index
      %swap3A_74 = tpu.vector_load %arg10[%swap3A_73] {strides = array<i32>} : memref<128xi32, #tpu.memory_space<vmem>>, vector<16xi32>,
      %swap3A_75 = vector.shape_cast %swap3A_74 : vector<16xi32> to vector<16xi32>
      %swap3A_76 = vector.shape_cast %get3A_72 : vector<16xi32> to vector<16xi32>
      tpu.vector_store %arg10[%swap3A_73], %swap3A_76 {strides = array<i32>} : memref<128xi32, #tpu.memory_space<vmem>>, vector<16xi32>,
      %get3A_77 = arith.index_cast %scan3A_22 : i32 to index
      %get3A_78 = arith.constant 112 : index
      %get3A_79 = tpu.vector_load %arg9[%get3A_77, %get3A_78] {strides = array<i32>} : memref<80x128xi32, #tpu.memory_space<vmem>>, vector<1x16xi32>,
      %get3A_80 = vector.shape_cast %get3A_79 : vector<1x16xi32> to vector<16xi32>
      %swap3A_81 = arith.constant 112 : index
      %swap3A_82 = tpu.vector_load %arg10[%swap3A_81] {strides = array<i32>} : memref<128xi32, #tpu.memory_space<vmem>>, vector<16xi32>,
      %swap3A_83 = vector.shape_cast %swap3A_82 : vector<16xi32> to vector<16xi32>
      %swap3A_84 = vector.shape_cast %get3A_80 : vector<16xi32> to vector<16xi32>
      tpu.vector_store %arg10[%swap3A_81], %swap3A_84 {strides = array<i32>} : memref<128xi32, #tpu.memory_space<vmem>>, vector<16xi32>,
      "tpu.region"() ({
        %run_scoped3A = tpu.sem_alloc : memref<!tpu.dma_semaphore, #tpu.memory_space<semaphore_mem>>
        %dma_start3A = arith.constant 0 : i32
        %dma_start3A_85 = arith.constant 0 : i32
        %dma_start3A_86 = tpu.memref_slice %arg14[%dma_start3A, %dma_start3A_85] : memref<10240x128xf32, #tpu.memory_space<vmem_shared>> -> memref<10240x128xf32, #tpu.memory_space<vmem_shared>>
        tpu.enqueue_indirect_dma source(%arg12 : memref<128x128xf32, #tpu.memory_space<vmem>>) target(%dma_start3A_86 : memref<10240x128xf32, #tpu.memory_space<vmem_shared>>) offsets(%arg10 : memref<128xi32, #tpu.memory_space<vmem>>) semaphore(%run_scoped3A : memref<!tpu.dma_semaphore, #tpu.memory_space<semaphore_mem>>) {add = true}
        %dma_wait3A = arith.constant 0 : i32
        %dma_wait3A_87 = arith.constant 0 : i32
        %dma_wait3A_88 = tpu.memref_slice %arg14[%dma_wait3A, %dma_wait3A_87] : memref<10240x128xf32, #tpu.memory_space<vmem_shared>> -> memref<10240x128xf32, #tpu.memory_space<vmem_shared>>
        tpu.wait_indirect_dma semaphore(%run_scoped3A : memref<!tpu.dma_semaphore, #tpu.memory_space<semaphore_mem>>) src(%arg12 : memref<128x128xf32, #tpu.memory_space<vmem>>) dst(%dma_wait3A_88 : memref<10240x128xf32, #tpu.memory_space<vmem_shared>>)
        tpu.yield
      }) : () -> ()
    }
    %scan3A_7 = arith.constant 80 : i32
    %scan3A_8 = arith.constant 0 : i32
    %scan3A_9 = arith.constant 0 : i32
    %scan3A_10 = arith.constant 4 : i32
    %scan3A_11 = arith.addi %scan3A_9, %scan3A_10 : i32
    %scan3A_12 = arith.constant 1 : i32
    scf.for %scan3A_22 = %scan3A_9 to %scan3A_11 step %scan3A_12  : i32 {
      %dma_start3A = arith.constant 0 : i32
      %dma_start3A_23 = tpu.memref_slice %arg11[%scan3A_22, %dma_start3A] : memref<4x80xi32, #tpu.memory_space<vmem>> -> memref<1x80xi32, #tpu.memory_space<vmem>>
      %dma_start3A_24 = tpu.memref_squeeze %dma_start3A_23 : memref<1x80xi32, #tpu.memory_space<vmem>> -> memref<80xi32, #tpu.memory_space<vmem>>
      %dma_start3A_25 = arith.constant 0 : i32
      %dma_start3A_26 = arith.constant 0 : i32
      %dma_start3A_27 = tpu.memref_slice %arg2[%dma_start3A_25, %dma_start3A_26] : memref<10000x128xf32, #tpu.memory_space<hbm>> -> memref<10000x128xf32, #tpu.memory_space<hbm>>
      tpu.enqueue_indirect_dma source(%dma_start3A_27 : memref<10000x128xf32, #tpu.memory_space<hbm>>) target(%arg13 : memref<80x128xf32, #tpu.memory_space<vmem>>) offsets(%dma_start3A_24 : memref<80xi32, #tpu.memory_space<vmem>>) semaphore(%arg15 : memref<!tpu.dma_semaphore, #tpu.memory_space<semaphore_mem>>)
      %dma_wait3A = arith.constant 0 : i32
      %dma_wait3A_28 = tpu.memref_slice %arg11[%scan3A_22, %dma_wait3A] : memref<4x80xi32, #tpu.memory_space<vmem>> -> memref<1x80xi32, #tpu.memory_space<vmem>>
      %dma_wait3A_29 = tpu.memref_squeeze %dma_wait3A_28 : memref<1x80xi32, #tpu.memory_space<vmem>> -> memref<80xi32, #tpu.memory_space<vmem>>
      %dma_wait3A_30 = arith.constant 0 : i32
      %dma_wait3A_31 = arith.constant 0 : i32
      %dma_wait3A_32 = tpu.memref_slice %arg2[%dma_wait3A_30, %dma_wait3A_31] : memref<10000x128xf32, #tpu.memory_space<hbm>> -> memref<10000x128xf32, #tpu.memory_space<hbm>>
      tpu.wait_indirect_dma semaphore(%arg15 : memref<!tpu.dma_semaphore, #tpu.memory_space<semaphore_mem>>) src(%dma_wait3A_32 : memref<10000x128xf32, #tpu.memory_space<hbm>>) dst(%arg13 : memref<80x128xf32, #tpu.memory_space<vmem>>)
      %mul3A_33 = arith.constant 320 : i32
      %mul3A_34 = arith.muli %add3A, %mul3A_33 : i32
      %mul3A_35 = arith.constant 80 : i32
      %mul3A_36 = arith.muli %scan3A_22, %mul3A_35 : i32
      %add3A_37 = arith.addi %mul3A_34, %mul3A_36 : i32
      "tpu.region"() ({
        %run_scoped3A = tpu.sem_alloc : memref<!tpu.dma_semaphore, #tpu.memory_space<semaphore_mem>>
        %dma_start3A_38 = arith.constant 0 : i32
        %dma_start3A_39 = tpu.memref_slice %arg8[%add3A_37, %dma_start3A_38] : memref<10240x128xf32, #tpu.memory_space<hbm>> -> memref<80x128xf32, #tpu.memory_space<hbm>>
        %dma_start3A_40 = arith.constant 0 : i32
        %dma_start3A_41 = tpu.memref_slice %arg8[%add3A_37, %dma_start3A_40] : memref<10240x128xf32, #tpu.memory_space<hbm>> -> memref<80x128xf32, #tpu.memory_space<hbm>>
        tpu.enqueue_dma source(%arg13 : memref<80x128xf32, #tpu.memory_space<vmem>>) target(%dma_start3A_41 : memref<80x128xf32, #tpu.memory_space<hbm>>) target_semaphore(%run_scoped3A : memref<!tpu.dma_semaphore, #tpu.memory_space<semaphore_mem>>)
        %dma_wait3A_42 = arith.constant 0 : i32
        %dma_wait3A_43 = tpu.memref_slice %arg8[%add3A_37, %dma_wait3A_42] : memref<10240x128xf32, #tpu.memory_space<hbm>> -> memref<80x128xf32, #tpu.memory_space<hbm>>
        %dma_wait3A_44 = arith.constant 0 : i32
        %dma_wait3A_45 = tpu.memref_slice %arg8[%add3A_37, %dma_wait3A_44] : memref<10240x128xf32, #tpu.memory_space<hbm>> -> memref<80x128xf32, #tpu.memory_space<hbm>>
        tpu.wait_dma2 semaphore(%run_scoped3A : memref<!tpu.dma_semaphore, #tpu.memory_space<semaphore_mem>>) src(%arg13 : memref<80x128xf32, #tpu.memory_space<vmem>>) dst(%dma_wait3A_45 : memref<80x128xf32, #tpu.memory_space<hbm>>)
        tpu.yield
      }) : () -> ()
    }
    %scan3A_13 = arith.constant 4 : i32
    %barrier3A_14 = arith.constant 0 : index
    tpu.barrier barrier_id(%barrier3A_14)
    %mul3A_15 = arith.constant 640 : i32
    %mul3A_16 = arith.muli %arg1, %mul3A_15 : i32
    %mul3A_17 = arith.constant 10240 : i32
    %mul3A_18 = arith.muli %arg0, %mul3A_17 : i32
    %mul3A_19 = arith.constant 640 : i32
    %mul3A_20 = arith.muli %arg1, %mul3A_19 : i32
    %add3A_21 = arith.addi %mul3A_18, %mul3A_20 : i32
    "tpu.region"() ({
      %run_scoped3A = tpu.sem_alloc : memref<!tpu.dma_semaphore, #tpu.memory_space<semaphore_mem>>
      %dma_start3A = arith.constant 0 : i32
      %dma_start3A_22 = tpu.memref_slice %arg7[%add3A_21, %dma_start3A] : memref<20480x128xf32, #tpu.memory_space<hbm>> -> memref<640x128xf32, #tpu.memory_space<hbm>>
      %dma_start3A_23 = arith.constant 0 : i32
      %dma_start3A_24 = tpu.memref_slice %arg14[%mul3A_16, %dma_start3A_23] : memref<10240x128xf32, #tpu.memory_space<vmem_shared>> -> memref<640x128xf32, #tpu.memory_space<vmem_shared>>
      tpu.enqueue_dma source(%dma_start3A_24 : memref<640x128xf32, #tpu.memory_space<vmem_shared>>) target(%dma_start3A_22 : memref<640x128xf32, #tpu.memory_space<hbm>>) target_semaphore(%run_scoped3A : memref<!tpu.dma_semaphore, #tpu.memory_space<semaphore_mem>>)
      %dma_wait3A = arith.constant 0 : i32
      %dma_wait3A_25 = tpu.memref_slice %arg7[%add3A_21, %dma_wait3A] : memref<20480x128xf32, #tpu.memory_space<hbm>> -> memref<640x128xf32, #tpu.memory_space<hbm>>
      %dma_wait3A_26 = arith.constant 0 : i32
      %dma_wait3A_27 = tpu.memref_slice %arg14[%mul3A_16, %dma_wait3A_26] : memref<10240x128xf32, #tpu.memory_space<vmem_shared>> -> memref<640x128xf32, #tpu.memory_space<vmem_shared>>
      tpu.wait_dma2 semaphore(%run_scoped3A : memref<!tpu.dma_semaphore, #tpu.memory_space<semaphore_mem>>) src(%dma_wait3A_27 : memref<640x128xf32, #tpu.memory_space<vmem_shared>>) dst(%dma_wait3A_25 : memref<640x128xf32, #tpu.memory_space<hbm>>)
      tpu.yield
    }) : () -> ()
    return
  }
}

module attributes {stable_mosaic.version = 14 : i64} {
  func.func @_mm_body(%arg0: memref<10000x128xf32, #tpu.memory_space<vmem>>, %arg1: memref<128x128xf32, #tpu.memory_space<vmem>>, %arg2: memref<10000x128xf32, #tpu.memory_space<vmem>>) attributes {dimension_semantics = [], scalar_prefetch = 0 : i64, scratch_operands = 0 : i64, tpu.core_type = #tpu.core_type<tc>} {
    %get3A = arith.constant 0 : index
    %get3A_0 = arith.constant 0 : index
    %get3A_1 = vector.load %arg0[%get3A, %get3A_0] : memref<10000x128xf32, #tpu.memory_space<vmem>>, vector<10000x128xf32>
    %get3A_2 = arith.constant 0 : index
    %get3A_3 = arith.constant 0 : index
    %get3A_4 = vector.load %arg1[%get3A_2, %get3A_3] : memref<128x128xf32, #tpu.memory_space<vmem>>, vector<128x128xf32>
    %dot_general3A = arith.constant dense<0.000000e+00> : vector<10000x128xf32>
    %dot_general3A_5 = tpu.matmul %get3A_1, %get3A_4, %dot_general3A {dimension_numbers = #tpu.dot_dimension_numbers<[1], [0], [0], [1], [0, 0, 1, 1], [], []>, transpose_lhs_hint = false} : vector<10000x128xf32>, vector<128x128xf32>, vector<10000x128xf32> -> vector<10000x128xf32>
    %swap3A = arith.constant 0 : index
    %swap3A_6 = arith.constant 0 : index
    %swap3A_7 = vector.load %arg2[%swap3A, %swap3A_6] : memref<10000x128xf32, #tpu.memory_space<vmem>>, vector<10000x128xf32>
    tpu.vector_store %arg2[%swap3A, %swap3A_6], %dot_general3A_5 {strides = array<i32>} : memref<10000x128xf32, #tpu.memory_space<vmem>>, vector<10000x128xf32>,
    return
  }
}

module attributes {stable_mosaic.version = 14 : i64} {
  func.func @_tables_body(%arg0: memref<20480x128xf32, #tpu.memory_space<vmem>>, %arg1: memref<10000x128xf32, #tpu.memory_space<vmem>>, %arg2: memref<10240x128xf32, #tpu.memory_space<vmem>>, %arg3: memref<20480x128xf32, #tpu.memory_space<vmem>>) attributes {dimension_semantics = [], scalar_prefetch = 0 : i64, scratch_operands = 0 : i64, tpu.core_type = #tpu.core_type<tc>} {
    %get3A = arith.constant 0 : index
    %get3A_0 = arith.constant 0 : index
    %get3A_1 = vector.load %arg0[%get3A, %get3A_0] : memref<20480x128xf32, #tpu.memory_space<vmem>>, vector<10240x1xf32>
    %get3A_2 = arith.constant 10240 : index
    %get3A_3 = arith.constant 0 : index
    %get3A_4 = vector.load %arg0[%get3A_2, %get3A_3] : memref<20480x128xf32, #tpu.memory_space<vmem>>, vector<10240x1xf32>
    %add3A = arith.addf %get3A_1, %get3A_4 : vector<10240x1xf32>
    %add3A_5 = arith.constant 1.000000e+00 : f32
    %add3A_6 = vector.broadcast %add3A_5 : f32 to vector<10240x1xf32>
    %add3A_7 = arith.addf %add3A, %add3A_6 : vector<10240x1xf32>
    %max3A = arith.constant 9.99999996E-13 : f32
    %max3A_8 = vector.broadcast %max3A : f32 to vector<10240x1xf32>
    %max3A_9 = arith.maximumf %add3A_7, %max3A_8 : vector<10240x1xf32>
    %rsqrt3A = math.rsqrt %max3A_9 : vector<10240x1xf32>
    %iota3A = tpu.iota {dimensions = array<i32: 0>} : vector<10240x1xi32>
    %lt3A = arith.constant 10000 : i32
    %lt3A_10 = vector.broadcast %lt3A : i32 to vector<10240x1xi32>
    %lt3A_11 = arith.cmpi slt, %iota3A, %lt3A_10 : vector<10240x1xi32>
    %jit3A = arith.constant 0.000000e+00 : f32
    %broadcast_in_dim3A = vector.broadcast %jit3A : f32 to vector<10240x1xf32>
    %select_n3A = arith.select %lt3A_11, %rsqrt3A, %broadcast_in_dim3A : vector<10240x1xi1>, vector<10240x1xf32>
    %get3A_12 = arith.constant 0 : index
    %get3A_13 = arith.constant 0 : index
    %get3A_14 = vector.load %arg1[%get3A_12, %get3A_13] : memref<10000x128xf32, #tpu.memory_space<vmem>>, vector<10000x128xf32>
    %slice3A = vector.extract_strided_slice %rsqrt3A {offsets = [0, 0], sizes = [10000, 1], strides = [1, 1]} : vector<10240x1xf32> to vector<10000x1xf32>
    %mul3A = vector.broadcast %slice3A : vector<10000x1xf32> to vector<10000x128xf32>
    %mul3A_15 = arith.mulf %get3A_14, %mul3A : vector<10000x128xf32>
    %swap3A = arith.constant 0 : index
    %swap3A_16 = arith.constant 0 : index
    %swap3A_17 = vector.load %arg3[%swap3A, %swap3A_16] : memref<20480x128xf32, #tpu.memory_space<vmem>>, vector<10000x128xf32>
    tpu.vector_store %arg3[%swap3A, %swap3A_16], %mul3A_15 {strides = array<i32>} : memref<20480x128xf32, #tpu.memory_space<vmem>>, vector<10000x128xf32>,
    %broadcast_in_dim3A_18 = arith.constant 0.000000e+00 : f32
    %broadcast_in_dim3A_19 = vector.broadcast %broadcast_in_dim3A_18 : f32 to vector<240x128xf32>
    %swap3A_20 = arith.constant 10000 : index
    %swap3A_21 = arith.constant 0 : index
    %swap3A_22 = vector.load %arg3[%swap3A_20, %swap3A_21] : memref<20480x128xf32, #tpu.memory_space<vmem>>, vector<240x128xf32>
    tpu.vector_store %arg3[%swap3A_20, %swap3A_21], %broadcast_in_dim3A_19 {strides = array<i32>} : memref<20480x128xf32, #tpu.memory_space<vmem>>, vector<240x128xf32>,
    %get3A_23 = arith.constant 0 : index
    %get3A_24 = arith.constant 0 : index
    %get3A_25 = vector.load %arg2[%get3A_23, %get3A_24] : memref<10240x128xf32, #tpu.memory_space<vmem>>, vector<10240x128xf32>
    %mul3A_26 = vector.broadcast %select_n3A : vector<10240x1xf32> to vector<10240x128xf32>
    %mul3A_27 = arith.mulf %get3A_25, %mul3A_26 : vector<10240x128xf32>
    %swap3A_28 = arith.constant 10240 : index
    %swap3A_29 = arith.constant 0 : index
    %swap3A_30 = vector.load %arg3[%swap3A_28, %swap3A_29] : memref<20480x128xf32, #tpu.memory_space<vmem>>, vector<10240x128xf32>
    tpu.vector_store %arg3[%swap3A_28, %swap3A_29], %mul3A_27 {strides = array<i32>} : memref<20480x128xf32, #tpu.memory_space<vmem>>, vector<10240x128xf32>,
    return
  }
}

module attributes {stable_mosaic.version = 14 : i64} {
  func.func @_final_body(%arg0: memref<20480x128xf32, #tpu.memory_space<vmem>>, %arg1: memref<20480x128xf32, #tpu.memory_space<vmem>>, %arg2: memref<20480x128xf32, #tpu.memory_space<vmem>>, %arg3: memref<1x128xf32, #tpu.memory_space<vmem>>, %arg4: memref<10000x128xf32, #tpu.memory_space<vmem>>, %arg5: memref<10000x128xf32, #tpu.memory_space<vmem>>, %arg6: memref<1x128xf32, #tpu.memory_space<vmem>>) attributes {dimension_semantics = [], scalar_prefetch = 0 : i64, scratch_operands = 0 : i64, tpu.core_type = #tpu.core_type<tc>} {
    %get3A = arith.constant 0 : index
    %get3A_0 = arith.constant 0 : index
    %get3A_1 = vector.load %arg2[%get3A, %get3A_0] : memref<20480x128xf32, #tpu.memory_space<vmem>>, vector<10240x1xf32>
    %get3A_2 = arith.constant 10240 : index
    %get3A_3 = arith.constant 0 : index
    %get3A_4 = vector.load %arg2[%get3A_2, %get3A_3] : memref<20480x128xf32, #tpu.memory_space<vmem>>, vector<10240x1xf32>
    %add3A = arith.addf %get3A_1, %get3A_4 : vector<10240x1xf32>
    %add3A_5 = arith.constant 1.000000e+00 : f32
    %add3A_6 = vector.broadcast %add3A_5 : f32 to vector<10240x1xf32>
    %add3A_7 = arith.addf %add3A, %add3A_6 : vector<10240x1xf32>
    %slice3A = vector.extract_strided_slice %add3A_7 {offsets = [0, 0], sizes = [10000, 1], strides = [1, 1]} : vector<10240x1xf32> to vector<10000x1xf32>
    %max3A = arith.constant 9.99999996E-13 : f32
    %max3A_8 = vector.broadcast %max3A : f32 to vector<10000x1xf32>
    %max3A_9 = arith.maximumf %slice3A, %max3A_8 : vector<10000x1xf32>
    %rsqrt3A = math.rsqrt %max3A_9 : vector<10000x1xf32>
    %get3A_10 = arith.constant 0 : index
    %get3A_11 = arith.constant 0 : index
    %get3A_12 = vector.load %arg3[%get3A_10, %get3A_11] : memref<1x128xf32, #tpu.memory_space<vmem>>, vector<1x128xf32>
    %get3A_13 = arith.constant 0 : index
    %get3A_14 = arith.constant 0 : index
    %get3A_15 = vector.load %arg0[%get3A_13, %get3A_14] : memref<20480x128xf32, #tpu.memory_space<vmem>>, vector<10000x128xf32>
    %get3A_16 = arith.constant 0 : index
    %get3A_17 = arith.constant 0 : index
    %get3A_18 = vector.load %arg1[%get3A_16, %get3A_17] : memref<20480x128xf32, #tpu.memory_space<vmem>>, vector<10000x128xf32>
    %add3A_19 = arith.addf %get3A_15, %get3A_18 : vector<10000x128xf32>
    %mul3A = vector.broadcast %rsqrt3A : vector<10000x1xf32> to vector<10000x128xf32>
    %mul3A_20 = arith.mulf %mul3A, %add3A_19 : vector<10000x128xf32>
    %add3A_21 = vector.broadcast %get3A_12 : vector<1x128xf32> to vector<10000x128xf32>
    %add3A_22 = arith.addf %mul3A_20, %add3A_21 : vector<10000x128xf32>
    %max3A_23 = arith.constant 0.000000e+00 : f32
    %max3A_24 = vector.broadcast %max3A_23 : f32 to vector<10000x128xf32>
    %max3A_25 = arith.maximumf %add3A_22, %max3A_24 : vector<10000x128xf32>
    %get3A_26 = arith.constant 10240 : index
    %get3A_27 = arith.constant 0 : index
    %get3A_28 = vector.load %arg0[%get3A_26, %get3A_27] : memref<20480x128xf32, #tpu.memory_space<vmem>>, vector<10000x128xf32>
    %get3A_29 = arith.constant 10240 : index
    %get3A_30 = arith.constant 0 : index
    %get3A_31 = vector.load %arg1[%get3A_29, %get3A_30] : memref<20480x128xf32, #tpu.memory_space<vmem>>, vector<10000x128xf32>
    %add3A_32 = arith.addf %get3A_28, %get3A_31 : vector<10000x128xf32>
    %mul3A_33 = vector.broadcast %rsqrt3A : vector<10000x1xf32> to vector<10000x128xf32>
    %mul3A_34 = arith.mulf %mul3A_33, %add3A_32 : vector<10000x128xf32>
    %add3A_35 = vector.broadcast %get3A_12 : vector<1x128xf32> to vector<10000x128xf32>
    %add3A_36 = arith.addf %mul3A_34, %add3A_35 : vector<10000x128xf32>
    %max3A_37 = arith.constant 0.000000e+00 : f32
    %max3A_38 = vector.broadcast %max3A_37 : f32 to vector<10000x128xf32>
    %max3A_39 = arith.maximumf %add3A_36, %max3A_38 : vector<10000x128xf32>
    %swap3A = arith.constant 0 : index
    %swap3A_40 = arith.constant 0 : index
    %swap3A_41 = vector.load %arg4[%swap3A, %swap3A_40] : memref<10000x128xf32, #tpu.memory_space<vmem>>, vector<10000x128xf32>
    tpu.vector_store %arg4[%swap3A, %swap3A_40], %max3A_25 {strides = array<i32>} : memref<10000x128xf32, #tpu.memory_space<vmem>>, vector<10000x128xf32>,
    %swap3A_42 = arith.constant 0 : index
    %swap3A_43 = arith.constant 0 : index
    %swap3A_44 = vector.load %arg5[%swap3A_42, %swap3A_43] : memref<10000x128xf32, #tpu.memory_space<vmem>>, vector<10000x128xf32>
    tpu.vector_store %arg5[%swap3A_42, %swap3A_43], %max3A_39 {strides = array<i32>} : memref<10000x128xf32, #tpu.memory_space<vmem>>, vector<10000x128xf32>,
    %reduce_sum3A = arith.constant dense<0.000000e+00> : vector<128xf32>
    %reduce_sum3A_45 = vector.multi_reduction <add>, %max3A_25, %reduce_sum3A [0] : vector<10000x128xf32> to vector<128xf32>
    %broadcast_in_dim3A = vector.shape_cast %reduce_sum3A_45 : vector<128xf32> to vector<1x128xf32>
    %div3A = arith.constant 1.000000e+04 : f32
    %div3A_46 = vector.broadcast %div3A : f32 to vector<1x128xf32>
    %div3A_47 = arith.divf %broadcast_in_dim3A, %div3A_46 : vector<1x128xf32>
    %neg3A = arith.constant 0.000000e+00 : f32
    %neg3A_48 = vector.broadcast %neg3A : f32 to vector<1x128xf32>
    %neg3A_49 = arith.subf %neg3A_48, %div3A_47 : vector<1x128xf32>
    %exp3A = math.exp %neg3A_49 : vector<1x128xf32>
    %add3A_50 = arith.constant 1.000000e+00 : f32
    %add3A_51 = vector.broadcast %add3A_50 : f32 to vector<1x128xf32>
    %add3A_52 = arith.addf %add3A_51, %exp3A : vector<1x128xf32>
    %div3A_53 = arith.constant 1.000000e+00 : f32
    %div3A_54 = vector.broadcast %div3A_53 : f32 to vector<1x128xf32>
    %div3A_55 = arith.divf %div3A_54, %add3A_52 : vector<1x128xf32>
    %swap3A_56 = arith.constant 0 : index
    %swap3A_57 = arith.constant 0 : index
    %swap3A_58 = vector.load %arg6[%swap3A_56, %swap3A_57] : memref<1x128xf32, #tpu.memory_space<vmem>>, vector<1x128xf32>
    tpu.vector_store %arg6[%swap3A_56, %swap3A_57], %div3A_55 {strides = array<i32>} : memref<1x128xf32, #tpu.memory_space<vmem>>, vector<1x128xf32>,
    return
  }
}

</mosaic_0001>

<sc_bundles>
// kernel: kernel.10.cloned.1.call-start
scs
__scs_entry_jumppad:
0x0: {  	(pc) =	sbr.rel $0x88, $3  }
0x1: {  	(tag) =	ssettag $0x0;
	lr =	simm.s32 $0x1  }
0x2: {  	[smem:$0x3F9D] =	sst lr;
	_ =	strace $0xD0000000  }
0x3: {  	_ = 	snop  }
0x4: {  	_ = 	snop  }
0x5: {  	_ = 	snop  }
0x6: {  	_ = 	snop  }
0x7: {  	_ = 	snop  }
__scs_overlays_trampoline_lowered:
0x8: {  	[smem:$0x3FAC] =	sst s0  }
0x9: {  	[smem:$0x3FAD] =	sst s1  }
0xa: {  	[smem:$0x3FAE] =	sst s2  }
0xb: {  	[smem:$0x3FAF] =	sst s3  }
0xc: {  	[smem:$0x3FB0] =	sst s4  }
0xd: {  	[smem:$0x3FB1] =	sst s5  }
0xe: {  	[smem:$0x3FB2] =	sst s6  }
0xf: {  	[smem:$0x3FB3] =	sst s7  }
0x10: {  	[smem:$0x3FB4] =	sst s8  }
0x11: {  	[smem:$0x3FB5] =	sst s9;
	s0 =	simm.s32 @!p0 $0x0  }
0x12: {  	s1 =	sld [smem:$0x3F9B];
	s0 =	simm.s32 @p0 $0x1  }
0x13: {  	[smem:$0x3FB6] =	sst s0;
	s0 =	simm.s32 @!p1 $0x0  }
0x14: {  	s2 =	sld [smem:$0x3F9A];
	s0 =	simm.s32 @p1 $0x1  }
0x15: {  	[smem:$0x3FB7] =	sst s0;
	s0 =	simm.s32 @!p2 $0x0  }
0x16: {  	s3 =	sld [smem:$0x3FDB];
	s0 =	simm.s32 @p2 $0x1  }
0x17: {  	s4 =	simm.s32 $0x1BF5;
	[smem:$0x3FB9] =	sst s0  }
0x18: {  	s0 =	sld [smem:$0x3F9C];
	_ =	swait.ge [sflag:s4], $0x0  }
0x19: {  	s7 =	sld [smem:$0x3F9D]  }
0x1a: {  	s8 =	sadd.s32 $0xFFFFE003, lr  }
0x1b: {  	s9 =	sadd.s32 $0xFFFFFEF7, lr;
	s5 =	simm.s32 $0xFFFFFFFF;
	p2 =	slt.u32 s8, $0xFFFFF086  }
0x1c: {  	p1 =	slt.u32 s9, $0xF7A;
	s5 =	simm.s32 @!p2 $0x0  }
0x1d: {  	s5 =	simm.s32 @p1 $0x1;
	p0 =	seq.s32 s7, s2  }
0x1e: {  	s7 =	smul.u32 @!p0 $0xF7A, s2;
	p2 =	seq.s32 @!p0 s5, $0x0  }
0x1f: {  	s9 =	smul.u32 $0xF7A, s1;
	s8 =	simm.s32 @!p0 $0x1BF5;
	p2 =	por !p2, p0  }
0x20: {  	[sflag:s8] =	ssyncset.s32 @!p0 $0xFFFFF086;
	s6 =	sadd.s32 @!p0 s3, s7;
	s7 =	simm.s32 @!p0 $0x108  }
0x21: {  	s3 =	sadd.s32 s3, s9;
	s6 =	sadd.s32 @!p0 $0x88, s6;
	s7 =	simm.s32 @p2 $0x1082  }
0x22: {  	[simem:s7], [sflag:s8] =	dma.local @!p0 [hbm:s6], $0xF7A  }
0x23: {  	s9 =	sor.u32 $0xD0000000, s2;
	s6 =	simm.s32 $0x108;
	_ =	swait.ge @!p0 [sflag:s8], $0x0  }
0x24: {  	s3 =	sadd.s32 $0x88, s3;
	s6 =	simm.s32 @!p1 $0x1082;
	[sflag:s4] =	ssyncset.s32 $0xFFFFF086  }
0x25: {  	[simem:s6], [sflag:s4] =	dma.local [hbm:s3], $0xF7A  }
0x26: {  	[smem:$0x3F9D] =	sst s1;
	(tag) =	ssettag s2;
	_ =	strace s9  }
0x27: {  	s1 =	sld [smem:$0x3FAD]  }
0x28: {  	s2 =	sld [smem:$0x3FAE]  }
0x29: {  	s4 =	sld [smem:$0x3FB0]  }
0x2a: {  	p0 =	seq.s32 s5, $0x0;
	s5 =	sld [smem:$0x3FB1]  }
0x2b: {  	s6 =	sld [smem:$0x3FB2]  }
0x2c: {  	s7 =	sld [smem:$0x3FB3]  }
0x2d: {  	s3 =	simm.s32 $0x108;
	s8 =	sld [smem:$0x3FB4]  }
0x2e: {  	s3 =	simm.s32 @!p0 $0x1082;
	s9 =	sld [smem:$0x3FB5]  }
0x2f: {  	lr =	sadd.s32 s0, s3;
	s0 =	sld [smem:$0x3FAC]  }
0x30: {  	s3 =	sld [smem:$0x3FAF]  }
0x31: {  	[smem:$0x3FB8] =	sst s10  }
0x32: {  	s10 =	sld [smem:$0x3FB6];
	_ =	sdelay $0x3  }
0x33: {  	p0 =	seq.s32 s10, $0x1;
	s10 =	sld [smem:$0x3FB8];
	_ =	sdelay $0x3  }
0x34: {  	[smem:$0x3FB8] =	sst s10  }
0x35: {  	s10 =	sld [smem:$0x3FB7];
	_ =	sdelay $0x3  }
0x36: {  	p1 =	seq.s32 s10, $0x1;
	s10 =	sld [smem:$0x3FB8];
	_ =	sdelay $0x3  }
0x37: {  	[smem:$0x3FB8] =	sst s10  }
0x38: {  	s10 =	sld [smem:$0x3FB9]  }
0x39: {  	_ = 	snop;
	(pc) =	sbr.ind lr, $3  }
0x3a: {  	_ = 	snop  }
0x3b: {  	_ = 	snop  }
0x3c: {  	p2 =	seq.s32 s10, $0x1;
	s10 =	sld [smem:$0x3FB8]  }
0x3d: {  	_ =	shalt  }
0x3e: {  	_ =	shalt  }
0x3f: {  	_ =	shalt  }
0x40: {  	_ =	shalt  }
0x41: {  	_ =	shalt  }
0x42: {  	_ =	shalt  }
0x43: {  	_ =	shalt  }
0x44: {  	_ =	shalt  }
0x45: {  	_ =	shalt  }
0x46: {  	_ =	shalt  }
0x47: {  	_ =	shalt  }
0x48: {  	_ =	shalt  }
0x49: {  	_ =	shalt  }
0x4a: {  	_ =	shalt  }
0x4b: {  	_ =	shalt  }
0x4c: {  	_ =	shalt  }
0x4d: {  	_ =	shalt  }
0x4e: {  	_ =	shalt  }
0x4f: {  	_ =	shalt  }
0x50: {  	_ =	shalt  }
0x51: {  	_ =	shalt  }
0x52: {  	_ =	shalt  }
0x53: {  	_ =	shalt  }
0x54: {  	_ =	shalt  }
0x55: {  	_ =	shalt  }
0x56: {  	_ =	shalt  }
0x57: {  	_ =	shalt  }
0x58: {  	_ =	shalt  }
0x59: {  	_ =	shalt  }
0x5a: {  	_ =	shalt  }
0x5b: {  	_ =	shalt  }
0x5c: {  	_ =	shalt  }
0x5d: {  	_ =	shalt  }
0x5e: {  	_ =	shalt  }
0x5f: {  	_ =	shalt  }
0x60: {  	_ =	shalt  }
0x61: {  	_ =	shalt  }
0x62: {  	_ =	shalt  }
0x63: {  	_ =	shalt  }
0x64: {  	_ =	shalt  }
0x65: {  	_ =	shalt  }
0x66: {  	_ =	shalt  }
0x67: {  	_ =	shalt  }
0x68: {  	_ =	shalt  }
0x69: {  	_ =	shalt  }
0x6a: {  	_ =	shalt  }
0x6b: {  	_ =	shalt  }
0x6c: {  	_ =	shalt  }
0x6d: {  	_ =	shalt  }
0x6e: {  	_ =	shalt  }
0x6f: {  	_ =	shalt  }
0x70: {  	_ =	shalt  }
0x71: {  	_ =	shalt  }
0x72: {  	_ =	shalt  }
0x73: {  	_ =	shalt  }
0x74: {  	_ =	shalt  }
0x75: {  	_ =	shalt  }
0x76: {  	_ =	shalt  }
0x77: {  	_ =	shalt  }
0x78: {  	_ =	shalt  }
0x79: {  	_ =	shalt  }
0x7a: {  	_ =	shalt  }
0x7b: {  	_ =	shalt  }
0x7c: {  	_ =	shalt  }
0x7d: {  	_ =	shalt  }
0x7e: {  	_ =	shalt  }
0x7f: {  	_ =	shalt  }
0x80: {  	_ =	shalt  }
0x81: {  	_ =	shalt  }
0x82: {  	_ =	shalt  }
0x83: {  	_ =	shalt  }
0x84: {  	_ =	shalt  }
0x85: {  	_ =	shalt  }
0x86: {  	_ =	shalt  }
0x87: {  	_ =	shalt  }
.Lfunc_end0:
.L_simem_size_0:
called_computation.1_lowered:
.L_overlay_start_0:
0x88: {  	s2 =	sld [smem:$0x3FD9]  }
0x89: {  	s3 =	sld [smem:$0x3FFE];
	_ =	sdelay $0x1  }
0x8a: {  	s1 =	srdreg.scid  }
0x8b: {  	s0 =	sand.u32 $0x1, s1  }
0x8c: {  	s14 =	sshll.u32 s0, $0xA;
	s2 =	sadd.s32 s3, s2  }
0x8d: {  	s2 =	sadd.s32 s2, s14  }
0x8e: {  	[smem:$0x3FC4] =	sst s2  }
0x8f: {  	_ = 	snop  }
0x90: {  	s2 =	sld [smem:$0x3FD0];
	_ =	sdelay $0x2  }
0x91: {  	s15 =	simm.s32 $0xA;
	s4 =	simm.s32 $0x10  }
0x92: {  	[smem:s4], [sflag:s15] =	dma.local [hbm:s2], $0x1  }
0x93: {  	_ =	swait.eq [sflag:s15], $0x1  }
0x94: {  	[sflag:s15] =	ssyncset.done $0x0  }
0x95: {  	s16 =	sld [smem:$0x10];
	[sflag:s15] =	ssyncadd.s32 $0xFFFFFFFF  }
0x96: {  	s17 =	sld [smem:$0x13];
	(tm) =	ssettm $0x1  }
0x97: {  	s18 =	sld [smem:$0x3FFB];
	_ =	sdelay $0x3  }
0x98: {  	_ =	strace s18  }
0x99: {  	s4 =	sld [smem:$0x3FFC];
	_ =	sdelay $0x3  }
0x9a: {  	_ =	strace s4  }
0x9b: {  	s4 =	sld [smem:$0x3FFD];
	_ =	sdelay $0x3  }
0x9c: {  	_ =	strace s4  }
0x9d: {  	_ =	strace $0x8FFFFFFF  }
0x9e: {  	s19 =	sld [smem:$0x3FDB];
	_ =	sdelay $0x1  }
0x9f: {  	s5 =	simm.s32 $_scs_section_size  }
0xa0: {  	s6 =	simm.s32 $_size__tile_overlayer_lowered;
	s7 =	simm.s32 $_tile_overlayer_lowered  }
0xa1: {  	s22 =	simm.s32 $0x1BFF;
	s21 =	sshll.u32 s7, $0x1;
	s4 =	sadd.s32 s5, s19  }
0xa2: {  	s8 =	simm.s32 $0x0;
	s20 =	sshll.u32 s6, $0x1;
	s6 =	sadd.s32 s21, s4  }
0xa3: {  	[timem:s8], [sflag:s22] =	dma.local [hbm:s6], s20  }
0xa4: {  	_ =	swait.ge [sflag:s22], s20  }
0xa5: {  	s5 =	ssub.s32 $0x0, s20;
	[sflag:s22] =	ssyncset.done $0x0  }
0xa6: {  	[sflag:s22] =	ssyncadd.s32 s5;
	_ =	sdelay $0x1  }
0xa7: {  	s23 =	simm.s32 $0x1B8B  }
0xa8: {  	_ =	swait.ge [sflag:s23], $0x1  }
0xa9: {  	[sflag:s23] =	ssyncset.done $0x0  }
0xaa: {  	s25 =	simm.s32 $0x1B8E;
	s24 =	sld [smem:$0x3FFE];
	[sflag:s23] =	ssyncadd.s32 $0xFFFFFFFF  }
0xab: {  	s26 =	simm.s32 $execute0_lowered;
	[smem:$0x3FD2] =	sst s25  }
0xac: {  	s6 =	sshll.u32 s26, $0x1;
	_ =	strace $0x80000049;
	[dreg:$0x1] =	wrdreg $0xFFFFFFFF  }
0xad: {  	s28 =	simm.s32 $_size_execute0_lowered;
	s4 =	sadd.s32 s4, s6;
	[dreg:$0x0] =	wrdreg $0x0  }
0xae: {  	s6 =	sshll.u32 s28, $0x1;
	[dreg:$0x2] =	wrdreg s4  }
0xaf: {  	[dreg:$0x3] =	wrdreg s6  }
0xb0: {  	[dreg:$0x4] =	wrdreg $0xC0  }
0xb1: {  	_ =	task [dreg:s8], $0x5FFFF  }
0xb2: {  	[dreg:$0x1] =	wrdreg $0xFFFFFFFF  }
0xb3: {  	[dreg:$0x0] =	wrdreg $0x60  }
0xb4: {  	[dreg:$0x2] =	wrdreg s24  }
0xb5: {  	[dreg:$0x3] =	wrdreg s17  }
0xb6: {  	[dreg:$0x4] =	wrdreg s16  }
0xb7: {  	[dreg:$0x5] =	wrdreg $0xA1000  }
0xb8: {  	[dreg:$0x6] =	wrdreg $0x9  }
0xb9: {  	_ =	task.clear_ibuf [dreg:s8], $0x7FFFF;
	_ =	strace $0x90000049  }
0xba: {  	s29 =	simm.s32 $0x9;
	_ =	strace $0x8000004B  }
0xbb: {  	_ =	swait.ge [sflag:s29], $0x1  }
0xbc: {  	[sflag:s29] =	ssyncadd.s32 $0xFFFFFFFF  }
0xbd: {  	_ =	strace $0x9000004B  }
0xbe: {  	_ =	sfence  }
0xbf: {  	s30 =	sld [smem:$0x0];
	_ =	sdelay $0x2  }
0xc0: {  	s31 =	sshll.u32 s1, $0xD;
	s1 =	sshrl.u32 s1, $0x2  }
0xc1: {  	s3 =	sand.u32 $0x4000, s31;
	s1 =	sadd.s32 s1, s30  }
0xc2: {  	s0 =	sor.u32 s3, s0;
	s1 =	sshll.u32 s1, $0x11  }
0xc3: {  	s0 =	sor.u32 s1, s0  }
0xc4: {  	s0 =	sadd.s32 $0x8F2B, s0  }
0xc5: {  	[sflag:s0] =	ssyncadd.remote.s32 $0x1  }
0xc6: {  	_ =	sfence.sel $0xFFFF  }
0xc7: {  	[dreg:$0x0] =	wrdreg $0xFFFFFFFF;
	(pc) =	sbr.abs _section_cstart, $3  }
0xc8: {  	[dreg:$0x1] =	wrdreg $0xFFFFFFFF  }
0xc9: {  	_ =	task.clear_ibuf [dreg:s8], $0x2FFFF;
	_ =	strace $0x9FFFFFFF  }
0xca: {  	(tm) =	ssettm $0x7FFFFFFF  }
0xcb: {  	_ =	shalt  }
tec
execute0_lowered:
.L_overlay_start_1:
0x0: {  	(tag) =	ssettag $0x1  }
0x1: {  	s0 =	rddreg [dreg:$0x0]  }
0x2: {  	s1 =	rddreg [dreg:$0x1]  }
0x3: {  	s2 =	rddreg [dreg:$0x3]  }
0x4: {  	s4 =	srdreg.scid;
	s11 =	stileid.u32;
	s3 =	simm.s32 $0x0  }
0x5: {  	s28 =	simm.s32 $0x6100;
	s29 =	simm.s32 $0x6900;
	s30 =	simm.s32 $0x7100  }
0x6: {  	s31 =	simm.s32 $0x7900;
	s5 =	sand.u32 $0x1, s4;
	s6 =	smul.u32 $0x2800, s11  }
0x7: {  	[smem:$0x7FF] =	sst s3;
	s4 =	sadd.s32 $0xB9000, s0;
	s8 =	sadd.s32 $0x79000, s0  }
0x8: {  	s16 =	smul.u32 $0x50000, s11;
	s10 =	sshll.u32 s11, $0x10;
	s19 =	sshll.u32 s11, $0xD  }
0x9: {  	s20 =	sshll.u32 s11, $0x6;
	s11 =	simm.s32 $0x0;
	s7 =	smul.u32 $0x28000, s5  }
0xa: {  	_ =	strace $0x8000004A;
	s15 =	ssub.s32 $0x2, s5;
	s5 =	sshll.u32 s5, $0x14  }
0xb: {  	s9 =	sshrl.u32 s15, $0x1;
	s17 =	sshrl.u32 s16, $0x2;
	s5 =	sor.u32 s10, s5  }
0xc: {  	s16 =	simm.s32 $0x9900;
	s10 =	simm.s32 $0x1;
	s6 =	sadd.s32 s6, s7  }
0xd: {  	s9 =	ssub.s32 s15, s9;
	s2 =	sadd.s32 s17, s2;
	s18 =	sshrl.u32 s5, $0x3  }
0xe: {  	s7 =	sor.u32 $0x1C04, s20;
	s24 =	sor.u32 $0x1000, s5;
	s25 =	sor.u32 $0x1800, s5  }
0xf: {  	s15 =	simm.s32 $0x4;
	s17 =	simm.s32 $0x800;
	s20 =	simm.s32 $0x2900  }
0x10: {  	s0 =	sadd.s32 s6, s0;
	s21 =	sadd.s32 s8, s18;
	s6 =	sadd.s32 s1, s19  }
0x11: {  	s26 =	smax.u32 s9, $0x1;
	s1 =	sshrl.u32 s25, $0x3;
	s14 =	sshrl.u32 s2, $0x3  }
0x12: {  	s18 =	simm.s32 $0x1800;
	s19 =	simm.s32 $0x2100;
	[dreg:$0x6] =	wrdreg s7  }
0x13: {  	s25 =	simm.s32 $0x5100;
	s2 =	simm.s32 $0x9100;
	[dreg:$0x5] =	wrdreg s21  }
0x14: {  	s9 =	simm.s32 $0x3;
	s22 =	sadd.s32 $0x100, s21;
	[dreg:$0xa] =	wrdreg s26  }
0x15: {  	s23 =	sadd.s32 $0x100, s6;
	s0 =	sadd.s32 $0x109000, s0;
	[dreg:$0xb] =	wrdreg s14  }
.Ltmp0:
0x16: {  	s13 =	sadd.s32 s1, s8;
	[dreg:$0x7] =	wrdreg s22;
	(pc) =	sbr.rel .LBB2_1-.Ltmp0, $4  }
0x17: {  	s21 =	simm.s32 $0x3100;
	s26 =	simm.s32 $0x5900;
	[dreg:$0x8] =	wrdreg s23  }
0x18: {  	v2 =	vlaneseq.u32;
	s1 =	simm.s32 $0x8900;
	[dreg:$0x9] =	wrdreg s0;
	s0 =	sshrl.u32 s24, $0x3  }
0x19: {  	vm0 =	vmmov $0xffff;
	v1 =	vshrl.u32 v2, $0x3;
	s22 =	simm.s32 $0x3900;
	s23 =	simm.s32 $0x4100;
	s24 =	simm.s32 $0x4900  }
0x1a: {  	v0 =	vand.u32 $0x7, v2;
	v2 =	vor.u32 $0x8, v2;
	v1 =	vmul.u32 $0x8, v1;
	s12 =	sadd.s32 s0, s8;
	s0 =	simm.s32 $0x8100;
	s8 =	simm.s32 $0x2  }
.LBB2_4:
0x1b: {  	[bflag:$0x0] =	sbarrier.arrive $0xFFFF  }
0x1c: {  	s7 =	rddreg [dreg:$0x6]  }
0x1d: {  	s5 =	rddreg [dreg:$0x9]  }
0x1e: {  	s15 =	simm.s32 $0x4;
	s14 =	rddreg [dreg:$0xb]  }
0x1f: {  	[hbm:s5], [sflag:s7] =	dma.local [spmem:s14], $0x2800  }
0x20: {  	_ =	swait.ge [sflag:s15], $0x2800  }
0x21: {  	s11 =	sadd.s32 $0x1, s11;
	s5 =	rddreg [dreg:$0xa]  }
0x22: {  	p0 =	sne.s32 s11, s5  }
.Ltmp1:
0x23: {  	_ = 	snop;
	(pc) =	sbr.rel @!p0 .LBB2_5-.Ltmp1, $3  }
0x24: {  	_ =	sdelay $0x1  }
0x25: {  	[sflag:s15] =	ssyncset.done $0x0  }
0x26: {  	[sflag:s15] =	ssyncadd.s32 $0xFFFFD800  }
.LBB2_1:
0x27: {  	s5 =	rddreg [dreg:$0x2]  }
0x28: {  	[spmem:s14], [sflag:s7] =	dma.local [hbm:s5], $0x2800  }
0x29: {  	_ =	swait.ge [sflag:s15], $0x2800  }
0x2a: {  	[sflag:s15] =	ssyncset.done $0x0  }
0x2b: {  	s14 =	rddreg [dreg:$0x5];
	[sflag:s15] =	ssyncadd.s32 $0xFFFFD800  }
0x2c: {  	[tilespmem:s3], [sflag:$0x4] =	stream.linear.gather [hbm4b:s14+s3], $0x500, $0x38;
	[tilespmem:$0x1E100] =	vst v63  }
0x2d: {  	_ =	swait.ge [sflag:s15], $0x500  }
0x2e: {  	[sflag:s15] =	ssyncset.done $0x0  }
0x2f: {  	s7 =	simm.s32 $0x1000;
	[sflag:s15] =	ssyncadd.s32 $0xFFFFFB00  }
0x30: {  	[tilespmem:s7], [sflag:$0x4] =	stream.linear.gather [hbm4b:s6+s3], $0x500, $0x38;
	[tilespmem:$0x1E100] =	vst v63  }
0x31: {  	_ =	swait.ge [sflag:s15], $0x500  }
0x32: {  	[sflag:s15] =	ssyncset.done $0x0  }
0x33: {  	s14 =	rddreg [dreg:$0x7];
	[sflag:s15] =	ssyncadd.s32 $0xFFFFFB00  }
0x34: {  	[tilespmem:s17], [sflag:$0x1] =	stream.linear.gather [hbm4b:s14+s3], $0x500, $0x38;
	[tilespmem:$0x1E100] =	vst v63  }
0x35: {  	s15 =	rddreg [dreg:$0x8]  }
0x36: {  	[tilespmem:s18], [sflag:$0x1] =	stream.linear.gather [hbm4b:s15+s3], $0x500, $0x38;
	[tilespmem:$0x1E100] =	vst v63  }
0x37: {  	s5 =	simm.s32 $0x0;
	[bflag:$0x0] =	sbarrier.arrive $0xFFFF  }
.LBB2_2:
0x38: {  	p0 =	seq.s32 s5, $0x0  }
0x39: {  	s7 =	simm.s32 @!p0 $0x1  }
0x3a: {  	_ =	swait.ge @!p0 [sflag:s7], $0x500  }
0x3b: {  	[sflag:s7] =	ssyncset.done @!p0 $0x0  }
0x3c: {  	[sflag:s7] =	ssyncadd.s32 @!p0 $0xFFFFFB00  }
0x3d: {  	_ =	swait.ge @!p0 [sflag:s7], $0x500  }
0x3e: {  	[sflag:s7] =	ssyncset.done @!p0 $0x0  }
0x3f: {  	[sflag:s7] =	ssyncadd.s32 @!p0 $0xFFFFFB00  }
0x40: {  	v3 =	vld [tilespmem:$0x0];
	_ =	sdelay $0x4  }
0x41: {  	v4 =	vshll.u32 v3, $0x1  }
0x42: {  	v3 =	vand.u32 $0x7, v3;
	v4 =	vand.u32 $0xFFFFFFF0, v4  }
0x43: {  	v3 =	vor.u32 v3, v4  }
0x44: {  	v4 =	vperm.xlane v3, v0;
	_ =	sdelay $0x1  }
0x45: {  	v3 =	vperm.xlane v3, v2;
	v4 =	vadd.s32 v1, v4;
	_ =	sdelay $0x1  }
0x46: {  	v3 =	vadd.s32 v1, v3;
	_ =	sdelay $0x2  }
0x47: {  	[tilespmem:s19], [sflag:$0x2] =	stream.indirect_vreg.gather [hbm4b:s4+s3], $0x80, v4, vm0, $0xb8;
	[tilespmem:$0x1E100] =	vst v63  }
0x48: {  	_ = 	snop  }
0x49: {  	[tilespmem:s20], [sflag:$0x2] =	stream.indirect_vreg.gather [hbm4b:s4+s3], $0x80, v3, vm0, $0xb8;
	[tilespmem:$0x1E100] =	vst v63  }
0x4a: {  	v3 =	vld [tilespmem:$0x10];
	_ =	sdelay $0x4  }
0x4b: {  	v55 =	vshll.u32 v3, $0x1  }
0x4c: {  	v3 =	vand.u32 $0x7, v3;
	v4 =	vand.u32 $0xFFFFFFF0, v55  }
0x4d: {  	v3 =	vor.u32 v3, v4  }
0x4e: {  	v4 =	vperm.xlane v3, v0;
	_ =	sdelay $0x1  }
0x4f: {  	v3 =	vperm.xlane v3, v2;
	v4 =	vadd.s32 v1, v4;
	_ =	sdelay $0x1  }
0x50: {  	v3 =	vadd.s32 v1, v3;
	_ =	sdelay $0x2  }
0x51: {  	[tilespmem:s21], [sflag:$0x2] =	stream.indirect_vreg.gather [hbm4b:s4+s3], $0x80, v4, vm0, $0xb8;
	[tilespmem:$0x1E100] =	vst v63  }
0x52: {  	_ = 	snop  }
0x53: {  	[tilespmem:s22], [sflag:$0x2] =	stream.indirect_vreg.gather [hbm4b:s4+s3], $0x80, v3, vm0, $0xb8;
	[tilespmem:$0x1E100] =	vst v63  }
0x54: {  	v3 =	vld [tilespmem:$0x20];
	_ =	sdelay $0x4  }
0x55: {  	v56 =	vshll.u32 v3, $0x1  }
0x56: {  	v3 =	vand.u32 $0x7, v3;
	v4 =	vand.u32 $0xFFFFFFF0, v56  }
0x57: {  	v3 =	vor.u32 v3, v4  }
0x58: {  	v4 =	vperm.xlane v3, v0;
	_ =	sdelay $0x1  }
0x59: {  	v3 =	vperm.xlane v3, v2;
	v4 =	vadd.s32 v1, v4;
	_ =	sdelay $0x1  }
0x5a: {  	v3 =	vadd.s32 v1, v3;
	_ =	sdelay $0x2  }
0x5b: {  	[tilespmem:s23], [sflag:$0x2] =	stream.indirect_vreg.gather [hbm4b:s4+s3], $0x80, v4, vm0, $0xb8;
	[tilespmem:$0x1E100] =	vst v63  }
0x5c: {  	_ = 	snop  }
0x5d: {  	[tilespmem:s24], [sflag:$0x2] =	stream.indirect_vreg.gather [hbm4b:s4+s3], $0x80, v3, vm0, $0xb8;
	[tilespmem:$0x1E100] =	vst v63  }
0x5e: {  	v3 =	vld [tilespmem:$0x30];
	_ =	sdelay $0x4  }
0x5f: {  	v57 =	vshll.u32 v3, $0x1  }
0x60: {  	v3 =	vand.u32 $0x7, v3;
	v4 =	vand.u32 $0xFFFFFFF0, v57  }
0x61: {  	v3 =	vor.u32 v3, v4  }
0x62: {  	v4 =	vperm.xlane v3, v0;
	_ =	sdelay $0x1  }
0x63: {  	v3 =	vperm.xlane v3, v2;
	v4 =	vadd.s32 v1, v4;
	_ =	sdelay $0x1  }
0x64: {  	v3 =	vadd.s32 v1, v3;
	_ =	sdelay $0x2  }
0x65: {  	[tilespmem:s25], [sflag:$0x2] =	stream.indirect_vreg.gather [hbm4b:s4+s3], $0x80, v4, vm0, $0xb8;
	[tilespmem:$0x1E100] =	vst v63  }
0x66: {  	_ = 	snop  }
0x67: {  	[tilespmem:s26], [sflag:$0x2] =	stream.indirect_vreg.gather [hbm4b:s4+s3], $0x80, v3, vm0, $0xb8;
	[tilespmem:$0x1E100] =	vst v63  }
0x68: {  	v3 =	vld [tilespmem:$0x80];
	_ =	sdelay $0x4  }
0x69: {  	v58 =	vshll.u32 v3, $0x1  }
0x6a: {  	v3 =	vand.u32 $0x7, v3;
	v4 =	vand.u32 $0xFFFFFFF0, v58  }
0x6b: {  	v3 =	vor.u32 v3, v4  }
0x6c: {  	v4 =	vperm.xlane v3, v0;
	_ =	sdelay $0x1  }
0x6d: {  	v3 =	vperm.xlane v3, v2;
	v4 =	vadd.s32 v1, v4;
	_ =	sdelay $0x1  }
0x6e: {  	v3 =	vadd.s32 v1, v3;
	_ =	sdelay $0x2  }
0x6f: {  	[tilespmem:s28], [sflag:$0x3] =	stream.indirect_vreg.gather [hbm4b:s4+s3], $0x80, v4, vm0, $0xb8;
	[tilespmem:$0x1E100] =	vst v63  }
0x70: {  	_ = 	snop  }
0x71: {  	[tilespmem:s29], [sflag:$0x3] =	stream.indirect_vreg.gather [hbm4b:s4+s3], $0x80, v3, vm0, $0xb8;
	[tilespmem:$0x1E100] =	vst v63  }
0x72: {  	v3 =	vld [tilespmem:$0x90];
	_ =	sdelay $0x4  }
0x73: {  	v59 =	vshll.u32 v3, $0x1  }
0x74: {  	v3 =	vand.u32 $0x7, v3;
	v4 =	vand.u32 $0xFFFFFFF0, v59  }
0x75: {  	v3 =	vor.u32 v3, v4  }
0x76: {  	v4 =	vperm.xlane v3, v0;
	_ =	sdelay $0x1  }
0x77: {  	v3 =	vperm.xlane v3, v2;
	v4 =	vadd.s32 v1, v4;
	_ =	sdelay $0x1  }
0x78: {  	v3 =	vadd.s32 v1, v3;
	_ =	sdelay $0x2  }
0x79: {  	[tilespmem:s30], [sflag:$0x3] =	stream.indirect_vreg.gather [hbm4b:s4+s3], $0x80, v4, vm0, $0xb8;
	[tilespmem:$0x1E100] =	vst v63  }
0x7a: {  	_ = 	snop  }
0x7b: {  	[tilespmem:s31], [sflag:$0x3] =	stream.indirect_vreg.gather [hbm4b:s4+s3], $0x80, v3, vm0, $0xb8;
	[tilespmem:$0x1E100] =	vst v63  }
0x7c: {  	v3 =	vld [tilespmem:$0xA0];
	_ =	sdelay $0x4  }
0x7d: {  	v60 =	vshll.u32 v3, $0x1  }
0x7e: {  	v3 =	vand.u32 $0x7, v3;
	v4 =	vand.u32 $0xFFFFFFF0, v60  }
0x7f: {  	v3 =	vor.u32 v3, v4  }
0x80: {  	v4 =	vperm.xlane v3, v0;
	_ =	sdelay $0x1  }
0x81: {  	v3 =	vperm.xlane v3, v2;
	v4 =	vadd.s32 v1, v4;
	_ =	sdelay $0x1  }
0x82: {  	v3 =	vadd.s32 v1, v3;
	_ =	sdelay $0x2  }
0x83: {  	[tilespmem:s0], [sflag:$0x3] =	stream.indirect_vreg.gather [hbm4b:s4+s3], $0x80, v4, vm0, $0xb8;
	[tilespmem:$0x1E100] =	vst v63  }
0x84: {  	_ = 	snop  }
0x85: {  	[tilespmem:s1], [sflag:$0x3] =	stream.indirect_vreg.gather [hbm4b:s4+s3], $0x80, v3, vm0, $0xb8;
	[tilespmem:$0x1E100] =	vst v63  }
0x86: {  	v3 =	vld [tilespmem:$0xB0];
	_ =	sdelay $0x4  }
0x87: {  	v61 =	vshll.u32 v3, $0x1  }
0x88: {  	v3 =	vand.u32 $0x7, v3;
	v4 =	vand.u32 $0xFFFFFFF0, v61  }
0x89: {  	v3 =	vor.u32 v3, v4  }
0x8a: {  	v4 =	vperm.xlane v3, v0;
	_ =	sdelay $0x1  }
0x8b: {  	v3 =	vperm.xlane v3, v2;
	v4 =	vadd.s32 v1, v4;
	_ =	sdelay $0x1  }
0x8c: {  	v3 =	vadd.s32 v1, v3;
	_ =	sdelay $0x2  }
0x8d: {  	[tilespmem:s2], [sflag:$0x3] =	stream.indirect_vreg.gather [hbm4b:s4+s3], $0x80, v4, vm0, $0xb8;
	[tilespmem:$0x1E100] =	vst v63  }
0x8e: {  	_ = 	snop  }
0x8f: {  	[tilespmem:s16], [sflag:$0x3] =	stream.indirect_vreg.gather [hbm4b:s4+s3], $0x80, v3, vm0, $0xb8;
	[tilespmem:$0x1E100] =	vst v63  }
0x90: {  	_ =	swait.ge [sflag:s8], $0x4000  }
0x91: {  	[sflag:s8] =	ssyncset.done $0x0  }
0x92: {  	[sflag:s8] =	ssyncadd.s32 $0xFFFFC000  }
0x93: {  	v3 =	vld [tilespmem:$0x100];
	_ =	sdelay $0x4  }
0x94: {  	v62 =	vshll.u32 v3, $0x1  }
0x95: {  	v5 =	vld [tilespmem:$0x1000];
	v3 =	vand.u32 $0x7, v3;
	v4 =	vand.u32 $0xFFFFFFF0, v62  }
0x96: {  	v6 =	vld [tilespmem:$0x1010];
	v3 =	vor.u32 v3, v4  }
0x97: {  	v63 =	vld [tilespmem:$0x1020];
	v7 =	vperm.xlane v3, v0  }
0x98: {  	v8 =	vld [tilespmem:$0x1030]  }
0x99: {  	v3 =	vperm.xlane v3, v2;
	v7 =	vadd.s32 v1, v7  }
0x9a: {  	[tilespmem:$0x2000] =	vst v5  }
0x9b: {  	[tilespmem:$0x2010] =	vst v6;
	v3 =	vadd.s32 v1, v3  }
0x9c: {  	[tilespmem:$0x2020] =	vst v63  }
0x9d: {  	[tilespmem:$0x2030] =	vst v8  }
0x9e: {  	[tilespmem:s19], [sflag:$0x2] =	stream.indirect_vreg.gather [hbm4b:s4+s3], $0x80, v7, vm0, $0xb8;
	[tilespmem:$0x1E100] =	vst v63  }
0x9f: {  	_ = 	snop  }
0xa0: {  	[tilespmem:s20], [sflag:$0x2] =	stream.indirect_vreg.gather [hbm4b:s4+s3], $0x80, v3, vm0, $0xb8;
	[tilespmem:$0x1E100] =	vst v63  }
0xa1: {  	v3 =	vld [tilespmem:$0x110];
	_ =	sdelay $0x4  }
0xa2: {  	v12 =	vshll.u32 v3, $0x1  }
0xa3: {  	v3 =	vand.u32 $0x7, v3;
	v4 =	vand.u32 $0xFFFFFFF0, v12  }
0xa4: {  	v3 =	vor.u32 v3, v4  }
0xa5: {  	v4 =	vperm.xlane v3, v0;
	_ =	sdelay $0x1  }
0xa6: {  	v3 =	vperm.xlane v3, v2;
	v4 =	vadd.s32 v1, v4;
	_ =	sdelay $0x1  }
0xa7: {  	v3 =	vadd.s32 v1, v3;
	_ =	sdelay $0x2  }
0xa8: {  	[tilespmem:s21], [sflag:$0x2] =	stream.indirect_vreg.gather [hbm4b:s4+s3], $0x80, v4, vm0, $0xb8;
	[tilespmem:$0x1E100] =	vst v63  }
0xa9: {  	_ = 	snop  }
0xaa: {  	[tilespmem:s22], [sflag:$0x2] =	stream.indirect_vreg.gather [hbm4b:s4+s3], $0x80, v3, vm0, $0xb8;
	[tilespmem:$0x1E100] =	vst v63  }
0xab: {  	v3 =	vld [tilespmem:$0x120];
	_ =	sdelay $0x4  }
0xac: {  	v13 =	vshll.u32 v3, $0x1  }
0xad: {  	v3 =	vand.u32 $0x7, v3;
	v4 =	vand.u32 $0xFFFFFFF0, v13  }
0xae: {  	v3 =	vor.u32 v3, v4  }
0xaf: {  	v4 =	vperm.xlane v3, v0;
	_ =	sdelay $0x1  }
0xb0: {  	v3 =	vperm.xlane v3, v2;
	v4 =	vadd.s32 v1, v4;
	_ =	sdelay $0x1  }
0xb1: {  	v3 =	vadd.s32 v1, v3;
	_ =	sdelay $0x2  }
0xb2: {  	[tilespmem:s23], [sflag:$0x2] =	stream.indirect_vreg.gather [hbm4b:s4+s3], $0x80, v4, vm0, $0xb8;
	[tilespmem:$0x1E100] =	vst v63  }
0xb3: {  	_ = 	snop  }
0xb4: {  	[tilespmem:s24], [sflag:$0x2] =	stream.indirect_vreg.gather [hbm4b:s4+s3], $0x80, v3, vm0, $0xb8;
	[tilespmem:$0x1E100] =	vst v63  }
0xb5: {  	v3 =	vld [tilespmem:$0x130];
	_ =	sdelay $0x4  }
0xb6: {  	v14 =	vshll.u32 v3, $0x1  }
0xb7: {  	v3 =	vand.u32 $0x7, v3;
	v4 =	vand.u32 $0xFFFFFFF0, v14  }
0xb8: {  	v3 =	vor.u32 v3, v4  }
0xb9: {  	v4 =	vperm.xlane v3, v0;
	_ =	sdelay $0x1  }
0xba: {  	v3 =	vperm.xlane v3, v2;
	v4 =	vadd.s32 v1, v4;
	_ =	sdelay $0x1  }
0xbb: {  	v3 =	vadd.s32 v1, v3;
	_ =	sdelay $0x2  }
0xbc: {  	[tilespmem:s25], [sflag:$0x2] =	stream.indirect_vreg.gather [hbm4b:s4+s3], $0x80, v4, vm0, $0xb8;
	[tilespmem:$0x1E100] =	vst v63  }
0xbd: {  	_ = 	snop  }
0xbe: {  	[tilespmem:s26], [sflag:$0x2] =	stream.indirect_vreg.gather [hbm4b:s4+s3], $0x80, v3, vm0, $0xb8;
	[tilespmem:$0x1E100] =	vst v63  }
0xbf: {  	_ =	swait.ge [sflag:s9], $0x4000  }
0xc0: {  	[sflag:s9] =	ssyncset.done $0x0  }
0xc1: {  	[sflag:s9] =	ssyncadd.s32 $0xFFFFC000  }
0xc2: {  	v3 =	vld [tilespmem:$0x180];
	_ =	sdelay $0x4  }
0xc3: {  	v15 =	vshll.u32 v3, $0x1  }
0xc4: {  	v16 =	vld [tilespmem:$0x1080];
	v3 =	vand.u32 $0x7, v3;
	v4 =	vand.u32 $0xFFFFFFF0, v15  }
0xc5: {  	v17 =	vld [tilespmem:$0x1090];
	v3 =	vor.u32 v3, v4  }
0xc6: {  	v18 =	vld [tilespmem:$0x10A0];
	v19 =	vperm.xlane v3, v0  }
0xc7: {  	v20 =	vld [tilespmem:$0x10B0]  }
0xc8: {  	v3 =	vperm.xlane v3, v2;
	v7 =	vadd.s32 v1, v19  }
0xc9: {  	[tilespmem:$0x2080] =	vst v16  }
0xca: {  	[tilespmem:$0x2090] =	vst v17;
	v3 =	vadd.s32 v1, v3  }
0xcb: {  	[tilespmem:$0x20A0] =	vst v18  }
0xcc: {  	[tilespmem:$0x20B0] =	vst v20  }
0xcd: {  	[tilespmem:s28], [sflag:$0x3] =	stream.indirect_vreg.gather [hbm4b:s4+s3], $0x80, v7, vm0, $0xb8;
	[tilespmem:$0x1E100] =	vst v63  }
0xce: {  	_ = 	snop  }
0xcf: {  	[tilespmem:s29], [sflag:$0x3] =	stream.indirect_vreg.gather [hbm4b:s4+s3], $0x80, v3, vm0, $0xb8;
	[tilespmem:$0x1E100] =	vst v63  }
0xd0: {  	v3 =	vld [tilespmem:$0x190];
	_ =	sdelay $0x4  }
0xd1: {  	v21 =	vshll.u32 v3, $0x1  }
0xd2: {  	v3 =	vand.u32 $0x7, v3;
	v4 =	vand.u32 $0xFFFFFFF0, v21  }
0xd3: {  	v3 =	vor.u32 v3, v4  }
0xd4: {  	v4 =	vperm.xlane v3, v0;
	_ =	sdelay $0x1  }
0xd5: {  	v3 =	vperm.xlane v3, v2;
	v4 =	vadd.s32 v1, v4;
	_ =	sdelay $0x1  }
0xd6: {  	v3 =	vadd.s32 v1, v3;
	_ =	sdelay $0x2  }
0xd7: {  	[tilespmem:s30], [sflag:$0x3] =	stream.indirect_vreg.gather [hbm4b:s4+s3], $0x80, v4, vm0, $0xb8;
	[tilespmem:$0x1E100] =	vst v63  }
0xd8: {  	_ = 	snop  }
0xd9: {  	[tilespmem:s31], [sflag:$0x3] =	stream.indirect_vreg.gather [hbm4b:s4+s3], $0x80, v3, vm0, $0xb8;
	[tilespmem:$0x1E100] =	vst v63  }
0xda: {  	v3 =	vld [tilespmem:$0x1A0];
	_ =	sdelay $0x4  }
0xdb: {  	v22 =	vshll.u32 v3, $0x1  }
0xdc: {  	v3 =	vand.u32 $0x7, v3;
	v4 =	vand.u32 $0xFFFFFFF0, v22  }
0xdd: {  	v3 =	vor.u32 v3, v4  }
0xde: {  	v4 =	vperm.xlane v3, v0;
	_ =	sdelay $0x1  }
0xdf: {  	v3 =	vperm.xlane v3, v2;
	v4 =	vadd.s32 v1, v4;
	_ =	sdelay $0x1  }
0xe0: {  	v3 =	vadd.s32 v1, v3;
	_ =	sdelay $0x2  }
0xe1: {  	[tilespmem:s0], [sflag:$0x3] =	stream.indirect_vreg.gather [hbm4b:s4+s3], $0x80, v4, vm0, $0xb8;
	[tilespmem:$0x1E100] =	vst v63  }
0xe2: {  	_ = 	snop  }
0xe3: {  	[tilespmem:s1], [sflag:$0x3] =	stream.indirect_vreg.gather [hbm4b:s4+s3], $0x80, v3, vm0, $0xb8;
	[tilespmem:$0x1E100] =	vst v63  }
0xe4: {  	v3 =	vld [tilespmem:$0x1B0];
	_ =	sdelay $0x4  }
0xe5: {  	v23 =	vshll.u32 v3, $0x1  }
0xe6: {  	v3 =	vand.u32 $0x7, v3;
	v4 =	vand.u32 $0xFFFFFFF0, v23  }
0xe7: {  	v3 =	vor.u32 v3, v4  }
0xe8: {  	v4 =	vperm.xlane v3, v0;
	_ =	sdelay $0x1  }
0xe9: {  	v3 =	vperm.xlane v3, v2;
	v4 =	vadd.s32 v1, v4;
	_ =	sdelay $0x1  }
0xea: {  	v3 =	vadd.s32 v1, v3;
	_ =	sdelay $0x2  }
0xeb: {  	[tilespmem:s2], [sflag:$0x3] =	stream.indirect_vreg.gather [hbm4b:s4+s3], $0x80, v4, vm0, $0xb8;
	[tilespmem:$0x1E100] =	vst v63  }
0xec: {  	_ = 	snop  }
0xed: {  	[tilespmem:s16], [sflag:$0x3] =	stream.indirect_vreg.gather [hbm4b:s4+s3], $0x80, v3, vm0, $0xb8;
	[tilespmem:$0x1E100] =	vst v63  }
0xee: {  	_ =	swait.ge [sflag:s8], $0x4000  }
0xef: {  	[sflag:s8] =	ssyncset.done $0x0  }
0xf0: {  	[sflag:s8] =	ssyncadd.s32 $0xFFFFC000  }
0xf1: {  	v3 =	vld [tilespmem:$0x200];
	_ =	sdelay $0x4  }
0xf2: {  	v24 =	vshll.u32 v3, $0x1  }
0xf3: {  	v25 =	vld [tilespmem:$0x1100];
	v3 =	vand.u32 $0x7, v3;
	v4 =	vand.u32 $0xFFFFFFF0, v24  }
0xf4: {  	v26 =	vld [tilespmem:$0x1110];
	v3 =	vor.u32 v3, v4  }
0xf5: {  	v27 =	vld [tilespmem:$0x1120];
	v28 =	vperm.xlane v3, v0  }
0xf6: {  	v29 =	vld [tilespmem:$0x1130]  }
0xf7: {  	v3 =	vperm.xlane v3, v2;
	v7 =	vadd.s32 v1, v28  }
0xf8: {  	[tilespmem:$0x2000] =	vst v25  }
0xf9: {  	[tilespmem:$0x2010] =	vst v26;
	v3 =	vadd.s32 v1, v3  }
0xfa: {  	[tilespmem:$0x2020] =	vst v27  }
0xfb: {  	[tilespmem:$0x2030] =	vst v29  }
0xfc: {  	[tilespmem:s19], [sflag:$0x2] =	stream.indirect_vreg.gather [hbm4b:s4+s3], $0x80, v7, vm0, $0xb8;
	[tilespmem:$0x1E100] =	vst v63  }
0xfd: {  	_ = 	snop  }
0xfe: {  	[tilespmem:s20], [sflag:$0x2] =	stream.indirect_vreg.gather [hbm4b:s4+s3], $0x80, v3, vm0, $0xb8;
	[tilespmem:$0x1E100] =	vst v63  }
0xff: {  	v3 =	vld [tilespmem:$0x210];
	_ =	sdelay $0x4  }
0x100: {  	v30 =	vshll.u32 v3, $0x1  }
0x101: {  	v3 =	vand.u32 $0x7, v3;
	v4 =	vand.u32 $0xFFFFFFF0, v30  }
0x102: {  	v3 =	vor.u32 v3, v4  }
0x103: {  	v4 =	vperm.xlane v3, v0;
	_ =	sdelay $0x1  }
0x104: {  	v3 =	vperm.xlane v3, v2;
	v4 =	vadd.s32 v1, v4;
	_ =	sdelay $0x1  }
0x105: {  	v3 =	vadd.s32 v1, v3;
	_ =	sdelay $0x2  }
0x106: {  	[tilespmem:s21], [sflag:$0x2] =	stream.indirect_vreg.gather [hbm4b:s4+s3], $0x80, v4, vm0, $0xb8;
	[tilespmem:$0x1E100] =	vst v63  }
0x107: {  	_ = 	snop  }
0x108: {  	[tilespmem:s22], [sflag:$0x2] =	stream.indirect_vreg.gather [hbm4b:s4+s3], $0x80, v3, vm0, $0xb8;
	[tilespmem:$0x1E100] =	vst v63  }
0x109: {  	v3 =	vld [tilespmem:$0x220];
	_ =	sdelay $0x4  }
0x10a: {  	v31 =	vshll.u32 v3, $0x1  }
0x10b: {  	v3 =	vand.u32 $0x7, v3;
	v4 =	vand.u32 $0xFFFFFFF0, v31  }
0x10c: {  	v3 =	vor.u32 v3, v4  }
0x10d: {  	v4 =	vperm.xlane v3, v0;
	_ =	sdelay $0x1  }
0x10e: {  	v3 =	vperm.xlane v3, v2;
	v4 =	vadd.s32 v1, v4;
	_ =	sdelay $0x1  }
0x10f: {  	v3 =	vadd.s32 v1, v3;
	_ =	sdelay $0x2  }
0x110: {  	[tilespmem:s23], [sflag:$0x2] =	stream.indirect_vreg.gather [hbm4b:s4+s3], $0x80, v4, vm0, $0xb8;
	[tilespmem:$0x1E100] =	vst v63  }
0x111: {  	_ = 	snop  }
0x112: {  	[tilespmem:s24], [sflag:$0x2] =	stream.indirect_vreg.gather [hbm4b:s4+s3], $0x80, v3, vm0, $0xb8;
	[tilespmem:$0x1E100] =	vst v63  }
0x113: {  	v3 =	vld [tilespmem:$0x230];
	_ =	sdelay $0x4  }
0x114: {  	v32 =	vshll.u32 v3, $0x1  }
0x115: {  	v3 =	vand.u32 $0x7, v3;
	v4 =	vand.u32 $0xFFFFFFF0, v32  }
0x116: {  	v3 =	vor.u32 v3, v4  }
0x117: {  	v4 =	vperm.xlane v3, v0;
	_ =	sdelay $0x1  }
0x118: {  	v3 =	vperm.xlane v3, v2;
	v4 =	vadd.s32 v1, v4;
	_ =	sdelay $0x1  }
0x119: {  	v3 =	vadd.s32 v1, v3;
	_ =	sdelay $0x2  }
0x11a: {  	[tilespmem:s25], [sflag:$0x2] =	stream.indirect_vreg.gather [hbm4b:s4+s3], $0x80, v4, vm0, $0xb8;
	[tilespmem:$0x1E100] =	vst v63  }
0x11b: {  	_ = 	snop  }
0x11c: {  	[tilespmem:s26], [sflag:$0x2] =	stream.indirect_vreg.gather [hbm4b:s4+s3], $0x80, v3, vm0, $0xb8;
	[tilespmem:$0x1E100] =	vst v63  }
0x11d: {  	_ =	swait.ge [sflag:s9], $0x4000  }
0x11e: {  	[sflag:s9] =	ssyncset.done $0x0  }
0x11f: {  	[sflag:s9] =	ssyncadd.s32 $0xFFFFC000  }
0x120: {  	v3 =	vld [tilespmem:$0x280];
	_ =	sdelay $0x4  }
0x121: {  	v33 =	vshll.u32 v3, $0x1  }
0x122: {  	v34 =	vld [tilespmem:$0x1180];
	v3 =	vand.u32 $0x7, v3;
	v4 =	vand.u32 $0xFFFFFFF0, v33  }
0x123: {  	v35 =	vld [tilespmem:$0x1190];
	v3 =	vor.u32 v3, v4  }
0x124: {  	v36 =	vld [tilespmem:$0x11A0];
	v37 =	vperm.xlane v3, v0  }
0x125: {  	v38 =	vld [tilespmem:$0x11B0]  }
0x126: {  	v3 =	vperm.xlane v3, v2;
	v7 =	vadd.s32 v1, v37  }
0x127: {  	[tilespmem:$0x2080] =	vst v34  }
0x128: {  	[tilespmem:$0x2090] =	vst v35;
	v3 =	vadd.s32 v1, v3  }
0x129: {  	[tilespmem:$0x20A0] =	vst v36  }
0x12a: {  	[tilespmem:$0x20B0] =	vst v38  }
0x12b: {  	[tilespmem:s28], [sflag:$0x3] =	stream.indirect_vreg.gather [hbm4b:s4+s3], $0x80, v7, vm0, $0xb8;
	[tilespmem:$0x1E100] =	vst v63  }
0x12c: {  	_ = 	snop  }
0x12d: {  	[tilespmem:s29], [sflag:$0x3] =	stream.indirect_vreg.gather [hbm4b:s4+s3], $0x80, v3, vm0, $0xb8;
	[tilespmem:$0x1E100] =	vst v63  }
0x12e: {  	v3 =	vld [tilespmem:$0x290];
	_ =	sdelay $0x4  }
0x12f: {  	v39 =	vshll.u32 v3, $0x1  }
0x130: {  	v3 =	vand.u32 $0x7, v3;
	v4 =	vand.u32 $0xFFFFFFF0, v39  }
0x131: {  	v3 =	vor.u32 v3, v4  }
0x132: {  	v4 =	vperm.xlane v3, v0;
	_ =	sdelay $0x1  }
0x133: {  	v3 =	vperm.xlane v3, v2;
	v4 =	vadd.s32 v1, v4;
	_ =	sdelay $0x1  }
0x134: {  	v3 =	vadd.s32 v1, v3;
	_ =	sdelay $0x2  }
0x135: {  	[tilespmem:s30], [sflag:$0x3] =	stream.indirect_vreg.gather [hbm4b:s4+s3], $0x80, v4, vm0, $0xb8;
	[tilespmem:$0x1E100] =	vst v63  }
0x136: {  	_ = 	snop  }
0x137: {  	[tilespmem:s31], [sflag:$0x3] =	stream.indirect_vreg.gather [hbm4b:s4+s3], $0x80, v3, vm0, $0xb8;
	[tilespmem:$0x1E100] =	vst v63  }
0x138: {  	v3 =	vld [tilespmem:$0x2A0];
	_ =	sdelay $0x4  }
0x139: {  	v40 =	vshll.u32 v3, $0x1  }
0x13a: {  	v3 =	vand.u32 $0x7, v3;
	v4 =	vand.u32 $0xFFFFFFF0, v40  }
0x13b: {  	v3 =	vor.u32 v3, v4  }
0x13c: {  	v4 =	vperm.xlane v3, v0;
	_ =	sdelay $0x1  }
0x13d: {  	v3 =	vperm.xlane v3, v2;
	v4 =	vadd.s32 v1, v4;
	_ =	sdelay $0x1  }
0x13e: {  	v3 =	vadd.s32 v1, v3;
	_ =	sdelay $0x2  }
0x13f: {  	[tilespmem:s0], [sflag:$0x3] =	stream.indirect_vreg.gather [hbm4b:s4+s3], $0x80, v4, vm0, $0xb8;
	[tilespmem:$0x1E100] =	vst v63  }
0x140: {  	_ = 	snop  }
0x141: {  	[tilespmem:s1], [sflag:$0x3] =	stream.indirect_vreg.gather [hbm4b:s4+s3], $0x80, v3, vm0, $0xb8;
	[tilespmem:$0x1E100] =	vst v63  }
0x142: {  	v3 =	vld [tilespmem:$0x2B0];
	_ =	sdelay $0x4  }
0x143: {  	v41 =	vshll.u32 v3, $0x1  }
0x144: {  	v3 =	vand.u32 $0x7, v3;
	v4 =	vand.u32 $0xFFFFFFF0, v41  }
0x145: {  	v3 =	vor.u32 v3, v4  }
0x146: {  	v4 =	vperm.xlane v3, v0;
	_ =	sdelay $0x1  }
0x147: {  	v3 =	vperm.xlane v3, v2;
	v4 =	vadd.s32 v1, v4;
	_ =	sdelay $0x1  }
0x148: {  	v3 =	vadd.s32 v1, v3;
	_ =	sdelay $0x2  }
0x149: {  	[tilespmem:s2], [sflag:$0x3] =	stream.indirect_vreg.gather [hbm4b:s4+s3], $0x80, v4, vm0, $0xb8;
	[tilespmem:$0x1E100] =	vst v63  }
0x14a: {  	_ = 	snop  }
0x14b: {  	[tilespmem:s16], [sflag:$0x3] =	stream.indirect_vreg.gather [hbm4b:s4+s3], $0x80, v3, vm0, $0xb8;
	[tilespmem:$0x1E100] =	vst v63  }
0x14c: {  	_ =	swait.ge [sflag:s8], $0x4000  }
0x14d: {  	[sflag:s8] =	ssyncset.done $0x0  }
0x14e: {  	[sflag:s8] =	ssyncadd.s32 $0xFFFFC000  }
0x14f: {  	v3 =	vld [tilespmem:$0x300];
	_ =	sdelay $0x4  }
0x150: {  	v42 =	vshll.u32 v3, $0x1  }
0x151: {  	v43 =	vld [tilespmem:$0x1200];
	v3 =	vand.u32 $0x7, v3;
	v4 =	vand.u32 $0xFFFFFFF0, v42  }
0x152: {  	v44 =	vld [tilespmem:$0x1210];
	v3 =	vor.u32 v3, v4  }
0x153: {  	v45 =	vld [tilespmem:$0x1220];
	v46 =	vperm.xlane v3, v0  }
0x154: {  	v47 =	vld [tilespmem:$0x1230]  }
0x155: {  	v3 =	vperm.xlane v3, v2;
	v7 =	vadd.s32 v1, v46  }
0x156: {  	[tilespmem:$0x2000] =	vst v43  }
0x157: {  	[tilespmem:$0x2010] =	vst v44;
	v3 =	vadd.s32 v1, v3  }
0x158: {  	[tilespmem:$0x2020] =	vst v45  }
0x159: {  	[tilespmem:$0x2030] =	vst v47  }
0x15a: {  	[tilespmem:s19], [sflag:$0x2] =	stream.indirect_vreg.gather [hbm4b:s4+s3], $0x80, v7, vm0, $0xb8;
	[tilespmem:$0x1E100] =	vst v63  }
0x15b: {  	_ = 	snop  }
0x15c: {  	[tilespmem:s20], [sflag:$0x2] =	stream.indirect_vreg.gather [hbm4b:s4+s3], $0x80, v3, vm0, $0xb8;
	[tilespmem:$0x1E100] =	vst v63  }
0x15d: {  	v3 =	vld [tilespmem:$0x310];
	_ =	sdelay $0x4  }
0x15e: {  	v48 =	vshll.u32 v3, $0x1  }
0x15f: {  	v3 =	vand.u32 $0x7, v3;
	v4 =	vand.u32 $0xFFFFFFF0, v48  }
0x160: {  	v3 =	vor.u32 v3, v4  }
0x161: {  	v4 =	vperm.xlane v3, v0;
	_ =	sdelay $0x1  }
0x162: {  	v3 =	vperm.xlane v3, v2;
	v4 =	vadd.s32 v1, v4;
	_ =	sdelay $0x1  }
0x163: {  	v3 =	vadd.s32 v1, v3;
	_ =	sdelay $0x2  }
0x164: {  	[tilespmem:s21], [sflag:$0x2] =	stream.indirect_vreg.gather [hbm4b:s4+s3], $0x80, v4, vm0, $0xb8;
	[tilespmem:$0x1E100] =	vst v63  }
0x165: {  	_ = 	snop  }
0x166: {  	[tilespmem:s22], [sflag:$0x2] =	stream.indirect_vreg.gather [hbm4b:s4+s3], $0x80, v3, vm0, $0xb8;
	[tilespmem:$0x1E100] =	vst v63  }
0x167: {  	v3 =	vld [tilespmem:$0x320];
	_ =	sdelay $0x4  }
0x168: {  	v49 =	vshll.u32 v3, $0x1  }
0x169: {  	v3 =	vand.u32 $0x7, v3;
	v4 =	vand.u32 $0xFFFFFFF0, v49  }
0x16a: {  	v3 =	vor.u32 v3, v4  }
0x16b: {  	v4 =	vperm.xlane v3, v0;
	_ =	sdelay $0x1  }
0x16c: {  	v3 =	vperm.xlane v3, v2;
	v4 =	vadd.s32 v1, v4;
	_ =	sdelay $0x1  }
0x16d: {  	v3 =	vadd.s32 v1, v3;
	_ =	sdelay $0x2  }
0x16e: {  	[tilespmem:s23], [sflag:$0x2] =	stream.indirect_vreg.gather [hbm4b:s4+s3], $0x80, v4, vm0, $0xb8;
	[tilespmem:$0x1E100] =	vst v63  }
0x16f: {  	_ = 	snop  }
0x170: {  	[tilespmem:s24], [sflag:$0x2] =	stream.indirect_vreg.gather [hbm4b:s4+s3], $0x80, v3, vm0, $0xb8;
	[tilespmem:$0x1E100] =	vst v63  }
0x171: {  	v3 =	vld [tilespmem:$0x330];
	_ =	sdelay $0x4  }
0x172: {  	v50 =	vshll.u32 v3, $0x1  }
0x173: {  	v3 =	vand.u32 $0x7, v3;
	v4 =	vand.u32 $0xFFFFFFF0, v50  }
0x174: {  	v3 =	vor.u32 v3, v4  }
0x175: {  	v4 =	vperm.xlane v3, v0;
	_ =	sdelay $0x1  }
0x176: {  	v3 =	vperm.xlane v3, v2;
	v4 =	vadd.s32 v1, v4;
	_ =	sdelay $0x1  }
0x177: {  	v3 =	vadd.s32 v1, v3;
	_ =	sdelay $0x2  }
0x178: {  	[tilespmem:s25], [sflag:$0x2] =	stream.indirect_vreg.gather [hbm4b:s4+s3], $0x80, v4, vm0, $0xb8;
	[tilespmem:$0x1E100] =	vst v63  }
0x179: {  	_ = 	snop  }
0x17a: {  	[tilespmem:s26], [sflag:$0x2] =	stream.indirect_vreg.gather [hbm4b:s4+s3], $0x80, v3, vm0, $0xb8;
	[tilespmem:$0x1E100] =	vst v63  }
0x17b: {  	_ =	swait.ge [sflag:s9], $0x4000  }
0x17c: {  	[sflag:s9] =	ssyncset.done $0x0  }
0x17d: {  	[sflag:s9] =	ssyncadd.s32 $0xFFFFC000  }
0x17e: {  	v3 =	vld [tilespmem:$0x380];
	_ =	sdelay $0x4  }
0x17f: {  	v51 =	vshll.u32 v3, $0x1  }
0x180: {  	v52 =	vld [tilespmem:$0x1280];
	v3 =	vand.u32 $0x7, v3;
	v4 =	vand.u32 $0xFFFFFFF0, v51  }
0x181: {  	v53 =	vld [tilespmem:$0x1290];
	v3 =	vor.u32 v3, v4  }
0x182: {  	v54 =	vld [tilespmem:$0x12A0];
	v55 =	vperm.xlane v3, v0  }
0x183: {  	v56 =	vld [tilespmem:$0x12B0]  }
0x184: {  	v3 =	vperm.xlane v3, v2;
	v7 =	vadd.s32 v1, v55  }
0x185: {  	[tilespmem:$0x2080] =	vst v52  }
0x186: {  	[tilespmem:$0x2090] =	vst v53;
	v3 =	vadd.s32 v1, v3  }
0x187: {  	[tilespmem:$0x20A0] =	vst v54  }
0x188: {  	[tilespmem:$0x20B0] =	vst v56  }
0x189: {  	[tilespmem:s28], [sflag:$0x3] =	stream.indirect_vreg.gather [hbm4b:s4+s3], $0x80, v7, vm0, $0xb8;
	[tilespmem:$0x1E100] =	vst v63  }
0x18a: {  	_ = 	snop  }
0x18b: {  	[tilespmem:s29], [sflag:$0x3] =	stream.indirect_vreg.gather [hbm4b:s4+s3], $0x80, v3, vm0, $0xb8;
	[tilespmem:$0x1E100] =	vst v63  }
0x18c: {  	v3 =	vld [tilespmem:$0x390];
	_ =	sdelay $0x4  }
0x18d: {  	v57 =	vshll.u32 v3, $0x1  }
0x18e: {  	v3 =	vand.u32 $0x7, v3;
	v4 =	vand.u32 $0xFFFFFFF0, v57  }
0x18f: {  	v3 =	vor.u32 v3, v4  }
0x190: {  	v4 =	vperm.xlane v3, v0;
	_ =	sdelay $0x1  }
0x191: {  	v3 =	vperm.xlane v3, v2;
	v4 =	vadd.s32 v1, v4;
	_ =	sdelay $0x1  }
0x192: {  	v3 =	vadd.s32 v1, v3;
	_ =	sdelay $0x2  }
0x193: {  	[tilespmem:s30], [sflag:$0x3] =	stream.indirect_vreg.gather [hbm4b:s4+s3], $0x80, v4, vm0, $0xb8;
	[tilespmem:$0x1E100] =	vst v63  }
0x194: {  	_ = 	snop  }
0x195: {  	[tilespmem:s31], [sflag:$0x3] =	stream.indirect_vreg.gather [hbm4b:s4+s3], $0x80, v3, vm0, $0xb8;
	[tilespmem:$0x1E100] =	vst v63  }
0x196: {  	v3 =	vld [tilespmem:$0x3A0];
	_ =	sdelay $0x4  }
0x197: {  	v58 =	vshll.u32 v3, $0x1  }
0x198: {  	v3 =	vand.u32 $0x7, v3;
	v4 =	vand.u32 $0xFFFFFFF0, v58  }
0x199: {  	v3 =	vor.u32 v3, v4  }
0x19a: {  	v4 =	vperm.xlane v3, v0;
	_ =	sdelay $0x1  }
0x19b: {  	v3 =	vperm.xlane v3, v2;
	v4 =	vadd.s32 v1, v4;
	_ =	sdelay $0x1  }
0x19c: {  	v3 =	vadd.s32 v1, v3;
	_ =	sdelay $0x2  }
0x19d: {  	[tilespmem:s0], [sflag:$0x3] =	stream.indirect_vreg.gather [hbm4b:s4+s3], $0x80, v4, vm0, $0xb8;
	[tilespmem:$0x1E100] =	vst v63  }
0x19e: {  	_ = 	snop  }
0x19f: {  	[tilespmem:s1], [sflag:$0x3] =	stream.indirect_vreg.gather [hbm4b:s4+s3], $0x80, v3, vm0, $0xb8;
	[tilespmem:$0x1E100] =	vst v63  }
0x1a0: {  	v3 =	vld [tilespmem:$0x3B0];
	_ =	sdelay $0x4  }
0x1a1: {  	v59 =	vshll.u32 v3, $0x1  }
0x1a2: {  	v3 =	vand.u32 $0x7, v3;
	v4 =	vand.u32 $0xFFFFFFF0, v59  }
0x1a3: {  	v3 =	vor.u32 v3, v4  }
0x1a4: {  	v4 =	vperm.xlane v3, v0;
	_ =	sdelay $0x1  }
0x1a5: {  	v3 =	vperm.xlane v3, v2;
	v4 =	vadd.s32 v1, v4;
	_ =	sdelay $0x1  }
0x1a6: {  	v3 =	vadd.s32 v1, v3;
	_ =	sdelay $0x2  }
0x1a7: {  	[tilespmem:s2], [sflag:$0x3] =	stream.indirect_vreg.gather [hbm4b:s4+s3], $0x80, v4, vm0, $0xb8;
	[tilespmem:$0x1E100] =	vst v63  }
0x1a8: {  	_ = 	snop  }
0x1a9: {  	[tilespmem:s16], [sflag:$0x3] =	stream.indirect_vreg.gather [hbm4b:s4+s3], $0x80, v3, vm0, $0xb8;
	[tilespmem:$0x1E100] =	vst v63  }
0x1aa: {  	_ =	swait.ge [sflag:s8], $0x4000  }
0x1ab: {  	[sflag:s8] =	ssyncset.done $0x0  }
0x1ac: {  	[sflag:s8] =	ssyncadd.s32 $0xFFFFC000  }
0x1ad: {  	v3 =	vld [tilespmem:$0x400];
	_ =	sdelay $0x4  }
0x1ae: {  	v60 =	vshll.u32 v3, $0x1  }
0x1af: {  	v61 =	vld [tilespmem:$0x1300];
	v3 =	vand.u32 $0x7, v3;
	v4 =	vand.u32 $0xFFFFFFF0, v60  }
0x1b0: {  	v62 =	vld [tilespmem:$0x1310];
	v3 =	vor.u32 v3, v4  }
0x1b1: {  	v63 =	vld [tilespmem:$0x1320];
	v12 =	vperm.xlane v3, v0  }
0x1b2: {  	v13 =	vld [tilespmem:$0x1330]  }
0x1b3: {  	v3 =	vperm.xlane v3, v2;
	v7 =	vadd.s32 v1, v12  }
0x1b4: {  	[tilespmem:$0x2000] =	vst v61  }
0x1b5: {  	[tilespmem:$0x2010] =	vst v62;
	v3 =	vadd.s32 v1, v3  }
0x1b6: {  	[tilespmem:$0x2020] =	vst v63  }
0x1b7: {  	[tilespmem:$0x2030] =	vst v13  }
0x1b8: {  	[tilespmem:s19], [sflag:$0x2] =	stream.indirect_vreg.gather [hbm4b:s4+s3], $0x80, v7, vm0, $0xb8;
	[tilespmem:$0x1E100] =	vst v63  }
0x1b9: {  	_ = 	snop  }
0x1ba: {  	[tilespmem:s20], [sflag:$0x2] =	stream.indirect_vreg.gather [hbm4b:s4+s3], $0x80, v3, vm0, $0xb8;
	[tilespmem:$0x1E100] =	vst v63  }
0x1bb: {  	v3 =	vld [tilespmem:$0x410];
	_ =	sdelay $0x4  }
0x1bc: {  	v14 =	vshll.u32 v3, $0x1  }
0x1bd: {  	v3 =	vand.u32 $0x7, v3;
	v4 =	vand.u32 $0xFFFFFFF0, v14  }
0x1be: {  	v3 =	vor.u32 v3, v4  }
0x1bf: {  	v4 =	vperm.xlane v3, v0;
	_ =	sdelay $0x1  }
0x1c0: {  	v3 =	vperm.xlane v3, v2;
	v4 =	vadd.s32 v1, v4;
	_ =	sdelay $0x1  }
0x1c1: {  	v3 =	vadd.s32 v1, v3;
	_ =	sdelay $0x2  }
0x1c2: {  	[tilespmem:s21], [sflag:$0x2] =	stream.indirect_vreg.gather [hbm4b:s4+s3], $0x80, v4, vm0, $0xb8;
	[tilespmem:$0x1E100] =	vst v63  }
0x1c3: {  	_ = 	snop  }
0x1c4: {  	[tilespmem:s22], [sflag:$0x2] =	stream.indirect_vreg.gather [hbm4b:s4+s3], $0x80, v3, vm0, $0xb8;
	[tilespmem:$0x1E100] =	vst v63  }
0x1c5: {  	v3 =	vld [tilespmem:$0x420];
	_ =	sdelay $0x4  }
0x1c6: {  	v15 =	vshll.u32 v3, $0x1  }
0x1c7: {  	v3 =	vand.u32 $0x7, v3;
	v4 =	vand.u32 $0xFFFFFFF0, v15  }
0x1c8: {  	v3 =	vor.u32 v3, v4  }
0x1c9: {  	v4 =	vperm.xlane v3, v0;
	_ =	sdelay $0x1  }
0x1ca: {  	v3 =	vperm.xlane v3, v2;
	v4 =	vadd.s32 v1, v4;
	_ =	sdelay $0x1  }
0x1cb: {  	v3 =	vadd.s32 v1, v3;
	_ =	sdelay $0x2  }
0x1cc: {  	[tilespmem:s23], [sflag:$0x2] =	stream.indirect_vreg.gather [hbm4b:s4+s3], $0x80, v4, vm0, $0xb8;
	[tilespmem:$0x1E100] =	vst v63  }
0x1cd: {  	_ = 	snop  }
0x1ce: {  	[tilespmem:s24], [sflag:$0x2] =	stream.indirect_vreg.gather [hbm4b:s4+s3], $0x80, v3, vm0, $0xb8;
	[tilespmem:$0x1E100] =	vst v63  }
0x1cf: {  	v3 =	vld [tilespmem:$0x430];
	_ =	sdelay $0x4  }
0x1d0: {  	v16 =	vshll.u32 v3, $0x1  }
0x1d1: {  	v3 =	vand.u32 $0x7, v3;
	v4 =	vand.u32 $0xFFFFFFF0, v16  }
0x1d2: {  	v3 =	vor.u32 v3, v4  }
0x1d3: {  	v4 =	vperm.xlane v3, v0;
	_ =	sdelay $0x1  }
0x1d4: {  	v3 =	vperm.xlane v3, v2;
	v4 =	vadd.s32 v1, v4;
	_ =	sdelay $0x1  }
0x1d5: {  	v3 =	vadd.s32 v1, v3;
	_ =	sdelay $0x2  }
0x1d6: {  	[tilespmem:s25], [sflag:$0x2] =	stream.indirect_vreg.gather [hbm4b:s4+s3], $0x80, v4, vm0, $0xb8;
	[tilespmem:$0x1E100] =	vst v63  }
0x1d7: {  	_ = 	snop  }
0x1d8: {  	[tilespmem:s26], [sflag:$0x2] =	stream.indirect_vreg.gather [hbm4b:s4+s3], $0x80, v3, vm0, $0xb8;
	[tilespmem:$0x1E100] =	vst v63  }
0x1d9: {  	_ =	swait.ge [sflag:s9], $0x4000  }
0x1da: {  	[sflag:s9] =	ssyncset.done $0x0  }
0x1db: {  	[sflag:s9] =	ssyncadd.s32 $0xFFFFC000  }
0x1dc: {  	v3 =	vld [tilespmem:$0x480];
	_ =	sdelay $0x4  }
0x1dd: {  	v17 =	vshll.u32 v3, $0x1  }
0x1de: {  	v18 =	vld [tilespmem:$0x1380];
	v3 =	vand.u32 $0x7, v3;
	v4 =	vand.u32 $0xFFFFFFF0, v17  }
0x1df: {  	v19 =	vld [tilespmem:$0x1390];
	v3 =	vor.u32 v3, v4  }
0x1e0: {  	v20 =	vld [tilespmem:$0x13A0];
	v21 =	vperm.xlane v3, v0  }
0x1e1: {  	v22 =	vld [tilespmem:$0x13B0]  }
0x1e2: {  	v3 =	vperm.xlane v3, v2;
	v7 =	vadd.s32 v1, v21  }
0x1e3: {  	[tilespmem:$0x2080] =	vst v18  }
0x1e4: {  	[tilespmem:$0x2090] =	vst v19;
	v3 =	vadd.s32 v1, v3  }
0x1e5: {  	[tilespmem:$0x20A0] =	vst v20  }
0x1e6: {  	[tilespmem:$0x20B0] =	vst v22  }
0x1e7: {  	[tilespmem:s28], [sflag:$0x3] =	stream.indirect_vreg.gather [hbm4b:s4+s3], $0x80, v7, vm0, $0xb8;
	[tilespmem:$0x1E100] =	vst v63  }
0x1e8: {  	_ = 	snop  }
0x1e9: {  	[tilespmem:s29], [sflag:$0x3] =	stream.indirect_vreg.gather [hbm4b:s4+s3], $0x80, v3, vm0, $0xb8;
	[tilespmem:$0x1E100] =	vst v63  }
0x1ea: {  	v3 =	vld [tilespmem:$0x490];
	_ =	sdelay $0x4  }
0x1eb: {  	v23 =	vshll.u32 v3, $0x1  }
0x1ec: {  	v3 =	vand.u32 $0x7, v3;
	v4 =	vand.u32 $0xFFFFFFF0, v23  }
0x1ed: {  	v3 =	vor.u32 v3, v4  }
0x1ee: {  	v4 =	vperm.xlane v3, v0;
	_ =	sdelay $0x1  }
0x1ef: {  	v3 =	vperm.xlane v3, v2;
	v4 =	vadd.s32 v1, v4;
	_ =	sdelay $0x1  }
0x1f0: {  	v3 =	vadd.s32 v1, v3;
	_ =	sdelay $0x2  }
0x1f1: {  	[tilespmem:s30], [sflag:$0x3] =	stream.indirect_vreg.gather [hbm4b:s4+s3], $0x80, v4, vm0, $0xb8;
	[tilespmem:$0x1E100] =	vst v63  }
0x1f2: {  	_ = 	snop  }
0x1f3: {  	[tilespmem:s31], [sflag:$0x3] =	stream.indirect_vreg.gather [hbm4b:s4+s3], $0x80, v3, vm0, $0xb8;
	[tilespmem:$0x1E100] =	vst v63  }
0x1f4: {  	v3 =	vld [tilespmem:$0x4A0];
	_ =	sdelay $0x4  }
0x1f5: {  	v24 =	vshll.u32 v3, $0x1  }
0x1f6: {  	v3 =	vand.u32 $0x7, v3;
	v4 =	vand.u32 $0xFFFFFFF0, v24  }
0x1f7: {  	v3 =	vor.u32 v3, v4  }
0x1f8: {  	v4 =	vperm.xlane v3, v0;
	_ =	sdelay $0x1  }
0x1f9: {  	v3 =	vperm.xlane v3, v2;
	v4 =	vadd.s32 v1, v4;
	_ =	sdelay $0x1  }
0x1fa: {  	v3 =	vadd.s32 v1, v3;
	_ =	sdelay $0x2  }
0x1fb: {  	[tilespmem:s0], [sflag:$0x3] =	stream.indirect_vreg.gather [hbm4b:s4+s3], $0x80, v4, vm0, $0xb8;
	[tilespmem:$0x1E100] =	vst v63  }
0x1fc: {  	_ = 	snop  }
0x1fd: {  	[tilespmem:s1], [sflag:$0x3] =	stream.indirect_vreg.gather [hbm4b:s4+s3], $0x80, v3, vm0, $0xb8;
	[tilespmem:$0x1E100] =	vst v63  }
0x1fe: {  	v3 =	vld [tilespmem:$0x4B0];
	_ =	sdelay $0x4  }
0x1ff: {  	v25 =	vshll.u32 v3, $0x1  }
0x200: {  	v3 =	vand.u32 $0x7, v3;
	v4 =	vand.u32 $0xFFFFFFF0, v25  }
0x201: {  	v3 =	vor.u32 v3, v4  }
0x202: {  	v4 =	vperm.xlane v3, v0;
	_ =	sdelay $0x1  }
0x203: {  	v3 =	vperm.xlane v3, v2;
	v4 =	vadd.s32 v1, v4;
	_ =	sdelay $0x1  }
0x204: {  	v3 =	vadd.s32 v1, v3;
	_ =	sdelay $0x2  }
0x205: {  	[tilespmem:s2], [sflag:$0x3] =	stream.indirect_vreg.gather [hbm4b:s4+s3], $0x80, v4, vm0, $0xb8;
	[tilespmem:$0x1E100] =	vst v63  }
0x206: {  	_ = 	snop  }
0x207: {  	[tilespmem:s16], [sflag:$0x3] =	stream.indirect_vreg.gather [hbm4b:s4+s3], $0x80, v3, vm0, $0xb8;
	[tilespmem:$0x1E100] =	vst v63  }
0x208: {  	_ =	swait.ge [sflag:s8], $0x4000  }
0x209: {  	[sflag:s8] =	ssyncset.done $0x0  }
0x20a: {  	[sflag:s8] =	ssyncadd.s32 $0xFFFFC000  }
0x20b: {  	v3 =	vld [tilespmem:$0x1400]  }
0x20c: {  	v26 =	vld [tilespmem:$0x1410]  }
0x20d: {  	v27 =	vld [tilespmem:$0x1420]  }
0x20e: {  	v28 =	vld [tilespmem:$0x1430];
	_ =	sdelay $0x1  }
0x20f: {  	[tilespmem:$0x2000] =	vst v3  }
0x210: {  	[tilespmem:$0x2010] =	vst v26  }
0x211: {  	[tilespmem:$0x2020] =	vst v27  }
0x212: {  	[tilespmem:$0x2030] =	vst v28  }
0x213: {  	_ =	swait.ge [sflag:s9], $0x4000  }
0x214: {  	[sflag:s9] =	ssyncset.done $0x0  }
0x215: {  	[sflag:s9] =	ssyncadd.s32 $0xFFFFC000  }
0x216: {  	v3 =	vld [tilespmem:$0x1480]  }
0x217: {  	v29 =	vld [tilespmem:$0x1490]  }
0x218: {  	v30 =	vld [tilespmem:$0x14A0]  }
0x219: {  	v31 =	vld [tilespmem:$0x14B0];
	_ =	sdelay $0x1  }
0x21a: {  	[tilespmem:$0x2080] =	vst v3  }
0x21b: {  	[tilespmem:$0x2090] =	vst v29  }
0x21c: {  	p0 =	seq.s32 s5, $0x1E00;
	[tilespmem:$0x20A0] =	vst v30  }
0x21d: {  	s7 =	sadd.s32 @!p0 s5, s12;
	s14 =	simm.s32 @!p0 $0x0;
	[tilespmem:$0x20B0] =	vst v31  }
0x21e: {  	[tilespmem:s14], [sflag:$0x1] =	stream.linear.gather @!p0 [hbm4b:s7+s14], $0x500, $0x38;
	[tilespmem:$0x1E100] =	vst v63  }
0x21f: {  	s7 =	sadd.s32 @!p0 s5, s6  }
0x220: {  	s15 =	simm.s32 @!p0 $0x1000;
	s7 =	sadd.s32 @!p0 $0x200, s7  }
0x221: {  	[tilespmem:s15], [sflag:$0x1] =	stream.linear.gather @!p0 [hbm4b:s7+s14], $0x500, $0x38;
	[tilespmem:$0x1E100] =	vst v63  }
0x222: {  	_ =	swait.ge [sflag:s10], $0x500  }
0x223: {  	[sflag:s10] =	ssyncset.done $0x0  }
0x224: {  	[sflag:s10] =	ssyncadd.s32 $0xFFFFFB00  }
0x225: {  	_ =	swait.ge [sflag:s10], $0x500  }
0x226: {  	[sflag:s10] =	ssyncset.done $0x0  }
0x227: {  	[sflag:s10] =	ssyncadd.s32 $0xFFFFFB00  }
0x228: {  	v3 =	vld [tilespmem:$0x800];
	_ =	sdelay $0x4  }
0x229: {  	v32 =	vshll.u32 v3, $0x1  }
0x22a: {  	v3 =	vand.u32 $0x7, v3;
	v4 =	vand.u32 $0xFFFFFFF0, v32  }
0x22b: {  	v3 =	vor.u32 v3, v4  }
0x22c: {  	v4 =	vperm.xlane v3, v0;
	_ =	sdelay $0x1  }
0x22d: {  	v3 =	vperm.xlane v3, v2;
	v4 =	vadd.s32 v1, v4;
	_ =	sdelay $0x1  }
0x22e: {  	v3 =	vadd.s32 v1, v3;
	_ =	sdelay $0x2  }
0x22f: {  	[tilespmem:s19], [sflag:$0x2] =	stream.indirect_vreg.gather [hbm4b:s4+s3], $0x80, v4, vm0, $0xb8;
	[tilespmem:$0x1E100] =	vst v63  }
0x230: {  	_ = 	snop  }
0x231: {  	[tilespmem:s20], [sflag:$0x2] =	stream.indirect_vreg.gather [hbm4b:s4+s3], $0x80, v3, vm0, $0xb8;
	[tilespmem:$0x1E100] =	vst v63  }
0x232: {  	v3 =	vld [tilespmem:$0x810];
	_ =	sdelay $0x4  }
0x233: {  	v33 =	vshll.u32 v3, $0x1  }
0x234: {  	v3 =	vand.u32 $0x7, v3;
	v4 =	vand.u32 $0xFFFFFFF0, v33  }
0x235: {  	v3 =	vor.u32 v3, v4  }
0x236: {  	v4 =	vperm.xlane v3, v0;
	_ =	sdelay $0x1  }
0x237: {  	v3 =	vperm.xlane v3, v2;
	v4 =	vadd.s32 v1, v4;
	_ =	sdelay $0x1  }
0x238: {  	v3 =	vadd.s32 v1, v3;
	_ =	sdelay $0x2  }
0x239: {  	[tilespmem:s21], [sflag:$0x2] =	stream.indirect_vreg.gather [hbm4b:s4+s3], $0x80, v4, vm0, $0xb8;
	[tilespmem:$0x1E100] =	vst v63  }
0x23a: {  	_ = 	snop  }
0x23b: {  	[tilespmem:s22], [sflag:$0x2] =	stream.indirect_vreg.gather [hbm4b:s4+s3], $0x80, v3, vm0, $0xb8;
	[tilespmem:$0x1E100] =	vst v63  }
0x23c: {  	v3 =	vld [tilespmem:$0x820];
	_ =	sdelay $0x4  }
0x23d: {  	v34 =	vshll.u32 v3, $0x1  }
0x23e: {  	v3 =	vand.u32 $0x7, v3;
	v4 =	vand.u32 $0xFFFFFFF0, v34  }
0x23f: {  	v3 =	vor.u32 v3, v4  }
0x240: {  	v4 =	vperm.xlane v3, v0;
	_ =	sdelay $0x1  }
0x241: {  	v3 =	vperm.xlane v3, v2;
	v4 =	vadd.s32 v1, v4;
	_ =	sdelay $0x1  }
0x242: {  	v3 =	vadd.s32 v1, v3;
	_ =	sdelay $0x2  }
0x243: {  	[tilespmem:s23], [sflag:$0x2] =	stream.indirect_vreg.gather [hbm4b:s4+s3], $0x80, v4, vm0, $0xb8;
	[tilespmem:$0x1E100] =	vst v63  }
0x244: {  	_ = 	snop  }
0x245: {  	[tilespmem:s24], [sflag:$0x2] =	stream.indirect_vreg.gather [hbm4b:s4+s3], $0x80, v3, vm0, $0xb8;
	[tilespmem:$0x1E100] =	vst v63  }
0x246: {  	v3 =	vld [tilespmem:$0x830];
	_ =	sdelay $0x4  }
0x247: {  	v35 =	vshll.u32 v3, $0x1  }
0x248: {  	v3 =	vand.u32 $0x7, v3;
	v4 =	vand.u32 $0xFFFFFFF0, v35  }
0x249: {  	v3 =	vor.u32 v3, v4  }
0x24a: {  	v4 =	vperm.xlane v3, v0;
	_ =	sdelay $0x1  }
0x24b: {  	v3 =	vperm.xlane v3, v2;
	v4 =	vadd.s32 v1, v4;
	_ =	sdelay $0x1  }
0x24c: {  	v3 =	vadd.s32 v1, v3;
	_ =	sdelay $0x2  }
0x24d: {  	[tilespmem:s25], [sflag:$0x2] =	stream.indirect_vreg.gather [hbm4b:s4+s3], $0x80, v4, vm0, $0xb8;
	[tilespmem:$0x1E100] =	vst v63  }
0x24e: {  	_ = 	snop  }
0x24f: {  	[tilespmem:s26], [sflag:$0x2] =	stream.indirect_vreg.gather [hbm4b:s4+s3], $0x80, v3, vm0, $0xb8;
	[tilespmem:$0x1E100] =	vst v63  }
0x250: {  	v3 =	vld [tilespmem:$0x880];
	_ =	sdelay $0x4  }
0x251: {  	v36 =	vshll.u32 v3, $0x1  }
0x252: {  	v3 =	vand.u32 $0x7, v3;
	v4 =	vand.u32 $0xFFFFFFF0, v36  }
0x253: {  	v3 =	vor.u32 v3, v4  }
0x254: {  	v4 =	vperm.xlane v3, v0;
	_ =	sdelay $0x1  }
0x255: {  	v3 =	vperm.xlane v3, v2;
	v4 =	vadd.s32 v1, v4;
	_ =	sdelay $0x1  }
0x256: {  	v3 =	vadd.s32 v1, v3;
	_ =	sdelay $0x2  }
0x257: {  	[tilespmem:s28], [sflag:$0x3] =	stream.indirect_vreg.gather [hbm4b:s4+s3], $0x80, v4, vm0, $0xb8;
	[tilespmem:$0x1E100] =	vst v63  }
0x258: {  	_ = 	snop  }
0x259: {  	[tilespmem:s29], [sflag:$0x3] =	stream.indirect_vreg.gather [hbm4b:s4+s3], $0x80, v3, vm0, $0xb8;
	[tilespmem:$0x1E100] =	vst v63  }
0x25a: {  	v3 =	vld [tilespmem:$0x890];
	_ =	sdelay $0x4  }
0x25b: {  	v37 =	vshll.u32 v3, $0x1  }
0x25c: {  	v3 =	vand.u32 $0x7, v3;
	v4 =	vand.u32 $0xFFFFFFF0, v37  }
0x25d: {  	v3 =	vor.u32 v3, v4  }
0x25e: {  	v4 =	vperm.xlane v3, v0;
	_ =	sdelay $0x1  }
0x25f: {  	v3 =	vperm.xlane v3, v2;
	v4 =	vadd.s32 v1, v4;
	_ =	sdelay $0x1  }
0x260: {  	v3 =	vadd.s32 v1, v3;
	_ =	sdelay $0x2  }
0x261: {  	[tilespmem:s30], [sflag:$0x3] =	stream.indirect_vreg.gather [hbm4b:s4+s3], $0x80, v4, vm0, $0xb8;
	[tilespmem:$0x1E100] =	vst v63  }
0x262: {  	_ = 	snop  }
0x263: {  	[tilespmem:s31], [sflag:$0x3] =	stream.indirect_vreg.gather [hbm4b:s4+s3], $0x80, v3, vm0, $0xb8;
	[tilespmem:$0x1E100] =	vst v63  }
0x264: {  	v3 =	vld [tilespmem:$0x8A0];
	_ =	sdelay $0x4  }
0x265: {  	v38 =	vshll.u32 v3, $0x1  }
0x266: {  	v3 =	vand.u32 $0x7, v3;
	v4 =	vand.u32 $0xFFFFFFF0, v38  }
0x267: {  	v3 =	vor.u32 v3, v4  }
0x268: {  	v4 =	vperm.xlane v3, v0;
	_ =	sdelay $0x1  }
0x269: {  	v3 =	vperm.xlane v3, v2;
	v4 =	vadd.s32 v1, v4;
	_ =	sdelay $0x1  }
0x26a: {  	v3 =	vadd.s32 v1, v3;
	_ =	sdelay $0x2  }
0x26b: {  	[tilespmem:s0], [sflag:$0x3] =	stream.indirect_vreg.gather [hbm4b:s4+s3], $0x80, v4, vm0, $0xb8;
	[tilespmem:$0x1E100] =	vst v63  }
0x26c: {  	_ = 	snop  }
0x26d: {  	[tilespmem:s1], [sflag:$0x3] =	stream.indirect_vreg.gather [hbm4b:s4+s3], $0x80, v3, vm0, $0xb8;
	[tilespmem:$0x1E100] =	vst v63  }
0x26e: {  	v3 =	vld [tilespmem:$0x8B0];
	_ =	sdelay $0x4  }
0x26f: {  	v39 =	vshll.u32 v3, $0x1  }
0x270: {  	v3 =	vand.u32 $0x7, v3;
	v4 =	vand.u32 $0xFFFFFFF0, v39  }
0x271: {  	v3 =	vor.u32 v3, v4  }
0x272: {  	v4 =	vperm.xlane v3, v0;
	_ =	sdelay $0x1  }
0x273: {  	v3 =	vperm.xlane v3, v2;
	v4 =	vadd.s32 v1, v4;
	_ =	sdelay $0x1  }
0x274: {  	v3 =	vadd.s32 v1, v3;
	_ =	sdelay $0x2  }
0x275: {  	[tilespmem:s2], [sflag:$0x3] =	stream.indirect_vreg.gather [hbm4b:s4+s3], $0x80, v4, vm0, $0xb8;
	[tilespmem:$0x1E100] =	vst v63  }
0x276: {  	_ = 	snop  }
0x277: {  	[tilespmem:s16], [sflag:$0x3] =	stream.indirect_vreg.gather [hbm4b:s4+s3], $0x80, v3, vm0, $0xb8;
	[tilespmem:$0x1E100] =	vst v63  }
0x278: {  	_ =	swait.ge [sflag:s8], $0x4000  }
0x279: {  	[sflag:s8] =	ssyncset.done $0x0  }
0x27a: {  	[sflag:s8] =	ssyncadd.s32 $0xFFFFC000  }
0x27b: {  	v3 =	vld [tilespmem:$0x900];
	_ =	sdelay $0x4  }
0x27c: {  	v40 =	vshll.u32 v3, $0x1  }
0x27d: {  	v41 =	vld [tilespmem:$0x1800];
	v3 =	vand.u32 $0x7, v3;
	v4 =	vand.u32 $0xFFFFFFF0, v40  }
0x27e: {  	v42 =	vld [tilespmem:$0x1810];
	v3 =	vor.u32 v3, v4  }
0x27f: {  	v43 =	vld [tilespmem:$0x1820];
	v44 =	vperm.xlane v3, v0  }
0x280: {  	v45 =	vld [tilespmem:$0x1830]  }
0x281: {  	v3 =	vperm.xlane v3, v2;
	v7 =	vadd.s32 v1, v44  }
0x282: {  	[tilespmem:$0x2000] =	vst v41  }
0x283: {  	[tilespmem:$0x2010] =	vst v42;
	v3 =	vadd.s32 v1, v3  }
0x284: {  	[tilespmem:$0x2020] =	vst v43  }
0x285: {  	[tilespmem:$0x2030] =	vst v45  }
0x286: {  	[tilespmem:s19], [sflag:$0x2] =	stream.indirect_vreg.gather [hbm4b:s4+s3], $0x80, v7, vm0, $0xb8;
	[tilespmem:$0x1E100] =	vst v63  }
0x287: {  	_ = 	snop  }
0x288: {  	[tilespmem:s20], [sflag:$0x2] =	stream.indirect_vreg.gather [hbm4b:s4+s3], $0x80, v3, vm0, $0xb8;
	[tilespmem:$0x1E100] =	vst v63  }
0x289: {  	v3 =	vld [tilespmem:$0x910];
	_ =	sdelay $0x4  }
0x28a: {  	v46 =	vshll.u32 v3, $0x1  }
0x28b: {  	v3 =	vand.u32 $0x7, v3;
	v4 =	vand.u32 $0xFFFFFFF0, v46  }
0x28c: {  	v3 =	vor.u32 v3, v4  }
0x28d: {  	v4 =	vperm.xlane v3, v0;
	_ =	sdelay $0x1  }
0x28e: {  	v3 =	vperm.xlane v3, v2;
	v4 =	vadd.s32 v1, v4;
	_ =	sdelay $0x1  }
0x28f: {  	v3 =	vadd.s32 v1, v3;
	_ =	sdelay $0x2  }
0x290: {  	[tilespmem:s21], [sflag:$0x2] =	stream.indirect_vreg.gather [hbm4b:s4+s3], $0x80, v4, vm0, $0xb8;
	[tilespmem:$0x1E100] =	vst v63  }
0x291: {  	_ = 	snop  }
0x292: {  	[tilespmem:s22], [sflag:$0x2] =	stream.indirect_vreg.gather [hbm4b:s4+s3], $0x80, v3, vm0, $0xb8;
	[tilespmem:$0x1E100] =	vst v63  }
0x293: {  	v3 =	vld [tilespmem:$0x920];
	_ =	sdelay $0x4  }
0x294: {  	v47 =	vshll.u32 v3, $0x1  }
0x295: {  	v3 =	vand.u32 $0x7, v3;
	v4 =	vand.u32 $0xFFFFFFF0, v47  }
0x296: {  	v3 =	vor.u32 v3, v4  }
0x297: {  	v4 =	vperm.xlane v3, v0;
	_ =	sdelay $0x1  }
0x298: {  	v3 =	vperm.xlane v3, v2;
	v4 =	vadd.s32 v1, v4;
	_ =	sdelay $0x1  }
0x299: {  	v3 =	vadd.s32 v1, v3;
	_ =	sdelay $0x2  }
0x29a: {  	[tilespmem:s23], [sflag:$0x2] =	stream.indirect_vreg.gather [hbm4b:s4+s3], $0x80, v4, vm0, $0xb8;
	[tilespmem:$0x1E100] =	vst v63  }
0x29b: {  	_ = 	snop  }
0x29c: {  	[tilespmem:s24], [sflag:$0x2] =	stream.indirect_vreg.gather [hbm4b:s4+s3], $0x80, v3, vm0, $0xb8;
	[tilespmem:$0x1E100] =	vst v63  }
0x29d: {  	v3 =	vld [tilespmem:$0x930];
	_ =	sdelay $0x4  }
0x29e: {  	v48 =	vshll.u32 v3, $0x1  }
0x29f: {  	v3 =	vand.u32 $0x7, v3;
	v4 =	vand.u32 $0xFFFFFFF0, v48  }
0x2a0: {  	v3 =	vor.u32 v3, v4  }
0x2a1: {  	v4 =	vperm.xlane v3, v0;
	_ =	sdelay $0x1  }
0x2a2: {  	v3 =	vperm.xlane v3, v2;
	v4 =	vadd.s32 v1, v4;
	_ =	sdelay $0x1  }
0x2a3: {  	v3 =	vadd.s32 v1, v3;
	_ =	sdelay $0x2  }
0x2a4: {  	[tilespmem:s25], [sflag:$0x2] =	stream.indirect_vreg.gather [hbm4b:s4+s3], $0x80, v4, vm0, $0xb8;
	[tilespmem:$0x1E100] =	vst v63  }
0x2a5: {  	_ = 	snop  }
0x2a6: {  	[tilespmem:s26], [sflag:$0x2] =	stream.indirect_vreg.gather [hbm4b:s4+s3], $0x80, v3, vm0, $0xb8;
	[tilespmem:$0x1E100] =	vst v63  }
0x2a7: {  	_ =	swait.ge [sflag:s9], $0x4000  }
0x2a8: {  	[sflag:s9] =	ssyncset.done $0x0  }
0x2a9: {  	[sflag:s9] =	ssyncadd.s32 $0xFFFFC000  }
0x2aa: {  	v3 =	vld [tilespmem:$0x980];
	_ =	sdelay $0x4  }
0x2ab: {  	v49 =	vshll.u32 v3, $0x1  }
0x2ac: {  	v50 =	vld [tilespmem:$0x1880];
	v3 =	vand.u32 $0x7, v3;
	v4 =	vand.u32 $0xFFFFFFF0, v49  }
0x2ad: {  	v51 =	vld [tilespmem:$0x1890];
	v3 =	vor.u32 v3, v4  }
0x2ae: {  	v52 =	vld [tilespmem:$0x18A0];
	v53 =	vperm.xlane v3, v0  }
0x2af: {  	v54 =	vld [tilespmem:$0x18B0]  }
0x2b0: {  	v3 =	vperm.xlane v3, v2;
	v7 =	vadd.s32 v1, v53  }
0x2b1: {  	[tilespmem:$0x2080] =	vst v50  }
0x2b2: {  	[tilespmem:$0x2090] =	vst v51;
	v3 =	vadd.s32 v1, v3  }
0x2b3: {  	[tilespmem:$0x20A0] =	vst v52  }
0x2b4: {  	[tilespmem:$0x20B0] =	vst v54  }
0x2b5: {  	[tilespmem:s28], [sflag:$0x3] =	stream.indirect_vreg.gather [hbm4b:s4+s3], $0x80, v7, vm0, $0xb8;
	[tilespmem:$0x1E100] =	vst v63  }
0x2b6: {  	_ = 	snop  }
0x2b7: {  	[tilespmem:s29], [sflag:$0x3] =	stream.indirect_vreg.gather [hbm4b:s4+s3], $0x80, v3, vm0, $0xb8;
	[tilespmem:$0x1E100] =	vst v63  }
0x2b8: {  	v3 =	vld [tilespmem:$0x990];
	_ =	sdelay $0x4  }
0x2b9: {  	v55 =	vshll.u32 v3, $0x1  }
0x2ba: {  	v3 =	vand.u32 $0x7, v3;
	v4 =	vand.u32 $0xFFFFFFF0, v55  }
0x2bb: {  	v3 =	vor.u32 v3, v4  }
0x2bc: {  	v4 =	vperm.xlane v3, v0;
	_ =	sdelay $0x1  }
0x2bd: {  	v3 =	vperm.xlane v3, v2;
	v4 =	vadd.s32 v1, v4;
	_ =	sdelay $0x1  }
0x2be: {  	v3 =	vadd.s32 v1, v3;
	_ =	sdelay $0x2  }
0x2bf: {  	[tilespmem:s30], [sflag:$0x3] =	stream.indirect_vreg.gather [hbm4b:s4+s3], $0x80, v4, vm0, $0xb8;
	[tilespmem:$0x1E100] =	vst v63  }
0x2c0: {  	_ = 	snop  }
0x2c1: {  	[tilespmem:s31], [sflag:$0x3] =	stream.indirect_vreg.gather [hbm4b:s4+s3], $0x80, v3, vm0, $0xb8;
	[tilespmem:$0x1E100] =	vst v63  }
0x2c2: {  	v3 =	vld [tilespmem:$0x9A0];
	_ =	sdelay $0x4  }
0x2c3: {  	v56 =	vshll.u32 v3, $0x1  }
0x2c4: {  	v3 =	vand.u32 $0x7, v3;
	v4 =	vand.u32 $0xFFFFFFF0, v56  }
0x2c5: {  	v3 =	vor.u32 v3, v4  }
0x2c6: {  	v4 =	vperm.xlane v3, v0;
	_ =	sdelay $0x1  }
0x2c7: {  	v3 =	vperm.xlane v3, v2;
	v4 =	vadd.s32 v1, v4;
	_ =	sdelay $0x1  }
0x2c8: {  	v3 =	vadd.s32 v1, v3;
	_ =	sdelay $0x2  }
0x2c9: {  	[tilespmem:s0], [sflag:$0x3] =	stream.indirect_vreg.gather [hbm4b:s4+s3], $0x80, v4, vm0, $0xb8;
	[tilespmem:$0x1E100] =	vst v63  }
0x2ca: {  	_ = 	snop  }
0x2cb: {  	[tilespmem:s1], [sflag:$0x3] =	stream.indirect_vreg.gather [hbm4b:s4+s3], $0x80, v3, vm0, $0xb8;
	[tilespmem:$0x1E100] =	vst v63  }
0x2cc: {  	v3 =	vld [tilespmem:$0x9B0];
	_ =	sdelay $0x4  }
0x2cd: {  	v57 =	vshll.u32 v3, $0x1  }
0x2ce: {  	v3 =	vand.u32 $0x7, v3;
	v4 =	vand.u32 $0xFFFFFFF0, v57  }
0x2cf: {  	v3 =	vor.u32 v3, v4  }
0x2d0: {  	v4 =	vperm.xlane v3, v0;
	_ =	sdelay $0x1  }
0x2d1: {  	v3 =	vperm.xlane v3, v2;
	v4 =	vadd.s32 v1, v4;
	_ =	sdelay $0x1  }
0x2d2: {  	v3 =	vadd.s32 v1, v3;
	_ =	sdelay $0x2  }
0x2d3: {  	[tilespmem:s2], [sflag:$0x3] =	stream.indirect_vreg.gather [hbm4b:s4+s3], $0x80, v4, vm0, $0xb8;
	[tilespmem:$0x1E100] =	vst v63  }
0x2d4: {  	_ = 	snop  }
0x2d5: {  	[tilespmem:s16], [sflag:$0x3] =	stream.indirect_vreg.gather [hbm4b:s4+s3], $0x80, v3, vm0, $0xb8;
	[tilespmem:$0x1E100] =	vst v63  }
0x2d6: {  	_ =	swait.ge [sflag:s8], $0x4000  }
0x2d7: {  	[sflag:s8] =	ssyncset.done $0x0  }
0x2d8: {  	[sflag:s8] =	ssyncadd.s32 $0xFFFFC000  }
0x2d9: {  	v3 =	vld [tilespmem:$0xA00];
	_ =	sdelay $0x4  }
0x2da: {  	v58 =	vshll.u32 v3, $0x1  }
0x2db: {  	v59 =	vld [tilespmem:$0x1900];
	v3 =	vand.u32 $0x7, v3;
	v4 =	vand.u32 $0xFFFFFFF0, v58  }
0x2dc: {  	v60 =	vld [tilespmem:$0x1910];
	v3 =	vor.u32 v3, v4  }
0x2dd: {  	v61 =	vld [tilespmem:$0x1920];
	v62 =	vperm.xlane v3, v0  }
0x2de: {  	v63 =	vld [tilespmem:$0x1930]  }
0x2df: {  	v3 =	vperm.xlane v3, v2;
	v7 =	vadd.s32 v1, v62  }
0x2e0: {  	[tilespmem:$0x2000] =	vst v59  }
0x2e1: {  	[tilespmem:$0x2010] =	vst v60;
	v3 =	vadd.s32 v1, v3  }
0x2e2: {  	[tilespmem:$0x2020] =	vst v61  }
0x2e3: {  	[tilespmem:$0x2030] =	vst v63  }
0x2e4: {  	[tilespmem:s19], [sflag:$0x2] =	stream.indirect_vreg.gather [hbm4b:s4+s3], $0x80, v7, vm0, $0xb8;
	[tilespmem:$0x1E100] =	vst v63  }
0x2e5: {  	_ = 	snop  }
0x2e6: {  	[tilespmem:s20], [sflag:$0x2] =	stream.indirect_vreg.gather [hbm4b:s4+s3], $0x80, v3, vm0, $0xb8;
	[tilespmem:$0x1E100] =	vst v63  }
0x2e7: {  	v3 =	vld [tilespmem:$0xA10];
	_ =	sdelay $0x4  }
0x2e8: {  	v10 =	vshll.u32 v3, $0x1  }
0x2e9: {  	v3 =	vand.u32 $0x7, v3;
	v4 =	vand.u32 $0xFFFFFFF0, v10  }
0x2ea: {  	v3 =	vor.u32 v3, v4  }
0x2eb: {  	v4 =	vperm.xlane v3, v0;
	_ =	sdelay $0x1  }
0x2ec: {  	v3 =	vperm.xlane v3, v2;
	v4 =	vadd.s32 v1, v4;
	_ =	sdelay $0x1  }
0x2ed: {  	v3 =	vadd.s32 v1, v3;
	_ =	sdelay $0x2  }
0x2ee: {  	[tilespmem:s21], [sflag:$0x2] =	stream.indirect_vreg.gather [hbm4b:s4+s3], $0x80, v4, vm0, $0xb8;
	[tilespmem:$0x1E100] =	vst v63  }
0x2ef: {  	_ = 	snop  }
0x2f0: {  	[tilespmem:s22], [sflag:$0x2] =	stream.indirect_vreg.gather [hbm4b:s4+s3], $0x80, v3, vm0, $0xb8;
	[tilespmem:$0x1E100] =	vst v63  }
0x2f1: {  	v3 =	vld [tilespmem:$0xA20];
	_ =	sdelay $0x4  }
0x2f2: {  	v11 =	vshll.u32 v3, $0x1  }
0x2f3: {  	v3 =	vand.u32 $0x7, v3;
	v4 =	vand.u32 $0xFFFFFFF0, v11  }
0x2f4: {  	v3 =	vor.u32 v3, v4  }
0x2f5: {  	v4 =	vperm.xlane v3, v0;
	_ =	sdelay $0x1  }
0x2f6: {  	v3 =	vperm.xlane v3, v2;
	v4 =	vadd.s32 v1, v4;
	_ =	sdelay $0x1  }
0x2f7: {  	v3 =	vadd.s32 v1, v3;
	_ =	sdelay $0x2  }
0x2f8: {  	[tilespmem:s23], [sflag:$0x2] =	stream.indirect_vreg.gather [hbm4b:s4+s3], $0x80, v4, vm0, $0xb8;
	[tilespmem:$0x1E100] =	vst v63  }
0x2f9: {  	_ = 	snop  }
0x2fa: {  	[tilespmem:s24], [sflag:$0x2] =	stream.indirect_vreg.gather [hbm4b:s4+s3], $0x80, v3, vm0, $0xb8;
	[tilespmem:$0x1E100] =	vst v63  }
0x2fb: {  	v3 =	vld [tilespmem:$0xA30];
	_ =	sdelay $0x4  }
0x2fc: {  	v12 =	vshll.u32 v3, $0x1  }
0x2fd: {  	v3 =	vand.u32 $0x7, v3;
	v4 =	vand.u32 $0xFFFFFFF0, v12  }
0x2fe: {  	v3 =	vor.u32 v3, v4  }
0x2ff: {  	v4 =	vperm.xlane v3, v0;
	_ =	sdelay $0x1  }
0x300: {  	v3 =	vperm.xlane v3, v2;
	v4 =	vadd.s32 v1, v4;
	_ =	sdelay $0x1  }
0x301: {  	v3 =	vadd.s32 v1, v3;
	_ =	sdelay $0x2  }
0x302: {  	[tilespmem:s25], [sflag:$0x2] =	stream.indirect_vreg.gather [hbm4b:s4+s3], $0x80, v4, vm0, $0xb8;
	[tilespmem:$0x1E100] =	vst v63  }
0x303: {  	_ = 	snop  }
0x304: {  	[tilespmem:s26], [sflag:$0x2] =	stream.indirect_vreg.gather [hbm4b:s4+s3], $0x80, v3, vm0, $0xb8;
	[tilespmem:$0x1E100] =	vst v63  }
0x305: {  	_ =	swait.ge [sflag:s9], $0x4000  }
0x306: {  	[sflag:s9] =	ssyncset.done $0x0  }
0x307: {  	[sflag:s9] =	ssyncadd.s32 $0xFFFFC000  }
0x308: {  	v3 =	vld [tilespmem:$0xA80];
	_ =	sdelay $0x4  }
0x309: {  	v13 =	vshll.u32 v3, $0x1  }
0x30a: {  	v14 =	vld [tilespmem:$0x1980];
	v3 =	vand.u32 $0x7, v3;
	v4 =	vand.u32 $0xFFFFFFF0, v13  }
0x30b: {  	v15 =	vld [tilespmem:$0x1990];
	v3 =	vor.u32 v3, v4  }
0x30c: {  	v16 =	vld [tilespmem:$0x19A0];
	v17 =	vperm.xlane v3, v0  }
0x30d: {  	v18 =	vld [tilespmem:$0x19B0]  }
0x30e: {  	v3 =	vperm.xlane v3, v2;
	v7 =	vadd.s32 v1, v17  }
0x30f: {  	[tilespmem:$0x2080] =	vst v14  }
0x310: {  	[tilespmem:$0x2090] =	vst v15;
	v3 =	vadd.s32 v1, v3  }
0x311: {  	[tilespmem:$0x20A0] =	vst v16  }
0x312: {  	[tilespmem:$0x20B0] =	vst v18  }
0x313: {  	[tilespmem:s28], [sflag:$0x3] =	stream.indirect_vreg.gather [hbm4b:s4+s3], $0x80, v7, vm0, $0xb8;
	[tilespmem:$0x1E100] =	vst v63  }
0x314: {  	_ = 	snop  }
0x315: {  	[tilespmem:s29], [sflag:$0x3] =	stream.indirect_vreg.gather [hbm4b:s4+s3], $0x80, v3, vm0, $0xb8;
	[tilespmem:$0x1E100] =	vst v63  }
0x316: {  	v3 =	vld [tilespmem:$0xA90];
	_ =	sdelay $0x4  }
0x317: {  	v19 =	vshll.u32 v3, $0x1  }
0x318: {  	v3 =	vand.u32 $0x7, v3;
	v4 =	vand.u32 $0xFFFFFFF0, v19  }
0x319: {  	v3 =	vor.u32 v3, v4  }
0x31a: {  	v4 =	vperm.xlane v3, v0;
	_ =	sdelay $0x1  }
0x31b: {  	v3 =	vperm.xlane v3, v2;
	v4 =	vadd.s32 v1, v4;
	_ =	sdelay $0x1  }
0x31c: {  	v3 =	vadd.s32 v1, v3;
	_ =	sdelay $0x2  }
0x31d: {  	[tilespmem:s30], [sflag:$0x3] =	stream.indirect_vreg.gather [hbm4b:s4+s3], $0x80, v4, vm0, $0xb8;
	[tilespmem:$0x1E100] =	vst v63  }
0x31e: {  	_ = 	snop  }
0x31f: {  	[tilespmem:s31], [sflag:$0x3] =	stream.indirect_vreg.gather [hbm4b:s4+s3], $0x80, v3, vm0, $0xb8;
	[tilespmem:$0x1E100] =	vst v63  }
0x320: {  	v3 =	vld [tilespmem:$0xAA0];
	_ =	sdelay $0x4  }
0x321: {  	v20 =	vshll.u32 v3, $0x1  }
0x322: {  	v3 =	vand.u32 $0x7, v3;
	v4 =	vand.u32 $0xFFFFFFF0, v20  }
0x323: {  	v3 =	vor.u32 v3, v4  }
0x324: {  	v4 =	vperm.xlane v3, v0;
	_ =	sdelay $0x1  }
0x325: {  	v3 =	vperm.xlane v3, v2;
	v4 =	vadd.s32 v1, v4;
	_ =	sdelay $0x1  }
0x326: {  	v3 =	vadd.s32 v1, v3;
	_ =	sdelay $0x2  }
0x327: {  	[tilespmem:s0], [sflag:$0x3] =	stream.indirect_vreg.gather [hbm4b:s4+s3], $0x80, v4, vm0, $0xb8;
	[tilespmem:$0x1E100] =	vst v63  }
0x328: {  	_ = 	snop  }
0x329: {  	[tilespmem:s1], [sflag:$0x3] =	stream.indirect_vreg.gather [hbm4b:s4+s3], $0x80, v3, vm0, $0xb8;
	[tilespmem:$0x1E100] =	vst v63  }
0x32a: {  	v3 =	vld [tilespmem:$0xAB0];
	_ =	sdelay $0x4  }
0x32b: {  	v21 =	vshll.u32 v3, $0x1  }
0x32c: {  	v3 =	vand.u32 $0x7, v3;
	v4 =	vand.u32 $0xFFFFFFF0, v21  }
0x32d: {  	v3 =	vor.u32 v3, v4  }
0x32e: {  	v4 =	vperm.xlane v3, v0;
	_ =	sdelay $0x1  }
0x32f: {  	v3 =	vperm.xlane v3, v2;
	v4 =	vadd.s32 v1, v4;
	_ =	sdelay $0x1  }
0x330: {  	v3 =	vadd.s32 v1, v3;
	_ =	sdelay $0x2  }
0x331: {  	[tilespmem:s2], [sflag:$0x3] =	stream.indirect_vreg.gather [hbm4b:s4+s3], $0x80, v4, vm0, $0xb8;
	[tilespmem:$0x1E100] =	vst v63  }
0x332: {  	_ = 	snop  }
0x333: {  	[tilespmem:s16], [sflag:$0x3] =	stream.indirect_vreg.gather [hbm4b:s4+s3], $0x80, v3, vm0, $0xb8;
	[tilespmem:$0x1E100] =	vst v63  }
0x334: {  	_ =	swait.ge [sflag:s8], $0x4000  }
0x335: {  	[sflag:s8] =	ssyncset.done $0x0  }
0x336: {  	[sflag:s8] =	ssyncadd.s32 $0xFFFFC000  }
0x337: {  	v3 =	vld [tilespmem:$0xB00];
	_ =	sdelay $0x4  }
0x338: {  	v22 =	vshll.u32 v3, $0x1  }
0x339: {  	v23 =	vld [tilespmem:$0x1A00];
	v3 =	vand.u32 $0x7, v3;
	v4 =	vand.u32 $0xFFFFFFF0, v22  }
0x33a: {  	v24 =	vld [tilespmem:$0x1A10];
	v3 =	vor.u32 v3, v4  }
0x33b: {  	v25 =	vld [tilespmem:$0x1A20];
	v26 =	vperm.xlane v3, v0  }
0x33c: {  	v27 =	vld [tilespmem:$0x1A30]  }
0x33d: {  	v3 =	vperm.xlane v3, v2;
	v7 =	vadd.s32 v1, v26  }
0x33e: {  	[tilespmem:$0x2000] =	vst v23  }
0x33f: {  	[tilespmem:$0x2010] =	vst v24;
	v3 =	vadd.s32 v1, v3  }
0x340: {  	[tilespmem:$0x2020] =	vst v25  }
0x341: {  	[tilespmem:$0x2030] =	vst v27  }
0x342: {  	[tilespmem:s19], [sflag:$0x2] =	stream.indirect_vreg.gather [hbm4b:s4+s3], $0x80, v7, vm0, $0xb8;
	[tilespmem:$0x1E100] =	vst v63  }
0x343: {  	_ = 	snop  }
0x344: {  	[tilespmem:s20], [sflag:$0x2] =	stream.indirect_vreg.gather [hbm4b:s4+s3], $0x80, v3, vm0, $0xb8;
	[tilespmem:$0x1E100] =	vst v63  }
0x345: {  	v3 =	vld [tilespmem:$0xB10];
	_ =	sdelay $0x4  }
0x346: {  	v28 =	vshll.u32 v3, $0x1  }
0x347: {  	v3 =	vand.u32 $0x7, v3;
	v4 =	vand.u32 $0xFFFFFFF0, v28  }
0x348: {  	v3 =	vor.u32 v3, v4  }
0x349: {  	v4 =	vperm.xlane v3, v0;
	_ =	sdelay $0x1  }
0x34a: {  	v3 =	vperm.xlane v3, v2;
	v4 =	vadd.s32 v1, v4;
	_ =	sdelay $0x1  }
0x34b: {  	v3 =	vadd.s32 v1, v3;
	_ =	sdelay $0x2  }
0x34c: {  	[tilespmem:s21], [sflag:$0x2] =	stream.indirect_vreg.gather [hbm4b:s4+s3], $0x80, v4, vm0, $0xb8;
	[tilespmem:$0x1E100] =	vst v63  }
0x34d: {  	_ = 	snop  }
0x34e: {  	[tilespmem:s22], [sflag:$0x2] =	stream.indirect_vreg.gather [hbm4b:s4+s3], $0x80, v3, vm0, $0xb8;
	[tilespmem:$0x1E100] =	vst v63  }
0x34f: {  	v3 =	vld [tilespmem:$0xB20];
	_ =	sdelay $0x4  }
0x350: {  	v29 =	vshll.u32 v3, $0x1  }
0x351: {  	v3 =	vand.u32 $0x7, v3;
	v4 =	vand.u32 $0xFFFFFFF0, v29  }
0x352: {  	v3 =	vor.u32 v3, v4  }
0x353: {  	v4 =	vperm.xlane v3, v0;
	_ =	sdelay $0x1  }
0x354: {  	v3 =	vperm.xlane v3, v2;
	v4 =	vadd.s32 v1, v4;
	_ =	sdelay $0x1  }
0x355: {  	v3 =	vadd.s32 v1, v3;
	_ =	sdelay $0x2  }
0x356: {  	[tilespmem:s23], [sflag:$0x2] =	stream.indirect_vreg.gather [hbm4b:s4+s3], $0x80, v4, vm0, $0xb8;
	[tilespmem:$0x1E100] =	vst v63  }
0x357: {  	_ = 	snop  }
0x358: {  	[tilespmem:s24], [sflag:$0x2] =	stream.indirect_vreg.gather [hbm4b:s4+s3], $0x80, v3, vm0, $0xb8;
	[tilespmem:$0x1E100] =	vst v63  }
0x359: {  	v3 =	vld [tilespmem:$0xB30];
	_ =	sdelay $0x4  }
0x35a: {  	v30 =	vshll.u32 v3, $0x1  }
0x35b: {  	v3 =	vand.u32 $0x7, v3;
	v4 =	vand.u32 $0xFFFFFFF0, v30  }
0x35c: {  	v3 =	vor.u32 v3, v4  }
0x35d: {  	v4 =	vperm.xlane v3, v0;
	_ =	sdelay $0x1  }
0x35e: {  	v3 =	vperm.xlane v3, v2;
	v4 =	vadd.s32 v1, v4;
	_ =	sdelay $0x1  }
0x35f: {  	v3 =	vadd.s32 v1, v3;
	_ =	sdelay $0x2  }
0x360: {  	[tilespmem:s25], [sflag:$0x2] =	stream.indirect_vreg.gather [hbm4b:s4+s3], $0x80, v4, vm0, $0xb8;
	[tilespmem:$0x1E100] =	vst v63  }
0x361: {  	_ = 	snop  }
0x362: {  	[tilespmem:s26], [sflag:$0x2] =	stream.indirect_vreg.gather [hbm4b:s4+s3], $0x80, v3, vm0, $0xb8;
	[tilespmem:$0x1E100] =	vst v63  }
0x363: {  	_ =	swait.ge [sflag:s9], $0x4000  }
0x364: {  	[sflag:s9] =	ssyncset.done $0x0  }
0x365: {  	[sflag:s9] =	ssyncadd.s32 $0xFFFFC000  }
0x366: {  	v3 =	vld [tilespmem:$0xB80];
	_ =	sdelay $0x4  }
0x367: {  	v31 =	vshll.u32 v3, $0x1  }
0x368: {  	v32 =	vld [tilespmem:$0x1A80];
	v3 =	vand.u32 $0x7, v3;
	v4 =	vand.u32 $0xFFFFFFF0, v31  }
0x369: {  	v33 =	vld [tilespmem:$0x1A90];
	v3 =	vor.u32 v3, v4  }
0x36a: {  	v34 =	vld [tilespmem:$0x1AA0];
	v35 =	vperm.xlane v3, v0  }
0x36b: {  	v36 =	vld [tilespmem:$0x1AB0]  }
0x36c: {  	v3 =	vperm.xlane v3, v2;
	v7 =	vadd.s32 v1, v35  }
0x36d: {  	[tilespmem:$0x2080] =	vst v32  }
0x36e: {  	[tilespmem:$0x2090] =	vst v33;
	v3 =	vadd.s32 v1, v3  }
0x36f: {  	[tilespmem:$0x20A0] =	vst v34  }
0x370: {  	[tilespmem:$0x20B0] =	vst v36  }
0x371: {  	[tilespmem:s28], [sflag:$0x3] =	stream.indirect_vreg.gather [hbm4b:s4+s3], $0x80, v7, vm0, $0xb8;
	[tilespmem:$0x1E100] =	vst v63  }
0x372: {  	_ = 	snop  }
0x373: {  	[tilespmem:s29], [sflag:$0x3] =	stream.indirect_vreg.gather [hbm4b:s4+s3], $0x80, v3, vm0, $0xb8;
	[tilespmem:$0x1E100] =	vst v63  }
0x374: {  	v3 =	vld [tilespmem:$0xB90];
	_ =	sdelay $0x4  }
0x375: {  	v37 =	vshll.u32 v3, $0x1  }
0x376: {  	v3 =	vand.u32 $0x7, v3;
	v4 =	vand.u32 $0xFFFFFFF0, v37  }
0x377: {  	v3 =	vor.u32 v3, v4  }
0x378: {  	v4 =	vperm.xlane v3, v0;
	_ =	sdelay $0x1  }
0x379: {  	v3 =	vperm.xlane v3, v2;
	v4 =	vadd.s32 v1, v4;
	_ =	sdelay $0x1  }
0x37a: {  	v3 =	vadd.s32 v1, v3;
	_ =	sdelay $0x2  }
0x37b: {  	[tilespmem:s30], [sflag:$0x3] =	stream.indirect_vreg.gather [hbm4b:s4+s3], $0x80, v4, vm0, $0xb8;
	[tilespmem:$0x1E100] =	vst v63  }
0x37c: {  	_ = 	snop  }
0x37d: {  	[tilespmem:s31], [sflag:$0x3] =	stream.indirect_vreg.gather [hbm4b:s4+s3], $0x80, v3, vm0, $0xb8;
	[tilespmem:$0x1E100] =	vst v63  }
0x37e: {  	v3 =	vld [tilespmem:$0xBA0];
	_ =	sdelay $0x4  }
0x37f: {  	v38 =	vshll.u32 v3, $0x1  }
0x380: {  	v3 =	vand.u32 $0x7, v3;
	v4 =	vand.u32 $0xFFFFFFF0, v38  }
0x381: {  	v3 =	vor.u32 v3, v4  }
0x382: {  	v4 =	vperm.xlane v3, v0;
	_ =	sdelay $0x1  }
0x383: {  	v3 =	vperm.xlane v3, v2;
	v4 =	vadd.s32 v1, v4;
	_ =	sdelay $0x1  }
0x384: {  	v3 =	vadd.s32 v1, v3;
	_ =	sdelay $0x2  }
0x385: {  	[tilespmem:s0], [sflag:$0x3] =	stream.indirect_vreg.gather [hbm4b:s4+s3], $0x80, v4, vm0, $0xb8;
	[tilespmem:$0x1E100] =	vst v63  }
0x386: {  	_ = 	snop  }
0x387: {  	[tilespmem:s1], [sflag:$0x3] =	stream.indirect_vreg.gather [hbm4b:s4+s3], $0x80, v3, vm0, $0xb8;
	[tilespmem:$0x1E100] =	vst v63  }
0x388: {  	v3 =	vld [tilespmem:$0xBB0];
	_ =	sdelay $0x4  }
0x389: {  	v39 =	vshll.u32 v3, $0x1  }
0x38a: {  	v3 =	vand.u32 $0x7, v3;
	v4 =	vand.u32 $0xFFFFFFF0, v39  }
0x38b: {  	v3 =	vor.u32 v3, v4  }
0x38c: {  	v4 =	vperm.xlane v3, v0;
	_ =	sdelay $0x1  }
0x38d: {  	v3 =	vperm.xlane v3, v2;
	v4 =	vadd.s32 v1, v4;
	_ =	sdelay $0x1  }
0x38e: {  	v3 =	vadd.s32 v1, v3;
	_ =	sdelay $0x2  }
0x38f: {  	[tilespmem:s2], [sflag:$0x3] =	stream.indirect_vreg.gather [hbm4b:s4+s3], $0x80, v4, vm0, $0xb8;
	[tilespmem:$0x1E100] =	vst v63  }
0x390: {  	_ = 	snop  }
0x391: {  	[tilespmem:s16], [sflag:$0x3] =	stream.indirect_vreg.gather [hbm4b:s4+s3], $0x80, v3, vm0, $0xb8;
	[tilespmem:$0x1E100] =	vst v63  }
0x392: {  	_ =	swait.ge [sflag:s8], $0x4000  }
0x393: {  	[sflag:s8] =	ssyncset.done $0x0  }
0x394: {  	[sflag:s8] =	ssyncadd.s32 $0xFFFFC000  }
0x395: {  	v3 =	vld [tilespmem:$0xC00];
	_ =	sdelay $0x4  }
0x396: {  	v40 =	vshll.u32 v3, $0x1  }
0x397: {  	v41 =	vld [tilespmem:$0x1B00];
	v3 =	vand.u32 $0x7, v3;
	v4 =	vand.u32 $0xFFFFFFF0, v40  }
0x398: {  	v42 =	vld [tilespmem:$0x1B10];
	v3 =	vor.u32 v3, v4  }
0x399: {  	v43 =	vld [tilespmem:$0x1B20];
	v44 =	vperm.xlane v3, v0  }
0x39a: {  	v45 =	vld [tilespmem:$0x1B30]  }
0x39b: {  	v3 =	vperm.xlane v3, v2;
	v7 =	vadd.s32 v1, v44  }
0x39c: {  	[tilespmem:$0x2000] =	vst v41  }
0x39d: {  	[tilespmem:$0x2010] =	vst v42;
	v3 =	vadd.s32 v1, v3  }
0x39e: {  	[tilespmem:$0x2020] =	vst v43  }
0x39f: {  	[tilespmem:$0x2030] =	vst v45  }
0x3a0: {  	[tilespmem:s19], [sflag:$0x2] =	stream.indirect_vreg.gather [hbm4b:s4+s3], $0x80, v7, vm0, $0xb8;
	[tilespmem:$0x1E100] =	vst v63  }
0x3a1: {  	_ = 	snop  }
0x3a2: {  	[tilespmem:s20], [sflag:$0x2] =	stream.indirect_vreg.gather [hbm4b:s4+s3], $0x80, v3, vm0, $0xb8;
	[tilespmem:$0x1E100] =	vst v63  }
0x3a3: {  	v3 =	vld [tilespmem:$0xC10];
	_ =	sdelay $0x4  }
0x3a4: {  	v46 =	vshll.u32 v3, $0x1  }
0x3a5: {  	v3 =	vand.u32 $0x7, v3;
	v4 =	vand.u32 $0xFFFFFFF0, v46  }
0x3a6: {  	v3 =	vor.u32 v3, v4  }
0x3a7: {  	v4 =	vperm.xlane v3, v0;
	_ =	sdelay $0x1  }
0x3a8: {  	v3 =	vperm.xlane v3, v2;
	v4 =	vadd.s32 v1, v4;
	_ =	sdelay $0x1  }
0x3a9: {  	v3 =	vadd.s32 v1, v3;
	_ =	sdelay $0x2  }
0x3aa: {  	[tilespmem:s21], [sflag:$0x2] =	stream.indirect_vreg.gather [hbm4b:s4+s3], $0x80, v4, vm0, $0xb8;
	[tilespmem:$0x1E100] =	vst v63  }
0x3ab: {  	_ = 	snop  }
0x3ac: {  	[tilespmem:s22], [sflag:$0x2] =	stream.indirect_vreg.gather [hbm4b:s4+s3], $0x80, v3, vm0, $0xb8;
	[tilespmem:$0x1E100] =	vst v63  }
0x3ad: {  	v3 =	vld [tilespmem:$0xC20];
	_ =	sdelay $0x4  }
0x3ae: {  	v47 =	vshll.u32 v3, $0x1  }
0x3af: {  	v3 =	vand.u32 $0x7, v3;
	v4 =	vand.u32 $0xFFFFFFF0, v47  }
0x3b0: {  	v3 =	vor.u32 v3, v4  }
0x3b1: {  	v4 =	vperm.xlane v3, v0;
	_ =	sdelay $0x1  }
0x3b2: {  	v3 =	vperm.xlane v3, v2;
	v4 =	vadd.s32 v1, v4;
	_ =	sdelay $0x1  }
0x3b3: {  	v3 =	vadd.s32 v1, v3;
	_ =	sdelay $0x2  }
0x3b4: {  	[tilespmem:s23], [sflag:$0x2] =	stream.indirect_vreg.gather [hbm4b:s4+s3], $0x80, v4, vm0, $0xb8;
	[tilespmem:$0x1E100] =	vst v63  }
0x3b5: {  	_ = 	snop  }
0x3b6: {  	[tilespmem:s24], [sflag:$0x2] =	stream.indirect_vreg.gather [hbm4b:s4+s3], $0x80, v3, vm0, $0xb8;
	[tilespmem:$0x1E100] =	vst v63  }
0x3b7: {  	v3 =	vld [tilespmem:$0xC30];
	_ =	sdelay $0x4  }
0x3b8: {  	v48 =	vshll.u32 v3, $0x1  }
0x3b9: {  	v3 =	vand.u32 $0x7, v3;
	v4 =	vand.u32 $0xFFFFFFF0, v48  }
0x3ba: {  	v3 =	vor.u32 v3, v4  }
0x3bb: {  	v4 =	vperm.xlane v3, v0;
	_ =	sdelay $0x1  }
0x3bc: {  	v3 =	vperm.xlane v3, v2;
	v4 =	vadd.s32 v1, v4;
	_ =	sdelay $0x1  }
0x3bd: {  	v3 =	vadd.s32 v1, v3;
	_ =	sdelay $0x2  }
0x3be: {  	[tilespmem:s25], [sflag:$0x2] =	stream.indirect_vreg.gather [hbm4b:s4+s3], $0x80, v4, vm0, $0xb8;
	[tilespmem:$0x1E100] =	vst v63  }
0x3bf: {  	_ = 	snop  }
0x3c0: {  	[tilespmem:s26], [sflag:$0x2] =	stream.indirect_vreg.gather [hbm4b:s4+s3], $0x80, v3, vm0, $0xb8;
	[tilespmem:$0x1E100] =	vst v63  }
0x3c1: {  	_ =	swait.ge [sflag:s9], $0x4000  }
0x3c2: {  	[sflag:s9] =	ssyncset.done $0x0  }
0x3c3: {  	[sflag:s9] =	ssyncadd.s32 $0xFFFFC000  }
0x3c4: {  	v3 =	vld [tilespmem:$0xC80];
	_ =	sdelay $0x4  }
0x3c5: {  	v49 =	vshll.u32 v3, $0x1  }
0x3c6: {  	v50 =	vld [tilespmem:$0x1B80];
	v3 =	vand.u32 $0x7, v3;
	v4 =	vand.u32 $0xFFFFFFF0, v49  }
0x3c7: {  	v51 =	vld [tilespmem:$0x1B90];
	v3 =	vor.u32 v3, v4  }
0x3c8: {  	v52 =	vld [tilespmem:$0x1BA0];
	v53 =	vperm.xlane v3, v0  }
0x3c9: {  	v54 =	vld [tilespmem:$0x1BB0]  }
0x3ca: {  	v3 =	vperm.xlane v3, v2;
	v7 =	vadd.s32 v1, v53  }
0x3cb: {  	[tilespmem:$0x2080] =	vst v50  }
0x3cc: {  	[tilespmem:$0x2090] =	vst v51;
	v3 =	vadd.s32 v1, v3  }
0x3cd: {  	[tilespmem:$0x20A0] =	vst v52  }
0x3ce: {  	[tilespmem:$0x20B0] =	vst v54  }
0x3cf: {  	[tilespmem:s28], [sflag:$0x3] =	stream.indirect_vreg.gather [hbm4b:s4+s3], $0x80, v7, vm0, $0xb8;
	[tilespmem:$0x1E100] =	vst v63  }
0x3d0: {  	_ = 	snop  }
0x3d1: {  	[tilespmem:s29], [sflag:$0x3] =	stream.indirect_vreg.gather [hbm4b:s4+s3], $0x80, v3, vm0, $0xb8;
	[tilespmem:$0x1E100] =	vst v63  }
0x3d2: {  	v3 =	vld [tilespmem:$0xC90];
	_ =	sdelay $0x4  }
0x3d3: {  	v55 =	vshll.u32 v3, $0x1  }
0x3d4: {  	v3 =	vand.u32 $0x7, v3;
	v4 =	vand.u32 $0xFFFFFFF0, v55  }
0x3d5: {  	v3 =	vor.u32 v3, v4  }
0x3d6: {  	v4 =	vperm.xlane v3, v0;
	_ =	sdelay $0x1  }
0x3d7: {  	v3 =	vperm.xlane v3, v2;
	v4 =	vadd.s32 v1, v4;
	_ =	sdelay $0x1  }
0x3d8: {  	v3 =	vadd.s32 v1, v3;
	_ =	sdelay $0x2  }
0x3d9: {  	[tilespmem:s30], [sflag:$0x3] =	stream.indirect_vreg.gather [hbm4b:s4+s3], $0x80, v4, vm0, $0xb8;
	[tilespmem:$0x1E100] =	vst v63  }
0x3da: {  	_ = 	snop  }
0x3db: {  	[tilespmem:s31], [sflag:$0x3] =	stream.indirect_vreg.gather [hbm4b:s4+s3], $0x80, v3, vm0, $0xb8;
	[tilespmem:$0x1E100] =	vst v63  }
0x3dc: {  	v3 =	vld [tilespmem:$0xCA0];
	_ =	sdelay $0x4  }
0x3dd: {  	v56 =	vshll.u32 v3, $0x1  }
0x3de: {  	v3 =	vand.u32 $0x7, v3;
	v4 =	vand.u32 $0xFFFFFFF0, v56  }
0x3df: {  	v3 =	vor.u32 v3, v4  }
0x3e0: {  	v4 =	vperm.xlane v3, v0;
	_ =	sdelay $0x1  }
0x3e1: {  	v3 =	vperm.xlane v3, v2;
	v4 =	vadd.s32 v1, v4;
	_ =	sdelay $0x1  }
0x3e2: {  	v3 =	vadd.s32 v1, v3;
	_ =	sdelay $0x2  }
0x3e3: {  	[tilespmem:s0], [sflag:$0x3] =	stream.indirect_vreg.gather [hbm4b:s4+s3], $0x80, v4, vm0, $0xb8;
	[tilespmem:$0x1E100] =	vst v63  }
0x3e4: {  	_ = 	snop  }
0x3e5: {  	[tilespmem:s1], [sflag:$0x3] =	stream.indirect_vreg.gather [hbm4b:s4+s3], $0x80, v3, vm0, $0xb8;
	[tilespmem:$0x1E100] =	vst v63  }
0x3e6: {  	v3 =	vld [tilespmem:$0xCB0];
	_ =	sdelay $0x4  }
0x3e7: {  	v57 =	vshll.u32 v3, $0x1  }
0x3e8: {  	v3 =	vand.u32 $0x7, v3;
	v4 =	vand.u32 $0xFFFFFFF0, v57  }
0x3e9: {  	v3 =	vor.u32 v3, v4  }
0x3ea: {  	v4 =	vperm.xlane v3, v0;
	_ =	sdelay $0x1  }
0x3eb: {  	v3 =	vperm.xlane v3, v2;
	v4 =	vadd.s32 v1, v4;
	_ =	sdelay $0x1  }
0x3ec: {  	v3 =	vadd.s32 v1, v3;
	_ =	sdelay $0x2  }
0x3ed: {  	[tilespmem:s2], [sflag:$0x3] =	stream.indirect_vreg.gather [hbm4b:s4+s3], $0x80, v4, vm0, $0xb8;
	[tilespmem:$0x1E100] =	vst v63  }
0x3ee: {  	_ = 	snop  }
0x3ef: {  	[tilespmem:s16], [sflag:$0x3] =	stream.indirect_vreg.gather [hbm4b:s4+s3], $0x80, v3, vm0, $0xb8;
	[tilespmem:$0x1E100] =	vst v63  }
0x3f0: {  	_ =	swait.ge [sflag:s8], $0x4000  }
0x3f1: {  	[sflag:s8] =	ssyncset.done $0x0  }
0x3f2: {  	[sflag:s8] =	ssyncadd.s32 $0xFFFFC000  }
0x3f3: {  	v3 =	vld [tilespmem:$0x1C00]  }
0x3f4: {  	v58 =	vld [tilespmem:$0x1C10]  }
0x3f5: {  	v59 =	vld [tilespmem:$0x1C20]  }
0x3f6: {  	v60 =	vld [tilespmem:$0x1C30];
	_ =	sdelay $0x1  }
0x3f7: {  	[tilespmem:$0x2000] =	vst v3  }
0x3f8: {  	[tilespmem:$0x2010] =	vst v58  }
0x3f9: {  	[tilespmem:$0x2020] =	vst v59  }
0x3fa: {  	[tilespmem:$0x2030] =	vst v60  }
0x3fb: {  	_ =	swait.ge [sflag:s9], $0x4000  }
0x3fc: {  	[sflag:s9] =	ssyncset.done $0x0  }
0x3fd: {  	[sflag:s9] =	ssyncadd.s32 $0xFFFFC000  }
0x3fe: {  	v3 =	vld [tilespmem:$0x1C80]  }
0x3ff: {  	v61 =	vld [tilespmem:$0x1C90]  }
0x400: {  	v62 =	vld [tilespmem:$0x1CA0]  }
0x401: {  	v63 =	vld [tilespmem:$0x1CB0]  }
.Ltmp2:
0x402: {  	_ = 	snop;
	(pc) =	sbr.rel @p0 .LBB2_4-.Ltmp2, $4  }
0x403: {  	[tilespmem:$0x2080] =	vst v3  }
0x404: {  	[tilespmem:$0x2090] =	vst v61  }
0x405: {  	[tilespmem:$0x20A0] =	vst v62  }
0x406: {  	[tilespmem:$0x20B0] =	vst v63  }
.Ltmp3:
0x407: {  	(pc) =	sbr.rel .LBB2_2-.Ltmp3, $4  }
0x408: {  	s7 =	sadd.s32 s5, s13;
	s15 =	sadd.s32 s5, s6  }
0x409: {  	[tilespmem:s17], [sflag:$0x1] =	stream.linear.gather [hbm4b:s7+s3], $0x500, $0x38;
	[tilespmem:$0x1E100] =	vst v63  }
0x40a: {  	s5 =	sadd.s32 $0x200, s5;
	s7 =	sadd.s32 $0x300, s15  }
0x40b: {  	[tilespmem:s18], [sflag:$0x1] =	stream.linear.gather [hbm4b:s7+s3], $0x500, $0x38;
	[tilespmem:$0x1E100] =	vst v63  }
.LBB2_5:
0x40c: {  	_ =	sfence.sel $0x180000  }
0x40d: {  	[bflag:$0x0] =	sbarrier.arrive $0xFFFF  }
0x40e: {  	_ =	strace $0x9000004A  }
0x40f: {  	s0 =	stileid.u32;
	[bflag:$0x2] =	sbarrier.arrive $0xFFFF  }
0x410: {  	p0 =	sne.s32 s0, $0x0;
	s0 =	rddreg [dreg:$0x4]  }
0x411: {  	s0 =	sadd.s32 @!p0 $0x100000, s0  }
0x412: {  	[sflag:s0] =	ssyncadd.tile.s32 @!p0 $0x1;
	_ =	shalt  }
.Lfunc_end2:
_tile_overlayer_lowered:
.L_overlay_start_2:
0x413: {  	(tag) =	ssettag $0x2  }
0x414: {  	s0 =	rddreg [dreg:$0x0];
	s2 =	stileid.u32  }
0x415: {  	s1 =	rddreg [dreg:$0x1];
	p0 =	sne.s32 s2, $0x0  }
0x416: {  	s3 =	rddreg [dreg:$0x2];
	[bflag:$0x3] =	sbarrier.arrive $0xFFFF;
	s2 =	simm.s32 @!p0 $0x1C04  }
0x417: {  	[timem:s3], [sflag:s2] =	dma.local @!p0 [hbm:s0], s1  }
0x418: {  	s0 =	simm.s32 @!p0 $0x4  }
0x419: {  	_ =	swait.ge @!p0 [sflag:s0], s1  }
0x41a: {  	s1 =	ssub.s32 @!p0 $0x0, s1;
	[sflag:s0] =	ssyncset.done @!p0 $0x0  }
0x41b: {  	[sflag:s0] =	ssyncadd.s32 @!p0 s1  }
0x41c: {  	[bflag:$0x3] =	sbarrier.arrive $0xFFFF  }
0x41d: {  	_ =	shalt  }

// kernel: kernel.7.cloned.1.call-start
scs
__scs_entry_jumppad:
0x0: {  	(pc) =	sbr.rel $0x88, $3  }
0x1: {  	(tag) =	ssettag $0x0;
	lr =	simm.s32 $0x1  }
0x2: {  	[smem:$0x3F9D] =	sst lr;
	_ =	strace $0xD0000000  }
0x3: {  	_ = 	snop  }
0x4: {  	_ = 	snop  }
0x5: {  	_ = 	snop  }
0x6: {  	_ = 	snop  }
0x7: {  	_ = 	snop  }
__scs_overlays_trampoline_lowered:
0x8: {  	[smem:$0x3FAC] =	sst s0  }
0x9: {  	[smem:$0x3FAD] =	sst s1  }
0xa: {  	[smem:$0x3FAE] =	sst s2  }
0xb: {  	[smem:$0x3FAF] =	sst s3  }
0xc: {  	[smem:$0x3FB0] =	sst s4  }
0xd: {  	[smem:$0x3FB1] =	sst s5  }
0xe: {  	[smem:$0x3FB2] =	sst s6  }
0xf: {  	[smem:$0x3FB3] =	sst s7  }
0x10: {  	[smem:$0x3FB4] =	sst s8  }
0x11: {  	[smem:$0x3FB5] =	sst s9;
	s0 =	simm.s32 @!p0 $0x0  }
0x12: {  	s1 =	sld [smem:$0x3F9B];
	s0 =	simm.s32 @p0 $0x1  }
0x13: {  	[smem:$0x3FB6] =	sst s0;
	s0 =	simm.s32 @!p1 $0x0  }
0x14: {  	s2 =	sld [smem:$0x3F9A];
	s0 =	simm.s32 @p1 $0x1  }
0x15: {  	[smem:$0x3FB7] =	sst s0;
	s0 =	simm.s32 @!p2 $0x0  }
0x16: {  	s3 =	sld [smem:$0x3FDB];
	s0 =	simm.s32 @p2 $0x1  }
0x17: {  	s4 =	simm.s32 $0x1BF5;
	[smem:$0x3FB9] =	sst s0  }
0x18: {  	s0 =	sld [smem:$0x3F9C];
	_ =	swait.ge [sflag:s4], $0x0  }
0x19: {  	s7 =	sld [smem:$0x3F9D]  }
0x1a: {  	s8 =	sadd.s32 $0xFFFFE003, lr  }
0x1b: {  	s9 =	sadd.s32 $0xFFFFFEF7, lr;
	s5 =	simm.s32 $0xFFFFFFFF;
	p2 =	slt.u32 s8, $0xFFFFF086  }
0x1c: {  	p1 =	slt.u32 s9, $0xF7A;
	s5 =	simm.s32 @!p2 $0x0  }
0x1d: {  	s5 =	simm.s32 @p1 $0x1;
	p0 =	seq.s32 s7, s2  }
0x1e: {  	s7 =	smul.u32 @!p0 $0xF7A, s2;
	p2 =	seq.s32 @!p0 s5, $0x0  }
0x1f: {  	s9 =	smul.u32 $0xF7A, s1;
	s8 =	simm.s32 @!p0 $0x1BF5;
	p2 =	por !p2, p0  }
0x20: {  	[sflag:s8] =	ssyncset.s32 @!p0 $0xFFFFF086;
	s6 =	sadd.s32 @!p0 s3, s7;
	s7 =	simm.s32 @!p0 $0x108  }
0x21: {  	s3 =	sadd.s32 s3, s9;
	s6 =	sadd.s32 @!p0 $0x88, s6;
	s7 =	simm.s32 @p2 $0x1082  }
0x22: {  	[simem:s7], [sflag:s8] =	dma.local @!p0 [hbm:s6], $0xF7A  }
0x23: {  	s9 =	sor.u32 $0xD0000000, s2;
	s6 =	simm.s32 $0x108;
	_ =	swait.ge @!p0 [sflag:s8], $0x0  }
0x24: {  	s3 =	sadd.s32 $0x88, s3;
	s6 =	simm.s32 @!p1 $0x1082;
	[sflag:s4] =	ssyncset.s32 $0xFFFFF086  }
0x25: {  	[simem:s6], [sflag:s4] =	dma.local [hbm:s3], $0xF7A  }
0x26: {  	[smem:$0x3F9D] =	sst s1;
	(tag) =	ssettag s2;
	_ =	strace s9  }
0x27: {  	s1 =	sld [smem:$0x3FAD]  }
0x28: {  	s2 =	sld [smem:$0x3FAE]  }
0x29: {  	s4 =	sld [smem:$0x3FB0]  }
0x2a: {  	p0 =	seq.s32 s5, $0x0;
	s5 =	sld [smem:$0x3FB1]  }
0x2b: {  	s6 =	sld [smem:$0x3FB2]  }
0x2c: {  	s7 =	sld [smem:$0x3FB3]  }
0x2d: {  	s3 =	simm.s32 $0x108;
	s8 =	sld [smem:$0x3FB4]  }
0x2e: {  	s3 =	simm.s32 @!p0 $0x1082;
	s9 =	sld [smem:$0x3FB5]  }
0x2f: {  	lr =	sadd.s32 s0, s3;
	s0 =	sld [smem:$0x3FAC]  }
0x30: {  	s3 =	sld [smem:$0x3FAF]  }
0x31: {  	[smem:$0x3FB8] =	sst s10  }
0x32: {  	s10 =	sld [smem:$0x3FB6];
	_ =	sdelay $0x3  }
0x33: {  	p0 =	seq.s32 s10, $0x1;
	s10 =	sld [smem:$0x3FB8];
	_ =	sdelay $0x3  }
0x34: {  	[smem:$0x3FB8] =	sst s10  }
0x35: {  	s10 =	sld [smem:$0x3FB7];
	_ =	sdelay $0x3  }
0x36: {  	p1 =	seq.s32 s10, $0x1;
	s10 =	sld [smem:$0x3FB8];
	_ =	sdelay $0x3  }
0x37: {  	[smem:$0x3FB8] =	sst s10  }
0x38: {  	s10 =	sld [smem:$0x3FB9]  }
0x39: {  	_ = 	snop;
	(pc) =	sbr.ind lr, $3  }
0x3a: {  	_ = 	snop  }
0x3b: {  	_ = 	snop  }
0x3c: {  	p2 =	seq.s32 s10, $0x1;
	s10 =	sld [smem:$0x3FB8]  }
0x3d: {  	_ =	shalt  }
0x3e: {  	_ =	shalt  }
0x3f: {  	_ =	shalt  }
0x40: {  	_ =	shalt  }
0x41: {  	_ =	shalt  }
0x42: {  	_ =	shalt  }
0x43: {  	_ =	shalt  }
0x44: {  	_ =	shalt  }
0x45: {  	_ =	shalt  }
0x46: {  	_ =	shalt  }
0x47: {  	_ =	shalt  }
0x48: {  	_ =	shalt  }
0x49: {  	_ =	shalt  }
0x4a: {  	_ =	shalt  }
0x4b: {  	_ =	shalt  }
0x4c: {  	_ =	shalt  }
0x4d: {  	_ =	shalt  }
0x4e: {  	_ =	shalt  }
0x4f: {  	_ =	shalt  }
0x50: {  	_ =	shalt  }
0x51: {  	_ =	shalt  }
0x52: {  	_ =	shalt  }
0x53: {  	_ =	shalt  }
0x54: {  	_ =	shalt  }
0x55: {  	_ =	shalt  }
0x56: {  	_ =	shalt  }
0x57: {  	_ =	shalt  }
0x58: {  	_ =	shalt  }
0x59: {  	_ =	shalt  }
0x5a: {  	_ =	shalt  }
0x5b: {  	_ =	shalt  }
0x5c: {  	_ =	shalt  }
0x5d: {  	_ =	shalt  }
0x5e: {  	_ =	shalt  }
0x5f: {  	_ =	shalt  }
0x60: {  	_ =	shalt  }
0x61: {  	_ =	shalt  }
0x62: {  	_ =	shalt  }
0x63: {  	_ =	shalt  }
0x64: {  	_ =	shalt  }
0x65: {  	_ =	shalt  }
0x66: {  	_ =	shalt  }
0x67: {  	_ =	shalt  }
0x68: {  	_ =	shalt  }
0x69: {  	_ =	shalt  }
0x6a: {  	_ =	shalt  }
0x6b: {  	_ =	shalt  }
0x6c: {  	_ =	shalt  }
0x6d: {  	_ =	shalt  }
0x6e: {  	_ =	shalt  }
0x6f: {  	_ =	shalt  }
0x70: {  	_ =	shalt  }
0x71: {  	_ =	shalt  }
0x72: {  	_ =	shalt  }
0x73: {  	_ =	shalt  }
0x74: {  	_ =	shalt  }
0x75: {  	_ =	shalt  }
0x76: {  	_ =	shalt  }
0x77: {  	_ =	shalt  }
0x78: {  	_ =	shalt  }
0x79: {  	_ =	shalt  }
0x7a: {  	_ =	shalt  }
0x7b: {  	_ =	shalt  }
0x7c: {  	_ =	shalt  }
0x7d: {  	_ =	shalt  }
0x7e: {  	_ =	shalt  }
0x7f: {  	_ =	shalt  }
0x80: {  	_ =	shalt  }
0x81: {  	_ =	shalt  }
0x82: {  	_ =	shalt  }
0x83: {  	_ =	shalt  }
0x84: {  	_ =	shalt  }
0x85: {  	_ =	shalt  }
0x86: {  	_ =	shalt  }
0x87: {  	_ =	shalt  }
.Lfunc_end0:
.L_simem_size_0:
called_computation_lowered:
.L_overlay_start_0:
0x88: {  	s2 =	sld [smem:$0x3FD9]  }
0x89: {  	s3 =	sld [smem:$0x3FFE];
	_ =	sdelay $0x1  }
0x8a: {  	s1 =	srdreg.scid  }
0x8b: {  	s0 =	sand.u32 $0x1, s1  }
0x8c: {  	s14 =	sshll.u32 s0, $0xA;
	s2 =	sadd.s32 s3, s2  }
0x8d: {  	s2 =	sadd.s32 s2, s14  }
0x8e: {  	[smem:$0x3FC4] =	sst s2  }
0x8f: {  	_ = 	snop  }
0x90: {  	s2 =	sld [smem:$0x3FD0];
	_ =	sdelay $0x2  }
0x91: {  	s15 =	simm.s32 $0xA;
	s4 =	simm.s32 $0x10  }
0x92: {  	[smem:s4], [sflag:s15] =	dma.local [hbm:s2], $0x1  }
0x93: {  	_ =	swait.eq [sflag:s15], $0x1  }
0x94: {  	s16 =	sld [smem:$0x10];
	[sflag:s15] =	ssyncset.done $0x0  }
0x95: {  	s17 =	sld [smem:$0x11];
	[sflag:s15] =	ssyncadd.s32 $0xFFFFFFFF  }
0x96: {  	s18 =	sld [smem:$0x14];
	(tm) =	ssettm $0x1  }
0x97: {  	s5 =	sld [smem:$0x3FFB];
	_ =	sdelay $0x3  }
0x98: {  	_ =	strace s5  }
0x99: {  	s5 =	sld [smem:$0x3FFC];
	_ =	sdelay $0x3  }
0x9a: {  	_ =	strace s5  }
0x9b: {  	s5 =	sld [smem:$0x3FFD];
	_ =	sdelay $0x3  }
0x9c: {  	_ =	strace s5  }
0x9d: {  	_ =	strace $0x8FFFFFFF  }
0x9e: {  	s19 =	sld [smem:$0x3FDB];
	_ =	sdelay $0x1  }
0x9f: {  	s6 =	simm.s32 $_scs_section_size  }
0xa0: {  	s7 =	simm.s32 $_size__tile_overlayer_lowered;
	s8 =	simm.s32 $_tile_overlayer_lowered  }
0xa1: {  	s22 =	simm.s32 $0x1BFF;
	s21 =	sshll.u32 s8, $0x1;
	s5 =	sadd.s32 s6, s19  }
0xa2: {  	s9 =	simm.s32 $0x0;
	s20 =	sshll.u32 s7, $0x1;
	s7 =	sadd.s32 s21, s5  }
0xa3: {  	[timem:s9], [sflag:s22] =	dma.local [hbm:s7], s20  }
0xa4: {  	_ =	swait.ge [sflag:s22], s20  }
0xa5: {  	s6 =	ssub.s32 $0x0, s20;
	[sflag:s22] =	ssyncset.done $0x0  }
0xa6: {  	[sflag:s22] =	ssyncadd.s32 s6;
	_ =	sdelay $0x1  }
0xa7: {  	s23 =	simm.s32 $0x1B8B  }
0xa8: {  	_ =	swait.ge [sflag:s23], $0x1  }
0xa9: {  	[sflag:s23] =	ssyncset.done $0x0  }
0xaa: {  	s25 =	simm.s32 $0x1B8E;
	s24 =	sld [smem:$0x3FFE];
	[sflag:s23] =	ssyncadd.s32 $0xFFFFFFFF  }
0xab: {  	s26 =	simm.s32 $execute0_lowered;
	[smem:$0x3FD2] =	sst s25  }
0xac: {  	s7 =	sshll.u32 s26, $0x1;
	_ =	strace $0x80000046;
	[dreg:$0x1] =	wrdreg $0xFFFFFFFF  }
0xad: {  	s28 =	simm.s32 $_size_execute0_lowered;
	s5 =	sadd.s32 s5, s7;
	[dreg:$0x0] =	wrdreg $0x0  }
0xae: {  	s7 =	sshll.u32 s28, $0x1;
	[dreg:$0x2] =	wrdreg s5  }
0xaf: {  	[dreg:$0x3] =	wrdreg s7  }
0xb0: {  	[dreg:$0x4] =	wrdreg $0xC0  }
0xb1: {  	_ =	task [dreg:s9], $0x5FFFF  }
0xb2: {  	[dreg:$0x1] =	wrdreg $0xFFFFFFFF  }
0xb3: {  	[dreg:$0x0] =	wrdreg $0x60  }
0xb4: {  	[dreg:$0x2] =	wrdreg s18  }
0xb5: {  	[dreg:$0x3] =	wrdreg s17  }
0xb6: {  	[dreg:$0x4] =	wrdreg s24  }
0xb7: {  	[dreg:$0x5] =	wrdreg s16  }
0xb8: {  	[dreg:$0x6] =	wrdreg $0x92800  }
0xb9: {  	[dreg:$0x7] =	wrdreg $0x9  }
0xba: {  	_ =	task.clear_ibuf [dreg:s9], $0x8FFFF;
	_ =	strace $0x90000046  }
0xbb: {  	s29 =	simm.s32 $0x9;
	_ =	strace $0x80000048  }
0xbc: {  	_ =	swait.ge [sflag:s29], $0x1  }
0xbd: {  	[sflag:s29] =	ssyncadd.s32 $0xFFFFFFFF  }
0xbe: {  	_ =	strace $0x90000048  }
0xbf: {  	_ =	sfence  }
0xc0: {  	s30 =	sld [smem:$0x0];
	_ =	sdelay $0x2  }
0xc1: {  	s31 =	sshll.u32 s1, $0xD;
	s1 =	sshrl.u32 s1, $0x2  }
0xc2: {  	s3 =	sand.u32 $0x4000, s31;
	s1 =	sadd.s32 s1, s30  }
0xc3: {  	s0 =	sor.u32 s3, s0;
	s1 =	sshll.u32 s1, $0x11  }
0xc4: {  	s0 =	sor.u32 s1, s0  }
0xc5: {  	s0 =	sadd.s32 $0x8F2B, s0  }
0xc6: {  	[sflag:s0] =	ssyncadd.remote.s32 $0x1  }
0xc7: {  	_ =	sfence.sel $0xFFFF  }
0xc8: {  	[dreg:$0x0] =	wrdreg $0xFFFFFFFF;
	(pc) =	sbr.abs _section_cstart, $3  }
0xc9: {  	[dreg:$0x1] =	wrdreg $0xFFFFFFFF  }
0xca: {  	_ =	task.clear_ibuf [dreg:s9], $0x2FFFF;
	_ =	strace $0x9FFFFFFF  }
0xcb: {  	(tm) =	ssettm $0x7FFFFFFF  }
tec
execute0_lowered:
.L_overlay_start_1:
0x0: {  	(tag) =	ssettag $0x1  }
0x1: {  	s1 =	rddreg [dreg:$0x0]  }
0x2: {  	s0 =	rddreg [dreg:$0x1]  }
0x3: {  	s8 =	rddreg [dreg:$0x2]  }
0x4: {  	s3 =	rddreg [dreg:$0x3]  }
0x5: {  	s4 =	rddreg [dreg:$0x4];
	s6 =	srdreg.scid  }
0x6: {  	s2 =	stileid.u32;
	s5 =	simm.s32 $0x0;
	s16 =	simm.s32 $0x2880  }
0x7: {  	s17 =	simm.s32 $0x2A80;
	s20 =	simm.s32 $0x80;
	s21 =	simm.s32 $0x2800  }
0x8: {  	s22 =	simm.s32 $0x50;
	s23 =	simm.s32 $0x6A80;
	s28 =	simm.s32 $0x2A00  }
0x9: {  	s29 =	simm.s32 $0x0;
	s7 =	sand.u32 $0x1, s6;
	s9 =	smul.u32 $0x2800, s2  }
0xa: {  	[smem:$0x7FF] =	sst s5;
	s25 =	smul.u32 $0x50000, s2;
	s18 =	sshll.u32 s2, $0x6  }
0xb: {  	s10 =	smul.u32 $0x28000, s7;
	s6 =	sshll.u32 s7, $0x4;
	_ =	strace $0x80000047  }
0xc: {  	s7 =	ssub.s32 $0x2, s7;
	s18 =	sor.u32 $0x1C02, s18;
	s11 =	sor.u32 s2, s6  }
0xd: {  	s6 =	sadd.s32 $0x800, s8;
	s26 =	sshrl.u32 s7, $0x1;
	s24 =	smul.u32 $0x1400, s11  }
0xe: {  	s9 =	sadd.s32 s9, s10;
	s13 =	smul.u32 $0x500, s11;
	s15 =	ssub.s32 s7, s26  }
0xf: {  	s30 =	sshll.u32 s11, $0x6;
	s26 =	simm.s32 $0x2980;
	s12 =	sadd.s32 s9, s8  }
0x10: {  	s9 =	sshrl.u32 s25, $0x2;
	s11 =	smax.u32 s15, $0x1;
	s15 =	simm.s32 $0x2  }
0x11: {  	s25 =	simm.s32 $0x2900;
	s14 =	sadd.s32 s24, s8;
	s7 =	sadd.s32 s0, s13  }
0x12: {  	s8 =	sadd.s32 s8, s30;
	s31 =	sadd.s32 s9, s4;
	s10 =	sadd.s32 $0x29000, s12  }
0x13: {  	s24 =	simm.s32 $0x1;
	s9 =	sadd.s32 $0x1000, s14;
	s12 =	sadd.s32 $0x1500, s14  }
0x14: {  	s13 =	sadd.s32 $0x1A00, s14;
	s14 =	sadd.s32 $0x1F00, s14;
	s19 =	sshrl.u32 s31, $0x3  }
.LBB2_1:
0x15: {  	[tilespmem:s5], [sflag:$0x2] =	stream.linear.gather [hbm4b:s7+s5], $0x2800, $0x38;
	[tilespmem:$0x1D280] =	vst v63  }
0x16: {  	_ =	swait.ge [sflag:s15], $0x2800  }
0x17: {  	[sflag:s15] =	ssyncset.done $0x0  }
0x18: {  	[sflag:s15] =	ssyncadd.s32 $0xFFFFD800  }
0x19: {  	[tilespmem:s16], [sflag:$0x2] =	stream.linear.gather [hbm4b:s8+s5], $0x200, $0x38;
	[tilespmem:$0x1D280] =	vst v63  }
0x1a: {  	_ =	swait.ge [sflag:s15], $0x200  }
0x1b: {  	[sflag:s15] =	ssyncset.done $0x0  }
0x1c: {  	[sflag:s15] =	ssyncadd.s32 $0xFFFFFE00  }
0x1d: {  	[tilespmem:s17], [sflag:$0x2] =	stream.linear.gather [hbm4b:s6+s5], $0x4000, $0x38;
	[tilespmem:$0x1D280] =	vst v63  }
0x1e: {  	_ =	swait.ge [sflag:s15], $0x4000  }
0x1f: {  	[sflag:s15] =	ssyncset.done $0x0  }
0x20: {  	[sflag:s15] =	ssyncadd.s32 $0xFFFFC000  }
0x21: {  	[spmem:s19], [sflag:s18] =	dma.local [hbm:s3], $0x2800  }
0x22: {  	_ =	swait.ge [sflag:s15], $0x2800  }
0x23: {  	[sflag:s15] =	ssyncset.done $0x0  }
0x24: {  	[sflag:s15] =	ssyncadd.s32 $0xFFFFD800  }
0x25: {  	s0 =	simm.s32 $0x0;
	[bflag:$0x0] =	sbarrier.arrive $0xFFFF  }
0x26: {  	v0 =	vld [tilespmem:s0+$0x0];
	_ =	sdelay $0x4  }
0x27: {  	[tilespmem:$0x2800] =	vst v0  }
0x28: {  	v0 =	vld [tilespmem:s0+$0x10];
	_ =	sdelay $0x4  }
0x29: {  	[tilespmem:$0x2810] =	vst v0  }
0x2a: {  	v0 =	vld [tilespmem:s0+$0x20];
	_ =	sdelay $0x4  }
0x2b: {  	[tilespmem:$0x2820] =	vst v0  }
0x2c: {  	v0 =	vld [tilespmem:s0+$0x30];
	_ =	sdelay $0x4  }
0x2d: {  	[tilespmem:$0x2830] =	vst v0  }
0x2e: {  	v0 =	vld [tilespmem:s0+$0x40];
	_ =	sdelay $0x4  }
0x2f: {  	[tilespmem:$0x2840] =	vst v0  }
0x30: {  	v0 =	vld [tilespmem:s0+$0x50];
	_ =	sdelay $0x4  }
0x31: {  	[tilespmem:$0x2850] =	vst v0  }
0x32: {  	v0 =	vld [tilespmem:s0+$0x60];
	_ =	sdelay $0x4  }
0x33: {  	[tilespmem:$0x2860] =	vst v0  }
0x34: {  	v0 =	vld [tilespmem:s0+$0x70];
	_ =	sdelay $0x4  }
0x35: {  	[tilespmem:$0x2870] =	vst v0  }
0x36: {  	[spmem:s4] =	stream.indirect.scatter.add.f32 [tilespmem:s17], [sflag:$0x2], $0x80, s21, s20, $0xb8;
	[tilespmem:$0x1D280] =	vst v63  }
0x37: {  	_ =	swait.ge [sflag:s15], $0x4000  }
0x38: {  	s30 =	simm.s32 $0x200;
	s31 =	simm.s32 $0x400;
	[sflag:s15] =	ssyncset.done $0x0  }
.LBB2_2:
0x39: {  	s2 =	sshra.s32 s30, $0x2  }
0x3a: {  	[sflag:s15] =	ssyncadd.s32 $0xFFFFC000;
	s30 =	smov.u32 s31;
	s0 =	sadd.s32 $0x200, s31  }
0x3b: {  	p0 =	sne.s32 s31, $0x9E00;
	v0 =	vld [tilespmem:s2+$0x0];
	_ =	sdelay $0x4  }
0x3c: {  	[tilespmem:$0x2800] =	vst v0  }
0x3d: {  	v0 =	vld [tilespmem:s2+$0x10];
	_ =	sdelay $0x4  }
0x3e: {  	[tilespmem:$0x2810] =	vst v0  }
0x3f: {  	v0 =	vld [tilespmem:s2+$0x20];
	_ =	sdelay $0x4  }
0x40: {  	[tilespmem:$0x2820] =	vst v0  }
0x41: {  	v0 =	vld [tilespmem:s2+$0x30];
	_ =	sdelay $0x4  }
0x42: {  	[tilespmem:$0x2830] =	vst v0  }
0x43: {  	v0 =	vld [tilespmem:s2+$0x40];
	_ =	sdelay $0x4  }
0x44: {  	[tilespmem:$0x2840] =	vst v0  }
0x45: {  	v0 =	vld [tilespmem:s2+$0x50];
	_ =	sdelay $0x4  }
0x46: {  	[tilespmem:$0x2850] =	vst v0  }
0x47: {  	v0 =	vld [tilespmem:s2+$0x60];
	_ =	sdelay $0x4  }
0x48: {  	[tilespmem:$0x2860] =	vst v0  }
0x49: {  	v0 =	vld [tilespmem:s2+$0x70];
	_ =	sdelay $0x3  }
.Ltmp0:
0x4a: {  	(pc) =	sbr.rel @p0 .LBB2_2-.Ltmp0, $4  }
0x4b: {  	[tilespmem:$0x2870] =	vst v0  }
0x4c: {  	[spmem:s4] =	stream.indirect.scatter.add.f32 [tilespmem:s17], [sflag:$0x2], $0x80, s21, s20, $0xb8;
	[tilespmem:$0x1D280] =	vst v63  }
0x4d: {  	_ =	swait.ge [sflag:s15], $0x4000  }
0x4e: {  	s31 =	smov.u32 s0;
	[sflag:s15] =	ssyncset.done $0x0  }
0x4f: {  	s0 =	sshra.s32 s30, $0x2;
	[sflag:s15] =	ssyncadd.s32 $0xFFFFC000  }
0x50: {  	v0 =	vld [tilespmem:s0+$0x0];
	_ =	sdelay $0x4  }
0x51: {  	[tilespmem:$0x2800] =	vst v0  }
0x52: {  	v0 =	vld [tilespmem:s0+$0x10];
	_ =	sdelay $0x4  }
0x53: {  	[tilespmem:$0x2810] =	vst v0  }
0x54: {  	v0 =	vld [tilespmem:s0+$0x20];
	_ =	sdelay $0x4  }
0x55: {  	[tilespmem:$0x2820] =	vst v0  }
0x56: {  	v0 =	vld [tilespmem:s0+$0x30];
	_ =	sdelay $0x4  }
0x57: {  	[tilespmem:$0x2830] =	vst v0  }
0x58: {  	v0 =	vld [tilespmem:s0+$0x40];
	_ =	sdelay $0x4  }
0x59: {  	[tilespmem:$0x2840] =	vst v0  }
0x5a: {  	v0 =	vld [tilespmem:s0+$0x50];
	_ =	sdelay $0x4  }
0x5b: {  	[tilespmem:$0x2850] =	vst v0  }
0x5c: {  	v0 =	vld [tilespmem:s0+$0x60];
	_ =	sdelay $0x4  }
0x5d: {  	[tilespmem:$0x2860] =	vst v0  }
0x5e: {  	v0 =	vld [tilespmem:s0+$0x70];
	_ =	sdelay $0x4  }
0x5f: {  	[tilespmem:$0x2870] =	vst v0  }
0x60: {  	[spmem:s4] =	stream.indirect.scatter.add.f32 [tilespmem:s17], [sflag:$0x2], $0x80, s21, s20, $0xb8;
	[tilespmem:$0x1D280] =	vst v63  }
0x61: {  	_ =	swait.ge [sflag:s15], $0x4000  }
0x62: {  	[sflag:s15] =	ssyncset.done $0x0  }
0x63: {  	[sflag:s15] =	ssyncadd.s32 $0xFFFFC000  }
0x64: {  	[tilespmem:s23], [sflag:$0x1] =	stream.indirect.gather [hbm4b:s1+s22], $0x80, s16, s22, $0xb8;
	[tilespmem:$0x1D280] =	vst v63  }
0x65: {  	_ =	swait.ge [sflag:s24], $0x2800  }
0x66: {  	[sflag:s24] =	ssyncset.done $0x0  }
0x67: {  	[sflag:s24] =	ssyncadd.s32 $0xFFFFD800  }
0x68: {  	[hbm4b:s9+s5] =	stream.linear.scatter [tilespmem:s23], [sflag:$0x2], $0x2800, $0x38;
	[tilespmem:$0x1D280] =	vst v63  }
0x69: {  	_ =	swait.ge [sflag:s15], $0x2800  }
0x6a: {  	[sflag:s15] =	ssyncset.done $0x0  }
0x6b: {  	[sflag:s15] =	ssyncadd.s32 $0xFFFFD800  }
0x6c: {  	[tilespmem:s23], [sflag:$0x1] =	stream.indirect.gather [hbm4b:s1+s22], $0x80, s25, s22, $0xb8;
	[tilespmem:$0x1D280] =	vst v63  }
0x6d: {  	_ =	swait.ge [sflag:s24], $0x2800  }
0x6e: {  	[sflag:s24] =	ssyncset.done $0x0  }
0x6f: {  	[sflag:s24] =	ssyncadd.s32 $0xFFFFD800  }
0x70: {  	[hbm4b:s12+s5] =	stream.linear.scatter [tilespmem:s23], [sflag:$0x2], $0x2800, $0x38;
	[tilespmem:$0x1D280] =	vst v63  }
0x71: {  	_ =	swait.ge [sflag:s15], $0x2800  }
0x72: {  	[sflag:s15] =	ssyncset.done $0x0  }
0x73: {  	[sflag:s15] =	ssyncadd.s32 $0xFFFFD800  }
0x74: {  	[tilespmem:s23], [sflag:$0x1] =	stream.indirect.gather [hbm4b:s1+s22], $0x80, s26, s22, $0xb8;
	[tilespmem:$0x1D280] =	vst v63  }
0x75: {  	_ =	swait.ge [sflag:s24], $0x2800  }
0x76: {  	[sflag:s24] =	ssyncset.done $0x0  }
0x77: {  	[sflag:s24] =	ssyncadd.s32 $0xFFFFD800  }
0x78: {  	[hbm4b:s13+s5] =	stream.linear.scatter [tilespmem:s23], [sflag:$0x2], $0x2800, $0x38;
	[tilespmem:$0x1D280] =	vst v63  }
0x79: {  	_ =	swait.ge [sflag:s15], $0x2800  }
0x7a: {  	[sflag:s15] =	ssyncset.done $0x0  }
0x7b: {  	[sflag:s15] =	ssyncadd.s32 $0xFFFFD800  }
0x7c: {  	[tilespmem:s23], [sflag:$0x1] =	stream.indirect.gather [hbm4b:s1+s22], $0x80, s28, s22, $0xb8;
	[tilespmem:$0x1D280] =	vst v63  }
0x7d: {  	_ =	swait.ge [sflag:s24], $0x2800  }
0x7e: {  	[sflag:s24] =	ssyncset.done $0x0  }
0x7f: {  	[sflag:s24] =	ssyncadd.s32 $0xFFFFD800  }
0x80: {  	[hbm4b:s14+s5] =	stream.linear.scatter [tilespmem:s23], [sflag:$0x2], $0x2800, $0x38;
	[tilespmem:$0x1D280] =	vst v63  }
0x81: {  	_ =	swait.ge [sflag:s15], $0x2800  }
0x82: {  	s29 =	sadd.s32 $0x1, s29;
	[sflag:s15] =	ssyncset.done $0x0  }
0x83: {  	p0 =	sne.s32 s29, s11;
	[sflag:s15] =	ssyncadd.s32 $0xFFFFD800  }
.Ltmp1:
0x84: {  	[bflag:$0x0] =	sbarrier.arrive $0xFFFF;
	(pc) =	sbr.rel @p0 .LBB2_1-.Ltmp1, $4  }
0x85: {  	[hbm:s10], [sflag:s18] =	dma.local [spmem:s19], $0x2800  }
0x86: {  	_ =	swait.ge [sflag:s15], $0x2800  }
0x87: {  	[sflag:s15] =	ssyncset.done $0x0  }
0x88: {  	[sflag:s15] =	ssyncadd.s32 $0xFFFFD800  }
0x89: {  	_ =	sfence.sel $0x180000  }
0x8a: {  	[bflag:$0x0] =	sbarrier.arrive $0xFFFF  }
0x8b: {  	_ =	strace $0x90000047  }
0x8c: {  	s0 =	stileid.u32;
	[bflag:$0x2] =	sbarrier.arrive $0xFFFF  }
0x8d: {  	p0 =	sne.s32 s0, $0x0;
	s0 =	rddreg [dreg:$0x5]  }
0x8e: {  	s0 =	sadd.s32 @!p0 $0x100000, s0  }
0x8f: {  	[sflag:s0] =	ssyncadd.tile.s32 @!p0 $0x1;
	_ =	shalt  }
.Lfunc_end2:
_tile_overlayer_lowered:
.L_overlay_start_2:
0x90: {  	(tag) =	ssettag $0x2  }
0x91: {  	s0 =	rddreg [dreg:$0x0];
	s2 =	stileid.u32  }
0x92: {  	s1 =	rddreg [dreg:$0x1];
	p0 =	sne.s32 s2, $0x0  }
0x93: {  	s3 =	rddreg [dreg:$0x2];
	[bflag:$0x3] =	sbarrier.arrive $0xFFFF;
	s2 =	simm.s32 @!p0 $0x1C02  }
0x94: {  	[timem:s3], [sflag:s2] =	dma.local @!p0 [hbm:s0], s1  }
0x95: {  	s0 =	simm.s32 @!p0 $0x2  }
0x96: {  	_ =	swait.ge @!p0 [sflag:s0], s1  }
0x97: {  	s1 =	ssub.s32 @!p0 $0x0, s1;
	[sflag:s0] =	ssyncset.done @!p0 $0x0  }
0x98: {  	[sflag:s0] =	ssyncadd.s32 @!p0 s1  }
0x99: {  	[bflag:$0x3] =	sbarrier.arrive $0xFFFF  }
0x9a: {  	_ =	shalt  }

</sc_bundles>
